<compile_context>
chip_gen: v7x
topology: tpu7x:2x2x1
jax: 0.10.2.dev20260603
libtpu: 0.0.44.dev20260713+nightly
codegen_flags: <defaults>
</compile_context>

<pallas_src>
import functools

import jax
import jax.numpy as jnp
from jax import lax
from jax.experimental import pallas as pl
from jax.experimental.pallas import tpu as pltpu
from jax.experimental.pallas import tpu_sc as plsc

N = 10000
E = 320000
D = 128

NC = 2
NS = 16
NW = NC * NS
EPT = E // NW
CH = 80
NCH = EPT // CH
NBUF = 4
NP = 10240
RPT = NP // NS
RSTG = 80
BLK = 1024
GRID = NP // BLK

_mesh = plsc.VectorSubcoreMesh(core_axis_name="c", subcore_axis_name="s")


@functools.partial(
    pl.kernel,
    out_type=jax.ShapeDtypeStruct((NW * NP,), jnp.float32),
    mesh=_mesh,
    scratch_types=[
        pltpu.VMEM((NP,), jnp.float32),
        pltpu.VMEM((EPT,), jnp.int32),
    ],
    compiler_params=pltpu.CompilerParams(needs_layout_passes=False),
)
def _sc_degree(dst_hbm, out_hbm, acc_v, idx_v):
    c = lax.axis_index("c")
    s = lax.axis_index("s")
    wid = c * NS + s

    def zero(i, carry):
        acc_v[pl.ds(i * 16, 16)] = jnp.zeros((16,), jnp.float32)
        return carry

    lax.fori_loop(0, NP // 16, zero, 0)

    pltpu.sync_copy(dst_hbm.at[pl.ds(wid * EPT, EPT)], idx_v)
    ones = jnp.ones((16,), jnp.float32)

    def count(i, carry):
        idx = idx_v[pl.ds(i * 16, 16)]
        plsc.addupdate_scatter(acc_v, [idx], ones)
        return carry

    lax.fori_loop(0, EPT // 16, count, 0)
    pltpu.sync_copy(acc_v, out_hbm.at[pl.ds(wid * NP, NP)])


NSUP = (NCH - 1) // NBUF


def _half_load(arr4_hbm, idx_v, wid, i, b, half, sem):
    pltpu.async_copy(arr4_hbm.at[wid, i], idx_v.at[b, pl.ds(half, 1)], sem)


def _half_wait(arr4_hbm, idx_v, wid, b, half, sem):
    pltpu.make_async_copy(
        arr4_hbm.at[wid, 0], idx_v.at[b, pl.ds(half, 1)], sem).wait()


@functools.partial(
    pl.kernel,
    out_type=jax.ShapeDtypeStruct((NC, NP, D), jnp.float32),
    mesh=_mesh,
    scratch_types=[
        pltpu.VMEM((NBUF, 2, CH), jnp.int32),
        pltpu.VMEM((NBUF, CH, D), jnp.float32),
        pltpu.VMEM_SHARED((NP, D), jnp.float32),
        [pltpu.SemaphoreType.DMA] * NBUF,
        [pltpu.SemaphoreType.DMA] * NBUF,
    ],
)
def _sc_scatter(hp_hbm, src4_hbm, dst4_hbm, out_hbm, idx_v, rows_v,
                s_sh, sem_g, sem_s):
    c = lax.axis_index("c")
    s = lax.axis_index("s")
    wid = c * NS + s
    last = NBUF - 1

    for b in range(NBUF):
        _half_load(src4_hbm, idx_v, wid, b, b, 0, sem_g[b])
        _half_load(dst4_hbm, idx_v, wid, b, b, 1, sem_s[b])

    def zero(i, carry):
        rows_v[last, i // 8, pl.ds((i % 8) * 16, 16)] = jnp.zeros(
            (16,), jnp.float32)
        return carry

    lax.fori_loop(0, RSTG * 8, zero, 0)
    for k in range(RPT // RSTG):
        pltpu.async_copy(rows_v.at[last, pl.ds(0, RSTG)],
                         s_sh.at[pl.ds(s * RPT + k * RSTG, RSTG)], sem_s[0])

    for b in range(NBUF - 1):
        _half_wait(src4_hbm, idx_v, wid, b, 0, sem_g[b])
        pltpu.async_copy(hp_hbm.at[idx_v.at[b, 0]], rows_v.at[b], sem_g[b])
    for k in range(RPT // RSTG):
        pltpu.make_async_copy(rows_v.at[last, pl.ds(0, RSTG)],
                              s_sh.at[pl.ds(0, RSTG)], sem_s[0]).wait()
    _half_wait(src4_hbm, idx_v, wid, last, 0, sem_g[last])
    pltpu.async_copy(hp_hbm.at[idx_v.at[last, 0]], rows_v.at[last], sem_g[last])
    plsc.subcore_barrier()

    def super_iter(si, carry):
        i0 = si * NBUF
        for b in range(NBUF):
            nxt = i0 + b + NBUF
            pltpu.make_async_copy(
                hp_hbm.at[idx_v.at[b, 0]], rows_v.at[b], sem_g[b]).wait()

            @pl.when(nxt < NCH)
            def _():
                _half_load(src4_hbm, idx_v, wid, nxt, b, 0, sem_g[b])

            _half_wait(dst4_hbm, idx_v, wid, b, 1, sem_s[b])
            pltpu.async_copy(
                rows_v.at[b], s_sh.at[idx_v.at[b, 1]], sem_s[b], add=True)
        for b in range(NBUF):
            nxt = i0 + NBUF + b
            pltpu.make_async_copy(
                rows_v.at[b], s_sh.at[idx_v.at[b, 1]], sem_s[b]).wait()

            @pl.when(nxt < NCH)
            def _():
                _half_load(dst4_hbm, idx_v, wid, nxt, b, 1, sem_s[b])
                _half_wait(src4_hbm, idx_v, wid, b, 0, sem_g[b])
                pltpu.async_copy(
                    hp_hbm.at[idx_v.at[b, 0]], rows_v.at[b], sem_g[b])

        return carry

    lax.fori_loop(0, NSUP, super_iter, 0)

    for b in range(1):
        pltpu.make_async_copy(
            hp_hbm.at[idx_v.at[b, 0]], rows_v.at[b], sem_g[b]).wait()
        _half_wait(dst4_hbm, idx_v, wid, b, 1, sem_s[b])
        pltpu.async_copy(
            rows_v.at[b], s_sh.at[idx_v.at[b, 1]], sem_s[b], add=True)
    for b in range(1):
        pltpu.make_async_copy(
            rows_v.at[b], s_sh.at[idx_v.at[b, 1]], sem_s[b]).wait()
    plsc.subcore_barrier()

    for k in range(RPT // RSTG):
        b = k % NBUF
        r0 = s * RPT + k * RSTG
        if k >= NBUF:
            pltpu.make_async_copy(rows_v.at[b, pl.ds(0, RSTG)],
                                  out_hbm.at[c, pl.ds(0, RSTG)], sem_s[b]).wait()
        pltpu.sync_copy(s_sh.at[pl.ds(r0, RSTG)], rows_v.at[b, pl.ds(0, RSTG)])
        pltpu.async_copy(rows_v.at[b, pl.ds(0, RSTG)],
                         out_hbm.at[c, pl.ds(r0, RSTG)], sem_s[b])
    for b in range(NBUF):
        pltpu.make_async_copy(rows_v.at[b, pl.ds(0, RSTG)],
                              out_hbm.at[c, pl.ds(0, RSTG)], sem_s[b]).wait()


def _dinv(dp_block):
    deg = jnp.sum(dp_block, axis=0) + 1.0
    return lax.rsqrt(jnp.maximum(deg, 1.0))


def _mm1_body(x_ref, w_ref, dp_ref, o_ref):
    dinv = _dinv(dp_ref[...])
    h = jnp.dot(x_ref[...], w_ref[...], preferred_element_type=jnp.float32)
    o_ref[...] = h * dinv[:, None]


_mm1 = pl.pallas_call(
    _mm1_body,
    grid=(GRID,),
    in_specs=[
        pl.BlockSpec((BLK, D), lambda i: (i, 0)),
        pl.BlockSpec((D, D), lambda i: (0, 0)),
        pl.BlockSpec((NW, BLK), lambda i: (0, i)),
    ],
    out_specs=pl.BlockSpec((BLK, D), lambda i: (i, 0)),
    out_shape=jax.ShapeDtypeStruct((N, D), jnp.float32),
)


def _mm2_body(s_ref, hp_ref, dp_ref, b_ref, w_ref, o_ref):
    dinv = _dinv(dp_ref[...])
    tot = s_ref[0] + s_ref[1] + hp_ref[...]
    z = jnp.maximum(tot * dinv[:, None] + b_ref[...], 0.0)
    h = jnp.dot(z, w_ref[...], preferred_element_type=jnp.float32)
    o_ref[...] = h * dinv[:, None]


_mm2 = pl.pallas_call(
    _mm2_body,
    grid=(GRID,),
    in_specs=[
        pl.BlockSpec((NC, BLK, D), lambda i: (0, i, 0)),
        pl.BlockSpec((BLK, D), lambda i: (i, 0)),
        pl.BlockSpec((NW, BLK), lambda i: (0, i)),
        pl.BlockSpec((1, D), lambda i: (0, 0)),
        pl.BlockSpec((D, D), lambda i: (0, 0)),
    ],
    out_specs=pl.BlockSpec((BLK, D), lambda i: (i, 0)),
    out_shape=jax.ShapeDtypeStruct((N, D), jnp.float32),
)


def _fin_body(s_ref, hp_ref, dp_ref, b_ref, o_ref):
    dinv = _dinv(dp_ref[...])
    tot = s_ref[0] + s_ref[1] + hp_ref[...]
    o_ref[...] = tot * dinv[:, None] + b_ref[...]


_fin = pl.pallas_call(
    _fin_body,
    grid=(GRID,),
    in_specs=[
        pl.BlockSpec((NC, BLK, D), lambda i: (0, i, 0)),
        pl.BlockSpec((BLK, D), lambda i: (i, 0)),
        pl.BlockSpec((NW, BLK), lambda i: (0, i)),
        pl.BlockSpec((1, D), lambda i: (0, 0)),
    ],
    out_specs=pl.BlockSpec((BLK, D), lambda i: (i, 0)),
    out_shape=jax.ShapeDtypeStruct((N, D), jnp.float32),
)


def kernel(x, edge_index, W1, b1, W2, b2):
    src = edge_index[0]
    dst = edge_index[1]
    src4 = src.reshape(NW, NCH, 1, CH)
    dst4 = dst.reshape(NW, NCH, 1, CH)
    degp = _sc_degree(dst).reshape(NW, NP)
    h1p = _mm1(x, W1, degp)
    s1 = _sc_scatter(h1p, src4, dst4)
    h2p = _mm2(s1, h1p, degp, b1.reshape(1, D), W2)
    s2 = _sc_scatter(h2p, src4, dst4)
    return _fin(s2, h2p, degp, b2.reshape(1, D))

# --- scband reference (transcript-rebuilt; emitter-appended) ---
"""Pipeline reference for scband-gcn-87986700026523 (READ-ONLY COPY).

The authoritative reference and input builder live on the scoring server;
editing this copy changes nothing except your own understanding.
"""

import jax, jax.numpy as jnp
import numpy as np

N = 10000
E = 320000
D_IN = 128
D_HID = 128


def setup_inputs(seed: int = 0):
    key = jax.random.key(seed)
    k1, k2, k3, k4, k5, k6 = jax.random.split(key, 6)
    x = jax.random.normal(k1, (N, D_IN), dtype=jnp.float32)
    edge_index = jax.random.randint(k2, (2, E), 0, N, dtype=jnp.int32)
    s1 = float(np.sqrt(6.0 / (D_IN + D_HID)))
    s2 = float(np.sqrt(6.0 / (D_HID + D_HID)))
    W1 = jax.random.uniform(k3, (D_IN, D_HID), dtype=jnp.float32, minval=-s1, maxval=s1)
    b1 = jnp.zeros((D_HID,), dtype=jnp.float32)
    W2 = jax.random.uniform(k4, (D_HID, D_HID), dtype=jnp.float32, minval=-s2, maxval=s2)
    b2 = jnp.zeros((D_HID,), dtype=jnp.float32)
    return {"x": x, "edge_index": edge_index, "W1": W1, "b1": b1, "W2": W2, "b2": b2}


def _gcn_conv(x, src, dst, W, b):
    # GCNConv with add_self_loops=True and symmetric normalization:
    # out = D^{-1/2} (A + I) D^{-1/2} X W + b
    n = x.shape[0]
    loop = jnp.arange(n, dtype=src.dtype)
    s = jnp.concatenate([src, loop])
    d = jnp.concatenate([dst, loop])
    ones = jnp.ones(s.shape[0], dtype=x.dtype)
    deg = jax.ops.segment_sum(ones, d, num_segments=n)
    deg_inv_sqrt = jax.lax.rsqrt(jnp.maximum(deg, 1.0))
    norm = deg_inv_sqrt[s] * deg_inv_sqrt[d]
    h = x @ W
    msg = h[s] * norm[:, None]
    out = jax.ops.segment_sum(msg, d, num_segments=n)
    return out + b


def reference(x, edge_index, W1, b1, W2, b2):
    src = edge_index[0]
    dst = edge_index[1]
    h = _gcn_conv(x, src, dst, W1, b1)
    h = jax.nn.relu(h)
    out = _gcn_conv(h, src, dst, W2, b2)
    return out

if __name__ == "__main__":
    import jax
    _d = setup_inputs()
    print(jax.jit(kernel)(*tuple(_d.values())))

</pallas_src>

<mosaic_0001>
#map = affine_map<(d0, d1) -> (0, 0)>
#map1 = affine_map<(d0, d1) -> (0, 0, 0, 0)>
#map2 = affine_map<(d0, d1) -> (0, 0, 0)>
module attributes {stable_mosaic.version = 14 : i64} {
  func.func @_sc_scatter(%arg0: i32, %arg1: i32, %arg2: memref<10000x128xf32, #tpu.memory_space<hbm>>, %arg3: memref<32x125x1x80xi32, #tpu.memory_space<hbm>>, %arg4: memref<32x125x1x80xi32, #tpu.memory_space<hbm>>, %arg5: memref<2x10240x128xf32, #tpu.memory_space<hbm>>, %arg6: memref<4x2x80xi32, #tpu.memory_space<vmem>>, %arg7: memref<4x80x128xf32, #tpu.memory_space<vmem>>, %arg8: memref<10240x128xf32, #tpu.memory_space<vmem_shared>>, %arg9: memref<!tpu.dma_semaphore, #tpu.memory_space<semaphore_mem>>, %arg10: memref<!tpu.dma_semaphore, #tpu.memory_space<semaphore_mem>>, %arg11: memref<!tpu.dma_semaphore, #tpu.memory_space<semaphore_mem>>, %arg12: memref<!tpu.dma_semaphore, #tpu.memory_space<semaphore_mem>>, %arg13: memref<!tpu.dma_semaphore, #tpu.memory_space<semaphore_mem>>, %arg14: memref<!tpu.dma_semaphore, #tpu.memory_space<semaphore_mem>>, %arg15: memref<!tpu.dma_semaphore, #tpu.memory_space<semaphore_mem>>, %arg16: memref<!tpu.dma_semaphore, #tpu.memory_space<semaphore_mem>>) attributes {dimension_semantics = [#tpu.dimension_semantics<core_parallel>, #tpu.dimension_semantics<subcore_parallel>], iteration_bounds = array<i64: 2, 16>, scalar_prefetch = 0 : i64, scratch_operands = 11 : i64, tpu.core_type = #tpu.core_type<sc_vector_subcore>, window_params = [{transform_indices = #map}, {transform_indices = #map1}, {transform_indices = #map1}, {transform_indices = #map2}]} {
    %mul3A = arith.constant 16 : i32
    %mul3A_0 = arith.muli %arg0, %mul3A : i32
    %add3A = arith.addi %mul3A_0, %arg1 : i32
    %dma_start3A = arith.constant 0 : i32
    %dma_start3A_1 = arith.constant 0 : i32
    %dma_start3A_2 = arith.constant 0 : i32
    %dma_start3A_3 = arith.constant 0 : i32
    %dma_start3A_4 = tpu.memref_slice %arg6[%dma_start3A_1, %dma_start3A_2, %dma_start3A_3] : memref<4x2x80xi32, #tpu.memory_space<vmem>> -> memref<1x1x80xi32, #tpu.memory_space<vmem>>
    %dma_start3A_5 = tpu.memref_squeeze %dma_start3A_4 : memref<1x1x80xi32, #tpu.memory_space<vmem>> -> memref<1x80xi32, #tpu.memory_space<vmem>>
    %dma_start3A_6 = arith.constant 0 : i32
    %dma_start3A_7 = arith.constant 0 : i32
    %dma_start3A_8 = tpu.memref_slice %arg3[%add3A, %dma_start3A, %dma_start3A_6, %dma_start3A_7] : memref<32x125x1x80xi32, #tpu.memory_space<hbm>> -> memref<1x1x1x80xi32, #tpu.memory_space<hbm>>
    %dma_start3A_9 = tpu.memref_squeeze %dma_start3A_8 : memref<1x1x1x80xi32, #tpu.memory_space<hbm>> -> memref<1x80xi32, #tpu.memory_space<hbm>>
    %dma_start3A_10 = arith.constant 0 : i32
    %dma_start3A_11 = arith.constant 0 : i32
    %dma_start3A_12 = tpu.memref_slice %arg6[%dma_start3A_1, %dma_start3A_10, %dma_start3A_11] : memref<4x2x80xi32, #tpu.memory_space<vmem>> -> memref<1x1x80xi32, #tpu.memory_space<vmem>>
    %dma_start3A_13 = tpu.memref_squeeze %dma_start3A_12 : memref<1x1x80xi32, #tpu.memory_space<vmem>> -> memref<1x80xi32, #tpu.memory_space<vmem>>
    %dma_start3A_14 = arith.constant 0 : i32
    %dma_start3A_15 = arith.constant 0 : i32
    %dma_start3A_16 = tpu.memref_slice %arg3[%add3A, %dma_start3A, %dma_start3A_14, %dma_start3A_15] : memref<32x125x1x80xi32, #tpu.memory_space<hbm>> -> memref<1x1x1x80xi32, #tpu.memory_space<hbm>>
    %dma_start3A_17 = tpu.memref_squeeze %dma_start3A_16 : memref<1x1x1x80xi32, #tpu.memory_space<hbm>> -> memref<1x80xi32, #tpu.memory_space<hbm>>
    tpu.enqueue_dma source(%dma_start3A_17 : memref<1x80xi32, #tpu.memory_space<hbm>>) target(%dma_start3A_13 : memref<1x80xi32, #tpu.memory_space<vmem>>) target_semaphore(%arg9 : memref<!tpu.dma_semaphore, #tpu.memory_space<semaphore_mem>>)
    %dma_start3A_18 = arith.constant 0 : i32
    %dma_start3A_19 = arith.constant 0 : i32
    %dma_start3A_20 = arith.constant 1 : i32
    %dma_start3A_21 = arith.constant 0 : i32
    %dma_start3A_22 = tpu.memref_slice %arg6[%dma_start3A_19, %dma_start3A_20, %dma_start3A_21] : memref<4x2x80xi32, #tpu.memory_space<vmem>> -> memref<1x1x80xi32, #tpu.memory_space<vmem>>
    %dma_start3A_23 = tpu.memref_squeeze %dma_start3A_22 : memref<1x1x80xi32, #tpu.memory_space<vmem>> -> memref<1x80xi32, #tpu.memory_space<vmem>>
    %dma_start3A_24 = arith.constant 0 : i32
    %dma_start3A_25 = arith.constant 0 : i32
    %dma_start3A_26 = tpu.memref_slice %arg4[%add3A, %dma_start3A_18, %dma_start3A_24, %dma_start3A_25] : memref<32x125x1x80xi32, #tpu.memory_space<hbm>> -> memref<1x1x1x80xi32, #tpu.memory_space<hbm>>
    %dma_start3A_27 = tpu.memref_squeeze %dma_start3A_26 : memref<1x1x1x80xi32, #tpu.memory_space<hbm>> -> memref<1x80xi32, #tpu.memory_space<hbm>>
    %dma_start3A_28 = arith.constant 1 : i32
    %dma_start3A_29 = arith.constant 0 : i32
    %dma_start3A_30 = tpu.memref_slice %arg6[%dma_start3A_19, %dma_start3A_28, %dma_start3A_29] : memref<4x2x80xi32, #tpu.memory_space<vmem>> -> memref<1x1x80xi32, #tpu.memory_space<vmem>>
    %dma_start3A_31 = tpu.memref_squeeze %dma_start3A_30 : memref<1x1x80xi32, #tpu.memory_space<vmem>> -> memref<1x80xi32, #tpu.memory_space<vmem>>
    %dma_start3A_32 = arith.constant 0 : i32
    %dma_start3A_33 = arith.constant 0 : i32
    %dma_start3A_34 = tpu.memref_slice %arg4[%add3A, %dma_start3A_18, %dma_start3A_32, %dma_start3A_33] : memref<32x125x1x80xi32, #tpu.memory_space<hbm>> -> memref<1x1x1x80xi32, #tpu.memory_space<hbm>>
    %dma_start3A_35 = tpu.memref_squeeze %dma_start3A_34 : memref<1x1x1x80xi32, #tpu.memory_space<hbm>> -> memref<1x80xi32, #tpu.memory_space<hbm>>
    tpu.enqueue_dma source(%dma_start3A_35 : memref<1x80xi32, #tpu.memory_space<hbm>>) target(%dma_start3A_31 : memref<1x80xi32, #tpu.memory_space<vmem>>) target_semaphore(%arg13 : memref<!tpu.dma_semaphore, #tpu.memory_space<semaphore_mem>>)
    %dma_start3A_36 = arith.constant 1 : i32
    %dma_start3A_37 = arith.constant 1 : i32
    %dma_start3A_38 = arith.constant 0 : i32
    %dma_start3A_39 = arith.constant 0 : i32
    %dma_start3A_40 = tpu.memref_slice %arg6[%dma_start3A_37, %dma_start3A_38, %dma_start3A_39] : memref<4x2x80xi32, #tpu.memory_space<vmem>> -> memref<1x1x80xi32, #tpu.memory_space<vmem>>
    %dma_start3A_41 = tpu.memref_squeeze %dma_start3A_40 : memref<1x1x80xi32, #tpu.memory_space<vmem>> -> memref<1x80xi32, #tpu.memory_space<vmem>>
    %dma_start3A_42 = arith.constant 0 : i32
    %dma_start3A_43 = arith.constant 0 : i32
    %dma_start3A_44 = tpu.memref_slice %arg3[%add3A, %dma_start3A_36, %dma_start3A_42, %dma_start3A_43] : memref<32x125x1x80xi32, #tpu.memory_space<hbm>> -> memref<1x1x1x80xi32, #tpu.memory_space<hbm>>
    %dma_start3A_45 = tpu.memref_squeeze %dma_start3A_44 : memref<1x1x1x80xi32, #tpu.memory_space<hbm>> -> memref<1x80xi32, #tpu.memory_space<hbm>>
    %dma_start3A_46 = arith.constant 0 : i32
    %dma_start3A_47 = arith.constant 0 : i32
    %dma_start3A_48 = tpu.memref_slice %arg6[%dma_start3A_37, %dma_start3A_46, %dma_start3A_47] : memref<4x2x80xi32, #tpu.memory_space<vmem>> -> memref<1x1x80xi32, #tpu.memory_space<vmem>>
    %dma_start3A_49 = tpu.memref_squeeze %dma_start3A_48 : memref<1x1x80xi32, #tpu.memory_space<vmem>> -> memref<1x80xi32, #tpu.memory_space<vmem>>
    %dma_start3A_50 = arith.constant 0 : i32
    %dma_start3A_51 = arith.constant 0 : i32
    %dma_start3A_52 = tpu.memref_slice %arg3[%add3A, %dma_start3A_36, %dma_start3A_50, %dma_start3A_51] : memref<32x125x1x80xi32, #tpu.memory_space<hbm>> -> memref<1x1x1x80xi32, #tpu.memory_space<hbm>>
    %dma_start3A_53 = tpu.memref_squeeze %dma_start3A_52 : memref<1x1x1x80xi32, #tpu.memory_space<hbm>> -> memref<1x80xi32, #tpu.memory_space<hbm>>
    tpu.enqueue_dma source(%dma_start3A_53 : memref<1x80xi32, #tpu.memory_space<hbm>>) target(%dma_start3A_49 : memref<1x80xi32, #tpu.memory_space<vmem>>) target_semaphore(%arg10 : memref<!tpu.dma_semaphore, #tpu.memory_space<semaphore_mem>>)
    %dma_start3A_54 = arith.constant 1 : i32
    %dma_start3A_55 = arith.constant 1 : i32
    %dma_start3A_56 = arith.constant 1 : i32
    %dma_start3A_57 = arith.constant 0 : i32
    %dma_start3A_58 = tpu.memref_slice %arg6[%dma_start3A_55, %dma_start3A_56, %dma_start3A_57] : memref<4x2x80xi32, #tpu.memory_space<vmem>> -> memref<1x1x80xi32, #tpu.memory_space<vmem>>
    %dma_start3A_59 = tpu.memref_squeeze %dma_start3A_58 : memref<1x1x80xi32, #tpu.memory_space<vmem>> -> memref<1x80xi32, #tpu.memory_space<vmem>>
    %dma_start3A_60 = arith.constant 0 : i32
    %dma_start3A_61 = arith.constant 0 : i32
    %dma_start3A_62 = tpu.memref_slice %arg4[%add3A, %dma_start3A_54, %dma_start3A_60, %dma_start3A_61] : memref<32x125x1x80xi32, #tpu.memory_space<hbm>> -> memref<1x1x1x80xi32, #tpu.memory_space<hbm>>
    %dma_start3A_63 = tpu.memref_squeeze %dma_start3A_62 : memref<1x1x1x80xi32, #tpu.memory_space<hbm>> -> memref<1x80xi32, #tpu.memory_space<hbm>>
    %dma_start3A_64 = arith.constant 1 : i32
    %dma_start3A_65 = arith.constant 0 : i32
    %dma_start3A_66 = tpu.memref_slice %arg6[%dma_start3A_55, %dma_start3A_64, %dma_start3A_65] : memref<4x2x80xi32, #tpu.memory_space<vmem>> -> memref<1x1x80xi32, #tpu.memory_space<vmem>>
    %dma_start3A_67 = tpu.memref_squeeze %dma_start3A_66 : memref<1x1x80xi32, #tpu.memory_space<vmem>> -> memref<1x80xi32, #tpu.memory_space<vmem>>
    %dma_start3A_68 = arith.constant 0 : i32
    %dma_start3A_69 = arith.constant 0 : i32
    %dma_start3A_70 = tpu.memref_slice %arg4[%add3A, %dma_start3A_54, %dma_start3A_68, %dma_start3A_69] : memref<32x125x1x80xi32, #tpu.memory_space<hbm>> -> memref<1x1x1x80xi32, #tpu.memory_space<hbm>>
    %dma_start3A_71 = tpu.memref_squeeze %dma_start3A_70 : memref<1x1x1x80xi32, #tpu.memory_space<hbm>> -> memref<1x80xi32, #tpu.memory_space<hbm>>
    tpu.enqueue_dma source(%dma_start3A_71 : memref<1x80xi32, #tpu.memory_space<hbm>>) target(%dma_start3A_67 : memref<1x80xi32, #tpu.memory_space<vmem>>) target_semaphore(%arg14 : memref<!tpu.dma_semaphore, #tpu.memory_space<semaphore_mem>>)
    %dma_start3A_72 = arith.constant 2 : i32
    %dma_start3A_73 = arith.constant 2 : i32
    %dma_start3A_74 = arith.constant 0 : i32
    %dma_start3A_75 = arith.constant 0 : i32
    %dma_start3A_76 = tpu.memref_slice %arg6[%dma_start3A_73, %dma_start3A_74, %dma_start3A_75] : memref<4x2x80xi32, #tpu.memory_space<vmem>> -> memref<1x1x80xi32, #tpu.memory_space<vmem>>
    %dma_start3A_77 = tpu.memref_squeeze %dma_start3A_76 : memref<1x1x80xi32, #tpu.memory_space<vmem>> -> memref<1x80xi32, #tpu.memory_space<vmem>>
    %dma_start3A_78 = arith.constant 0 : i32
    %dma_start3A_79 = arith.constant 0 : i32
    %dma_start3A_80 = tpu.memref_slice %arg3[%add3A, %dma_start3A_72, %dma_start3A_78, %dma_start3A_79] : memref<32x125x1x80xi32, #tpu.memory_space<hbm>> -> memref<1x1x1x80xi32, #tpu.memory_space<hbm>>
    %dma_start3A_81 = tpu.memref_squeeze %dma_start3A_80 : memref<1x1x1x80xi32, #tpu.memory_space<hbm>> -> memref<1x80xi32, #tpu.memory_space<hbm>>
    %dma_start3A_82 = arith.constant 0 : i32
    %dma_start3A_83 = arith.constant 0 : i32
    %dma_start3A_84 = tpu.memref_slice %arg6[%dma_start3A_73, %dma_start3A_82, %dma_start3A_83] : memref<4x2x80xi32, #tpu.memory_space<vmem>> -> memref<1x1x80xi32, #tpu.memory_space<vmem>>
    %dma_start3A_85 = tpu.memref_squeeze %dma_start3A_84 : memref<1x1x80xi32, #tpu.memory_space<vmem>> -> memref<1x80xi32, #tpu.memory_space<vmem>>
    %dma_start3A_86 = arith.constant 0 : i32
    %dma_start3A_87 = arith.constant 0 : i32
    %dma_start3A_88 = tpu.memref_slice %arg3[%add3A, %dma_start3A_72, %dma_start3A_86, %dma_start3A_87] : memref<32x125x1x80xi32, #tpu.memory_space<hbm>> -> memref<1x1x1x80xi32, #tpu.memory_space<hbm>>
    %dma_start3A_89 = tpu.memref_squeeze %dma_start3A_88 : memref<1x1x1x80xi32, #tpu.memory_space<hbm>> -> memref<1x80xi32, #tpu.memory_space<hbm>>
    tpu.enqueue_dma source(%dma_start3A_89 : memref<1x80xi32, #tpu.memory_space<hbm>>) target(%dma_start3A_85 : memref<1x80xi32, #tpu.memory_space<vmem>>) target_semaphore(%arg11 : memref<!tpu.dma_semaphore, #tpu.memory_space<semaphore_mem>>)
    %dma_start3A_90 = arith.constant 2 : i32
    %dma_start3A_91 = arith.constant 2 : i32
    %dma_start3A_92 = arith.constant 1 : i32
    %dma_start3A_93 = arith.constant 0 : i32
    %dma_start3A_94 = tpu.memref_slice %arg6[%dma_start3A_91, %dma_start3A_92, %dma_start3A_93] : memref<4x2x80xi32, #tpu.memory_space<vmem>> -> memref<1x1x80xi32, #tpu.memory_space<vmem>>
    %dma_start3A_95 = tpu.memref_squeeze %dma_start3A_94 : memref<1x1x80xi32, #tpu.memory_space<vmem>> -> memref<1x80xi32, #tpu.memory_space<vmem>>
    %dma_start3A_96 = arith.constant 0 : i32
    %dma_start3A_97 = arith.constant 0 : i32
    %dma_start3A_98 = tpu.memref_slice %arg4[%add3A, %dma_start3A_90, %dma_start3A_96, %dma_start3A_97] : memref<32x125x1x80xi32, #tpu.memory_space<hbm>> -> memref<1x1x1x80xi32, #tpu.memory_space<hbm>>
    %dma_start3A_99 = tpu.memref_squeeze %dma_start3A_98 : memref<1x1x1x80xi32, #tpu.memory_space<hbm>> -> memref<1x80xi32, #tpu.memory_space<hbm>>
    %dma_start3A_100 = arith.constant 1 : i32
    %dma_start3A_101 = arith.constant 0 : i32
    %dma_start3A_102 = tpu.memref_slice %arg6[%dma_start3A_91, %dma_start3A_100, %dma_start3A_101] : memref<4x2x80xi32, #tpu.memory_space<vmem>> -> memref<1x1x80xi32, #tpu.memory_space<vmem>>
    %dma_start3A_103 = tpu.memref_squeeze %dma_start3A_102 : memref<1x1x80xi32, #tpu.memory_space<vmem>> -> memref<1x80xi32, #tpu.memory_space<vmem>>
    %dma_start3A_104 = arith.constant 0 : i32
    %dma_start3A_105 = arith.constant 0 : i32
    %dma_start3A_106 = tpu.memref_slice %arg4[%add3A, %dma_start3A_90, %dma_start3A_104, %dma_start3A_105] : memref<32x125x1x80xi32, #tpu.memory_space<hbm>> -> memref<1x1x1x80xi32, #tpu.memory_space<hbm>>
    %dma_start3A_107 = tpu.memref_squeeze %dma_start3A_106 : memref<1x1x1x80xi32, #tpu.memory_space<hbm>> -> memref<1x80xi32, #tpu.memory_space<hbm>>
    tpu.enqueue_dma source(%dma_start3A_107 : memref<1x80xi32, #tpu.memory_space<hbm>>) target(%dma_start3A_103 : memref<1x80xi32, #tpu.memory_space<vmem>>) target_semaphore(%arg15 : memref<!tpu.dma_semaphore, #tpu.memory_space<semaphore_mem>>)
    %dma_start3A_108 = arith.constant 3 : i32
    %dma_start3A_109 = arith.constant 3 : i32
    %dma_start3A_110 = arith.constant 0 : i32
    %dma_start3A_111 = arith.constant 0 : i32
    %dma_start3A_112 = tpu.memref_slice %arg6[%dma_start3A_109, %dma_start3A_110, %dma_start3A_111] : memref<4x2x80xi32, #tpu.memory_space<vmem>> -> memref<1x1x80xi32, #tpu.memory_space<vmem>>
    %dma_start3A_113 = tpu.memref_squeeze %dma_start3A_112 : memref<1x1x80xi32, #tpu.memory_space<vmem>> -> memref<1x80xi32, #tpu.memory_space<vmem>>
    %dma_start3A_114 = arith.constant 0 : i32
    %dma_start3A_115 = arith.constant 0 : i32
    %dma_start3A_116 = tpu.memref_slice %arg3[%add3A, %dma_start3A_108, %dma_start3A_114, %dma_start3A_115] : memref<32x125x1x80xi32, #tpu.memory_space<hbm>> -> memref<1x1x1x80xi32, #tpu.memory_space<hbm>>
    %dma_start3A_117 = tpu.memref_squeeze %dma_start3A_116 : memref<1x1x1x80xi32, #tpu.memory_space<hbm>> -> memref<1x80xi32, #tpu.memory_space<hbm>>
    %dma_start3A_118 = arith.constant 0 : i32
    %dma_start3A_119 = arith.constant 0 : i32
    %dma_start3A_120 = tpu.memref_slice %arg6[%dma_start3A_109, %dma_start3A_118, %dma_start3A_119] : memref<4x2x80xi32, #tpu.memory_space<vmem>> -> memref<1x1x80xi32, #tpu.memory_space<vmem>>
    %dma_start3A_121 = tpu.memref_squeeze %dma_start3A_120 : memref<1x1x80xi32, #tpu.memory_space<vmem>> -> memref<1x80xi32, #tpu.memory_space<vmem>>
    %dma_start3A_122 = arith.constant 0 : i32
    %dma_start3A_123 = arith.constant 0 : i32
    %dma_start3A_124 = tpu.memref_slice %arg3[%add3A, %dma_start3A_108, %dma_start3A_122, %dma_start3A_123] : memref<32x125x1x80xi32, #tpu.memory_space<hbm>> -> memref<1x1x1x80xi32, #tpu.memory_space<hbm>>
    %dma_start3A_125 = tpu.memref_squeeze %dma_start3A_124 : memref<1x1x1x80xi32, #tpu.memory_space<hbm>> -> memref<1x80xi32, #tpu.memory_space<hbm>>
    tpu.enqueue_dma source(%dma_start3A_125 : memref<1x80xi32, #tpu.memory_space<hbm>>) target(%dma_start3A_121 : memref<1x80xi32, #tpu.memory_space<vmem>>) target_semaphore(%arg12 : memref<!tpu.dma_semaphore, #tpu.memory_space<semaphore_mem>>)
    %dma_start3A_126 = arith.constant 3 : i32
    %dma_start3A_127 = arith.constant 3 : i32
    %dma_start3A_128 = arith.constant 1 : i32
    %dma_start3A_129 = arith.constant 0 : i32
    %dma_start3A_130 = tpu.memref_slice %arg6[%dma_start3A_127, %dma_start3A_128, %dma_start3A_129] : memref<4x2x80xi32, #tpu.memory_space<vmem>> -> memref<1x1x80xi32, #tpu.memory_space<vmem>>
    %dma_start3A_131 = tpu.memref_squeeze %dma_start3A_130 : memref<1x1x80xi32, #tpu.memory_space<vmem>> -> memref<1x80xi32, #tpu.memory_space<vmem>>
    %dma_start3A_132 = arith.constant 0 : i32
    %dma_start3A_133 = arith.constant 0 : i32
    %dma_start3A_134 = tpu.memref_slice %arg4[%add3A, %dma_start3A_126, %dma_start3A_132, %dma_start3A_133] : memref<32x125x1x80xi32, #tpu.memory_space<hbm>> -> memref<1x1x1x80xi32, #tpu.memory_space<hbm>>
    %dma_start3A_135 = tpu.memref_squeeze %dma_start3A_134 : memref<1x1x1x80xi32, #tpu.memory_space<hbm>> -> memref<1x80xi32, #tpu.memory_space<hbm>>
    %dma_start3A_136 = arith.constant 1 : i32
    %dma_start3A_137 = arith.constant 0 : i32
    %dma_start3A_138 = tpu.memref_slice %arg6[%dma_start3A_127, %dma_start3A_136, %dma_start3A_137] : memref<4x2x80xi32, #tpu.memory_space<vmem>> -> memref<1x1x80xi32, #tpu.memory_space<vmem>>
    %dma_start3A_139 = tpu.memref_squeeze %dma_start3A_138 : memref<1x1x80xi32, #tpu.memory_space<vmem>> -> memref<1x80xi32, #tpu.memory_space<vmem>>
    %dma_start3A_140 = arith.constant 0 : i32
    %dma_start3A_141 = arith.constant 0 : i32
    %dma_start3A_142 = tpu.memref_slice %arg4[%add3A, %dma_start3A_126, %dma_start3A_140, %dma_start3A_141] : memref<32x125x1x80xi32, #tpu.memory_space<hbm>> -> memref<1x1x1x80xi32, #tpu.memory_space<hbm>>
    %dma_start3A_143 = tpu.memref_squeeze %dma_start3A_142 : memref<1x1x1x80xi32, #tpu.memory_space<hbm>> -> memref<1x80xi32, #tpu.memory_space<hbm>>
    tpu.enqueue_dma source(%dma_start3A_143 : memref<1x80xi32, #tpu.memory_space<hbm>>) target(%dma_start3A_139 : memref<1x80xi32, #tpu.memory_space<vmem>>) target_semaphore(%arg16 : memref<!tpu.dma_semaphore, #tpu.memory_space<semaphore_mem>>)
    %scan3A = arith.constant 0 : i32
    %scan3A_144 = arith.constant 0 : i32
    %scan3A_145 = arith.constant 640 : i32
    %scan3A_146 = arith.addi %scan3A_144, %scan3A_145 : i32
    %scan3A_147 = arith.constant 1 : i32
    scf.for %scan3A_887 = %scan3A_144 to %scan3A_146 step %scan3A_147  : i32 {
      %broadcast_in_dim3A = arith.constant 0.000000e+00 : f32
      %broadcast_in_dim3A_888 = vector.broadcast %broadcast_in_dim3A : f32 to vector<16xf32>
      %jit3A = arith.constant 8 : i32
      %div3A = arith.divsi %scan3A_887, %jit3A : i32
      %sign3A = arith.constant 0 : i32
      %sign3A_889 = arith.cmpi sgt, %scan3A_887, %sign3A : i32
      %sign3A_890 = arith.extui %sign3A_889 : i1 to i32
      %sign3A_891 = arith.constant 0 : i32
      %sign3A_892 = arith.cmpi slt, %scan3A_887, %sign3A_891 : i32
      %sign3A_893 = arith.extui %sign3A_892 : i1 to i32
      %sign3A_894 = arith.subi %sign3A_890, %sign3A_893 : i32
      %sign3A_895 = arith.constant 0 : i32
      %sign3A_896 = arith.cmpi sgt, %jit3A, %sign3A_895 : i32
      %sign3A_897 = arith.extui %sign3A_896 : i1 to i32
      %sign3A_898 = arith.constant 0 : i32
      %sign3A_899 = arith.cmpi slt, %jit3A, %sign3A_898 : i32
      %sign3A_900 = arith.extui %sign3A_899 : i1 to i32
      %sign3A_901 = arith.subi %sign3A_897, %sign3A_900 : i32
      %ne3A = arith.cmpi ne, %sign3A_894, %sign3A_901 : i32
      %rem3A = arith.remsi %scan3A_887, %jit3A : i32
      %ne3A_902 = arith.constant 0 : i32
      %ne3A_903 = arith.cmpi ne, %rem3A, %ne3A_902 : i32
      %and3A = arith.andi %ne3A, %ne3A_903 : i1
      %sub3A = arith.constant 1 : i32
      %sub3A_904 = arith.subi %div3A, %sub3A : i32
      %select_n3A = arith.select %and3A, %sub3A_904, %div3A : i32
      %jit3A_905 = arith.constant 8 : i32
      %eq3A = arith.constant 0 : i32
      %eq3A_906 = arith.cmpi eq, %jit3A_905, %eq3A : i32
      %jit3A_907 = arith.constant 1 : i32
      %select_n3A_908 = arith.select %eq3A_906, %jit3A_907, %jit3A_905 : i32
      %rem3A_909 = arith.remsi %scan3A_887, %select_n3A_908 : i32
      %ne3A_910 = arith.constant 0 : i32
      %ne3A_911 = arith.cmpi ne, %rem3A_909, %ne3A_910 : i32
      %lt3A = arith.constant 0 : i32
      %lt3A_912 = arith.cmpi slt, %rem3A_909, %lt3A : i32
      %lt3A_913 = arith.constant 0 : i32
      %lt3A_914 = arith.cmpi slt, %select_n3A_908, %lt3A_913 : i32
      %ne3A_915 = arith.xori %lt3A_912, %lt3A_914 : i1
      %and3A_916 = arith.andi %ne3A_915, %ne3A_911 : i1
      %add3A_917 = arith.addi %rem3A_909, %select_n3A_908 : i32
      %select_n3A_918 = arith.select %and3A_916, %add3A_917, %rem3A_909 : i32
      %mul3A_919 = arith.constant 16 : i32
      %mul3A_920 = arith.muli %select_n3A_918, %mul3A_919 : i32
      %swap3A = arith.constant 3 : i32
      %swap3A_921 = arith.index_cast %swap3A : i32 to index
      %swap3A_922 = arith.index_cast %select_n3A : i32 to index
      %swap3A_923 = arith.index_cast %mul3A_920 : i32 to index
      %swap3A_924 = tpu.vector_load %arg7[%swap3A_921, %swap3A_922, %swap3A_923] {strides = array<i32>} : memref<4x80x128xf32, #tpu.memory_space<vmem>>, vector<1x1x16xf32>,
      %swap3A_925 = vector.shape_cast %swap3A_924 : vector<1x1x16xf32> to vector<16xf32>
      %swap3A_926 = vector.shape_cast %broadcast_in_dim3A_888 : vector<16xf32> to vector<1x1x16xf32>
      tpu.vector_store %arg7[%swap3A_921, %swap3A_922, %swap3A_923], %swap3A_926 {strides = array<i32>} : memref<4x80x128xf32, #tpu.memory_space<vmem>>, vector<1x1x16xf32>,
    }
    %scan3A_148 = arith.constant 640 : i32
    %mul3A_149 = arith.constant 640 : i32
    %mul3A_150 = arith.muli %arg1, %mul3A_149 : i32
    %add3A_151 = arith.constant 0 : i32
    %add3A_152 = arith.addi %mul3A_150, %add3A_151 : i32
    %dma_start3A_153 = arith.constant 3 : i32
    %dma_start3A_154 = arith.constant 0 : i32
    %dma_start3A_155 = arith.constant 0 : i32
    %dma_start3A_156 = tpu.memref_slice %arg7[%dma_start3A_153, %dma_start3A_154, %dma_start3A_155] : memref<4x80x128xf32, #tpu.memory_space<vmem>> -> memref<1x80x128xf32, #tpu.memory_space<vmem>>
    %dma_start3A_157 = tpu.memref_squeeze %dma_start3A_156 : memref<1x80x128xf32, #tpu.memory_space<vmem>> -> memref<80x128xf32, #tpu.memory_space<vmem>>
    %dma_start3A_158 = arith.constant 0 : i32
    %dma_start3A_159 = tpu.memref_slice %arg8[%add3A_152, %dma_start3A_158] : memref<10240x128xf32, #tpu.memory_space<vmem_shared>> -> memref<80x128xf32, #tpu.memory_space<vmem_shared>>
    %dma_start3A_160 = arith.constant 0 : i32
    %dma_start3A_161 = tpu.memref_slice %arg8[%add3A_152, %dma_start3A_160] : memref<10240x128xf32, #tpu.memory_space<vmem_shared>> -> memref<80x128xf32, #tpu.memory_space<vmem_shared>>
    %dma_start3A_162 = arith.constant 0 : i32
    %dma_start3A_163 = arith.constant 0 : i32
    %dma_start3A_164 = tpu.memref_slice %arg7[%dma_start3A_153, %dma_start3A_162, %dma_start3A_163] : memref<4x80x128xf32, #tpu.memory_space<vmem>> -> memref<1x80x128xf32, #tpu.memory_space<vmem>>
    %dma_start3A_165 = tpu.memref_squeeze %dma_start3A_164 : memref<1x80x128xf32, #tpu.memory_space<vmem>> -> memref<80x128xf32, #tpu.memory_space<vmem>>
    tpu.enqueue_dma source(%dma_start3A_165 : memref<80x128xf32, #tpu.memory_space<vmem>>) target(%dma_start3A_161 : memref<80x128xf32, #tpu.memory_space<vmem_shared>>) target_semaphore(%arg13 : memref<!tpu.dma_semaphore, #tpu.memory_space<semaphore_mem>>)
    %mul3A_166 = arith.constant 640 : i32
    %mul3A_167 = arith.muli %arg1, %mul3A_166 : i32
    %add3A_168 = arith.constant 80 : i32
    %add3A_169 = arith.addi %mul3A_167, %add3A_168 : i32
    %dma_start3A_170 = arith.constant 3 : i32
    %dma_start3A_171 = arith.constant 0 : i32
    %dma_start3A_172 = arith.constant 0 : i32
    %dma_start3A_173 = tpu.memref_slice %arg7[%dma_start3A_170, %dma_start3A_171, %dma_start3A_172] : memref<4x80x128xf32, #tpu.memory_space<vmem>> -> memref<1x80x128xf32, #tpu.memory_space<vmem>>
    %dma_start3A_174 = tpu.memref_squeeze %dma_start3A_173 : memref<1x80x128xf32, #tpu.memory_space<vmem>> -> memref<80x128xf32, #tpu.memory_space<vmem>>
    %dma_start3A_175 = arith.constant 0 : i32
    %dma_start3A_176 = tpu.memref_slice %arg8[%add3A_169, %dma_start3A_175] : memref<10240x128xf32, #tpu.memory_space<vmem_shared>> -> memref<80x128xf32, #tpu.memory_space<vmem_shared>>
    %dma_start3A_177 = arith.constant 0 : i32
    %dma_start3A_178 = tpu.memref_slice %arg8[%add3A_169, %dma_start3A_177] : memref<10240x128xf32, #tpu.memory_space<vmem_shared>> -> memref<80x128xf32, #tpu.memory_space<vmem_shared>>
    %dma_start3A_179 = arith.constant 0 : i32
    %dma_start3A_180 = arith.constant 0 : i32
    %dma_start3A_181 = tpu.memref_slice %arg7[%dma_start3A_170, %dma_start3A_179, %dma_start3A_180] : memref<4x80x128xf32, #tpu.memory_space<vmem>> -> memref<1x80x128xf32, #tpu.memory_space<vmem>>
    %dma_start3A_182 = tpu.memref_squeeze %dma_start3A_181 : memref<1x80x128xf32, #tpu.memory_space<vmem>> -> memref<80x128xf32, #tpu.memory_space<vmem>>
    tpu.enqueue_dma source(%dma_start3A_182 : memref<80x128xf32, #tpu.memory_space<vmem>>) target(%dma_start3A_178 : memref<80x128xf32, #tpu.memory_space<vmem_shared>>) target_semaphore(%arg13 : memref<!tpu.dma_semaphore, #tpu.memory_space<semaphore_mem>>)
    %mul3A_183 = arith.constant 640 : i32
    %mul3A_184 = arith.muli %arg1, %mul3A_183 : i32
    %add3A_185 = arith.constant 160 : i32
    %add3A_186 = arith.addi %mul3A_184, %add3A_185 : i32
    %dma_start3A_187 = arith.constant 3 : i32
    %dma_start3A_188 = arith.constant 0 : i32
    %dma_start3A_189 = arith.constant 0 : i32
    %dma_start3A_190 = tpu.memref_slice %arg7[%dma_start3A_187, %dma_start3A_188, %dma_start3A_189] : memref<4x80x128xf32, #tpu.memory_space<vmem>> -> memref<1x80x128xf32, #tpu.memory_space<vmem>>
    %dma_start3A_191 = tpu.memref_squeeze %dma_start3A_190 : memref<1x80x128xf32, #tpu.memory_space<vmem>> -> memref<80x128xf32, #tpu.memory_space<vmem>>
    %dma_start3A_192 = arith.constant 0 : i32
    %dma_start3A_193 = tpu.memref_slice %arg8[%add3A_186, %dma_start3A_192] : memref<10240x128xf32, #tpu.memory_space<vmem_shared>> -> memref<80x128xf32, #tpu.memory_space<vmem_shared>>
    %dma_start3A_194 = arith.constant 0 : i32
    %dma_start3A_195 = tpu.memref_slice %arg8[%add3A_186, %dma_start3A_194] : memref<10240x128xf32, #tpu.memory_space<vmem_shared>> -> memref<80x128xf32, #tpu.memory_space<vmem_shared>>
    %dma_start3A_196 = arith.constant 0 : i32
    %dma_start3A_197 = arith.constant 0 : i32
    %dma_start3A_198 = tpu.memref_slice %arg7[%dma_start3A_187, %dma_start3A_196, %dma_start3A_197] : memref<4x80x128xf32, #tpu.memory_space<vmem>> -> memref<1x80x128xf32, #tpu.memory_space<vmem>>
    %dma_start3A_199 = tpu.memref_squeeze %dma_start3A_198 : memref<1x80x128xf32, #tpu.memory_space<vmem>> -> memref<80x128xf32, #tpu.memory_space<vmem>>
    tpu.enqueue_dma source(%dma_start3A_199 : memref<80x128xf32, #tpu.memory_space<vmem>>) target(%dma_start3A_195 : memref<80x128xf32, #tpu.memory_space<vmem_shared>>) target_semaphore(%arg13 : memref<!tpu.dma_semaphore, #tpu.memory_space<semaphore_mem>>)
    %mul3A_200 = arith.constant 640 : i32
    %mul3A_201 = arith.muli %arg1, %mul3A_200 : i32
    %add3A_202 = arith.constant 240 : i32
    %add3A_203 = arith.addi %mul3A_201, %add3A_202 : i32
    %dma_start3A_204 = arith.constant 3 : i32
    %dma_start3A_205 = arith.constant 0 : i32
    %dma_start3A_206 = arith.constant 0 : i32
    %dma_start3A_207 = tpu.memref_slice %arg7[%dma_start3A_204, %dma_start3A_205, %dma_start3A_206] : memref<4x80x128xf32, #tpu.memory_space<vmem>> -> memref<1x80x128xf32, #tpu.memory_space<vmem>>
    %dma_start3A_208 = tpu.memref_squeeze %dma_start3A_207 : memref<1x80x128xf32, #tpu.memory_space<vmem>> -> memref<80x128xf32, #tpu.memory_space<vmem>>
    %dma_start3A_209 = arith.constant 0 : i32
    %dma_start3A_210 = tpu.memref_slice %arg8[%add3A_203, %dma_start3A_209] : memref<10240x128xf32, #tpu.memory_space<vmem_shared>> -> memref<80x128xf32, #tpu.memory_space<vmem_shared>>
    %dma_start3A_211 = arith.constant 0 : i32
    %dma_start3A_212 = tpu.memref_slice %arg8[%add3A_203, %dma_start3A_211] : memref<10240x128xf32, #tpu.memory_space<vmem_shared>> -> memref<80x128xf32, #tpu.memory_space<vmem_shared>>
    %dma_start3A_213 = arith.constant 0 : i32
    %dma_start3A_214 = arith.constant 0 : i32
    %dma_start3A_215 = tpu.memref_slice %arg7[%dma_start3A_204, %dma_start3A_213, %dma_start3A_214] : memref<4x80x128xf32, #tpu.memory_space<vmem>> -> memref<1x80x128xf32, #tpu.memory_space<vmem>>
    %dma_start3A_216 = tpu.memref_squeeze %dma_start3A_215 : memref<1x80x128xf32, #tpu.memory_space<vmem>> -> memref<80x128xf32, #tpu.memory_space<vmem>>
    tpu.enqueue_dma source(%dma_start3A_216 : memref<80x128xf32, #tpu.memory_space<vmem>>) target(%dma_start3A_212 : memref<80x128xf32, #tpu.memory_space<vmem_shared>>) target_semaphore(%arg13 : memref<!tpu.dma_semaphore, #tpu.memory_space<semaphore_mem>>)
    %mul3A_217 = arith.constant 640 : i32
    %mul3A_218 = arith.muli %arg1, %mul3A_217 : i32
    %add3A_219 = arith.constant 320 : i32
    %add3A_220 = arith.addi %mul3A_218, %add3A_219 : i32
    %dma_start3A_221 = arith.constant 3 : i32
    %dma_start3A_222 = arith.constant 0 : i32
    %dma_start3A_223 = arith.constant 0 : i32
    %dma_start3A_224 = tpu.memref_slice %arg7[%dma_start3A_221, %dma_start3A_222, %dma_start3A_223] : memref<4x80x128xf32, #tpu.memory_space<vmem>> -> memref<1x80x128xf32, #tpu.memory_space<vmem>>
    %dma_start3A_225 = tpu.memref_squeeze %dma_start3A_224 : memref<1x80x128xf32, #tpu.memory_space<vmem>> -> memref<80x128xf32, #tpu.memory_space<vmem>>
    %dma_start3A_226 = arith.constant 0 : i32
    %dma_start3A_227 = tpu.memref_slice %arg8[%add3A_220, %dma_start3A_226] : memref<10240x128xf32, #tpu.memory_space<vmem_shared>> -> memref<80x128xf32, #tpu.memory_space<vmem_shared>>
    %dma_start3A_228 = arith.constant 0 : i32
    %dma_start3A_229 = tpu.memref_slice %arg8[%add3A_220, %dma_start3A_228] : memref<10240x128xf32, #tpu.memory_space<vmem_shared>> -> memref<80x128xf32, #tpu.memory_space<vmem_shared>>
    %dma_start3A_230 = arith.constant 0 : i32
    %dma_start3A_231 = arith.constant 0 : i32
    %dma_start3A_232 = tpu.memref_slice %arg7[%dma_start3A_221, %dma_start3A_230, %dma_start3A_231] : memref<4x80x128xf32, #tpu.memory_space<vmem>> -> memref<1x80x128xf32, #tpu.memory_space<vmem>>
    %dma_start3A_233 = tpu.memref_squeeze %dma_start3A_232 : memref<1x80x128xf32, #tpu.memory_space<vmem>> -> memref<80x128xf32, #tpu.memory_space<vmem>>
    tpu.enqueue_dma source(%dma_start3A_233 : memref<80x128xf32, #tpu.memory_space<vmem>>) target(%dma_start3A_229 : memref<80x128xf32, #tpu.memory_space<vmem_shared>>) target_semaphore(%arg13 : memref<!tpu.dma_semaphore, #tpu.memory_space<semaphore_mem>>)
    %mul3A_234 = arith.constant 640 : i32
    %mul3A_235 = arith.muli %arg1, %mul3A_234 : i32
    %add3A_236 = arith.constant 400 : i32
    %add3A_237 = arith.addi %mul3A_235, %add3A_236 : i32
    %dma_start3A_238 = arith.constant 3 : i32
    %dma_start3A_239 = arith.constant 0 : i32
    %dma_start3A_240 = arith.constant 0 : i32
    %dma_start3A_241 = tpu.memref_slice %arg7[%dma_start3A_238, %dma_start3A_239, %dma_start3A_240] : memref<4x80x128xf32, #tpu.memory_space<vmem>> -> memref<1x80x128xf32, #tpu.memory_space<vmem>>
    %dma_start3A_242 = tpu.memref_squeeze %dma_start3A_241 : memref<1x80x128xf32, #tpu.memory_space<vmem>> -> memref<80x128xf32, #tpu.memory_space<vmem>>
    %dma_start3A_243 = arith.constant 0 : i32
    %dma_start3A_244 = tpu.memref_slice %arg8[%add3A_237, %dma_start3A_243] : memref<10240x128xf32, #tpu.memory_space<vmem_shared>> -> memref<80x128xf32, #tpu.memory_space<vmem_shared>>
    %dma_start3A_245 = arith.constant 0 : i32
    %dma_start3A_246 = tpu.memref_slice %arg8[%add3A_237, %dma_start3A_245] : memref<10240x128xf32, #tpu.memory_space<vmem_shared>> -> memref<80x128xf32, #tpu.memory_space<vmem_shared>>
    %dma_start3A_247 = arith.constant 0 : i32
    %dma_start3A_248 = arith.constant 0 : i32
    %dma_start3A_249 = tpu.memref_slice %arg7[%dma_start3A_238, %dma_start3A_247, %dma_start3A_248] : memref<4x80x128xf32, #tpu.memory_space<vmem>> -> memref<1x80x128xf32, #tpu.memory_space<vmem>>
    %dma_start3A_250 = tpu.memref_squeeze %dma_start3A_249 : memref<1x80x128xf32, #tpu.memory_space<vmem>> -> memref<80x128xf32, #tpu.memory_space<vmem>>
    tpu.enqueue_dma source(%dma_start3A_250 : memref<80x128xf32, #tpu.memory_space<vmem>>) target(%dma_start3A_246 : memref<80x128xf32, #tpu.memory_space<vmem_shared>>) target_semaphore(%arg13 : memref<!tpu.dma_semaphore, #tpu.memory_space<semaphore_mem>>)
    %mul3A_251 = arith.constant 640 : i32
    %mul3A_252 = arith.muli %arg1, %mul3A_251 : i32
    %add3A_253 = arith.constant 480 : i32
    %add3A_254 = arith.addi %mul3A_252, %add3A_253 : i32
    %dma_start3A_255 = arith.constant 3 : i32
    %dma_start3A_256 = arith.constant 0 : i32
    %dma_start3A_257 = arith.constant 0 : i32
    %dma_start3A_258 = tpu.memref_slice %arg7[%dma_start3A_255, %dma_start3A_256, %dma_start3A_257] : memref<4x80x128xf32, #tpu.memory_space<vmem>> -> memref<1x80x128xf32, #tpu.memory_space<vmem>>
    %dma_start3A_259 = tpu.memref_squeeze %dma_start3A_258 : memref<1x80x128xf32, #tpu.memory_space<vmem>> -> memref<80x128xf32, #tpu.memory_space<vmem>>
    %dma_start3A_260 = arith.constant 0 : i32
    %dma_start3A_261 = tpu.memref_slice %arg8[%add3A_254, %dma_start3A_260] : memref<10240x128xf32, #tpu.memory_space<vmem_shared>> -> memref<80x128xf32, #tpu.memory_space<vmem_shared>>
    %dma_start3A_262 = arith.constant 0 : i32
    %dma_start3A_263 = tpu.memref_slice %arg8[%add3A_254, %dma_start3A_262] : memref<10240x128xf32, #tpu.memory_space<vmem_shared>> -> memref<80x128xf32, #tpu.memory_space<vmem_shared>>
    %dma_start3A_264 = arith.constant 0 : i32
    %dma_start3A_265 = arith.constant 0 : i32
    %dma_start3A_266 = tpu.memref_slice %arg7[%dma_start3A_255, %dma_start3A_264, %dma_start3A_265] : memref<4x80x128xf32, #tpu.memory_space<vmem>> -> memref<1x80x128xf32, #tpu.memory_space<vmem>>
    %dma_start3A_267 = tpu.memref_squeeze %dma_start3A_266 : memref<1x80x128xf32, #tpu.memory_space<vmem>> -> memref<80x128xf32, #tpu.memory_space<vmem>>
    tpu.enqueue_dma source(%dma_start3A_267 : memref<80x128xf32, #tpu.memory_space<vmem>>) target(%dma_start3A_263 : memref<80x128xf32, #tpu.memory_space<vmem_shared>>) target_semaphore(%arg13 : memref<!tpu.dma_semaphore, #tpu.memory_space<semaphore_mem>>)
    %mul3A_268 = arith.constant 640 : i32
    %mul3A_269 = arith.muli %arg1, %mul3A_268 : i32
    %add3A_270 = arith.constant 560 : i32
    %add3A_271 = arith.addi %mul3A_269, %add3A_270 : i32
    %dma_start3A_272 = arith.constant 3 : i32
    %dma_start3A_273 = arith.constant 0 : i32
    %dma_start3A_274 = arith.constant 0 : i32
    %dma_start3A_275 = tpu.memref_slice %arg7[%dma_start3A_272, %dma_start3A_273, %dma_start3A_274] : memref<4x80x128xf32, #tpu.memory_space<vmem>> -> memref<1x80x128xf32, #tpu.memory_space<vmem>>
    %dma_start3A_276 = tpu.memref_squeeze %dma_start3A_275 : memref<1x80x128xf32, #tpu.memory_space<vmem>> -> memref<80x128xf32, #tpu.memory_space<vmem>>
    %dma_start3A_277 = arith.constant 0 : i32
    %dma_start3A_278 = tpu.memref_slice %arg8[%add3A_271, %dma_start3A_277] : memref<10240x128xf32, #tpu.memory_space<vmem_shared>> -> memref<80x128xf32, #tpu.memory_space<vmem_shared>>
    %dma_start3A_279 = arith.constant 0 : i32
    %dma_start3A_280 = tpu.memref_slice %arg8[%add3A_271, %dma_start3A_279] : memref<10240x128xf32, #tpu.memory_space<vmem_shared>> -> memref<80x128xf32, #tpu.memory_space<vmem_shared>>
    %dma_start3A_281 = arith.constant 0 : i32
    %dma_start3A_282 = arith.constant 0 : i32
    %dma_start3A_283 = tpu.memref_slice %arg7[%dma_start3A_272, %dma_start3A_281, %dma_start3A_282] : memref<4x80x128xf32, #tpu.memory_space<vmem>> -> memref<1x80x128xf32, #tpu.memory_space<vmem>>
    %dma_start3A_284 = tpu.memref_squeeze %dma_start3A_283 : memref<1x80x128xf32, #tpu.memory_space<vmem>> -> memref<80x128xf32, #tpu.memory_space<vmem>>
    tpu.enqueue_dma source(%dma_start3A_284 : memref<80x128xf32, #tpu.memory_space<vmem>>) target(%dma_start3A_280 : memref<80x128xf32, #tpu.memory_space<vmem_shared>>) target_semaphore(%arg13 : memref<!tpu.dma_semaphore, #tpu.memory_space<semaphore_mem>>)
    %dma_wait3A = arith.constant 0 : i32
    %dma_wait3A_285 = arith.constant 0 : i32
    %dma_wait3A_286 = arith.constant 0 : i32
    %dma_wait3A_287 = arith.constant 0 : i32
    %dma_wait3A_288 = tpu.memref_slice %arg6[%dma_wait3A_285, %dma_wait3A_286, %dma_wait3A_287] : memref<4x2x80xi32, #tpu.memory_space<vmem>> -> memref<1x1x80xi32, #tpu.memory_space<vmem>>
    %dma_wait3A_289 = tpu.memref_squeeze %dma_wait3A_288 : memref<1x1x80xi32, #tpu.memory_space<vmem>> -> memref<1x80xi32, #tpu.memory_space<vmem>>
    %dma_wait3A_290 = arith.constant 0 : i32
    %dma_wait3A_291 = arith.constant 0 : i32
    %dma_wait3A_292 = tpu.memref_slice %arg3[%add3A, %dma_wait3A, %dma_wait3A_290, %dma_wait3A_291] : memref<32x125x1x80xi32, #tpu.memory_space<hbm>> -> memref<1x1x1x80xi32, #tpu.memory_space<hbm>>
    %dma_wait3A_293 = tpu.memref_squeeze %dma_wait3A_292 : memref<1x1x1x80xi32, #tpu.memory_space<hbm>> -> memref<1x80xi32, #tpu.memory_space<hbm>>
    %dma_wait3A_294 = arith.constant 0 : i32
    %dma_wait3A_295 = arith.constant 0 : i32
    %dma_wait3A_296 = tpu.memref_slice %arg6[%dma_wait3A_285, %dma_wait3A_294, %dma_wait3A_295] : memref<4x2x80xi32, #tpu.memory_space<vmem>> -> memref<1x1x80xi32, #tpu.memory_space<vmem>>
    %dma_wait3A_297 = tpu.memref_squeeze %dma_wait3A_296 : memref<1x1x80xi32, #tpu.memory_space<vmem>> -> memref<1x80xi32, #tpu.memory_space<vmem>>
    %dma_wait3A_298 = arith.constant 0 : i32
    %dma_wait3A_299 = arith.constant 0 : i32
    %dma_wait3A_300 = tpu.memref_slice %arg3[%add3A, %dma_wait3A, %dma_wait3A_298, %dma_wait3A_299] : memref<32x125x1x80xi32, #tpu.memory_space<hbm>> -> memref<1x1x1x80xi32, #tpu.memory_space<hbm>>
    %dma_wait3A_301 = tpu.memref_squeeze %dma_wait3A_300 : memref<1x1x1x80xi32, #tpu.memory_space<hbm>> -> memref<1x80xi32, #tpu.memory_space<hbm>>
    tpu.wait_dma2 semaphore(%arg9 : memref<!tpu.dma_semaphore, #tpu.memory_space<semaphore_mem>>) src(%dma_wait3A_301 : memref<1x80xi32, #tpu.memory_space<hbm>>) dst(%dma_wait3A_297 : memref<1x80xi32, #tpu.memory_space<vmem>>)
    %dma_start3A_302 = arith.constant 0 : i32
    %dma_start3A_303 = arith.constant 0 : i32
    %dma_start3A_304 = arith.constant 0 : i32
    %dma_start3A_305 = arith.constant 0 : i32
    %dma_start3A_306 = arith.constant 0 : i32
    %dma_start3A_307 = tpu.memref_slice %arg7[%dma_start3A_304, %dma_start3A_305, %dma_start3A_306] : memref<4x80x128xf32, #tpu.memory_space<vmem>> -> memref<1x80x128xf32, #tpu.memory_space<vmem>>
    %dma_start3A_308 = tpu.memref_squeeze %dma_start3A_307 : memref<1x80x128xf32, #tpu.memory_space<vmem>> -> memref<80x128xf32, #tpu.memory_space<vmem>>
    %dma_start3A_309 = arith.constant 0 : i32
    %dma_start3A_310 = tpu.memref_slice %arg6[%dma_start3A_302, %dma_start3A_303, %dma_start3A_309] : memref<4x2x80xi32, #tpu.memory_space<vmem>> -> memref<1x1x80xi32, #tpu.memory_space<vmem>>
    %dma_start3A_311 = tpu.memref_squeeze %dma_start3A_310 : memref<1x1x80xi32, #tpu.memory_space<vmem>> -> memref<80xi32, #tpu.memory_space<vmem>>
    %dma_start3A_312 = arith.constant 0 : i32
    %dma_start3A_313 = arith.constant 0 : i32
    %dma_start3A_314 = tpu.memref_slice %arg2[%dma_start3A_312, %dma_start3A_313] : memref<10000x128xf32, #tpu.memory_space<hbm>> -> memref<10000x128xf32, #tpu.memory_space<hbm>>
    tpu.enqueue_indirect_dma source(%dma_start3A_314 : memref<10000x128xf32, #tpu.memory_space<hbm>>) target(%dma_start3A_308 : memref<80x128xf32, #tpu.memory_space<vmem>>) offsets(%dma_start3A_311 : memref<80xi32, #tpu.memory_space<vmem>>) semaphore(%arg9 : memref<!tpu.dma_semaphore, #tpu.memory_space<semaphore_mem>>)
    %dma_wait3A_315 = arith.constant 0 : i32
    %dma_wait3A_316 = arith.constant 1 : i32
    %dma_wait3A_317 = arith.constant 0 : i32
    %dma_wait3A_318 = arith.constant 0 : i32
    %dma_wait3A_319 = tpu.memref_slice %arg6[%dma_wait3A_316, %dma_wait3A_317, %dma_wait3A_318] : memref<4x2x80xi32, #tpu.memory_space<vmem>> -> memref<1x1x80xi32, #tpu.memory_space<vmem>>
    %dma_wait3A_320 = tpu.memref_squeeze %dma_wait3A_319 : memref<1x1x80xi32, #tpu.memory_space<vmem>> -> memref<1x80xi32, #tpu.memory_space<vmem>>
    %dma_wait3A_321 = arith.constant 0 : i32
    %dma_wait3A_322 = arith.constant 0 : i32
    %dma_wait3A_323 = tpu.memref_slice %arg3[%add3A, %dma_wait3A_315, %dma_wait3A_321, %dma_wait3A_322] : memref<32x125x1x80xi32, #tpu.memory_space<hbm>> -> memref<1x1x1x80xi32, #tpu.memory_space<hbm>>
    %dma_wait3A_324 = tpu.memref_squeeze %dma_wait3A_323 : memref<1x1x1x80xi32, #tpu.memory_space<hbm>> -> memref<1x80xi32, #tpu.memory_space<hbm>>
    %dma_wait3A_325 = arith.constant 0 : i32
    %dma_wait3A_326 = arith.constant 0 : i32
    %dma_wait3A_327 = tpu.memref_slice %arg6[%dma_wait3A_316, %dma_wait3A_325, %dma_wait3A_326] : memref<4x2x80xi32, #tpu.memory_space<vmem>> -> memref<1x1x80xi32, #tpu.memory_space<vmem>>
    %dma_wait3A_328 = tpu.memref_squeeze %dma_wait3A_327 : memref<1x1x80xi32, #tpu.memory_space<vmem>> -> memref<1x80xi32, #tpu.memory_space<vmem>>
    %dma_wait3A_329 = arith.constant 0 : i32
    %dma_wait3A_330 = arith.constant 0 : i32
    %dma_wait3A_331 = tpu.memref_slice %arg3[%add3A, %dma_wait3A_315, %dma_wait3A_329, %dma_wait3A_330] : memref<32x125x1x80xi32, #tpu.memory_space<hbm>> -> memref<1x1x1x80xi32, #tpu.memory_space<hbm>>
    %dma_wait3A_332 = tpu.memref_squeeze %dma_wait3A_331 : memref<1x1x1x80xi32, #tpu.memory_space<hbm>> -> memref<1x80xi32, #tpu.memory_space<hbm>>
    tpu.wait_dma2 semaphore(%arg10 : memref<!tpu.dma_semaphore, #tpu.memory_space<semaphore_mem>>) src(%dma_wait3A_332 : memref<1x80xi32, #tpu.memory_space<hbm>>) dst(%dma_wait3A_328 : memref<1x80xi32, #tpu.memory_space<vmem>>)
    %dma_start3A_333 = arith.constant 1 : i32
    %dma_start3A_334 = arith.constant 0 : i32
    %dma_start3A_335 = arith.constant 1 : i32
    %dma_start3A_336 = arith.constant 0 : i32
    %dma_start3A_337 = arith.constant 0 : i32
    %dma_start3A_338 = tpu.memref_slice %arg7[%dma_start3A_335, %dma_start3A_336, %dma_start3A_337] : memref<4x80x128xf32, #tpu.memory_space<vmem>> -> memref<1x80x128xf32, #tpu.memory_space<vmem>>
    %dma_start3A_339 = tpu.memref_squeeze %dma_start3A_338 : memref<1x80x128xf32, #tpu.memory_space<vmem>> -> memref<80x128xf32, #tpu.memory_space<vmem>>
    %dma_start3A_340 = arith.constant 0 : i32
    %dma_start3A_341 = tpu.memref_slice %arg6[%dma_start3A_333, %dma_start3A_334, %dma_start3A_340] : memref<4x2x80xi32, #tpu.memory_space<vmem>> -> memref<1x1x80xi32, #tpu.memory_space<vmem>>
    %dma_start3A_342 = tpu.memref_squeeze %dma_start3A_341 : memref<1x1x80xi32, #tpu.memory_space<vmem>> -> memref<80xi32, #tpu.memory_space<vmem>>
    %dma_start3A_343 = arith.constant 0 : i32
    %dma_start3A_344 = arith.constant 0 : i32
    %dma_start3A_345 = tpu.memref_slice %arg2[%dma_start3A_343, %dma_start3A_344] : memref<10000x128xf32, #tpu.memory_space<hbm>> -> memref<10000x128xf32, #tpu.memory_space<hbm>>
    tpu.enqueue_indirect_dma source(%dma_start3A_345 : memref<10000x128xf32, #tpu.memory_space<hbm>>) target(%dma_start3A_339 : memref<80x128xf32, #tpu.memory_space<vmem>>) offsets(%dma_start3A_342 : memref<80xi32, #tpu.memory_space<vmem>>) semaphore(%arg10 : memref<!tpu.dma_semaphore, #tpu.memory_space<semaphore_mem>>)
    %dma_wait3A_346 = arith.constant 0 : i32
    %dma_wait3A_347 = arith.constant 2 : i32
    %dma_wait3A_348 = arith.constant 0 : i32
    %dma_wait3A_349 = arith.constant 0 : i32
    %dma_wait3A_350 = tpu.memref_slice %arg6[%dma_wait3A_347, %dma_wait3A_348, %dma_wait3A_349] : memref<4x2x80xi32, #tpu.memory_space<vmem>> -> memref<1x1x80xi32, #tpu.memory_space<vmem>>
    %dma_wait3A_351 = tpu.memref_squeeze %dma_wait3A_350 : memref<1x1x80xi32, #tpu.memory_space<vmem>> -> memref<1x80xi32, #tpu.memory_space<vmem>>
    %dma_wait3A_352 = arith.constant 0 : i32
    %dma_wait3A_353 = arith.constant 0 : i32
    %dma_wait3A_354 = tpu.memref_slice %arg3[%add3A, %dma_wait3A_346, %dma_wait3A_352, %dma_wait3A_353] : memref<32x125x1x80xi32, #tpu.memory_space<hbm>> -> memref<1x1x1x80xi32, #tpu.memory_space<hbm>>
    %dma_wait3A_355 = tpu.memref_squeeze %dma_wait3A_354 : memref<1x1x1x80xi32, #tpu.memory_space<hbm>> -> memref<1x80xi32, #tpu.memory_space<hbm>>
    %dma_wait3A_356 = arith.constant 0 : i32
    %dma_wait3A_357 = arith.constant 0 : i32
    %dma_wait3A_358 = tpu.memref_slice %arg6[%dma_wait3A_347, %dma_wait3A_356, %dma_wait3A_357] : memref<4x2x80xi32, #tpu.memory_space<vmem>> -> memref<1x1x80xi32, #tpu.memory_space<vmem>>
    %dma_wait3A_359 = tpu.memref_squeeze %dma_wait3A_358 : memref<1x1x80xi32, #tpu.memory_space<vmem>> -> memref<1x80xi32, #tpu.memory_space<vmem>>
    %dma_wait3A_360 = arith.constant 0 : i32
    %dma_wait3A_361 = arith.constant 0 : i32
    %dma_wait3A_362 = tpu.memref_slice %arg3[%add3A, %dma_wait3A_346, %dma_wait3A_360, %dma_wait3A_361] : memref<32x125x1x80xi32, #tpu.memory_space<hbm>> -> memref<1x1x1x80xi32, #tpu.memory_space<hbm>>
    %dma_wait3A_363 = tpu.memref_squeeze %dma_wait3A_362 : memref<1x1x1x80xi32, #tpu.memory_space<hbm>> -> memref<1x80xi32, #tpu.memory_space<hbm>>
    tpu.wait_dma2 semaphore(%arg11 : memref<!tpu.dma_semaphore, #tpu.memory_space<semaphore_mem>>) src(%dma_wait3A_363 : memref<1x80xi32, #tpu.memory_space<hbm>>) dst(%dma_wait3A_359 : memref<1x80xi32, #tpu.memory_space<vmem>>)
    %dma_start3A_364 = arith.constant 2 : i32
    %dma_start3A_365 = arith.constant 0 : i32
    %dma_start3A_366 = arith.constant 2 : i32
    %dma_start3A_367 = arith.constant 0 : i32
    %dma_start3A_368 = arith.constant 0 : i32
    %dma_start3A_369 = tpu.memref_slice %arg7[%dma_start3A_366, %dma_start3A_367, %dma_start3A_368] : memref<4x80x128xf32, #tpu.memory_space<vmem>> -> memref<1x80x128xf32, #tpu.memory_space<vmem>>
    %dma_start3A_370 = tpu.memref_squeeze %dma_start3A_369 : memref<1x80x128xf32, #tpu.memory_space<vmem>> -> memref<80x128xf32, #tpu.memory_space<vmem>>
    %dma_start3A_371 = arith.constant 0 : i32
    %dma_start3A_372 = tpu.memref_slice %arg6[%dma_start3A_364, %dma_start3A_365, %dma_start3A_371] : memref<4x2x80xi32, #tpu.memory_space<vmem>> -> memref<1x1x80xi32, #tpu.memory_space<vmem>>
    %dma_start3A_373 = tpu.memref_squeeze %dma_start3A_372 : memref<1x1x80xi32, #tpu.memory_space<vmem>> -> memref<80xi32, #tpu.memory_space<vmem>>
    %dma_start3A_374 = arith.constant 0 : i32
    %dma_start3A_375 = arith.constant 0 : i32
    %dma_start3A_376 = tpu.memref_slice %arg2[%dma_start3A_374, %dma_start3A_375] : memref<10000x128xf32, #tpu.memory_space<hbm>> -> memref<10000x128xf32, #tpu.memory_space<hbm>>
    tpu.enqueue_indirect_dma source(%dma_start3A_376 : memref<10000x128xf32, #tpu.memory_space<hbm>>) target(%dma_start3A_370 : memref<80x128xf32, #tpu.memory_space<vmem>>) offsets(%dma_start3A_373 : memref<80xi32, #tpu.memory_space<vmem>>) semaphore(%arg11 : memref<!tpu.dma_semaphore, #tpu.memory_space<semaphore_mem>>)
    %dma_wait3A_377 = arith.constant 3 : i32
    %dma_wait3A_378 = arith.constant 0 : i32
    %dma_wait3A_379 = arith.constant 0 : i32
    %dma_wait3A_380 = tpu.memref_slice %arg7[%dma_wait3A_377, %dma_wait3A_378, %dma_wait3A_379] : memref<4x80x128xf32, #tpu.memory_space<vmem>> -> memref<1x80x128xf32, #tpu.memory_space<vmem>>
    %dma_wait3A_381 = tpu.memref_squeeze %dma_wait3A_380 : memref<1x80x128xf32, #tpu.memory_space<vmem>> -> memref<80x128xf32, #tpu.memory_space<vmem>>
    %dma_wait3A_382 = arith.constant 0 : i32
    %dma_wait3A_383 = arith.constant 0 : i32
    %dma_wait3A_384 = tpu.memref_slice %arg8[%dma_wait3A_382, %dma_wait3A_383] : memref<10240x128xf32, #tpu.memory_space<vmem_shared>> -> memref<80x128xf32, #tpu.memory_space<vmem_shared>>
    %dma_wait3A_385 = arith.constant 0 : i32
    %dma_wait3A_386 = arith.constant 0 : i32
    %dma_wait3A_387 = tpu.memref_slice %arg8[%dma_wait3A_385, %dma_wait3A_386] : memref<10240x128xf32, #tpu.memory_space<vmem_shared>> -> memref<80x128xf32, #tpu.memory_space<vmem_shared>>
    %dma_wait3A_388 = arith.constant 0 : i32
    %dma_wait3A_389 = arith.constant 0 : i32
    %dma_wait3A_390 = tpu.memref_slice %arg7[%dma_wait3A_377, %dma_wait3A_388, %dma_wait3A_389] : memref<4x80x128xf32, #tpu.memory_space<vmem>> -> memref<1x80x128xf32, #tpu.memory_space<vmem>>
    %dma_wait3A_391 = tpu.memref_squeeze %dma_wait3A_390 : memref<1x80x128xf32, #tpu.memory_space<vmem>> -> memref<80x128xf32, #tpu.memory_space<vmem>>
    tpu.wait_dma2 semaphore(%arg13 : memref<!tpu.dma_semaphore, #tpu.memory_space<semaphore_mem>>) src(%dma_wait3A_391 : memref<80x128xf32, #tpu.memory_space<vmem>>) dst(%dma_wait3A_387 : memref<80x128xf32, #tpu.memory_space<vmem_shared>>)
    %dma_wait3A_392 = arith.constant 3 : i32
    %dma_wait3A_393 = arith.constant 0 : i32
    %dma_wait3A_394 = arith.constant 0 : i32
    %dma_wait3A_395 = tpu.memref_slice %arg7[%dma_wait3A_392, %dma_wait3A_393, %dma_wait3A_394] : memref<4x80x128xf32, #tpu.memory_space<vmem>> -> memref<1x80x128xf32, #tpu.memory_space<vmem>>
    %dma_wait3A_396 = tpu.memref_squeeze %dma_wait3A_395 : memref<1x80x128xf32, #tpu.memory_space<vmem>> -> memref<80x128xf32, #tpu.memory_space<vmem>>
    %dma_wait3A_397 = arith.constant 0 : i32
    %dma_wait3A_398 = arith.constant 0 : i32
    %dma_wait3A_399 = tpu.memref_slice %arg8[%dma_wait3A_397, %dma_wait3A_398] : memref<10240x128xf32, #tpu.memory_space<vmem_shared>> -> memref<80x128xf32, #tpu.memory_space<vmem_shared>>
    %dma_wait3A_400 = arith.constant 0 : i32
    %dma_wait3A_401 = arith.constant 0 : i32
    %dma_wait3A_402 = tpu.memref_slice %arg8[%dma_wait3A_400, %dma_wait3A_401] : memref<10240x128xf32, #tpu.memory_space<vmem_shared>> -> memref<80x128xf32, #tpu.memory_space<vmem_shared>>
    %dma_wait3A_403 = arith.constant 0 : i32
    %dma_wait3A_404 = arith.constant 0 : i32
    %dma_wait3A_405 = tpu.memref_slice %arg7[%dma_wait3A_392, %dma_wait3A_403, %dma_wait3A_404] : memref<4x80x128xf32, #tpu.memory_space<vmem>> -> memref<1x80x128xf32, #tpu.memory_space<vmem>>
    %dma_wait3A_406 = tpu.memref_squeeze %dma_wait3A_405 : memref<1x80x128xf32, #tpu.memory_space<vmem>> -> memref<80x128xf32, #tpu.memory_space<vmem>>
    tpu.wait_dma2 semaphore(%arg13 : memref<!tpu.dma_semaphore, #tpu.memory_space<semaphore_mem>>) src(%dma_wait3A_406 : memref<80x128xf32, #tpu.memory_space<vmem>>) dst(%dma_wait3A_402 : memref<80x128xf32, #tpu.memory_space<vmem_shared>>)
    %dma_wait3A_407 = arith.constant 3 : i32
    %dma_wait3A_408 = arith.constant 0 : i32
    %dma_wait3A_409 = arith.constant 0 : i32
    %dma_wait3A_410 = tpu.memref_slice %arg7[%dma_wait3A_407, %dma_wait3A_408, %dma_wait3A_409] : memref<4x80x128xf32, #tpu.memory_space<vmem>> -> memref<1x80x128xf32, #tpu.memory_space<vmem>>
    %dma_wait3A_411 = tpu.memref_squeeze %dma_wait3A_410 : memref<1x80x128xf32, #tpu.memory_space<vmem>> -> memref<80x128xf32, #tpu.memory_space<vmem>>
    %dma_wait3A_412 = arith.constant 0 : i32
    %dma_wait3A_413 = arith.constant 0 : i32
    %dma_wait3A_414 = tpu.memref_slice %arg8[%dma_wait3A_412, %dma_wait3A_413] : memref<10240x128xf32, #tpu.memory_space<vmem_shared>> -> memref<80x128xf32, #tpu.memory_space<vmem_shared>>
    %dma_wait3A_415 = arith.constant 0 : i32
    %dma_wait3A_416 = arith.constant 0 : i32
    %dma_wait3A_417 = tpu.memref_slice %arg8[%dma_wait3A_415, %dma_wait3A_416] : memref<10240x128xf32, #tpu.memory_space<vmem_shared>> -> memref<80x128xf32, #tpu.memory_space<vmem_shared>>
    %dma_wait3A_418 = arith.constant 0 : i32
    %dma_wait3A_419 = arith.constant 0 : i32
    %dma_wait3A_420 = tpu.memref_slice %arg7[%dma_wait3A_407, %dma_wait3A_418, %dma_wait3A_419] : memref<4x80x128xf32, #tpu.memory_space<vmem>> -> memref<1x80x128xf32, #tpu.memory_space<vmem>>
    %dma_wait3A_421 = tpu.memref_squeeze %dma_wait3A_420 : memref<1x80x128xf32, #tpu.memory_space<vmem>> -> memref<80x128xf32, #tpu.memory_space<vmem>>
    tpu.wait_dma2 semaphore(%arg13 : memref<!tpu.dma_semaphore, #tpu.memory_space<semaphore_mem>>) src(%dma_wait3A_421 : memref<80x128xf32, #tpu.memory_space<vmem>>) dst(%dma_wait3A_417 : memref<80x128xf32, #tpu.memory_space<vmem_shared>>)
    %dma_wait3A_422 = arith.constant 3 : i32
    %dma_wait3A_423 = arith.constant 0 : i32
    %dma_wait3A_424 = arith.constant 0 : i32
    %dma_wait3A_425 = tpu.memref_slice %arg7[%dma_wait3A_422, %dma_wait3A_423, %dma_wait3A_424] : memref<4x80x128xf32, #tpu.memory_space<vmem>> -> memref<1x80x128xf32, #tpu.memory_space<vmem>>
    %dma_wait3A_426 = tpu.memref_squeeze %dma_wait3A_425 : memref<1x80x128xf32, #tpu.memory_space<vmem>> -> memref<80x128xf32, #tpu.memory_space<vmem>>
    %dma_wait3A_427 = arith.constant 0 : i32
    %dma_wait3A_428 = arith.constant 0 : i32
    %dma_wait3A_429 = tpu.memref_slice %arg8[%dma_wait3A_427, %dma_wait3A_428] : memref<10240x128xf32, #tpu.memory_space<vmem_shared>> -> memref<80x128xf32, #tpu.memory_space<vmem_shared>>
    %dma_wait3A_430 = arith.constant 0 : i32
    %dma_wait3A_431 = arith.constant 0 : i32
    %dma_wait3A_432 = tpu.memref_slice %arg8[%dma_wait3A_430, %dma_wait3A_431] : memref<10240x128xf32, #tpu.memory_space<vmem_shared>> -> memref<80x128xf32, #tpu.memory_space<vmem_shared>>
    %dma_wait3A_433 = arith.constant 0 : i32
    %dma_wait3A_434 = arith.constant 0 : i32
    %dma_wait3A_435 = tpu.memref_slice %arg7[%dma_wait3A_422, %dma_wait3A_433, %dma_wait3A_434] : memref<4x80x128xf32, #tpu.memory_space<vmem>> -> memref<1x80x128xf32, #tpu.memory_space<vmem>>
    %dma_wait3A_436 = tpu.memref_squeeze %dma_wait3A_435 : memref<1x80x128xf32, #tpu.memory_space<vmem>> -> memref<80x128xf32, #tpu.memory_space<vmem>>
    tpu.wait_dma2 semaphore(%arg13 : memref<!tpu.dma_semaphore, #tpu.memory_space<semaphore_mem>>) src(%dma_wait3A_436 : memref<80x128xf32, #tpu.memory_space<vmem>>) dst(%dma_wait3A_432 : memref<80x128xf32, #tpu.memory_space<vmem_shared>>)
    %dma_wait3A_437 = arith.constant 3 : i32
    %dma_wait3A_438 = arith.constant 0 : i32
    %dma_wait3A_439 = arith.constant 0 : i32
    %dma_wait3A_440 = tpu.memref_slice %arg7[%dma_wait3A_437, %dma_wait3A_438, %dma_wait3A_439] : memref<4x80x128xf32, #tpu.memory_space<vmem>> -> memref<1x80x128xf32, #tpu.memory_space<vmem>>
    %dma_wait3A_441 = tpu.memref_squeeze %dma_wait3A_440 : memref<1x80x128xf32, #tpu.memory_space<vmem>> -> memref<80x128xf32, #tpu.memory_space<vmem>>
    %dma_wait3A_442 = arith.constant 0 : i32
    %dma_wait3A_443 = arith.constant 0 : i32
    %dma_wait3A_444 = tpu.memref_slice %arg8[%dma_wait3A_442, %dma_wait3A_443] : memref<10240x128xf32, #tpu.memory_space<vmem_shared>> -> memref<80x128xf32, #tpu.memory_space<vmem_shared>>
    %dma_wait3A_445 = arith.constant 0 : i32
    %dma_wait3A_446 = arith.constant 0 : i32
    %dma_wait3A_447 = tpu.memref_slice %arg8[%dma_wait3A_445, %dma_wait3A_446] : memref<10240x128xf32, #tpu.memory_space<vmem_shared>> -> memref<80x128xf32, #tpu.memory_space<vmem_shared>>
    %dma_wait3A_448 = arith.constant 0 : i32
    %dma_wait3A_449 = arith.constant 0 : i32
    %dma_wait3A_450 = tpu.memref_slice %arg7[%dma_wait3A_437, %dma_wait3A_448, %dma_wait3A_449] : memref<4x80x128xf32, #tpu.memory_space<vmem>> -> memref<1x80x128xf32, #tpu.memory_space<vmem>>
    %dma_wait3A_451 = tpu.memref_squeeze %dma_wait3A_450 : memref<1x80x128xf32, #tpu.memory_space<vmem>> -> memref<80x128xf32, #tpu.memory_space<vmem>>
    tpu.wait_dma2 semaphore(%arg13 : memref<!tpu.dma_semaphore, #tpu.memory_space<semaphore_mem>>) src(%dma_wait3A_451 : memref<80x128xf32, #tpu.memory_space<vmem>>) dst(%dma_wait3A_447 : memref<80x128xf32, #tpu.memory_space<vmem_shared>>)
    %dma_wait3A_452 = arith.constant 3 : i32
    %dma_wait3A_453 = arith.constant 0 : i32
    %dma_wait3A_454 = arith.constant 0 : i32
    %dma_wait3A_455 = tpu.memref_slice %arg7[%dma_wait3A_452, %dma_wait3A_453, %dma_wait3A_454] : memref<4x80x128xf32, #tpu.memory_space<vmem>> -> memref<1x80x128xf32, #tpu.memory_space<vmem>>
    %dma_wait3A_456 = tpu.memref_squeeze %dma_wait3A_455 : memref<1x80x128xf32, #tpu.memory_space<vmem>> -> memref<80x128xf32, #tpu.memory_space<vmem>>
    %dma_wait3A_457 = arith.constant 0 : i32
    %dma_wait3A_458 = arith.constant 0 : i32
    %dma_wait3A_459 = tpu.memref_slice %arg8[%dma_wait3A_457, %dma_wait3A_458] : memref<10240x128xf32, #tpu.memory_space<vmem_shared>> -> memref<80x128xf32, #tpu.memory_space<vmem_shared>>
    %dma_wait3A_460 = arith.constant 0 : i32
    %dma_wait3A_461 = arith.constant 0 : i32
    %dma_wait3A_462 = tpu.memref_slice %arg8[%dma_wait3A_460, %dma_wait3A_461] : memref<10240x128xf32, #tpu.memory_space<vmem_shared>> -> memref<80x128xf32, #tpu.memory_space<vmem_shared>>
    %dma_wait3A_463 = arith.constant 0 : i32
    %dma_wait3A_464 = arith.constant 0 : i32
    %dma_wait3A_465 = tpu.memref_slice %arg7[%dma_wait3A_452, %dma_wait3A_463, %dma_wait3A_464] : memref<4x80x128xf32, #tpu.memory_space<vmem>> -> memref<1x80x128xf32, #tpu.memory_space<vmem>>
    %dma_wait3A_466 = tpu.memref_squeeze %dma_wait3A_465 : memref<1x80x128xf32, #tpu.memory_space<vmem>> -> memref<80x128xf32, #tpu.memory_space<vmem>>
    tpu.wait_dma2 semaphore(%arg13 : memref<!tpu.dma_semaphore, #tpu.memory_space<semaphore_mem>>) src(%dma_wait3A_466 : memref<80x128xf32, #tpu.memory_space<vmem>>) dst(%dma_wait3A_462 : memref<80x128xf32, #tpu.memory_space<vmem_shared>>)
    %dma_wait3A_467 = arith.constant 3 : i32
    %dma_wait3A_468 = arith.constant 0 : i32
    %dma_wait3A_469 = arith.constant 0 : i32
    %dma_wait3A_470 = tpu.memref_slice %arg7[%dma_wait3A_467, %dma_wait3A_468, %dma_wait3A_469] : memref<4x80x128xf32, #tpu.memory_space<vmem>> -> memref<1x80x128xf32, #tpu.memory_space<vmem>>
    %dma_wait3A_471 = tpu.memref_squeeze %dma_wait3A_470 : memref<1x80x128xf32, #tpu.memory_space<vmem>> -> memref<80x128xf32, #tpu.memory_space<vmem>>
    %dma_wait3A_472 = arith.constant 0 : i32
    %dma_wait3A_473 = arith.constant 0 : i32
    %dma_wait3A_474 = tpu.memref_slice %arg8[%dma_wait3A_472, %dma_wait3A_473] : memref<10240x128xf32, #tpu.memory_space<vmem_shared>> -> memref<80x128xf32, #tpu.memory_space<vmem_shared>>
    %dma_wait3A_475 = arith.constant 0 : i32
    %dma_wait3A_476 = arith.constant 0 : i32
    %dma_wait3A_477 = tpu.memref_slice %arg8[%dma_wait3A_475, %dma_wait3A_476] : memref<10240x128xf32, #tpu.memory_space<vmem_shared>> -> memref<80x128xf32, #tpu.memory_space<vmem_shared>>
    %dma_wait3A_478 = arith.constant 0 : i32
    %dma_wait3A_479 = arith.constant 0 : i32
    %dma_wait3A_480 = tpu.memref_slice %arg7[%dma_wait3A_467, %dma_wait3A_478, %dma_wait3A_479] : memref<4x80x128xf32, #tpu.memory_space<vmem>> -> memref<1x80x128xf32, #tpu.memory_space<vmem>>
    %dma_wait3A_481 = tpu.memref_squeeze %dma_wait3A_480 : memref<1x80x128xf32, #tpu.memory_space<vmem>> -> memref<80x128xf32, #tpu.memory_space<vmem>>
    tpu.wait_dma2 semaphore(%arg13 : memref<!tpu.dma_semaphore, #tpu.memory_space<semaphore_mem>>) src(%dma_wait3A_481 : memref<80x128xf32, #tpu.memory_space<vmem>>) dst(%dma_wait3A_477 : memref<80x128xf32, #tpu.memory_space<vmem_shared>>)
    %dma_wait3A_482 = arith.constant 3 : i32
    %dma_wait3A_483 = arith.constant 0 : i32
    %dma_wait3A_484 = arith.constant 0 : i32
    %dma_wait3A_485 = tpu.memref_slice %arg7[%dma_wait3A_482, %dma_wait3A_483, %dma_wait3A_484] : memref<4x80x128xf32, #tpu.memory_space<vmem>> -> memref<1x80x128xf32, #tpu.memory_space<vmem>>
    %dma_wait3A_486 = tpu.memref_squeeze %dma_wait3A_485 : memref<1x80x128xf32, #tpu.memory_space<vmem>> -> memref<80x128xf32, #tpu.memory_space<vmem>>
    %dma_wait3A_487 = arith.constant 0 : i32
    %dma_wait3A_488 = arith.constant 0 : i32
    %dma_wait3A_489 = tpu.memref_slice %arg8[%dma_wait3A_487, %dma_wait3A_488] : memref<10240x128xf32, #tpu.memory_space<vmem_shared>> -> memref<80x128xf32, #tpu.memory_space<vmem_shared>>
    %dma_wait3A_490 = arith.constant 0 : i32
    %dma_wait3A_491 = arith.constant 0 : i32
    %dma_wait3A_492 = tpu.memref_slice %arg8[%dma_wait3A_490, %dma_wait3A_491] : memref<10240x128xf32, #tpu.memory_space<vmem_shared>> -> memref<80x128xf32, #tpu.memory_space<vmem_shared>>
    %dma_wait3A_493 = arith.constant 0 : i32
    %dma_wait3A_494 = arith.constant 0 : i32
    %dma_wait3A_495 = tpu.memref_slice %arg7[%dma_wait3A_482, %dma_wait3A_493, %dma_wait3A_494] : memref<4x80x128xf32, #tpu.memory_space<vmem>> -> memref<1x80x128xf32, #tpu.memory_space<vmem>>
    %dma_wait3A_496 = tpu.memref_squeeze %dma_wait3A_495 : memref<1x80x128xf32, #tpu.memory_space<vmem>> -> memref<80x128xf32, #tpu.memory_space<vmem>>
    tpu.wait_dma2 semaphore(%arg13 : memref<!tpu.dma_semaphore, #tpu.memory_space<semaphore_mem>>) src(%dma_wait3A_496 : memref<80x128xf32, #tpu.memory_space<vmem>>) dst(%dma_wait3A_492 : memref<80x128xf32, #tpu.memory_space<vmem_shared>>)
    %dma_wait3A_497 = arith.constant 0 : i32
    %dma_wait3A_498 = arith.constant 3 : i32
    %dma_wait3A_499 = arith.constant 0 : i32
    %dma_wait3A_500 = arith.constant 0 : i32
    %dma_wait3A_501 = tpu.memref_slice %arg6[%dma_wait3A_498, %dma_wait3A_499, %dma_wait3A_500] : memref<4x2x80xi32, #tpu.memory_space<vmem>> -> memref<1x1x80xi32, #tpu.memory_space<vmem>>
    %dma_wait3A_502 = tpu.memref_squeeze %dma_wait3A_501 : memref<1x1x80xi32, #tpu.memory_space<vmem>> -> memref<1x80xi32, #tpu.memory_space<vmem>>
    %dma_wait3A_503 = arith.constant 0 : i32
    %dma_wait3A_504 = arith.constant 0 : i32
    %dma_wait3A_505 = tpu.memref_slice %arg3[%add3A, %dma_wait3A_497, %dma_wait3A_503, %dma_wait3A_504] : memref<32x125x1x80xi32, #tpu.memory_space<hbm>> -> memref<1x1x1x80xi32, #tpu.memory_space<hbm>>
    %dma_wait3A_506 = tpu.memref_squeeze %dma_wait3A_505 : memref<1x1x1x80xi32, #tpu.memory_space<hbm>> -> memref<1x80xi32, #tpu.memory_space<hbm>>
    %dma_wait3A_507 = arith.constant 0 : i32
    %dma_wait3A_508 = arith.constant 0 : i32
    %dma_wait3A_509 = tpu.memref_slice %arg6[%dma_wait3A_498, %dma_wait3A_507, %dma_wait3A_508] : memref<4x2x80xi32, #tpu.memory_space<vmem>> -> memref<1x1x80xi32, #tpu.memory_space<vmem>>
    %dma_wait3A_510 = tpu.memref_squeeze %dma_wait3A_509 : memref<1x1x80xi32, #tpu.memory_space<vmem>> -> memref<1x80xi32, #tpu.memory_space<vmem>>
    %dma_wait3A_511 = arith.constant 0 : i32
    %dma_wait3A_512 = arith.constant 0 : i32
    %dma_wait3A_513 = tpu.memref_slice %arg3[%add3A, %dma_wait3A_497, %dma_wait3A_511, %dma_wait3A_512] : memref<32x125x1x80xi32, #tpu.memory_space<hbm>> -> memref<1x1x1x80xi32, #tpu.memory_space<hbm>>
    %dma_wait3A_514 = tpu.memref_squeeze %dma_wait3A_513 : memref<1x1x1x80xi32, #tpu.memory_space<hbm>> -> memref<1x80xi32, #tpu.memory_space<hbm>>
    tpu.wait_dma2 semaphore(%arg12 : memref<!tpu.dma_semaphore, #tpu.memory_space<semaphore_mem>>) src(%dma_wait3A_514 : memref<1x80xi32, #tpu.memory_space<hbm>>) dst(%dma_wait3A_510 : memref<1x80xi32, #tpu.memory_space<vmem>>)
    %dma_start3A_515 = arith.constant 3 : i32
    %dma_start3A_516 = arith.constant 0 : i32
    %dma_start3A_517 = arith.constant 3 : i32
    %dma_start3A_518 = arith.constant 0 : i32
    %dma_start3A_519 = arith.constant 0 : i32
    %dma_start3A_520 = tpu.memref_slice %arg7[%dma_start3A_517, %dma_start3A_518, %dma_start3A_519] : memref<4x80x128xf32, #tpu.memory_space<vmem>> -> memref<1x80x128xf32, #tpu.memory_space<vmem>>
    %dma_start3A_521 = tpu.memref_squeeze %dma_start3A_520 : memref<1x80x128xf32, #tpu.memory_space<vmem>> -> memref<80x128xf32, #tpu.memory_space<vmem>>
    %dma_start3A_522 = arith.constant 0 : i32
    %dma_start3A_523 = tpu.memref_slice %arg6[%dma_start3A_515, %dma_start3A_516, %dma_start3A_522] : memref<4x2x80xi32, #tpu.memory_space<vmem>> -> memref<1x1x80xi32, #tpu.memory_space<vmem>>
    %dma_start3A_524 = tpu.memref_squeeze %dma_start3A_523 : memref<1x1x80xi32, #tpu.memory_space<vmem>> -> memref<80xi32, #tpu.memory_space<vmem>>
    %dma_start3A_525 = arith.constant 0 : i32
    %dma_start3A_526 = arith.constant 0 : i32
    %dma_start3A_527 = tpu.memref_slice %arg2[%dma_start3A_525, %dma_start3A_526] : memref<10000x128xf32, #tpu.memory_space<hbm>> -> memref<10000x128xf32, #tpu.memory_space<hbm>>
    tpu.enqueue_indirect_dma source(%dma_start3A_527 : memref<10000x128xf32, #tpu.memory_space<hbm>>) target(%dma_start3A_521 : memref<80x128xf32, #tpu.memory_space<vmem>>) offsets(%dma_start3A_524 : memref<80xi32, #tpu.memory_space<vmem>>) semaphore(%arg12 : memref<!tpu.dma_semaphore, #tpu.memory_space<semaphore_mem>>)
    %barrier3A = arith.constant 0 : index
    tpu.barrier barrier_id(%barrier3A)
    %scan3A_528 = arith.constant 0 : i32
    %scan3A_529 = arith.constant 0 : i32
    %scan3A_530 = arith.constant 31 : i32
    %scan3A_531 = arith.addi %scan3A_529, %scan3A_530 : i32
    %scan3A_532 = arith.constant 1 : i32
    scf.for %scan3A_887 = %scan3A_529 to %scan3A_531 step %scan3A_532  : i32 {
      %mul3A_888 = arith.constant 4 : i32
      %mul3A_889 = arith.muli %scan3A_887, %mul3A_888 : i32
      %add3A_890 = arith.constant 0 : i32
      %add3A_891 = arith.addi %mul3A_889, %add3A_890 : i32
      %add3A_892 = arith.constant 4 : i32
      %add3A_893 = arith.addi %add3A_891, %add3A_892 : i32
      %dma_wait3A_894 = arith.constant 0 : i32
      %dma_wait3A_895 = arith.constant 0 : i32
      %dma_wait3A_896 = arith.constant 0 : i32
      %dma_wait3A_897 = arith.constant 0 : i32
      %dma_wait3A_898 = arith.constant 0 : i32
      %dma_wait3A_899 = tpu.memref_slice %arg7[%dma_wait3A_896, %dma_wait3A_897, %dma_wait3A_898] : memref<4x80x128xf32, #tpu.memory_space<vmem>> -> memref<1x80x128xf32, #tpu.memory_space<vmem>>
      %dma_wait3A_900 = tpu.memref_squeeze %dma_wait3A_899 : memref<1x80x128xf32, #tpu.memory_space<vmem>> -> memref<80x128xf32, #tpu.memory_space<vmem>>
      %dma_wait3A_901 = arith.constant 0 : i32
      %dma_wait3A_902 = tpu.memref_slice %arg6[%dma_wait3A_894, %dma_wait3A_895, %dma_wait3A_901] : memref<4x2x80xi32, #tpu.memory_space<vmem>> -> memref<1x1x80xi32, #tpu.memory_space<vmem>>
      %dma_wait3A_903 = tpu.memref_squeeze %dma_wait3A_902 : memref<1x1x80xi32, #tpu.memory_space<vmem>> -> memref<80xi32, #tpu.memory_space<vmem>>
      %dma_wait3A_904 = arith.constant 0 : i32
      %dma_wait3A_905 = arith.constant 0 : i32
      %dma_wait3A_906 = tpu.memref_slice %arg2[%dma_wait3A_904, %dma_wait3A_905] : memref<10000x128xf32, #tpu.memory_space<hbm>> -> memref<10000x128xf32, #tpu.memory_space<hbm>>
      tpu.wait_indirect_dma semaphore(%arg9 : memref<!tpu.dma_semaphore, #tpu.memory_space<semaphore_mem>>) src(%dma_wait3A_906 : memref<10000x128xf32, #tpu.memory_space<hbm>>) dst(%dma_wait3A_900 : memref<80x128xf32, #tpu.memory_space<vmem>>)
      %lt3A = arith.constant 125 : i32
      %lt3A_907 = arith.cmpi slt, %add3A_893, %lt3A : i32
      %convert_element_type3A = arith.extui %lt3A_907 : i1 to i32
      %cond3A = arith.constant 0 : i32
      %cond3A_908 = arith.cmpi ne, %convert_element_type3A, %cond3A : i32
      scf.if %cond3A_908 {
        %dma_start3A_1187 = arith.constant 0 : i32
        %dma_start3A_1188 = arith.constant 0 : i32
        %dma_start3A_1189 = arith.constant 0 : i32
        %dma_start3A_1190 = tpu.memref_slice %arg6[%dma_start3A_1187, %dma_start3A_1188, %dma_start3A_1189] : memref<4x2x80xi32, #tpu.memory_space<vmem>> -> memref<1x1x80xi32, #tpu.memory_space<vmem>>
        %dma_start3A_1191 = tpu.memref_squeeze %dma_start3A_1190 : memref<1x1x80xi32, #tpu.memory_space<vmem>> -> memref<1x80xi32, #tpu.memory_space<vmem>>
        %dma_start3A_1192 = arith.constant 0 : i32
        %dma_start3A_1193 = arith.constant 0 : i32
        %dma_start3A_1194 = tpu.memref_slice %arg3[%add3A, %add3A_893, %dma_start3A_1192, %dma_start3A_1193] : memref<32x125x1x80xi32, #tpu.memory_space<hbm>> -> memref<1x1x1x80xi32, #tpu.memory_space<hbm>>
        %dma_start3A_1195 = tpu.memref_squeeze %dma_start3A_1194 : memref<1x1x1x80xi32, #tpu.memory_space<hbm>> -> memref<1x80xi32, #tpu.memory_space<hbm>>
        %dma_start3A_1196 = arith.constant 0 : i32
        %dma_start3A_1197 = arith.constant 0 : i32
        %dma_start3A_1198 = tpu.memref_slice %arg6[%dma_start3A_1187, %dma_start3A_1196, %dma_start3A_1197] : memref<4x2x80xi32, #tpu.memory_space<vmem>> -> memref<1x1x80xi32, #tpu.memory_space<vmem>>
        %dma_start3A_1199 = tpu.memref_squeeze %dma_start3A_1198 : memref<1x1x80xi32, #tpu.memory_space<vmem>> -> memref<1x80xi32, #tpu.memory_space<vmem>>
        %dma_start3A_1200 = arith.constant 0 : i32
        %dma_start3A_1201 = arith.constant 0 : i32
        %dma_start3A_1202 = tpu.memref_slice %arg3[%add3A, %add3A_893, %dma_start3A_1200, %dma_start3A_1201] : memref<32x125x1x80xi32, #tpu.memory_space<hbm>> -> memref<1x1x1x80xi32, #tpu.memory_space<hbm>>
        %dma_start3A_1203 = tpu.memref_squeeze %dma_start3A_1202 : memref<1x1x1x80xi32, #tpu.memory_space<hbm>> -> memref<1x80xi32, #tpu.memory_space<hbm>>
        tpu.enqueue_dma source(%dma_start3A_1203 : memref<1x80xi32, #tpu.memory_space<hbm>>) target(%dma_start3A_1199 : memref<1x80xi32, #tpu.memory_space<vmem>>) target_semaphore(%arg9 : memref<!tpu.dma_semaphore, #tpu.memory_space<semaphore_mem>>)
      } else {
      }
      %dma_wait3A_909 = arith.constant 0 : i32
      %dma_wait3A_910 = arith.constant 0 : i32
      %dma_wait3A_911 = arith.constant 1 : i32
      %dma_wait3A_912 = arith.constant 0 : i32
      %dma_wait3A_913 = tpu.memref_slice %arg6[%dma_wait3A_910, %dma_wait3A_911, %dma_wait3A_912] : memref<4x2x80xi32, #tpu.memory_space<vmem>> -> memref<1x1x80xi32, #tpu.memory_space<vmem>>
      %dma_wait3A_914 = tpu.memref_squeeze %dma_wait3A_913 : memref<1x1x80xi32, #tpu.memory_space<vmem>> -> memref<1x80xi32, #tpu.memory_space<vmem>>
      %dma_wait3A_915 = arith.constant 0 : i32
      %dma_wait3A_916 = arith.constant 0 : i32
      %dma_wait3A_917 = tpu.memref_slice %arg4[%add3A, %dma_wait3A_909, %dma_wait3A_915, %dma_wait3A_916] : memref<32x125x1x80xi32, #tpu.memory_space<hbm>> -> memref<1x1x1x80xi32, #tpu.memory_space<hbm>>
      %dma_wait3A_918 = tpu.memref_squeeze %dma_wait3A_917 : memref<1x1x1x80xi32, #tpu.memory_space<hbm>> -> memref<1x80xi32, #tpu.memory_space<hbm>>
      %dma_wait3A_919 = arith.constant 1 : i32
      %dma_wait3A_920 = arith.constant 0 : i32
      %dma_wait3A_921 = tpu.memref_slice %arg6[%dma_wait3A_910, %dma_wait3A_919, %dma_wait3A_920] : memref<4x2x80xi32, #tpu.memory_space<vmem>> -> memref<1x1x80xi32, #tpu.memory_space<vmem>>
      %dma_wait3A_922 = tpu.memref_squeeze %dma_wait3A_921 : memref<1x1x80xi32, #tpu.memory_space<vmem>> -> memref<1x80xi32, #tpu.memory_space<vmem>>
      %dma_wait3A_923 = arith.constant 0 : i32
      %dma_wait3A_924 = arith.constant 0 : i32
      %dma_wait3A_925 = tpu.memref_slice %arg4[%add3A, %dma_wait3A_909, %dma_wait3A_923, %dma_wait3A_924] : memref<32x125x1x80xi32, #tpu.memory_space<hbm>> -> memref<1x1x1x80xi32, #tpu.memory_space<hbm>>
      %dma_wait3A_926 = tpu.memref_squeeze %dma_wait3A_925 : memref<1x1x1x80xi32, #tpu.memory_space<hbm>> -> memref<1x80xi32, #tpu.memory_space<hbm>>
      tpu.wait_dma2 semaphore(%arg13 : memref<!tpu.dma_semaphore, #tpu.memory_space<semaphore_mem>>) src(%dma_wait3A_926 : memref<1x80xi32, #tpu.memory_space<hbm>>) dst(%dma_wait3A_922 : memref<1x80xi32, #tpu.memory_space<vmem>>)
      %dma_start3A_927 = arith.constant 0 : i32
      %dma_start3A_928 = arith.constant 0 : i32
      %dma_start3A_929 = arith.constant 1 : i32
      %dma_start3A_930 = arith.constant 0 : i32
      %dma_start3A_931 = arith.constant 0 : i32
      %dma_start3A_932 = tpu.memref_slice %arg7[%dma_start3A_927, %dma_start3A_930, %dma_start3A_931] : memref<4x80x128xf32, #tpu.memory_space<vmem>> -> memref<1x80x128xf32, #tpu.memory_space<vmem>>
      %dma_start3A_933 = tpu.memref_squeeze %dma_start3A_932 : memref<1x80x128xf32, #tpu.memory_space<vmem>> -> memref<80x128xf32, #tpu.memory_space<vmem>>
      %dma_start3A_934 = arith.constant 0 : i32
      %dma_start3A_935 = tpu.memref_slice %arg6[%dma_start3A_928, %dma_start3A_929, %dma_start3A_934] : memref<4x2x80xi32, #tpu.memory_space<vmem>> -> memref<1x1x80xi32, #tpu.memory_space<vmem>>
      %dma_start3A_936 = tpu.memref_squeeze %dma_start3A_935 : memref<1x1x80xi32, #tpu.memory_space<vmem>> -> memref<80xi32, #tpu.memory_space<vmem>>
      %dma_start3A_937 = arith.constant 0 : i32
      %dma_start3A_938 = arith.constant 0 : i32
      %dma_start3A_939 = tpu.memref_slice %arg8[%dma_start3A_937, %dma_start3A_938] : memref<10240x128xf32, #tpu.memory_space<vmem_shared>> -> memref<10240x128xf32, #tpu.memory_space<vmem_shared>>
      tpu.enqueue_indirect_dma source(%dma_start3A_933 : memref<80x128xf32, #tpu.memory_space<vmem>>) target(%dma_start3A_939 : memref<10240x128xf32, #tpu.memory_space<vmem_shared>>) offsets(%dma_start3A_936 : memref<80xi32, #tpu.memory_space<vmem>>) semaphore(%arg13 : memref<!tpu.dma_semaphore, #tpu.memory_space<semaphore_mem>>) {add = true}
      %add3A_940 = arith.constant 1 : i32
      %add3A_941 = arith.addi %mul3A_889, %add3A_940 : i32
      %add3A_942 = arith.constant 4 : i32
      %add3A_943 = arith.addi %add3A_941, %add3A_942 : i32
      %dma_wait3A_944 = arith.constant 1 : i32
      %dma_wait3A_945 = arith.constant 0 : i32
      %dma_wait3A_946 = arith.constant 1 : i32
      %dma_wait3A_947 = arith.constant 0 : i32
      %dma_wait3A_948 = arith.constant 0 : i32
      %dma_wait3A_949 = tpu.memref_slice %arg7[%dma_wait3A_946, %dma_wait3A_947, %dma_wait3A_948] : memref<4x80x128xf32, #tpu.memory_space<vmem>> -> memref<1x80x128xf32, #tpu.memory_space<vmem>>
      %dma_wait3A_950 = tpu.memref_squeeze %dma_wait3A_949 : memref<1x80x128xf32, #tpu.memory_space<vmem>> -> memref<80x128xf32, #tpu.memory_space<vmem>>
      %dma_wait3A_951 = arith.constant 0 : i32
      %dma_wait3A_952 = tpu.memref_slice %arg6[%dma_wait3A_944, %dma_wait3A_945, %dma_wait3A_951] : memref<4x2x80xi32, #tpu.memory_space<vmem>> -> memref<1x1x80xi32, #tpu.memory_space<vmem>>
      %dma_wait3A_953 = tpu.memref_squeeze %dma_wait3A_952 : memref<1x1x80xi32, #tpu.memory_space<vmem>> -> memref<80xi32, #tpu.memory_space<vmem>>
      %dma_wait3A_954 = arith.constant 0 : i32
      %dma_wait3A_955 = arith.constant 0 : i32
      %dma_wait3A_956 = tpu.memref_slice %arg2[%dma_wait3A_954, %dma_wait3A_955] : memref<10000x128xf32, #tpu.memory_space<hbm>> -> memref<10000x128xf32, #tpu.memory_space<hbm>>
      tpu.wait_indirect_dma semaphore(%arg10 : memref<!tpu.dma_semaphore, #tpu.memory_space<semaphore_mem>>) src(%dma_wait3A_956 : memref<10000x128xf32, #tpu.memory_space<hbm>>) dst(%dma_wait3A_950 : memref<80x128xf32, #tpu.memory_space<vmem>>)
      %lt3A_957 = arith.constant 125 : i32
      %lt3A_958 = arith.cmpi slt, %add3A_943, %lt3A_957 : i32
      %convert_element_type3A_959 = arith.extui %lt3A_958 : i1 to i32
      %cond3A_960 = arith.constant 0 : i32
      %cond3A_961 = arith.cmpi ne, %convert_element_type3A_959, %cond3A_960 : i32
      scf.if %cond3A_961 {
        %dma_start3A_1187 = arith.constant 1 : i32
        %dma_start3A_1188 = arith.constant 0 : i32
        %dma_start3A_1189 = arith.constant 0 : i32
        %dma_start3A_1190 = tpu.memref_slice %arg6[%dma_start3A_1187, %dma_start3A_1188, %dma_start3A_1189] : memref<4x2x80xi32, #tpu.memory_space<vmem>> -> memref<1x1x80xi32, #tpu.memory_space<vmem>>
        %dma_start3A_1191 = tpu.memref_squeeze %dma_start3A_1190 : memref<1x1x80xi32, #tpu.memory_space<vmem>> -> memref<1x80xi32, #tpu.memory_space<vmem>>
        %dma_start3A_1192 = arith.constant 0 : i32
        %dma_start3A_1193 = arith.constant 0 : i32
        %dma_start3A_1194 = tpu.memref_slice %arg3[%add3A, %add3A_943, %dma_start3A_1192, %dma_start3A_1193] : memref<32x125x1x80xi32, #tpu.memory_space<hbm>> -> memref<1x1x1x80xi32, #tpu.memory_space<hbm>>
        %dma_start3A_1195 = tpu.memref_squeeze %dma_start3A_1194 : memref<1x1x1x80xi32, #tpu.memory_space<hbm>> -> memref<1x80xi32, #tpu.memory_space<hbm>>
        %dma_start3A_1196 = arith.constant 0 : i32
        %dma_start3A_1197 = arith.constant 0 : i32
        %dma_start3A_1198 = tpu.memref_slice %arg6[%dma_start3A_1187, %dma_start3A_1196, %dma_start3A_1197] : memref<4x2x80xi32, #tpu.memory_space<vmem>> -> memref<1x1x80xi32, #tpu.memory_space<vmem>>
        %dma_start3A_1199 = tpu.memref_squeeze %dma_start3A_1198 : memref<1x1x80xi32, #tpu.memory_space<vmem>> -> memref<1x80xi32, #tpu.memory_space<vmem>>
        %dma_start3A_1200 = arith.constant 0 : i32
        %dma_start3A_1201 = arith.constant 0 : i32
        %dma_start3A_1202 = tpu.memref_slice %arg3[%add3A, %add3A_943, %dma_start3A_1200, %dma_start3A_1201] : memref<32x125x1x80xi32, #tpu.memory_space<hbm>> -> memref<1x1x1x80xi32, #tpu.memory_space<hbm>>
        %dma_start3A_1203 = tpu.memref_squeeze %dma_start3A_1202 : memref<1x1x1x80xi32, #tpu.memory_space<hbm>> -> memref<1x80xi32, #tpu.memory_space<hbm>>
        tpu.enqueue_dma source(%dma_start3A_1203 : memref<1x80xi32, #tpu.memory_space<hbm>>) target(%dma_start3A_1199 : memref<1x80xi32, #tpu.memory_space<vmem>>) target_semaphore(%arg10 : memref<!tpu.dma_semaphore, #tpu.memory_space<semaphore_mem>>)
      } else {
      }
      %dma_wait3A_962 = arith.constant 0 : i32
      %dma_wait3A_963 = arith.constant 1 : i32
      %dma_wait3A_964 = arith.constant 1 : i32
      %dma_wait3A_965 = arith.constant 0 : i32
      %dma_wait3A_966 = tpu.memref_slice %arg6[%dma_wait3A_963, %dma_wait3A_964, %dma_wait3A_965] : memref<4x2x80xi32, #tpu.memory_space<vmem>> -> memref<1x1x80xi32, #tpu.memory_space<vmem>>
      %dma_wait3A_967 = tpu.memref_squeeze %dma_wait3A_966 : memref<1x1x80xi32, #tpu.memory_space<vmem>> -> memref<1x80xi32, #tpu.memory_space<vmem>>
      %dma_wait3A_968 = arith.constant 0 : i32
      %dma_wait3A_969 = arith.constant 0 : i32
      %dma_wait3A_970 = tpu.memref_slice %arg4[%add3A, %dma_wait3A_962, %dma_wait3A_968, %dma_wait3A_969] : memref<32x125x1x80xi32, #tpu.memory_space<hbm>> -> memref<1x1x1x80xi32, #tpu.memory_space<hbm>>
      %dma_wait3A_971 = tpu.memref_squeeze %dma_wait3A_970 : memref<1x1x1x80xi32, #tpu.memory_space<hbm>> -> memref<1x80xi32, #tpu.memory_space<hbm>>
      %dma_wait3A_972 = arith.constant 1 : i32
      %dma_wait3A_973 = arith.constant 0 : i32
      %dma_wait3A_974 = tpu.memref_slice %arg6[%dma_wait3A_963, %dma_wait3A_972, %dma_wait3A_973] : memref<4x2x80xi32, #tpu.memory_space<vmem>> -> memref<1x1x80xi32, #tpu.memory_space<vmem>>
      %dma_wait3A_975 = tpu.memref_squeeze %dma_wait3A_974 : memref<1x1x80xi32, #tpu.memory_space<vmem>> -> memref<1x80xi32, #tpu.memory_space<vmem>>
      %dma_wait3A_976 = arith.constant 0 : i32
      %dma_wait3A_977 = arith.constant 0 : i32
      %dma_wait3A_978 = tpu.memref_slice %arg4[%add3A, %dma_wait3A_962, %dma_wait3A_976, %dma_wait3A_977] : memref<32x125x1x80xi32, #tpu.memory_space<hbm>> -> memref<1x1x1x80xi32, #tpu.memory_space<hbm>>
      %dma_wait3A_979 = tpu.memref_squeeze %dma_wait3A_978 : memref<1x1x1x80xi32, #tpu.memory_space<hbm>> -> memref<1x80xi32, #tpu.memory_space<hbm>>
      tpu.wait_dma2 semaphore(%arg14 : memref<!tpu.dma_semaphore, #tpu.memory_space<semaphore_mem>>) src(%dma_wait3A_979 : memref<1x80xi32, #tpu.memory_space<hbm>>) dst(%dma_wait3A_975 : memref<1x80xi32, #tpu.memory_space<vmem>>)
      %dma_start3A_980 = arith.constant 1 : i32
      %dma_start3A_981 = arith.constant 1 : i32
      %dma_start3A_982 = arith.constant 1 : i32
      %dma_start3A_983 = arith.constant 0 : i32
      %dma_start3A_984 = arith.constant 0 : i32
      %dma_start3A_985 = tpu.memref_slice %arg7[%dma_start3A_980, %dma_start3A_983, %dma_start3A_984] : memref<4x80x128xf32, #tpu.memory_space<vmem>> -> memref<1x80x128xf32, #tpu.memory_space<vmem>>
      %dma_start3A_986 = tpu.memref_squeeze %dma_start3A_985 : memref<1x80x128xf32, #tpu.memory_space<vmem>> -> memref<80x128xf32, #tpu.memory_space<vmem>>
      %dma_start3A_987 = arith.constant 0 : i32
      %dma_start3A_988 = tpu.memref_slice %arg6[%dma_start3A_981, %dma_start3A_982, %dma_start3A_987] : memref<4x2x80xi32, #tpu.memory_space<vmem>> -> memref<1x1x80xi32, #tpu.memory_space<vmem>>
      %dma_start3A_989 = tpu.memref_squeeze %dma_start3A_988 : memref<1x1x80xi32, #tpu.memory_space<vmem>> -> memref<80xi32, #tpu.memory_space<vmem>>
      %dma_start3A_990 = arith.constant 0 : i32
      %dma_start3A_991 = arith.constant 0 : i32
      %dma_start3A_992 = tpu.memref_slice %arg8[%dma_start3A_990, %dma_start3A_991] : memref<10240x128xf32, #tpu.memory_space<vmem_shared>> -> memref<10240x128xf32, #tpu.memory_space<vmem_shared>>
      tpu.enqueue_indirect_dma source(%dma_start3A_986 : memref<80x128xf32, #tpu.memory_space<vmem>>) target(%dma_start3A_992 : memref<10240x128xf32, #tpu.memory_space<vmem_shared>>) offsets(%dma_start3A_989 : memref<80xi32, #tpu.memory_space<vmem>>) semaphore(%arg14 : memref<!tpu.dma_semaphore, #tpu.memory_space<semaphore_mem>>) {add = true}
      %add3A_993 = arith.constant 2 : i32
      %add3A_994 = arith.addi %mul3A_889, %add3A_993 : i32
      %add3A_995 = arith.constant 4 : i32
      %add3A_996 = arith.addi %add3A_994, %add3A_995 : i32
      %dma_wait3A_997 = arith.constant 2 : i32
      %dma_wait3A_998 = arith.constant 0 : i32
      %dma_wait3A_999 = arith.constant 2 : i32
      %dma_wait3A_1000 = arith.constant 0 : i32
      %dma_wait3A_1001 = arith.constant 0 : i32
      %dma_wait3A_1002 = tpu.memref_slice %arg7[%dma_wait3A_999, %dma_wait3A_1000, %dma_wait3A_1001] : memref<4x80x128xf32, #tpu.memory_space<vmem>> -> memref<1x80x128xf32, #tpu.memory_space<vmem>>
      %dma_wait3A_1003 = tpu.memref_squeeze %dma_wait3A_1002 : memref<1x80x128xf32, #tpu.memory_space<vmem>> -> memref<80x128xf32, #tpu.memory_space<vmem>>
      %dma_wait3A_1004 = arith.constant 0 : i32
      %dma_wait3A_1005 = tpu.memref_slice %arg6[%dma_wait3A_997, %dma_wait3A_998, %dma_wait3A_1004] : memref<4x2x80xi32, #tpu.memory_space<vmem>> -> memref<1x1x80xi32, #tpu.memory_space<vmem>>
      %dma_wait3A_1006 = tpu.memref_squeeze %dma_wait3A_1005 : memref<1x1x80xi32, #tpu.memory_space<vmem>> -> memref<80xi32, #tpu.memory_space<vmem>>
      %dma_wait3A_1007 = arith.constant 0 : i32
      %dma_wait3A_1008 = arith.constant 0 : i32
      %dma_wait3A_1009 = tpu.memref_slice %arg2[%dma_wait3A_1007, %dma_wait3A_1008] : memref<10000x128xf32, #tpu.memory_space<hbm>> -> memref<10000x128xf32, #tpu.memory_space<hbm>>
      tpu.wait_indirect_dma semaphore(%arg11 : memref<!tpu.dma_semaphore, #tpu.memory_space<semaphore_mem>>) src(%dma_wait3A_1009 : memref<10000x128xf32, #tpu.memory_space<hbm>>) dst(%dma_wait3A_1003 : memref<80x128xf32, #tpu.memory_space<vmem>>)
      %lt3A_1010 = arith.constant 125 : i32
      %lt3A_1011 = arith.cmpi slt, %add3A_996, %lt3A_1010 : i32
      %convert_element_type3A_1012 = arith.extui %lt3A_1011 : i1 to i32
      %cond3A_1013 = arith.constant 0 : i32
      %cond3A_1014 = arith.cmpi ne, %convert_element_type3A_1012, %cond3A_1013 : i32
      scf.if %cond3A_1014 {
        %dma_start3A_1187 = arith.constant 2 : i32
        %dma_start3A_1188 = arith.constant 0 : i32
        %dma_start3A_1189 = arith.constant 0 : i32
        %dma_start3A_1190 = tpu.memref_slice %arg6[%dma_start3A_1187, %dma_start3A_1188, %dma_start3A_1189] : memref<4x2x80xi32, #tpu.memory_space<vmem>> -> memref<1x1x80xi32, #tpu.memory_space<vmem>>
        %dma_start3A_1191 = tpu.memref_squeeze %dma_start3A_1190 : memref<1x1x80xi32, #tpu.memory_space<vmem>> -> memref<1x80xi32, #tpu.memory_space<vmem>>
        %dma_start3A_1192 = arith.constant 0 : i32
        %dma_start3A_1193 = arith.constant 0 : i32
        %dma_start3A_1194 = tpu.memref_slice %arg3[%add3A, %add3A_996, %dma_start3A_1192, %dma_start3A_1193] : memref<32x125x1x80xi32, #tpu.memory_space<hbm>> -> memref<1x1x1x80xi32, #tpu.memory_space<hbm>>
        %dma_start3A_1195 = tpu.memref_squeeze %dma_start3A_1194 : memref<1x1x1x80xi32, #tpu.memory_space<hbm>> -> memref<1x80xi32, #tpu.memory_space<hbm>>
        %dma_start3A_1196 = arith.constant 0 : i32
        %dma_start3A_1197 = arith.constant 0 : i32
        %dma_start3A_1198 = tpu.memref_slice %arg6[%dma_start3A_1187, %dma_start3A_1196, %dma_start3A_1197] : memref<4x2x80xi32, #tpu.memory_space<vmem>> -> memref<1x1x80xi32, #tpu.memory_space<vmem>>
        %dma_start3A_1199 = tpu.memref_squeeze %dma_start3A_1198 : memref<1x1x80xi32, #tpu.memory_space<vmem>> -> memref<1x80xi32, #tpu.memory_space<vmem>>
        %dma_start3A_1200 = arith.constant 0 : i32
        %dma_start3A_1201 = arith.constant 0 : i32
        %dma_start3A_1202 = tpu.memref_slice %arg3[%add3A, %add3A_996, %dma_start3A_1200, %dma_start3A_1201] : memref<32x125x1x80xi32, #tpu.memory_space<hbm>> -> memref<1x1x1x80xi32, #tpu.memory_space<hbm>>
        %dma_start3A_1203 = tpu.memref_squeeze %dma_start3A_1202 : memref<1x1x1x80xi32, #tpu.memory_space<hbm>> -> memref<1x80xi32, #tpu.memory_space<hbm>>
        tpu.enqueue_dma source(%dma_start3A_1203 : memref<1x80xi32, #tpu.memory_space<hbm>>) target(%dma_start3A_1199 : memref<1x80xi32, #tpu.memory_space<vmem>>) target_semaphore(%arg11 : memref<!tpu.dma_semaphore, #tpu.memory_space<semaphore_mem>>)
      } else {
      }
      %dma_wait3A_1015 = arith.constant 0 : i32
      %dma_wait3A_1016 = arith.constant 2 : i32
      %dma_wait3A_1017 = arith.constant 1 : i32
      %dma_wait3A_1018 = arith.constant 0 : i32
      %dma_wait3A_1019 = tpu.memref_slice %arg6[%dma_wait3A_1016, %dma_wait3A_1017, %dma_wait3A_1018] : memref<4x2x80xi32, #tpu.memory_space<vmem>> -> memref<1x1x80xi32, #tpu.memory_space<vmem>>
      %dma_wait3A_1020 = tpu.memref_squeeze %dma_wait3A_1019 : memref<1x1x80xi32, #tpu.memory_space<vmem>> -> memref<1x80xi32, #tpu.memory_space<vmem>>
      %dma_wait3A_1021 = arith.constant 0 : i32
      %dma_wait3A_1022 = arith.constant 0 : i32
      %dma_wait3A_1023 = tpu.memref_slice %arg4[%add3A, %dma_wait3A_1015, %dma_wait3A_1021, %dma_wait3A_1022] : memref<32x125x1x80xi32, #tpu.memory_space<hbm>> -> memref<1x1x1x80xi32, #tpu.memory_space<hbm>>
      %dma_wait3A_1024 = tpu.memref_squeeze %dma_wait3A_1023 : memref<1x1x1x80xi32, #tpu.memory_space<hbm>> -> memref<1x80xi32, #tpu.memory_space<hbm>>
      %dma_wait3A_1025 = arith.constant 1 : i32
      %dma_wait3A_1026 = arith.constant 0 : i32
      %dma_wait3A_1027 = tpu.memref_slice %arg6[%dma_wait3A_1016, %dma_wait3A_1025, %dma_wait3A_1026] : memref<4x2x80xi32, #tpu.memory_space<vmem>> -> memref<1x1x80xi32, #tpu.memory_space<vmem>>
      %dma_wait3A_1028 = tpu.memref_squeeze %dma_wait3A_1027 : memref<1x1x80xi32, #tpu.memory_space<vmem>> -> memref<1x80xi32, #tpu.memory_space<vmem>>
      %dma_wait3A_1029 = arith.constant 0 : i32
      %dma_wait3A_1030 = arith.constant 0 : i32
      %dma_wait3A_1031 = tpu.memref_slice %arg4[%add3A, %dma_wait3A_1015, %dma_wait3A_1029, %dma_wait3A_1030] : memref<32x125x1x80xi32, #tpu.memory_space<hbm>> -> memref<1x1x1x80xi32, #tpu.memory_space<hbm>>
      %dma_wait3A_1032 = tpu.memref_squeeze %dma_wait3A_1031 : memref<1x1x1x80xi32, #tpu.memory_space<hbm>> -> memref<1x80xi32, #tpu.memory_space<hbm>>
      tpu.wait_dma2 semaphore(%arg15 : memref<!tpu.dma_semaphore, #tpu.memory_space<semaphore_mem>>) src(%dma_wait3A_1032 : memref<1x80xi32, #tpu.memory_space<hbm>>) dst(%dma_wait3A_1028 : memref<1x80xi32, #tpu.memory_space<vmem>>)
      %dma_start3A_1033 = arith.constant 2 : i32
      %dma_start3A_1034 = arith.constant 2 : i32
      %dma_start3A_1035 = arith.constant 1 : i32
      %dma_start3A_1036 = arith.constant 0 : i32
      %dma_start3A_1037 = arith.constant 0 : i32
      %dma_start3A_1038 = tpu.memref_slice %arg7[%dma_start3A_1033, %dma_start3A_1036, %dma_start3A_1037] : memref<4x80x128xf32, #tpu.memory_space<vmem>> -> memref<1x80x128xf32, #tpu.memory_space<vmem>>
      %dma_start3A_1039 = tpu.memref_squeeze %dma_start3A_1038 : memref<1x80x128xf32, #tpu.memory_space<vmem>> -> memref<80x128xf32, #tpu.memory_space<vmem>>
      %dma_start3A_1040 = arith.constant 0 : i32
      %dma_start3A_1041 = tpu.memref_slice %arg6[%dma_start3A_1034, %dma_start3A_1035, %dma_start3A_1040] : memref<4x2x80xi32, #tpu.memory_space<vmem>> -> memref<1x1x80xi32, #tpu.memory_space<vmem>>
      %dma_start3A_1042 = tpu.memref_squeeze %dma_start3A_1041 : memref<1x1x80xi32, #tpu.memory_space<vmem>> -> memref<80xi32, #tpu.memory_space<vmem>>
      %dma_start3A_1043 = arith.constant 0 : i32
      %dma_start3A_1044 = arith.constant 0 : i32
      %dma_start3A_1045 = tpu.memref_slice %arg8[%dma_start3A_1043, %dma_start3A_1044] : memref<10240x128xf32, #tpu.memory_space<vmem_shared>> -> memref<10240x128xf32, #tpu.memory_space<vmem_shared>>
      tpu.enqueue_indirect_dma source(%dma_start3A_1039 : memref<80x128xf32, #tpu.memory_space<vmem>>) target(%dma_start3A_1045 : memref<10240x128xf32, #tpu.memory_space<vmem_shared>>) offsets(%dma_start3A_1042 : memref<80xi32, #tpu.memory_space<vmem>>) semaphore(%arg15 : memref<!tpu.dma_semaphore, #tpu.memory_space<semaphore_mem>>) {add = true}
      %add3A_1046 = arith.constant 3 : i32
      %add3A_1047 = arith.addi %mul3A_889, %add3A_1046 : i32
      %add3A_1048 = arith.constant 4 : i32
      %add3A_1049 = arith.addi %add3A_1047, %add3A_1048 : i32
      %dma_wait3A_1050 = arith.constant 3 : i32
      %dma_wait3A_1051 = arith.constant 0 : i32
      %dma_wait3A_1052 = arith.constant 3 : i32
      %dma_wait3A_1053 = arith.constant 0 : i32
      %dma_wait3A_1054 = arith.constant 0 : i32
      %dma_wait3A_1055 = tpu.memref_slice %arg7[%dma_wait3A_1052, %dma_wait3A_1053, %dma_wait3A_1054] : memref<4x80x128xf32, #tpu.memory_space<vmem>> -> memref<1x80x128xf32, #tpu.memory_space<vmem>>
      %dma_wait3A_1056 = tpu.memref_squeeze %dma_wait3A_1055 : memref<1x80x128xf32, #tpu.memory_space<vmem>> -> memref<80x128xf32, #tpu.memory_space<vmem>>
      %dma_wait3A_1057 = arith.constant 0 : i32
      %dma_wait3A_1058 = tpu.memref_slice %arg6[%dma_wait3A_1050, %dma_wait3A_1051, %dma_wait3A_1057] : memref<4x2x80xi32, #tpu.memory_space<vmem>> -> memref<1x1x80xi32, #tpu.memory_space<vmem>>
      %dma_wait3A_1059 = tpu.memref_squeeze %dma_wait3A_1058 : memref<1x1x80xi32, #tpu.memory_space<vmem>> -> memref<80xi32, #tpu.memory_space<vmem>>
      %dma_wait3A_1060 = arith.constant 0 : i32
      %dma_wait3A_1061 = arith.constant 0 : i32
      %dma_wait3A_1062 = tpu.memref_slice %arg2[%dma_wait3A_1060, %dma_wait3A_1061] : memref<10000x128xf32, #tpu.memory_space<hbm>> -> memref<10000x128xf32, #tpu.memory_space<hbm>>
      tpu.wait_indirect_dma semaphore(%arg12 : memref<!tpu.dma_semaphore, #tpu.memory_space<semaphore_mem>>) src(%dma_wait3A_1062 : memref<10000x128xf32, #tpu.memory_space<hbm>>) dst(%dma_wait3A_1056 : memref<80x128xf32, #tpu.memory_space<vmem>>)
      %lt3A_1063 = arith.constant 125 : i32
      %lt3A_1064 = arith.cmpi slt, %add3A_1049, %lt3A_1063 : i32
      %convert_element_type3A_1065 = arith.extui %lt3A_1064 : i1 to i32
      %cond3A_1066 = arith.constant 0 : i32
      %cond3A_1067 = arith.cmpi ne, %convert_element_type3A_1065, %cond3A_1066 : i32
      scf.if %cond3A_1067 {
        %dma_start3A_1187 = arith.constant 3 : i32
        %dma_start3A_1188 = arith.constant 0 : i32
        %dma_start3A_1189 = arith.constant 0 : i32
        %dma_start3A_1190 = tpu.memref_slice %arg6[%dma_start3A_1187, %dma_start3A_1188, %dma_start3A_1189] : memref<4x2x80xi32, #tpu.memory_space<vmem>> -> memref<1x1x80xi32, #tpu.memory_space<vmem>>
        %dma_start3A_1191 = tpu.memref_squeeze %dma_start3A_1190 : memref<1x1x80xi32, #tpu.memory_space<vmem>> -> memref<1x80xi32, #tpu.memory_space<vmem>>
        %dma_start3A_1192 = arith.constant 0 : i32
        %dma_start3A_1193 = arith.constant 0 : i32
        %dma_start3A_1194 = tpu.memref_slice %arg3[%add3A, %add3A_1049, %dma_start3A_1192, %dma_start3A_1193] : memref<32x125x1x80xi32, #tpu.memory_space<hbm>> -> memref<1x1x1x80xi32, #tpu.memory_space<hbm>>
        %dma_start3A_1195 = tpu.memref_squeeze %dma_start3A_1194 : memref<1x1x1x80xi32, #tpu.memory_space<hbm>> -> memref<1x80xi32, #tpu.memory_space<hbm>>
        %dma_start3A_1196 = arith.constant 0 : i32
        %dma_start3A_1197 = arith.constant 0 : i32
        %dma_start3A_1198 = tpu.memref_slice %arg6[%dma_start3A_1187, %dma_start3A_1196, %dma_start3A_1197] : memref<4x2x80xi32, #tpu.memory_space<vmem>> -> memref<1x1x80xi32, #tpu.memory_space<vmem>>
        %dma_start3A_1199 = tpu.memref_squeeze %dma_start3A_1198 : memref<1x1x80xi32, #tpu.memory_space<vmem>> -> memref<1x80xi32, #tpu.memory_space<vmem>>
        %dma_start3A_1200 = arith.constant 0 : i32
        %dma_start3A_1201 = arith.constant 0 : i32
        %dma_start3A_1202 = tpu.memref_slice %arg3[%add3A, %add3A_1049, %dma_start3A_1200, %dma_start3A_1201] : memref<32x125x1x80xi32, #tpu.memory_space<hbm>> -> memref<1x1x1x80xi32, #tpu.memory_space<hbm>>
        %dma_start3A_1203 = tpu.memref_squeeze %dma_start3A_1202 : memref<1x1x1x80xi32, #tpu.memory_space<hbm>> -> memref<1x80xi32, #tpu.memory_space<hbm>>
        tpu.enqueue_dma source(%dma_start3A_1203 : memref<1x80xi32, #tpu.memory_space<hbm>>) target(%dma_start3A_1199 : memref<1x80xi32, #tpu.memory_space<vmem>>) target_semaphore(%arg12 : memref<!tpu.dma_semaphore, #tpu.memory_space<semaphore_mem>>)
      } else {
      }
      %dma_wait3A_1068 = arith.constant 0 : i32
      %dma_wait3A_1069 = arith.constant 3 : i32
      %dma_wait3A_1070 = arith.constant 1 : i32
      %dma_wait3A_1071 = arith.constant 0 : i32
      %dma_wait3A_1072 = tpu.memref_slice %arg6[%dma_wait3A_1069, %dma_wait3A_1070, %dma_wait3A_1071] : memref<4x2x80xi32, #tpu.memory_space<vmem>> -> memref<1x1x80xi32, #tpu.memory_space<vmem>>
      %dma_wait3A_1073 = tpu.memref_squeeze %dma_wait3A_1072 : memref<1x1x80xi32, #tpu.memory_space<vmem>> -> memref<1x80xi32, #tpu.memory_space<vmem>>
      %dma_wait3A_1074 = arith.constant 0 : i32
      %dma_wait3A_1075 = arith.constant 0 : i32
      %dma_wait3A_1076 = tpu.memref_slice %arg4[%add3A, %dma_wait3A_1068, %dma_wait3A_1074, %dma_wait3A_1075] : memref<32x125x1x80xi32, #tpu.memory_space<hbm>> -> memref<1x1x1x80xi32, #tpu.memory_space<hbm>>
      %dma_wait3A_1077 = tpu.memref_squeeze %dma_wait3A_1076 : memref<1x1x1x80xi32, #tpu.memory_space<hbm>> -> memref<1x80xi32, #tpu.memory_space<hbm>>
      %dma_wait3A_1078 = arith.constant 1 : i32
      %dma_wait3A_1079 = arith.constant 0 : i32
      %dma_wait3A_1080 = tpu.memref_slice %arg6[%dma_wait3A_1069, %dma_wait3A_1078, %dma_wait3A_1079] : memref<4x2x80xi32, #tpu.memory_space<vmem>> -> memref<1x1x80xi32, #tpu.memory_space<vmem>>
      %dma_wait3A_1081 = tpu.memref_squeeze %dma_wait3A_1080 : memref<1x1x80xi32, #tpu.memory_space<vmem>> -> memref<1x80xi32, #tpu.memory_space<vmem>>
      %dma_wait3A_1082 = arith.constant 0 : i32
      %dma_wait3A_1083 = arith.constant 0 : i32
      %dma_wait3A_1084 = tpu.memref_slice %arg4[%add3A, %dma_wait3A_1068, %dma_wait3A_1082, %dma_wait3A_1083] : memref<32x125x1x80xi32, #tpu.memory_space<hbm>> -> memref<1x1x1x80xi32, #tpu.memory_space<hbm>>
      %dma_wait3A_1085 = tpu.memref_squeeze %dma_wait3A_1084 : memref<1x1x1x80xi32, #tpu.memory_space<hbm>> -> memref<1x80xi32, #tpu.memory_space<hbm>>
      tpu.wait_dma2 semaphore(%arg16 : memref<!tpu.dma_semaphore, #tpu.memory_space<semaphore_mem>>) src(%dma_wait3A_1085 : memref<1x80xi32, #tpu.memory_space<hbm>>) dst(%dma_wait3A_1081 : memref<1x80xi32, #tpu.memory_space<vmem>>)
      %dma_start3A_1086 = arith.constant 3 : i32
      %dma_start3A_1087 = arith.constant 3 : i32
      %dma_start3A_1088 = arith.constant 1 : i32
      %dma_start3A_1089 = arith.constant 0 : i32
      %dma_start3A_1090 = arith.constant 0 : i32
      %dma_start3A_1091 = tpu.memref_slice %arg7[%dma_start3A_1086, %dma_start3A_1089, %dma_start3A_1090] : memref<4x80x128xf32, #tpu.memory_space<vmem>> -> memref<1x80x128xf32, #tpu.memory_space<vmem>>
      %dma_start3A_1092 = tpu.memref_squeeze %dma_start3A_1091 : memref<1x80x128xf32, #tpu.memory_space<vmem>> -> memref<80x128xf32, #tpu.memory_space<vmem>>
      %dma_start3A_1093 = arith.constant 0 : i32
      %dma_start3A_1094 = tpu.memref_slice %arg6[%dma_start3A_1087, %dma_start3A_1088, %dma_start3A_1093] : memref<4x2x80xi32, #tpu.memory_space<vmem>> -> memref<1x1x80xi32, #tpu.memory_space<vmem>>
      %dma_start3A_1095 = tpu.memref_squeeze %dma_start3A_1094 : memref<1x1x80xi32, #tpu.memory_space<vmem>> -> memref<80xi32, #tpu.memory_space<vmem>>
      %dma_start3A_1096 = arith.constant 0 : i32
      %dma_start3A_1097 = arith.constant 0 : i32
      %dma_start3A_1098 = tpu.memref_slice %arg8[%dma_start3A_1096, %dma_start3A_1097] : memref<10240x128xf32, #tpu.memory_space<vmem_shared>> -> memref<10240x128xf32, #tpu.memory_space<vmem_shared>>
      tpu.enqueue_indirect_dma source(%dma_start3A_1092 : memref<80x128xf32, #tpu.memory_space<vmem>>) target(%dma_start3A_1098 : memref<10240x128xf32, #tpu.memory_space<vmem_shared>>) offsets(%dma_start3A_1095 : memref<80xi32, #tpu.memory_space<vmem>>) semaphore(%arg16 : memref<!tpu.dma_semaphore, #tpu.memory_space<semaphore_mem>>) {add = true}
      %add3A_1099 = arith.constant 4 : i32
      %add3A_1100 = arith.addi %mul3A_889, %add3A_1099 : i32
      %add3A_1101 = arith.constant 0 : i32
      %add3A_1102 = arith.addi %add3A_1100, %add3A_1101 : i32
      %dma_wait3A_1103 = arith.constant 0 : i32
      %dma_wait3A_1104 = arith.constant 0 : i32
      %dma_wait3A_1105 = arith.constant 1 : i32
      %dma_wait3A_1106 = arith.constant 0 : i32
      %dma_wait3A_1107 = arith.constant 0 : i32
      %dma_wait3A_1108 = tpu.memref_slice %arg7[%dma_wait3A_1103, %dma_wait3A_1106, %dma_wait3A_1107] : memref<4x80x128xf32, #tpu.memory_space<vmem>> -> memref<1x80x128xf32, #tpu.memory_space<vmem>>
      %dma_wait3A_1109 = tpu.memref_squeeze %dma_wait3A_1108 : memref<1x80x128xf32, #tpu.memory_space<vmem>> -> memref<80x128xf32, #tpu.memory_space<vmem>>
      %dma_wait3A_1110 = arith.constant 0 : i32
      %dma_wait3A_1111 = tpu.memref_slice %arg6[%dma_wait3A_1104, %dma_wait3A_1105, %dma_wait3A_1110] : memref<4x2x80xi32, #tpu.memory_space<vmem>> -> memref<1x1x80xi32, #tpu.memory_space<vmem>>
      %dma_wait3A_1112 = tpu.memref_squeeze %dma_wait3A_1111 : memref<1x1x80xi32, #tpu.memory_space<vmem>> -> memref<80xi32, #tpu.memory_space<vmem>>
      %dma_wait3A_1113 = arith.constant 0 : i32
      %dma_wait3A_1114 = arith.constant 0 : i32
      %dma_wait3A_1115 = tpu.memref_slice %arg8[%dma_wait3A_1113, %dma_wait3A_1114] : memref<10240x128xf32, #tpu.memory_space<vmem_shared>> -> memref<10240x128xf32, #tpu.memory_space<vmem_shared>>
      tpu.wait_indirect_dma semaphore(%arg13 : memref<!tpu.dma_semaphore, #tpu.memory_space<semaphore_mem>>) src(%dma_wait3A_1109 : memref<80x128xf32, #tpu.memory_space<vmem>>) dst(%dma_wait3A_1115 : memref<10240x128xf32, #tpu.memory_space<vmem_shared>>)
      %lt3A_1116 = arith.constant 125 : i32
      %lt3A_1117 = arith.cmpi slt, %add3A_1102, %lt3A_1116 : i32
      %convert_element_type3A_1118 = arith.extui %lt3A_1117 : i1 to i32
      %cond3A_1119 = arith.constant 0 : i32
      %cond3A_1120 = arith.cmpi ne, %convert_element_type3A_1118, %cond3A_1119 : i32
      scf.if %cond3A_1120 {
        %dma_start3A_1187 = arith.constant 0 : i32
        %dma_start3A_1188 = arith.constant 1 : i32
        %dma_start3A_1189 = arith.constant 0 : i32
        %dma_start3A_1190 = tpu.memref_slice %arg6[%dma_start3A_1187, %dma_start3A_1188, %dma_start3A_1189] : memref<4x2x80xi32, #tpu.memory_space<vmem>> -> memref<1x1x80xi32, #tpu.memory_space<vmem>>
        %dma_start3A_1191 = tpu.memref_squeeze %dma_start3A_1190 : memref<1x1x80xi32, #tpu.memory_space<vmem>> -> memref<1x80xi32, #tpu.memory_space<vmem>>
        %dma_start3A_1192 = arith.constant 0 : i32
        %dma_start3A_1193 = arith.constant 0 : i32
        %dma_start3A_1194 = tpu.memref_slice %arg4[%add3A, %add3A_1102, %dma_start3A_1192, %dma_start3A_1193] : memref<32x125x1x80xi32, #tpu.memory_space<hbm>> -> memref<1x1x1x80xi32, #tpu.memory_space<hbm>>
        %dma_start3A_1195 = tpu.memref_squeeze %dma_start3A_1194 : memref<1x1x1x80xi32, #tpu.memory_space<hbm>> -> memref<1x80xi32, #tpu.memory_space<hbm>>
        %dma_start3A_1196 = arith.constant 1 : i32
        %dma_start3A_1197 = arith.constant 0 : i32
        %dma_start3A_1198 = tpu.memref_slice %arg6[%dma_start3A_1187, %dma_start3A_1196, %dma_start3A_1197] : memref<4x2x80xi32, #tpu.memory_space<vmem>> -> memref<1x1x80xi32, #tpu.memory_space<vmem>>
        %dma_start3A_1199 = tpu.memref_squeeze %dma_start3A_1198 : memref<1x1x80xi32, #tpu.memory_space<vmem>> -> memref<1x80xi32, #tpu.memory_space<vmem>>
        %dma_start3A_1200 = arith.constant 0 : i32
        %dma_start3A_1201 = arith.constant 0 : i32
        %dma_start3A_1202 = tpu.memref_slice %arg4[%add3A, %add3A_1102, %dma_start3A_1200, %dma_start3A_1201] : memref<32x125x1x80xi32, #tpu.memory_space<hbm>> -> memref<1x1x1x80xi32, #tpu.memory_space<hbm>>
        %dma_start3A_1203 = tpu.memref_squeeze %dma_start3A_1202 : memref<1x1x1x80xi32, #tpu.memory_space<hbm>> -> memref<1x80xi32, #tpu.memory_space<hbm>>
        tpu.enqueue_dma source(%dma_start3A_1203 : memref<1x80xi32, #tpu.memory_space<hbm>>) target(%dma_start3A_1199 : memref<1x80xi32, #tpu.memory_space<vmem>>) target_semaphore(%arg13 : memref<!tpu.dma_semaphore, #tpu.memory_space<semaphore_mem>>)
        %dma_wait3A_1204 = arith.constant 0 : i32
        %dma_wait3A_1205 = arith.constant 0 : i32
        %dma_wait3A_1206 = arith.constant 0 : i32
        %dma_wait3A_1207 = arith.constant 0 : i32
        %dma_wait3A_1208 = tpu.memref_slice %arg6[%dma_wait3A_1205, %dma_wait3A_1206, %dma_wait3A_1207] : memref<4x2x80xi32, #tpu.memory_space<vmem>> -> memref<1x1x80xi32, #tpu.memory_space<vmem>>
        %dma_wait3A_1209 = tpu.memref_squeeze %dma_wait3A_1208 : memref<1x1x80xi32, #tpu.memory_space<vmem>> -> memref<1x80xi32, #tpu.memory_space<vmem>>
        %dma_wait3A_1210 = arith.constant 0 : i32
        %dma_wait3A_1211 = arith.constant 0 : i32
        %dma_wait3A_1212 = tpu.memref_slice %arg3[%add3A, %dma_wait3A_1204, %dma_wait3A_1210, %dma_wait3A_1211] : memref<32x125x1x80xi32, #tpu.memory_space<hbm>> -> memref<1x1x1x80xi32, #tpu.memory_space<hbm>>
        %dma_wait3A_1213 = tpu.memref_squeeze %dma_wait3A_1212 : memref<1x1x1x80xi32, #tpu.memory_space<hbm>> -> memref<1x80xi32, #tpu.memory_space<hbm>>
        %dma_wait3A_1214 = arith.constant 0 : i32
        %dma_wait3A_1215 = arith.constant 0 : i32
        %dma_wait3A_1216 = tpu.memref_slice %arg6[%dma_wait3A_1205, %dma_wait3A_1214, %dma_wait3A_1215] : memref<4x2x80xi32, #tpu.memory_space<vmem>> -> memref<1x1x80xi32, #tpu.memory_space<vmem>>
        %dma_wait3A_1217 = tpu.memref_squeeze %dma_wait3A_1216 : memref<1x1x80xi32, #tpu.memory_space<vmem>> -> memref<1x80xi32, #tpu.memory_space<vmem>>
        %dma_wait3A_1218 = arith.constant 0 : i32
        %dma_wait3A_1219 = arith.constant 0 : i32
        %dma_wait3A_1220 = tpu.memref_slice %arg3[%add3A, %dma_wait3A_1204, %dma_wait3A_1218, %dma_wait3A_1219] : memref<32x125x1x80xi32, #tpu.memory_space<hbm>> -> memref<1x1x1x80xi32, #tpu.memory_space<hbm>>
        %dma_wait3A_1221 = tpu.memref_squeeze %dma_wait3A_1220 : memref<1x1x1x80xi32, #tpu.memory_space<hbm>> -> memref<1x80xi32, #tpu.memory_space<hbm>>
        tpu.wait_dma2 semaphore(%arg9 : memref<!tpu.dma_semaphore, #tpu.memory_space<semaphore_mem>>) src(%dma_wait3A_1221 : memref<1x80xi32, #tpu.memory_space<hbm>>) dst(%dma_wait3A_1217 : memref<1x80xi32, #tpu.memory_space<vmem>>)
        %dma_start3A_1222 = arith.constant 0 : i32
        %dma_start3A_1223 = arith.constant 0 : i32
        %dma_start3A_1224 = arith.constant 0 : i32
        %dma_start3A_1225 = arith.constant 0 : i32
        %dma_start3A_1226 = arith.constant 0 : i32
        %dma_start3A_1227 = tpu.memref_slice %arg7[%dma_start3A_1224, %dma_start3A_1225, %dma_start3A_1226] : memref<4x80x128xf32, #tpu.memory_space<vmem>> -> memref<1x80x128xf32, #tpu.memory_space<vmem>>
        %dma_start3A_1228 = tpu.memref_squeeze %dma_start3A_1227 : memref<1x80x128xf32, #tpu.memory_space<vmem>> -> memref<80x128xf32, #tpu.memory_space<vmem>>
        %dma_start3A_1229 = arith.constant 0 : i32
        %dma_start3A_1230 = tpu.memref_slice %arg6[%dma_start3A_1222, %dma_start3A_1223, %dma_start3A_1229] : memref<4x2x80xi32, #tpu.memory_space<vmem>> -> memref<1x1x80xi32, #tpu.memory_space<vmem>>
        %dma_start3A_1231 = tpu.memref_squeeze %dma_start3A_1230 : memref<1x1x80xi32, #tpu.memory_space<vmem>> -> memref<80xi32, #tpu.memory_space<vmem>>
        %dma_start3A_1232 = arith.constant 0 : i32
        %dma_start3A_1233 = arith.constant 0 : i32
        %dma_start3A_1234 = tpu.memref_slice %arg2[%dma_start3A_1232, %dma_start3A_1233] : memref<10000x128xf32, #tpu.memory_space<hbm>> -> memref<10000x128xf32, #tpu.memory_space<hbm>>
        tpu.enqueue_indirect_dma source(%dma_start3A_1234 : memref<10000x128xf32, #tpu.memory_space<hbm>>) target(%dma_start3A_1228 : memref<80x128xf32, #tpu.memory_space<vmem>>) offsets(%dma_start3A_1231 : memref<80xi32, #tpu.memory_space<vmem>>) semaphore(%arg9 : memref<!tpu.dma_semaphore, #tpu.memory_space<semaphore_mem>>)
      } else {
      }
      %add3A_1121 = arith.constant 4 : i32
      %add3A_1122 = arith.addi %mul3A_889, %add3A_1121 : i32
      %add3A_1123 = arith.constant 1 : i32
      %add3A_1124 = arith.addi %add3A_1122, %add3A_1123 : i32
      %dma_wait3A_1125 = arith.constant 1 : i32
      %dma_wait3A_1126 = arith.constant 1 : i32
      %dma_wait3A_1127 = arith.constant 1 : i32
      %dma_wait3A_1128 = arith.constant 0 : i32
      %dma_wait3A_1129 = arith.constant 0 : i32
      %dma_wait3A_1130 = tpu.memref_slice %arg7[%dma_wait3A_1125, %dma_wait3A_1128, %dma_wait3A_1129] : memref<4x80x128xf32, #tpu.memory_space<vmem>> -> memref<1x80x128xf32, #tpu.memory_space<vmem>>
      %dma_wait3A_1131 = tpu.memref_squeeze %dma_wait3A_1130 : memref<1x80x128xf32, #tpu.memory_space<vmem>> -> memref<80x128xf32, #tpu.memory_space<vmem>>
      %dma_wait3A_1132 = arith.constant 0 : i32
      %dma_wait3A_1133 = tpu.memref_slice %arg6[%dma_wait3A_1126, %dma_wait3A_1127, %dma_wait3A_1132] : memref<4x2x80xi32, #tpu.memory_space<vmem>> -> memref<1x1x80xi32, #tpu.memory_space<vmem>>
      %dma_wait3A_1134 = tpu.memref_squeeze %dma_wait3A_1133 : memref<1x1x80xi32, #tpu.memory_space<vmem>> -> memref<80xi32, #tpu.memory_space<vmem>>
      %dma_wait3A_1135 = arith.constant 0 : i32
      %dma_wait3A_1136 = arith.constant 0 : i32
      %dma_wait3A_1137 = tpu.memref_slice %arg8[%dma_wait3A_1135, %dma_wait3A_1136] : memref<10240x128xf32, #tpu.memory_space<vmem_shared>> -> memref<10240x128xf32, #tpu.memory_space<vmem_shared>>
      tpu.wait_indirect_dma semaphore(%arg14 : memref<!tpu.dma_semaphore, #tpu.memory_space<semaphore_mem>>) src(%dma_wait3A_1131 : memref<80x128xf32, #tpu.memory_space<vmem>>) dst(%dma_wait3A_1137 : memref<10240x128xf32, #tpu.memory_space<vmem_shared>>)
      %lt3A_1138 = arith.constant 125 : i32
      %lt3A_1139 = arith.cmpi slt, %add3A_1124, %lt3A_1138 : i32
      %convert_element_type3A_1140 = arith.extui %lt3A_1139 : i1 to i32
      %cond3A_1141 = arith.constant 0 : i32
      %cond3A_1142 = arith.cmpi ne, %convert_element_type3A_1140, %cond3A_1141 : i32
      scf.if %cond3A_1142 {
        %dma_start3A_1187 = arith.constant 1 : i32
        %dma_start3A_1188 = arith.constant 1 : i32
        %dma_start3A_1189 = arith.constant 0 : i32
        %dma_start3A_1190 = tpu.memref_slice %arg6[%dma_start3A_1187, %dma_start3A_1188, %dma_start3A_1189] : memref<4x2x80xi32, #tpu.memory_space<vmem>> -> memref<1x1x80xi32, #tpu.memory_space<vmem>>
        %dma_start3A_1191 = tpu.memref_squeeze %dma_start3A_1190 : memref<1x1x80xi32, #tpu.memory_space<vmem>> -> memref<1x80xi32, #tpu.memory_space<vmem>>
        %dma_start3A_1192 = arith.constant 0 : i32
        %dma_start3A_1193 = arith.constant 0 : i32
        %dma_start3A_1194 = tpu.memref_slice %arg4[%add3A, %add3A_1124, %dma_start3A_1192, %dma_start3A_1193] : memref<32x125x1x80xi32, #tpu.memory_space<hbm>> -> memref<1x1x1x80xi32, #tpu.memory_space<hbm>>
        %dma_start3A_1195 = tpu.memref_squeeze %dma_start3A_1194 : memref<1x1x1x80xi32, #tpu.memory_space<hbm>> -> memref<1x80xi32, #tpu.memory_space<hbm>>
        %dma_start3A_1196 = arith.constant 1 : i32
        %dma_start3A_1197 = arith.constant 0 : i32
        %dma_start3A_1198 = tpu.memref_slice %arg6[%dma_start3A_1187, %dma_start3A_1196, %dma_start3A_1197] : memref<4x2x80xi32, #tpu.memory_space<vmem>> -> memref<1x1x80xi32, #tpu.memory_space<vmem>>
        %dma_start3A_1199 = tpu.memref_squeeze %dma_start3A_1198 : memref<1x1x80xi32, #tpu.memory_space<vmem>> -> memref<1x80xi32, #tpu.memory_space<vmem>>
        %dma_start3A_1200 = arith.constant 0 : i32
        %dma_start3A_1201 = arith.constant 0 : i32
        %dma_start3A_1202 = tpu.memref_slice %arg4[%add3A, %add3A_1124, %dma_start3A_1200, %dma_start3A_1201] : memref<32x125x1x80xi32, #tpu.memory_space<hbm>> -> memref<1x1x1x80xi32, #tpu.memory_space<hbm>>
        %dma_start3A_1203 = tpu.memref_squeeze %dma_start3A_1202 : memref<1x1x1x80xi32, #tpu.memory_space<hbm>> -> memref<1x80xi32, #tpu.memory_space<hbm>>
        tpu.enqueue_dma source(%dma_start3A_1203 : memref<1x80xi32, #tpu.memory_space<hbm>>) target(%dma_start3A_1199 : memref<1x80xi32, #tpu.memory_space<vmem>>) target_semaphore(%arg14 : memref<!tpu.dma_semaphore, #tpu.memory_space<semaphore_mem>>)
        %dma_wait3A_1204 = arith.constant 0 : i32
        %dma_wait3A_1205 = arith.constant 1 : i32
        %dma_wait3A_1206 = arith.constant 0 : i32
        %dma_wait3A_1207 = arith.constant 0 : i32
        %dma_wait3A_1208 = tpu.memref_slice %arg6[%dma_wait3A_1205, %dma_wait3A_1206, %dma_wait3A_1207] : memref<4x2x80xi32, #tpu.memory_space<vmem>> -> memref<1x1x80xi32, #tpu.memory_space<vmem>>
        %dma_wait3A_1209 = tpu.memref_squeeze %dma_wait3A_1208 : memref<1x1x80xi32, #tpu.memory_space<vmem>> -> memref<1x80xi32, #tpu.memory_space<vmem>>
        %dma_wait3A_1210 = arith.constant 0 : i32
        %dma_wait3A_1211 = arith.constant 0 : i32
        %dma_wait3A_1212 = tpu.memref_slice %arg3[%add3A, %dma_wait3A_1204, %dma_wait3A_1210, %dma_wait3A_1211] : memref<32x125x1x80xi32, #tpu.memory_space<hbm>> -> memref<1x1x1x80xi32, #tpu.memory_space<hbm>>
        %dma_wait3A_1213 = tpu.memref_squeeze %dma_wait3A_1212 : memref<1x1x1x80xi32, #tpu.memory_space<hbm>> -> memref<1x80xi32, #tpu.memory_space<hbm>>
        %dma_wait3A_1214 = arith.constant 0 : i32
        %dma_wait3A_1215 = arith.constant 0 : i32
        %dma_wait3A_1216 = tpu.memref_slice %arg6[%dma_wait3A_1205, %dma_wait3A_1214, %dma_wait3A_1215] : memref<4x2x80xi32, #tpu.memory_space<vmem>> -> memref<1x1x80xi32, #tpu.memory_space<vmem>>
        %dma_wait3A_1217 = tpu.memref_squeeze %dma_wait3A_1216 : memref<1x1x80xi32, #tpu.memory_space<vmem>> -> memref<1x80xi32, #tpu.memory_space<vmem>>
        %dma_wait3A_1218 = arith.constant 0 : i32
        %dma_wait3A_1219 = arith.constant 0 : i32
        %dma_wait3A_1220 = tpu.memref_slice %arg3[%add3A, %dma_wait3A_1204, %dma_wait3A_1218, %dma_wait3A_1219] : memref<32x125x1x80xi32, #tpu.memory_space<hbm>> -> memref<1x1x1x80xi32, #tpu.memory_space<hbm>>
        %dma_wait3A_1221 = tpu.memref_squeeze %dma_wait3A_1220 : memref<1x1x1x80xi32, #tpu.memory_space<hbm>> -> memref<1x80xi32, #tpu.memory_space<hbm>>
        tpu.wait_dma2 semaphore(%arg10 : memref<!tpu.dma_semaphore, #tpu.memory_space<semaphore_mem>>) src(%dma_wait3A_1221 : memref<1x80xi32, #tpu.memory_space<hbm>>) dst(%dma_wait3A_1217 : memref<1x80xi32, #tpu.memory_space<vmem>>)
        %dma_start3A_1222 = arith.constant 1 : i32
        %dma_start3A_1223 = arith.constant 0 : i32
        %dma_start3A_1224 = arith.constant 1 : i32
        %dma_start3A_1225 = arith.constant 0 : i32
        %dma_start3A_1226 = arith.constant 0 : i32
        %dma_start3A_1227 = tpu.memref_slice %arg7[%dma_start3A_1224, %dma_start3A_1225, %dma_start3A_1226] : memref<4x80x128xf32, #tpu.memory_space<vmem>> -> memref<1x80x128xf32, #tpu.memory_space<vmem>>
        %dma_start3A_1228 = tpu.memref_squeeze %dma_start3A_1227 : memref<1x80x128xf32, #tpu.memory_space<vmem>> -> memref<80x128xf32, #tpu.memory_space<vmem>>
        %dma_start3A_1229 = arith.constant 0 : i32
        %dma_start3A_1230 = tpu.memref_slice %arg6[%dma_start3A_1222, %dma_start3A_1223, %dma_start3A_1229] : memref<4x2x80xi32, #tpu.memory_space<vmem>> -> memref<1x1x80xi32, #tpu.memory_space<vmem>>
        %dma_start3A_1231 = tpu.memref_squeeze %dma_start3A_1230 : memref<1x1x80xi32, #tpu.memory_space<vmem>> -> memref<80xi32, #tpu.memory_space<vmem>>
        %dma_start3A_1232 = arith.constant 0 : i32
        %dma_start3A_1233 = arith.constant 0 : i32
        %dma_start3A_1234 = tpu.memref_slice %arg2[%dma_start3A_1232, %dma_start3A_1233] : memref<10000x128xf32, #tpu.memory_space<hbm>> -> memref<10000x128xf32, #tpu.memory_space<hbm>>
        tpu.enqueue_indirect_dma source(%dma_start3A_1234 : memref<10000x128xf32, #tpu.memory_space<hbm>>) target(%dma_start3A_1228 : memref<80x128xf32, #tpu.memory_space<vmem>>) offsets(%dma_start3A_1231 : memref<80xi32, #tpu.memory_space<vmem>>) semaphore(%arg10 : memref<!tpu.dma_semaphore, #tpu.memory_space<semaphore_mem>>)
      } else {
      }
      %add3A_1143 = arith.constant 4 : i32
      %add3A_1144 = arith.addi %mul3A_889, %add3A_1143 : i32
      %add3A_1145 = arith.constant 2 : i32
      %add3A_1146 = arith.addi %add3A_1144, %add3A_1145 : i32
      %dma_wait3A_1147 = arith.constant 2 : i32
      %dma_wait3A_1148 = arith.constant 2 : i32
      %dma_wait3A_1149 = arith.constant 1 : i32
      %dma_wait3A_1150 = arith.constant 0 : i32
      %dma_wait3A_1151 = arith.constant 0 : i32
      %dma_wait3A_1152 = tpu.memref_slice %arg7[%dma_wait3A_1147, %dma_wait3A_1150, %dma_wait3A_1151] : memref<4x80x128xf32, #tpu.memory_space<vmem>> -> memref<1x80x128xf32, #tpu.memory_space<vmem>>
      %dma_wait3A_1153 = tpu.memref_squeeze %dma_wait3A_1152 : memref<1x80x128xf32, #tpu.memory_space<vmem>> -> memref<80x128xf32, #tpu.memory_space<vmem>>
      %dma_wait3A_1154 = arith.constant 0 : i32
      %dma_wait3A_1155 = tpu.memref_slice %arg6[%dma_wait3A_1148, %dma_wait3A_1149, %dma_wait3A_1154] : memref<4x2x80xi32, #tpu.memory_space<vmem>> -> memref<1x1x80xi32, #tpu.memory_space<vmem>>
      %dma_wait3A_1156 = tpu.memref_squeeze %dma_wait3A_1155 : memref<1x1x80xi32, #tpu.memory_space<vmem>> -> memref<80xi32, #tpu.memory_space<vmem>>
      %dma_wait3A_1157 = arith.constant 0 : i32
      %dma_wait3A_1158 = arith.constant 0 : i32
      %dma_wait3A_1159 = tpu.memref_slice %arg8[%dma_wait3A_1157, %dma_wait3A_1158] : memref<10240x128xf32, #tpu.memory_space<vmem_shared>> -> memref<10240x128xf32, #tpu.memory_space<vmem_shared>>
      tpu.wait_indirect_dma semaphore(%arg15 : memref<!tpu.dma_semaphore, #tpu.memory_space<semaphore_mem>>) src(%dma_wait3A_1153 : memref<80x128xf32, #tpu.memory_space<vmem>>) dst(%dma_wait3A_1159 : memref<10240x128xf32, #tpu.memory_space<vmem_shared>>)
      %lt3A_1160 = arith.constant 125 : i32
      %lt3A_1161 = arith.cmpi slt, %add3A_1146, %lt3A_1160 : i32
      %convert_element_type3A_1162 = arith.extui %lt3A_1161 : i1 to i32
      %cond3A_1163 = arith.constant 0 : i32
      %cond3A_1164 = arith.cmpi ne, %convert_element_type3A_1162, %cond3A_1163 : i32
      scf.if %cond3A_1164 {
        %dma_start3A_1187 = arith.constant 2 : i32
        %dma_start3A_1188 = arith.constant 1 : i32
        %dma_start3A_1189 = arith.constant 0 : i32
        %dma_start3A_1190 = tpu.memref_slice %arg6[%dma_start3A_1187, %dma_start3A_1188, %dma_start3A_1189] : memref<4x2x80xi32, #tpu.memory_space<vmem>> -> memref<1x1x80xi32, #tpu.memory_space<vmem>>
        %dma_start3A_1191 = tpu.memref_squeeze %dma_start3A_1190 : memref<1x1x80xi32, #tpu.memory_space<vmem>> -> memref<1x80xi32, #tpu.memory_space<vmem>>
        %dma_start3A_1192 = arith.constant 0 : i32
        %dma_start3A_1193 = arith.constant 0 : i32
        %dma_start3A_1194 = tpu.memref_slice %arg4[%add3A, %add3A_1146, %dma_start3A_1192, %dma_start3A_1193] : memref<32x125x1x80xi32, #tpu.memory_space<hbm>> -> memref<1x1x1x80xi32, #tpu.memory_space<hbm>>
        %dma_start3A_1195 = tpu.memref_squeeze %dma_start3A_1194 : memref<1x1x1x80xi32, #tpu.memory_space<hbm>> -> memref<1x80xi32, #tpu.memory_space<hbm>>
        %dma_start3A_1196 = arith.constant 1 : i32
        %dma_start3A_1197 = arith.constant 0 : i32
        %dma_start3A_1198 = tpu.memref_slice %arg6[%dma_start3A_1187, %dma_start3A_1196, %dma_start3A_1197] : memref<4x2x80xi32, #tpu.memory_space<vmem>> -> memref<1x1x80xi32, #tpu.memory_space<vmem>>
        %dma_start3A_1199 = tpu.memref_squeeze %dma_start3A_1198 : memref<1x1x80xi32, #tpu.memory_space<vmem>> -> memref<1x80xi32, #tpu.memory_space<vmem>>
        %dma_start3A_1200 = arith.constant 0 : i32
        %dma_start3A_1201 = arith.constant 0 : i32
        %dma_start3A_1202 = tpu.memref_slice %arg4[%add3A, %add3A_1146, %dma_start3A_1200, %dma_start3A_1201] : memref<32x125x1x80xi32, #tpu.memory_space<hbm>> -> memref<1x1x1x80xi32, #tpu.memory_space<hbm>>
        %dma_start3A_1203 = tpu.memref_squeeze %dma_start3A_1202 : memref<1x1x1x80xi32, #tpu.memory_space<hbm>> -> memref<1x80xi32, #tpu.memory_space<hbm>>
        tpu.enqueue_dma source(%dma_start3A_1203 : memref<1x80xi32, #tpu.memory_space<hbm>>) target(%dma_start3A_1199 : memref<1x80xi32, #tpu.memory_space<vmem>>) target_semaphore(%arg15 : memref<!tpu.dma_semaphore, #tpu.memory_space<semaphore_mem>>)
        %dma_wait3A_1204 = arith.constant 0 : i32
        %dma_wait3A_1205 = arith.constant 2 : i32
        %dma_wait3A_1206 = arith.constant 0 : i32
        %dma_wait3A_1207 = arith.constant 0 : i32
        %dma_wait3A_1208 = tpu.memref_slice %arg6[%dma_wait3A_1205, %dma_wait3A_1206, %dma_wait3A_1207] : memref<4x2x80xi32, #tpu.memory_space<vmem>> -> memref<1x1x80xi32, #tpu.memory_space<vmem>>
        %dma_wait3A_1209 = tpu.memref_squeeze %dma_wait3A_1208 : memref<1x1x80xi32, #tpu.memory_space<vmem>> -> memref<1x80xi32, #tpu.memory_space<vmem>>
        %dma_wait3A_1210 = arith.constant 0 : i32
        %dma_wait3A_1211 = arith.constant 0 : i32
        %dma_wait3A_1212 = tpu.memref_slice %arg3[%add3A, %dma_wait3A_1204, %dma_wait3A_1210, %dma_wait3A_1211] : memref<32x125x1x80xi32, #tpu.memory_space<hbm>> -> memref<1x1x1x80xi32, #tpu.memory_space<hbm>>
        %dma_wait3A_1213 = tpu.memref_squeeze %dma_wait3A_1212 : memref<1x1x1x80xi32, #tpu.memory_space<hbm>> -> memref<1x80xi32, #tpu.memory_space<hbm>>
        %dma_wait3A_1214 = arith.constant 0 : i32
        %dma_wait3A_1215 = arith.constant 0 : i32
        %dma_wait3A_1216 = tpu.memref_slice %arg6[%dma_wait3A_1205, %dma_wait3A_1214, %dma_wait3A_1215] : memref<4x2x80xi32, #tpu.memory_space<vmem>> -> memref<1x1x80xi32, #tpu.memory_space<vmem>>
        %dma_wait3A_1217 = tpu.memref_squeeze %dma_wait3A_1216 : memref<1x1x80xi32, #tpu.memory_space<vmem>> -> memref<1x80xi32, #tpu.memory_space<vmem>>
        %dma_wait3A_1218 = arith.constant 0 : i32
        %dma_wait3A_1219 = arith.constant 0 : i32
        %dma_wait3A_1220 = tpu.memref_slice %arg3[%add3A, %dma_wait3A_1204, %dma_wait3A_1218, %dma_wait3A_1219] : memref<32x125x1x80xi32, #tpu.memory_space<hbm>> -> memref<1x1x1x80xi32, #tpu.memory_space<hbm>>
        %dma_wait3A_1221 = tpu.memref_squeeze %dma_wait3A_1220 : memref<1x1x1x80xi32, #tpu.memory_space<hbm>> -> memref<1x80xi32, #tpu.memory_space<hbm>>
        tpu.wait_dma2 semaphore(%arg11 : memref<!tpu.dma_semaphore, #tpu.memory_space<semaphore_mem>>) src(%dma_wait3A_1221 : memref<1x80xi32, #tpu.memory_space<hbm>>) dst(%dma_wait3A_1217 : memref<1x80xi32, #tpu.memory_space<vmem>>)
        %dma_start3A_1222 = arith.constant 2 : i32
        %dma_start3A_1223 = arith.constant 0 : i32
        %dma_start3A_1224 = arith.constant 2 : i32
        %dma_start3A_1225 = arith.constant 0 : i32
        %dma_start3A_1226 = arith.constant 0 : i32
        %dma_start3A_1227 = tpu.memref_slice %arg7[%dma_start3A_1224, %dma_start3A_1225, %dma_start3A_1226] : memref<4x80x128xf32, #tpu.memory_space<vmem>> -> memref<1x80x128xf32, #tpu.memory_space<vmem>>
        %dma_start3A_1228 = tpu.memref_squeeze %dma_start3A_1227 : memref<1x80x128xf32, #tpu.memory_space<vmem>> -> memref<80x128xf32, #tpu.memory_space<vmem>>
        %dma_start3A_1229 = arith.constant 0 : i32
        %dma_start3A_1230 = tpu.memref_slice %arg6[%dma_start3A_1222, %dma_start3A_1223, %dma_start3A_1229] : memref<4x2x80xi32, #tpu.memory_space<vmem>> -> memref<1x1x80xi32, #tpu.memory_space<vmem>>
        %dma_start3A_1231 = tpu.memref_squeeze %dma_start3A_1230 : memref<1x1x80xi32, #tpu.memory_space<vmem>> -> memref<80xi32, #tpu.memory_space<vmem>>
        %dma_start3A_1232 = arith.constant 0 : i32
        %dma_start3A_1233 = arith.constant 0 : i32
        %dma_start3A_1234 = tpu.memref_slice %arg2[%dma_start3A_1232, %dma_start3A_1233] : memref<10000x128xf32, #tpu.memory_space<hbm>> -> memref<10000x128xf32, #tpu.memory_space<hbm>>
        tpu.enqueue_indirect_dma source(%dma_start3A_1234 : memref<10000x128xf32, #tpu.memory_space<hbm>>) target(%dma_start3A_1228 : memref<80x128xf32, #tpu.memory_space<vmem>>) offsets(%dma_start3A_1231 : memref<80xi32, #tpu.memory_space<vmem>>) semaphore(%arg11 : memref<!tpu.dma_semaphore, #tpu.memory_space<semaphore_mem>>)
      } else {
      }
      %add3A_1165 = arith.constant 4 : i32
      %add3A_1166 = arith.addi %mul3A_889, %add3A_1165 : i32
      %add3A_1167 = arith.constant 3 : i32
      %add3A_1168 = arith.addi %add3A_1166, %add3A_1167 : i32
      %dma_wait3A_1169 = arith.constant 3 : i32
      %dma_wait3A_1170 = arith.constant 3 : i32
      %dma_wait3A_1171 = arith.constant 1 : i32
      %dma_wait3A_1172 = arith.constant 0 : i32
      %dma_wait3A_1173 = arith.constant 0 : i32
      %dma_wait3A_1174 = tpu.memref_slice %arg7[%dma_wait3A_1169, %dma_wait3A_1172, %dma_wait3A_1173] : memref<4x80x128xf32, #tpu.memory_space<vmem>> -> memref<1x80x128xf32, #tpu.memory_space<vmem>>
      %dma_wait3A_1175 = tpu.memref_squeeze %dma_wait3A_1174 : memref<1x80x128xf32, #tpu.memory_space<vmem>> -> memref<80x128xf32, #tpu.memory_space<vmem>>
      %dma_wait3A_1176 = arith.constant 0 : i32
      %dma_wait3A_1177 = tpu.memref_slice %arg6[%dma_wait3A_1170, %dma_wait3A_1171, %dma_wait3A_1176] : memref<4x2x80xi32, #tpu.memory_space<vmem>> -> memref<1x1x80xi32, #tpu.memory_space<vmem>>
      %dma_wait3A_1178 = tpu.memref_squeeze %dma_wait3A_1177 : memref<1x1x80xi32, #tpu.memory_space<vmem>> -> memref<80xi32, #tpu.memory_space<vmem>>
      %dma_wait3A_1179 = arith.constant 0 : i32
      %dma_wait3A_1180 = arith.constant 0 : i32
      %dma_wait3A_1181 = tpu.memref_slice %arg8[%dma_wait3A_1179, %dma_wait3A_1180] : memref<10240x128xf32, #tpu.memory_space<vmem_shared>> -> memref<10240x128xf32, #tpu.memory_space<vmem_shared>>
      tpu.wait_indirect_dma semaphore(%arg16 : memref<!tpu.dma_semaphore, #tpu.memory_space<semaphore_mem>>) src(%dma_wait3A_1175 : memref<80x128xf32, #tpu.memory_space<vmem>>) dst(%dma_wait3A_1181 : memref<10240x128xf32, #tpu.memory_space<vmem_shared>>)
      %lt3A_1182 = arith.constant 125 : i32
      %lt3A_1183 = arith.cmpi slt, %add3A_1168, %lt3A_1182 : i32
      %convert_element_type3A_1184 = arith.extui %lt3A_1183 : i1 to i32
      %cond3A_1185 = arith.constant 0 : i32
      %cond3A_1186 = arith.cmpi ne, %convert_element_type3A_1184, %cond3A_1185 : i32
      scf.if %cond3A_1186 {
        %dma_start3A_1187 = arith.constant 3 : i32
        %dma_start3A_1188 = arith.constant 1 : i32
        %dma_start3A_1189 = arith.constant 0 : i32
        %dma_start3A_1190 = tpu.memref_slice %arg6[%dma_start3A_1187, %dma_start3A_1188, %dma_start3A_1189] : memref<4x2x80xi32, #tpu.memory_space<vmem>> -> memref<1x1x80xi32, #tpu.memory_space<vmem>>
        %dma_start3A_1191 = tpu.memref_squeeze %dma_start3A_1190 : memref<1x1x80xi32, #tpu.memory_space<vmem>> -> memref<1x80xi32, #tpu.memory_space<vmem>>
        %dma_start3A_1192 = arith.constant 0 : i32
        %dma_start3A_1193 = arith.constant 0 : i32
        %dma_start3A_1194 = tpu.memref_slice %arg4[%add3A, %add3A_1168, %dma_start3A_1192, %dma_start3A_1193] : memref<32x125x1x80xi32, #tpu.memory_space<hbm>> -> memref<1x1x1x80xi32, #tpu.memory_space<hbm>>
        %dma_start3A_1195 = tpu.memref_squeeze %dma_start3A_1194 : memref<1x1x1x80xi32, #tpu.memory_space<hbm>> -> memref<1x80xi32, #tpu.memory_space<hbm>>
        %dma_start3A_1196 = arith.constant 1 : i32
        %dma_start3A_1197 = arith.constant 0 : i32
        %dma_start3A_1198 = tpu.memref_slice %arg6[%dma_start3A_1187, %dma_start3A_1196, %dma_start3A_1197] : memref<4x2x80xi32, #tpu.memory_space<vmem>> -> memref<1x1x80xi32, #tpu.memory_space<vmem>>
        %dma_start3A_1199 = tpu.memref_squeeze %dma_start3A_1198 : memref<1x1x80xi32, #tpu.memory_space<vmem>> -> memref<1x80xi32, #tpu.memory_space<vmem>>
        %dma_start3A_1200 = arith.constant 0 : i32
        %dma_start3A_1201 = arith.constant 0 : i32
        %dma_start3A_1202 = tpu.memref_slice %arg4[%add3A, %add3A_1168, %dma_start3A_1200, %dma_start3A_1201] : memref<32x125x1x80xi32, #tpu.memory_space<hbm>> -> memref<1x1x1x80xi32, #tpu.memory_space<hbm>>
        %dma_start3A_1203 = tpu.memref_squeeze %dma_start3A_1202 : memref<1x1x1x80xi32, #tpu.memory_space<hbm>> -> memref<1x80xi32, #tpu.memory_space<hbm>>
        tpu.enqueue_dma source(%dma_start3A_1203 : memref<1x80xi32, #tpu.memory_space<hbm>>) target(%dma_start3A_1199 : memref<1x80xi32, #tpu.memory_space<vmem>>) target_semaphore(%arg16 : memref<!tpu.dma_semaphore, #tpu.memory_space<semaphore_mem>>)
        %dma_wait3A_1204 = arith.constant 0 : i32
        %dma_wait3A_1205 = arith.constant 3 : i32
        %dma_wait3A_1206 = arith.constant 0 : i32
        %dma_wait3A_1207 = arith.constant 0 : i32
        %dma_wait3A_1208 = tpu.memref_slice %arg6[%dma_wait3A_1205, %dma_wait3A_1206, %dma_wait3A_1207] : memref<4x2x80xi32, #tpu.memory_space<vmem>> -> memref<1x1x80xi32, #tpu.memory_space<vmem>>
        %dma_wait3A_1209 = tpu.memref_squeeze %dma_wait3A_1208 : memref<1x1x80xi32, #tpu.memory_space<vmem>> -> memref<1x80xi32, #tpu.memory_space<vmem>>
        %dma_wait3A_1210 = arith.constant 0 : i32
        %dma_wait3A_1211 = arith.constant 0 : i32
        %dma_wait3A_1212 = tpu.memref_slice %arg3[%add3A, %dma_wait3A_1204, %dma_wait3A_1210, %dma_wait3A_1211] : memref<32x125x1x80xi32, #tpu.memory_space<hbm>> -> memref<1x1x1x80xi32, #tpu.memory_space<hbm>>
        %dma_wait3A_1213 = tpu.memref_squeeze %dma_wait3A_1212 : memref<1x1x1x80xi32, #tpu.memory_space<hbm>> -> memref<1x80xi32, #tpu.memory_space<hbm>>
        %dma_wait3A_1214 = arith.constant 0 : i32
        %dma_wait3A_1215 = arith.constant 0 : i32
        %dma_wait3A_1216 = tpu.memref_slice %arg6[%dma_wait3A_1205, %dma_wait3A_1214, %dma_wait3A_1215] : memref<4x2x80xi32, #tpu.memory_space<vmem>> -> memref<1x1x80xi32, #tpu.memory_space<vmem>>
        %dma_wait3A_1217 = tpu.memref_squeeze %dma_wait3A_1216 : memref<1x1x80xi32, #tpu.memory_space<vmem>> -> memref<1x80xi32, #tpu.memory_space<vmem>>
        %dma_wait3A_1218 = arith.constant 0 : i32
        %dma_wait3A_1219 = arith.constant 0 : i32
        %dma_wait3A_1220 = tpu.memref_slice %arg3[%add3A, %dma_wait3A_1204, %dma_wait3A_1218, %dma_wait3A_1219] : memref<32x125x1x80xi32, #tpu.memory_space<hbm>> -> memref<1x1x1x80xi32, #tpu.memory_space<hbm>>
        %dma_wait3A_1221 = tpu.memref_squeeze %dma_wait3A_1220 : memref<1x1x1x80xi32, #tpu.memory_space<hbm>> -> memref<1x80xi32, #tpu.memory_space<hbm>>
        tpu.wait_dma2 semaphore(%arg12 : memref<!tpu.dma_semaphore, #tpu.memory_space<semaphore_mem>>) src(%dma_wait3A_1221 : memref<1x80xi32, #tpu.memory_space<hbm>>) dst(%dma_wait3A_1217 : memref<1x80xi32, #tpu.memory_space<vmem>>)
        %dma_start3A_1222 = arith.constant 3 : i32
        %dma_start3A_1223 = arith.constant 0 : i32
        %dma_start3A_1224 = arith.constant 3 : i32
        %dma_start3A_1225 = arith.constant 0 : i32
        %dma_start3A_1226 = arith.constant 0 : i32
        %dma_start3A_1227 = tpu.memref_slice %arg7[%dma_start3A_1224, %dma_start3A_1225, %dma_start3A_1226] : memref<4x80x128xf32, #tpu.memory_space<vmem>> -> memref<1x80x128xf32, #tpu.memory_space<vmem>>
        %dma_start3A_1228 = tpu.memref_squeeze %dma_start3A_1227 : memref<1x80x128xf32, #tpu.memory_space<vmem>> -> memref<80x128xf32, #tpu.memory_space<vmem>>
        %dma_start3A_1229 = arith.constant 0 : i32
        %dma_start3A_1230 = tpu.memref_slice %arg6[%dma_start3A_1222, %dma_start3A_1223, %dma_start3A_1229] : memref<4x2x80xi32, #tpu.memory_space<vmem>> -> memref<1x1x80xi32, #tpu.memory_space<vmem>>
        %dma_start3A_1231 = tpu.memref_squeeze %dma_start3A_1230 : memref<1x1x80xi32, #tpu.memory_space<vmem>> -> memref<80xi32, #tpu.memory_space<vmem>>
        %dma_start3A_1232 = arith.constant 0 : i32
        %dma_start3A_1233 = arith.constant 0 : i32
        %dma_start3A_1234 = tpu.memref_slice %arg2[%dma_start3A_1232, %dma_start3A_1233] : memref<10000x128xf32, #tpu.memory_space<hbm>> -> memref<10000x128xf32, #tpu.memory_space<hbm>>
        tpu.enqueue_indirect_dma source(%dma_start3A_1234 : memref<10000x128xf32, #tpu.memory_space<hbm>>) target(%dma_start3A_1228 : memref<80x128xf32, #tpu.memory_space<vmem>>) offsets(%dma_start3A_1231 : memref<80xi32, #tpu.memory_space<vmem>>) semaphore(%arg12 : memref<!tpu.dma_semaphore, #tpu.memory_space<semaphore_mem>>)
      } else {
      }
    }
    %scan3A_533 = arith.constant 31 : i32
    %dma_wait3A_534 = arith.constant 0 : i32
    %dma_wait3A_535 = arith.constant 0 : i32
    %dma_wait3A_536 = arith.constant 0 : i32
    %dma_wait3A_537 = arith.constant 0 : i32
    %dma_wait3A_538 = arith.constant 0 : i32
    %dma_wait3A_539 = tpu.memref_slice %arg7[%dma_wait3A_536, %dma_wait3A_537, %dma_wait3A_538] : memref<4x80x128xf32, #tpu.memory_space<vmem>> -> memref<1x80x128xf32, #tpu.memory_space<vmem>>
    %dma_wait3A_540 = tpu.memref_squeeze %dma_wait3A_539 : memref<1x80x128xf32, #tpu.memory_space<vmem>> -> memref<80x128xf32, #tpu.memory_space<vmem>>
    %dma_wait3A_541 = arith.constant 0 : i32
    %dma_wait3A_542 = tpu.memref_slice %arg6[%dma_wait3A_534, %dma_wait3A_535, %dma_wait3A_541] : memref<4x2x80xi32, #tpu.memory_space<vmem>> -> memref<1x1x80xi32, #tpu.memory_space<vmem>>
    %dma_wait3A_543 = tpu.memref_squeeze %dma_wait3A_542 : memref<1x1x80xi32, #tpu.memory_space<vmem>> -> memref<80xi32, #tpu.memory_space<vmem>>
    %dma_wait3A_544 = arith.constant 0 : i32
    %dma_wait3A_545 = arith.constant 0 : i32
    %dma_wait3A_546 = tpu.memref_slice %arg2[%dma_wait3A_544, %dma_wait3A_545] : memref<10000x128xf32, #tpu.memory_space<hbm>> -> memref<10000x128xf32, #tpu.memory_space<hbm>>
    tpu.wait_indirect_dma semaphore(%arg9 : memref<!tpu.dma_semaphore, #tpu.memory_space<semaphore_mem>>) src(%dma_wait3A_546 : memref<10000x128xf32, #tpu.memory_space<hbm>>) dst(%dma_wait3A_540 : memref<80x128xf32, #tpu.memory_space<vmem>>)
    %dma_wait3A_547 = arith.constant 0 : i32
    %dma_wait3A_548 = arith.constant 0 : i32
    %dma_wait3A_549 = arith.constant 1 : i32
    %dma_wait3A_550 = arith.constant 0 : i32
    %dma_wait3A_551 = tpu.memref_slice %arg6[%dma_wait3A_548, %dma_wait3A_549, %dma_wait3A_550] : memref<4x2x80xi32, #tpu.memory_space<vmem>> -> memref<1x1x80xi32, #tpu.memory_space<vmem>>
    %dma_wait3A_552 = tpu.memref_squeeze %dma_wait3A_551 : memref<1x1x80xi32, #tpu.memory_space<vmem>> -> memref<1x80xi32, #tpu.memory_space<vmem>>
    %dma_wait3A_553 = arith.constant 0 : i32
    %dma_wait3A_554 = arith.constant 0 : i32
    %dma_wait3A_555 = tpu.memref_slice %arg4[%add3A, %dma_wait3A_547, %dma_wait3A_553, %dma_wait3A_554] : memref<32x125x1x80xi32, #tpu.memory_space<hbm>> -> memref<1x1x1x80xi32, #tpu.memory_space<hbm>>
    %dma_wait3A_556 = tpu.memref_squeeze %dma_wait3A_555 : memref<1x1x1x80xi32, #tpu.memory_space<hbm>> -> memref<1x80xi32, #tpu.memory_space<hbm>>
    %dma_wait3A_557 = arith.constant 1 : i32
    %dma_wait3A_558 = arith.constant 0 : i32
    %dma_wait3A_559 = tpu.memref_slice %arg6[%dma_wait3A_548, %dma_wait3A_557, %dma_wait3A_558] : memref<4x2x80xi32, #tpu.memory_space<vmem>> -> memref<1x1x80xi32, #tpu.memory_space<vmem>>
    %dma_wait3A_560 = tpu.memref_squeeze %dma_wait3A_559 : memref<1x1x80xi32, #tpu.memory_space<vmem>> -> memref<1x80xi32, #tpu.memory_space<vmem>>
    %dma_wait3A_561 = arith.constant 0 : i32
    %dma_wait3A_562 = arith.constant 0 : i32
    %dma_wait3A_563 = tpu.memref_slice %arg4[%add3A, %dma_wait3A_547, %dma_wait3A_561, %dma_wait3A_562] : memref<32x125x1x80xi32, #tpu.memory_space<hbm>> -> memref<1x1x1x80xi32, #tpu.memory_space<hbm>>
    %dma_wait3A_564 = tpu.memref_squeeze %dma_wait3A_563 : memref<1x1x1x80xi32, #tpu.memory_space<hbm>> -> memref<1x80xi32, #tpu.memory_space<hbm>>
    tpu.wait_dma2 semaphore(%arg13 : memref<!tpu.dma_semaphore, #tpu.memory_space<semaphore_mem>>) src(%dma_wait3A_564 : memref<1x80xi32, #tpu.memory_space<hbm>>) dst(%dma_wait3A_560 : memref<1x80xi32, #tpu.memory_space<vmem>>)
    %dma_start3A_565 = arith.constant 0 : i32
    %dma_start3A_566 = arith.constant 0 : i32
    %dma_start3A_567 = arith.constant 1 : i32
    %dma_start3A_568 = arith.constant 0 : i32
    %dma_start3A_569 = arith.constant 0 : i32
    %dma_start3A_570 = tpu.memref_slice %arg7[%dma_start3A_565, %dma_start3A_568, %dma_start3A_569] : memref<4x80x128xf32, #tpu.memory_space<vmem>> -> memref<1x80x128xf32, #tpu.memory_space<vmem>>
    %dma_start3A_571 = tpu.memref_squeeze %dma_start3A_570 : memref<1x80x128xf32, #tpu.memory_space<vmem>> -> memref<80x128xf32, #tpu.memory_space<vmem>>
    %dma_start3A_572 = arith.constant 0 : i32
    %dma_start3A_573 = tpu.memref_slice %arg6[%dma_start3A_566, %dma_start3A_567, %dma_start3A_572] : memref<4x2x80xi32, #tpu.memory_space<vmem>> -> memref<1x1x80xi32, #tpu.memory_space<vmem>>
    %dma_start3A_574 = tpu.memref_squeeze %dma_start3A_573 : memref<1x1x80xi32, #tpu.memory_space<vmem>> -> memref<80xi32, #tpu.memory_space<vmem>>
    %dma_start3A_575 = arith.constant 0 : i32
    %dma_start3A_576 = arith.constant 0 : i32
    %dma_start3A_577 = tpu.memref_slice %arg8[%dma_start3A_575, %dma_start3A_576] : memref<10240x128xf32, #tpu.memory_space<vmem_shared>> -> memref<10240x128xf32, #tpu.memory_space<vmem_shared>>
    tpu.enqueue_indirect_dma source(%dma_start3A_571 : memref<80x128xf32, #tpu.memory_space<vmem>>) target(%dma_start3A_577 : memref<10240x128xf32, #tpu.memory_space<vmem_shared>>) offsets(%dma_start3A_574 : memref<80xi32, #tpu.memory_space<vmem>>) semaphore(%arg13 : memref<!tpu.dma_semaphore, #tpu.memory_space<semaphore_mem>>) {add = true}
    %dma_wait3A_578 = arith.constant 0 : i32
    %dma_wait3A_579 = arith.constant 0 : i32
    %dma_wait3A_580 = arith.constant 1 : i32
    %dma_wait3A_581 = arith.constant 0 : i32
    %dma_wait3A_582 = arith.constant 0 : i32
    %dma_wait3A_583 = tpu.memref_slice %arg7[%dma_wait3A_578, %dma_wait3A_581, %dma_wait3A_582] : memref<4x80x128xf32, #tpu.memory_space<vmem>> -> memref<1x80x128xf32, #tpu.memory_space<vmem>>
    %dma_wait3A_584 = tpu.memref_squeeze %dma_wait3A_583 : memref<1x80x128xf32, #tpu.memory_space<vmem>> -> memref<80x128xf32, #tpu.memory_space<vmem>>
    %dma_wait3A_585 = arith.constant 0 : i32
    %dma_wait3A_586 = tpu.memref_slice %arg6[%dma_wait3A_579, %dma_wait3A_580, %dma_wait3A_585] : memref<4x2x80xi32, #tpu.memory_space<vmem>> -> memref<1x1x80xi32, #tpu.memory_space<vmem>>
    %dma_wait3A_587 = tpu.memref_squeeze %dma_wait3A_586 : memref<1x1x80xi32, #tpu.memory_space<vmem>> -> memref<80xi32, #tpu.memory_space<vmem>>
    %dma_wait3A_588 = arith.constant 0 : i32
    %dma_wait3A_589 = arith.constant 0 : i32
    %dma_wait3A_590 = tpu.memref_slice %arg8[%dma_wait3A_588, %dma_wait3A_589] : memref<10240x128xf32, #tpu.memory_space<vmem_shared>> -> memref<10240x128xf32, #tpu.memory_space<vmem_shared>>
    tpu.wait_indirect_dma semaphore(%arg13 : memref<!tpu.dma_semaphore, #tpu.memory_space<semaphore_mem>>) src(%dma_wait3A_584 : memref<80x128xf32, #tpu.memory_space<vmem>>) dst(%dma_wait3A_590 : memref<10240x128xf32, #tpu.memory_space<vmem_shared>>)
    %barrier3A_591 = arith.constant 0 : index
    tpu.barrier barrier_id(%barrier3A_591)
    %mul3A_592 = arith.constant 640 : i32
    %mul3A_593 = arith.muli %arg1, %mul3A_592 : i32
    %add3A_594 = arith.constant 0 : i32
    %add3A_595 = arith.addi %mul3A_593, %add3A_594 : i32
    %run_scoped3A = arith.constant 0 : i32
    "tpu.region"() ({
      %run_scoped3A_887 = tpu.sem_alloc : memref<!tpu.dma_semaphore, #tpu.memory_space<semaphore_mem>>
      %dma_start3A_888 = arith.constant 0 : i32
      %dma_start3A_889 = arith.constant 0 : i32
      %dma_start3A_890 = tpu.memref_slice %arg7[%run_scoped3A, %dma_start3A_888, %dma_start3A_889] : memref<4x80x128xf32, #tpu.memory_space<vmem>> -> memref<1x80x128xf32, #tpu.memory_space<vmem>>
      %dma_start3A_891 = tpu.memref_squeeze %dma_start3A_890 : memref<1x80x128xf32, #tpu.memory_space<vmem>> -> memref<80x128xf32, #tpu.memory_space<vmem>>
      %dma_start3A_892 = arith.constant 0 : i32
      %dma_start3A_893 = tpu.memref_slice %arg8[%add3A_595, %dma_start3A_892] : memref<10240x128xf32, #tpu.memory_space<vmem_shared>> -> memref<80x128xf32, #tpu.memory_space<vmem_shared>>
      %dma_start3A_894 = arith.constant 0 : i32
      %dma_start3A_895 = arith.constant 0 : i32
      %dma_start3A_896 = tpu.memref_slice %arg7[%run_scoped3A, %dma_start3A_894, %dma_start3A_895] : memref<4x80x128xf32, #tpu.memory_space<vmem>> -> memref<1x80x128xf32, #tpu.memory_space<vmem>>
      %dma_start3A_897 = tpu.memref_squeeze %dma_start3A_896 : memref<1x80x128xf32, #tpu.memory_space<vmem>> -> memref<80x128xf32, #tpu.memory_space<vmem>>
      %dma_start3A_898 = arith.constant 0 : i32
      %dma_start3A_899 = tpu.memref_slice %arg8[%add3A_595, %dma_start3A_898] : memref<10240x128xf32, #tpu.memory_space<vmem_shared>> -> memref<80x128xf32, #tpu.memory_space<vmem_shared>>
      tpu.enqueue_dma source(%dma_start3A_899 : memref<80x128xf32, #tpu.memory_space<vmem_shared>>) target(%dma_start3A_897 : memref<80x128xf32, #tpu.memory_space<vmem>>) target_semaphore(%run_scoped3A_887 : memref<!tpu.dma_semaphore, #tpu.memory_space<semaphore_mem>>)
      %dma_wait3A_900 = arith.constant 0 : i32
      %dma_wait3A_901 = arith.constant 0 : i32
      %dma_wait3A_902 = tpu.memref_slice %arg7[%run_scoped3A, %dma_wait3A_900, %dma_wait3A_901] : memref<4x80x128xf32, #tpu.memory_space<vmem>> -> memref<1x80x128xf32, #tpu.memory_space<vmem>>
      %dma_wait3A_903 = tpu.memref_squeeze %dma_wait3A_902 : memref<1x80x128xf32, #tpu.memory_space<vmem>> -> memref<80x128xf32, #tpu.memory_space<vmem>>
      %dma_wait3A_904 = arith.constant 0 : i32
      %dma_wait3A_905 = tpu.memref_slice %arg8[%add3A_595, %dma_wait3A_904] : memref<10240x128xf32, #tpu.memory_space<vmem_shared>> -> memref<80x128xf32, #tpu.memory_space<vmem_shared>>
      %dma_wait3A_906 = arith.constant 0 : i32
      %dma_wait3A_907 = arith.constant 0 : i32
      %dma_wait3A_908 = tpu.memref_slice %arg7[%run_scoped3A, %dma_wait3A_906, %dma_wait3A_907] : memref<4x80x128xf32, #tpu.memory_space<vmem>> -> memref<1x80x128xf32, #tpu.memory_space<vmem>>
      %dma_wait3A_909 = tpu.memref_squeeze %dma_wait3A_908 : memref<1x80x128xf32, #tpu.memory_space<vmem>> -> memref<80x128xf32, #tpu.memory_space<vmem>>
      %dma_wait3A_910 = arith.constant 0 : i32
      %dma_wait3A_911 = tpu.memref_slice %arg8[%add3A_595, %dma_wait3A_910] : memref<10240x128xf32, #tpu.memory_space<vmem_shared>> -> memref<80x128xf32, #tpu.memory_space<vmem_shared>>
      tpu.wait_dma2 semaphore(%run_scoped3A_887 : memref<!tpu.dma_semaphore, #tpu.memory_space<semaphore_mem>>) src(%dma_wait3A_911 : memref<80x128xf32, #tpu.memory_space<vmem_shared>>) dst(%dma_wait3A_909 : memref<80x128xf32, #tpu.memory_space<vmem>>)
      tpu.yield
    }) : () -> ()
    %dma_start3A_596 = arith.constant 0 : i32
    %dma_start3A_597 = arith.constant 0 : i32
    %dma_start3A_598 = arith.constant 0 : i32
    %dma_start3A_599 = tpu.memref_slice %arg7[%dma_start3A_596, %dma_start3A_597, %dma_start3A_598] : memref<4x80x128xf32, #tpu.memory_space<vmem>> -> memref<1x80x128xf32, #tpu.memory_space<vmem>>
    %dma_start3A_600 = tpu.memref_squeeze %dma_start3A_599 : memref<1x80x128xf32, #tpu.memory_space<vmem>> -> memref<80x128xf32, #tpu.memory_space<vmem>>
    %dma_start3A_601 = arith.constant 0 : i32
    %dma_start3A_602 = tpu.memref_slice %arg5[%arg0, %add3A_595, %dma_start3A_601] : memref<2x10240x128xf32, #tpu.memory_space<hbm>> -> memref<1x80x128xf32, #tpu.memory_space<hbm>>
    %dma_start3A_603 = tpu.memref_squeeze %dma_start3A_602 : memref<1x80x128xf32, #tpu.memory_space<hbm>> -> memref<80x128xf32, #tpu.memory_space<hbm>>
    %dma_start3A_604 = arith.constant 0 : i32
    %dma_start3A_605 = tpu.memref_slice %arg5[%arg0, %add3A_595, %dma_start3A_604] : memref<2x10240x128xf32, #tpu.memory_space<hbm>> -> memref<1x80x128xf32, #tpu.memory_space<hbm>>
    %dma_start3A_606 = tpu.memref_squeeze %dma_start3A_605 : memref<1x80x128xf32, #tpu.memory_space<hbm>> -> memref<80x128xf32, #tpu.memory_space<hbm>>
    %dma_start3A_607 = arith.constant 0 : i32
    %dma_start3A_608 = arith.constant 0 : i32
    %dma_start3A_609 = tpu.memref_slice %arg7[%dma_start3A_596, %dma_start3A_607, %dma_start3A_608] : memref<4x80x128xf32, #tpu.memory_space<vmem>> -> memref<1x80x128xf32, #tpu.memory_space<vmem>>
    %dma_start3A_610 = tpu.memref_squeeze %dma_start3A_609 : memref<1x80x128xf32, #tpu.memory_space<vmem>> -> memref<80x128xf32, #tpu.memory_space<vmem>>
    tpu.enqueue_dma source(%dma_start3A_610 : memref<80x128xf32, #tpu.memory_space<vmem>>) target(%dma_start3A_606 : memref<80x128xf32, #tpu.memory_space<hbm>>) target_semaphore(%arg13 : memref<!tpu.dma_semaphore, #tpu.memory_space<semaphore_mem>>)
    %mul3A_611 = arith.constant 640 : i32
    %mul3A_612 = arith.muli %arg1, %mul3A_611 : i32
    %add3A_613 = arith.constant 80 : i32
    %add3A_614 = arith.addi %mul3A_612, %add3A_613 : i32
    %run_scoped3A_615 = arith.constant 1 : i32
    "tpu.region"() ({
      %run_scoped3A_887 = tpu.sem_alloc : memref<!tpu.dma_semaphore, #tpu.memory_space<semaphore_mem>>
      %dma_start3A_888 = arith.constant 0 : i32
      %dma_start3A_889 = arith.constant 0 : i32
      %dma_start3A_890 = tpu.memref_slice %arg7[%run_scoped3A_615, %dma_start3A_888, %dma_start3A_889] : memref<4x80x128xf32, #tpu.memory_space<vmem>> -> memref<1x80x128xf32, #tpu.memory_space<vmem>>
      %dma_start3A_891 = tpu.memref_squeeze %dma_start3A_890 : memref<1x80x128xf32, #tpu.memory_space<vmem>> -> memref<80x128xf32, #tpu.memory_space<vmem>>
      %dma_start3A_892 = arith.constant 0 : i32
      %dma_start3A_893 = tpu.memref_slice %arg8[%add3A_614, %dma_start3A_892] : memref<10240x128xf32, #tpu.memory_space<vmem_shared>> -> memref<80x128xf32, #tpu.memory_space<vmem_shared>>
      %dma_start3A_894 = arith.constant 0 : i32
      %dma_start3A_895 = arith.constant 0 : i32
      %dma_start3A_896 = tpu.memref_slice %arg7[%run_scoped3A_615, %dma_start3A_894, %dma_start3A_895] : memref<4x80x128xf32, #tpu.memory_space<vmem>> -> memref<1x80x128xf32, #tpu.memory_space<vmem>>
      %dma_start3A_897 = tpu.memref_squeeze %dma_start3A_896 : memref<1x80x128xf32, #tpu.memory_space<vmem>> -> memref<80x128xf32, #tpu.memory_space<vmem>>
      %dma_start3A_898 = arith.constant 0 : i32
      %dma_start3A_899 = tpu.memref_slice %arg8[%add3A_614, %dma_start3A_898] : memref<10240x128xf32, #tpu.memory_space<vmem_shared>> -> memref<80x128xf32, #tpu.memory_space<vmem_shared>>
      tpu.enqueue_dma source(%dma_start3A_899 : memref<80x128xf32, #tpu.memory_space<vmem_shared>>) target(%dma_start3A_897 : memref<80x128xf32, #tpu.memory_space<vmem>>) target_semaphore(%run_scoped3A_887 : memref<!tpu.dma_semaphore, #tpu.memory_space<semaphore_mem>>)
      %dma_wait3A_900 = arith.constant 0 : i32
      %dma_wait3A_901 = arith.constant 0 : i32
      %dma_wait3A_902 = tpu.memref_slice %arg7[%run_scoped3A_615, %dma_wait3A_900, %dma_wait3A_901] : memref<4x80x128xf32, #tpu.memory_space<vmem>> -> memref<1x80x128xf32, #tpu.memory_space<vmem>>
      %dma_wait3A_903 = tpu.memref_squeeze %dma_wait3A_902 : memref<1x80x128xf32, #tpu.memory_space<vmem>> -> memref<80x128xf32, #tpu.memory_space<vmem>>
      %dma_wait3A_904 = arith.constant 0 : i32
      %dma_wait3A_905 = tpu.memref_slice %arg8[%add3A_614, %dma_wait3A_904] : memref<10240x128xf32, #tpu.memory_space<vmem_shared>> -> memref<80x128xf32, #tpu.memory_space<vmem_shared>>
      %dma_wait3A_906 = arith.constant 0 : i32
      %dma_wait3A_907 = arith.constant 0 : i32
      %dma_wait3A_908 = tpu.memref_slice %arg7[%run_scoped3A_615, %dma_wait3A_906, %dma_wait3A_907] : memref<4x80x128xf32, #tpu.memory_space<vmem>> -> memref<1x80x128xf32, #tpu.memory_space<vmem>>
      %dma_wait3A_909 = tpu.memref_squeeze %dma_wait3A_908 : memref<1x80x128xf32, #tpu.memory_space<vmem>> -> memref<80x128xf32, #tpu.memory_space<vmem>>
      %dma_wait3A_910 = arith.constant 0 : i32
      %dma_wait3A_911 = tpu.memref_slice %arg8[%add3A_614, %dma_wait3A_910] : memref<10240x128xf32, #tpu.memory_space<vmem_shared>> -> memref<80x128xf32, #tpu.memory_space<vmem_shared>>
      tpu.wait_dma2 semaphore(%run_scoped3A_887 : memref<!tpu.dma_semaphore, #tpu.memory_space<semaphore_mem>>) src(%dma_wait3A_911 : memref<80x128xf32, #tpu.memory_space<vmem_shared>>) dst(%dma_wait3A_909 : memref<80x128xf32, #tpu.memory_space<vmem>>)
      tpu.yield
    }) : () -> ()
    %dma_start3A_616 = arith.constant 1 : i32
    %dma_start3A_617 = arith.constant 0 : i32
    %dma_start3A_618 = arith.constant 0 : i32
    %dma_start3A_619 = tpu.memref_slice %arg7[%dma_start3A_616, %dma_start3A_617, %dma_start3A_618] : memref<4x80x128xf32, #tpu.memory_space<vmem>> -> memref<1x80x128xf32, #tpu.memory_space<vmem>>
    %dma_start3A_620 = tpu.memref_squeeze %dma_start3A_619 : memref<1x80x128xf32, #tpu.memory_space<vmem>> -> memref<80x128xf32, #tpu.memory_space<vmem>>
    %dma_start3A_621 = arith.constant 0 : i32
    %dma_start3A_622 = tpu.memref_slice %arg5[%arg0, %add3A_614, %dma_start3A_621] : memref<2x10240x128xf32, #tpu.memory_space<hbm>> -> memref<1x80x128xf32, #tpu.memory_space<hbm>>
    %dma_start3A_623 = tpu.memref_squeeze %dma_start3A_622 : memref<1x80x128xf32, #tpu.memory_space<hbm>> -> memref<80x128xf32, #tpu.memory_space<hbm>>
    %dma_start3A_624 = arith.constant 0 : i32
    %dma_start3A_625 = tpu.memref_slice %arg5[%arg0, %add3A_614, %dma_start3A_624] : memref<2x10240x128xf32, #tpu.memory_space<hbm>> -> memref<1x80x128xf32, #tpu.memory_space<hbm>>
    %dma_start3A_626 = tpu.memref_squeeze %dma_start3A_625 : memref<1x80x128xf32, #tpu.memory_space<hbm>> -> memref<80x128xf32, #tpu.memory_space<hbm>>
    %dma_start3A_627 = arith.constant 0 : i32
    %dma_start3A_628 = arith.constant 0 : i32
    %dma_start3A_629 = tpu.memref_slice %arg7[%dma_start3A_616, %dma_start3A_627, %dma_start3A_628] : memref<4x80x128xf32, #tpu.memory_space<vmem>> -> memref<1x80x128xf32, #tpu.memory_space<vmem>>
    %dma_start3A_630 = tpu.memref_squeeze %dma_start3A_629 : memref<1x80x128xf32, #tpu.memory_space<vmem>> -> memref<80x128xf32, #tpu.memory_space<vmem>>
    tpu.enqueue_dma source(%dma_start3A_630 : memref<80x128xf32, #tpu.memory_space<vmem>>) target(%dma_start3A_626 : memref<80x128xf32, #tpu.memory_space<hbm>>) target_semaphore(%arg14 : memref<!tpu.dma_semaphore, #tpu.memory_space<semaphore_mem>>)
    %mul3A_631 = arith.constant 640 : i32
    %mul3A_632 = arith.muli %arg1, %mul3A_631 : i32
    %add3A_633 = arith.constant 160 : i32
    %add3A_634 = arith.addi %mul3A_632, %add3A_633 : i32
    %run_scoped3A_635 = arith.constant 2 : i32
    "tpu.region"() ({
      %run_scoped3A_887 = tpu.sem_alloc : memref<!tpu.dma_semaphore, #tpu.memory_space<semaphore_mem>>
      %dma_start3A_888 = arith.constant 0 : i32
      %dma_start3A_889 = arith.constant 0 : i32
      %dma_start3A_890 = tpu.memref_slice %arg7[%run_scoped3A_635, %dma_start3A_888, %dma_start3A_889] : memref<4x80x128xf32, #tpu.memory_space<vmem>> -> memref<1x80x128xf32, #tpu.memory_space<vmem>>
      %dma_start3A_891 = tpu.memref_squeeze %dma_start3A_890 : memref<1x80x128xf32, #tpu.memory_space<vmem>> -> memref<80x128xf32, #tpu.memory_space<vmem>>
      %dma_start3A_892 = arith.constant 0 : i32
      %dma_start3A_893 = tpu.memref_slice %arg8[%add3A_634, %dma_start3A_892] : memref<10240x128xf32, #tpu.memory_space<vmem_shared>> -> memref<80x128xf32, #tpu.memory_space<vmem_shared>>
      %dma_start3A_894 = arith.constant 0 : i32
      %dma_start3A_895 = arith.constant 0 : i32
      %dma_start3A_896 = tpu.memref_slice %arg7[%run_scoped3A_635, %dma_start3A_894, %dma_start3A_895] : memref<4x80x128xf32, #tpu.memory_space<vmem>> -> memref<1x80x128xf32, #tpu.memory_space<vmem>>
      %dma_start3A_897 = tpu.memref_squeeze %dma_start3A_896 : memref<1x80x128xf32, #tpu.memory_space<vmem>> -> memref<80x128xf32, #tpu.memory_space<vmem>>
      %dma_start3A_898 = arith.constant 0 : i32
      %dma_start3A_899 = tpu.memref_slice %arg8[%add3A_634, %dma_start3A_898] : memref<10240x128xf32, #tpu.memory_space<vmem_shared>> -> memref<80x128xf32, #tpu.memory_space<vmem_shared>>
      tpu.enqueue_dma source(%dma_start3A_899 : memref<80x128xf32, #tpu.memory_space<vmem_shared>>) target(%dma_start3A_897 : memref<80x128xf32, #tpu.memory_space<vmem>>) target_semaphore(%run_scoped3A_887 : memref<!tpu.dma_semaphore, #tpu.memory_space<semaphore_mem>>)
      %dma_wait3A_900 = arith.constant 0 : i32
      %dma_wait3A_901 = arith.constant 0 : i32
      %dma_wait3A_902 = tpu.memref_slice %arg7[%run_scoped3A_635, %dma_wait3A_900, %dma_wait3A_901] : memref<4x80x128xf32, #tpu.memory_space<vmem>> -> memref<1x80x128xf32, #tpu.memory_space<vmem>>
      %dma_wait3A_903 = tpu.memref_squeeze %dma_wait3A_902 : memref<1x80x128xf32, #tpu.memory_space<vmem>> -> memref<80x128xf32, #tpu.memory_space<vmem>>
      %dma_wait3A_904 = arith.constant 0 : i32
      %dma_wait3A_905 = tpu.memref_slice %arg8[%add3A_634, %dma_wait3A_904] : memref<10240x128xf32, #tpu.memory_space<vmem_shared>> -> memref<80x128xf32, #tpu.memory_space<vmem_shared>>
      %dma_wait3A_906 = arith.constant 0 : i32
      %dma_wait3A_907 = arith.constant 0 : i32
      %dma_wait3A_908 = tpu.memref_slice %arg7[%run_scoped3A_635, %dma_wait3A_906, %dma_wait3A_907] : memref<4x80x128xf32, #tpu.memory_space<vmem>> -> memref<1x80x128xf32, #tpu.memory_space<vmem>>
      %dma_wait3A_909 = tpu.memref_squeeze %dma_wait3A_908 : memref<1x80x128xf32, #tpu.memory_space<vmem>> -> memref<80x128xf32, #tpu.memory_space<vmem>>
      %dma_wait3A_910 = arith.constant 0 : i32
      %dma_wait3A_911 = tpu.memref_slice %arg8[%add3A_634, %dma_wait3A_910] : memref<10240x128xf32, #tpu.memory_space<vmem_shared>> -> memref<80x128xf32, #tpu.memory_space<vmem_shared>>
      tpu.wait_dma2 semaphore(%run_scoped3A_887 : memref<!tpu.dma_semaphore, #tpu.memory_space<semaphore_mem>>) src(%dma_wait3A_911 : memref<80x128xf32, #tpu.memory_space<vmem_shared>>) dst(%dma_wait3A_909 : memref<80x128xf32, #tpu.memory_space<vmem>>)
      tpu.yield
    }) : () -> ()
    %dma_start3A_636 = arith.constant 2 : i32
    %dma_start3A_637 = arith.constant 0 : i32
    %dma_start3A_638 = arith.constant 0 : i32
    %dma_start3A_639 = tpu.memref_slice %arg7[%dma_start3A_636, %dma_start3A_637, %dma_start3A_638] : memref<4x80x128xf32, #tpu.memory_space<vmem>> -> memref<1x80x128xf32, #tpu.memory_space<vmem>>
    %dma_start3A_640 = tpu.memref_squeeze %dma_start3A_639 : memref<1x80x128xf32, #tpu.memory_space<vmem>> -> memref<80x128xf32, #tpu.memory_space<vmem>>
    %dma_start3A_641 = arith.constant 0 : i32
    %dma_start3A_642 = tpu.memref_slice %arg5[%arg0, %add3A_634, %dma_start3A_641] : memref<2x10240x128xf32, #tpu.memory_space<hbm>> -> memref<1x80x128xf32, #tpu.memory_space<hbm>>
    %dma_start3A_643 = tpu.memref_squeeze %dma_start3A_642 : memref<1x80x128xf32, #tpu.memory_space<hbm>> -> memref<80x128xf32, #tpu.memory_space<hbm>>
    %dma_start3A_644 = arith.constant 0 : i32
    %dma_start3A_645 = tpu.memref_slice %arg5[%arg0, %add3A_634, %dma_start3A_644] : memref<2x10240x128xf32, #tpu.memory_space<hbm>> -> memref<1x80x128xf32, #tpu.memory_space<hbm>>
    %dma_start3A_646 = tpu.memref_squeeze %dma_start3A_645 : memref<1x80x128xf32, #tpu.memory_space<hbm>> -> memref<80x128xf32, #tpu.memory_space<hbm>>
    %dma_start3A_647 = arith.constant 0 : i32
    %dma_start3A_648 = arith.constant 0 : i32
    %dma_start3A_649 = tpu.memref_slice %arg7[%dma_start3A_636, %dma_start3A_647, %dma_start3A_648] : memref<4x80x128xf32, #tpu.memory_space<vmem>> -> memref<1x80x128xf32, #tpu.memory_space<vmem>>
    %dma_start3A_650 = tpu.memref_squeeze %dma_start3A_649 : memref<1x80x128xf32, #tpu.memory_space<vmem>> -> memref<80x128xf32, #tpu.memory_space<vmem>>
    tpu.enqueue_dma source(%dma_start3A_650 : memref<80x128xf32, #tpu.memory_space<vmem>>) target(%dma_start3A_646 : memref<80x128xf32, #tpu.memory_space<hbm>>) target_semaphore(%arg15 : memref<!tpu.dma_semaphore, #tpu.memory_space<semaphore_mem>>)
    %mul3A_651 = arith.constant 640 : i32
    %mul3A_652 = arith.muli %arg1, %mul3A_651 : i32
    %add3A_653 = arith.constant 240 : i32
    %add3A_654 = arith.addi %mul3A_652, %add3A_653 : i32
    %run_scoped3A_655 = arith.constant 3 : i32
    "tpu.region"() ({
      %run_scoped3A_887 = tpu.sem_alloc : memref<!tpu.dma_semaphore, #tpu.memory_space<semaphore_mem>>
      %dma_start3A_888 = arith.constant 0 : i32
      %dma_start3A_889 = arith.constant 0 : i32
      %dma_start3A_890 = tpu.memref_slice %arg7[%run_scoped3A_655, %dma_start3A_888, %dma_start3A_889] : memref<4x80x128xf32, #tpu.memory_space<vmem>> -> memref<1x80x128xf32, #tpu.memory_space<vmem>>
      %dma_start3A_891 = tpu.memref_squeeze %dma_start3A_890 : memref<1x80x128xf32, #tpu.memory_space<vmem>> -> memref<80x128xf32, #tpu.memory_space<vmem>>
      %dma_start3A_892 = arith.constant 0 : i32
      %dma_start3A_893 = tpu.memref_slice %arg8[%add3A_654, %dma_start3A_892] : memref<10240x128xf32, #tpu.memory_space<vmem_shared>> -> memref<80x128xf32, #tpu.memory_space<vmem_shared>>
      %dma_start3A_894 = arith.constant 0 : i32
      %dma_start3A_895 = arith.constant 0 : i32
      %dma_start3A_896 = tpu.memref_slice %arg7[%run_scoped3A_655, %dma_start3A_894, %dma_start3A_895] : memref<4x80x128xf32, #tpu.memory_space<vmem>> -> memref<1x80x128xf32, #tpu.memory_space<vmem>>
      %dma_start3A_897 = tpu.memref_squeeze %dma_start3A_896 : memref<1x80x128xf32, #tpu.memory_space<vmem>> -> memref<80x128xf32, #tpu.memory_space<vmem>>
      %dma_start3A_898 = arith.constant 0 : i32
      %dma_start3A_899 = tpu.memref_slice %arg8[%add3A_654, %dma_start3A_898] : memref<10240x128xf32, #tpu.memory_space<vmem_shared>> -> memref<80x128xf32, #tpu.memory_space<vmem_shared>>
      tpu.enqueue_dma source(%dma_start3A_899 : memref<80x128xf32, #tpu.memory_space<vmem_shared>>) target(%dma_start3A_897 : memref<80x128xf32, #tpu.memory_space<vmem>>) target_semaphore(%run_scoped3A_887 : memref<!tpu.dma_semaphore, #tpu.memory_space<semaphore_mem>>)
      %dma_wait3A_900 = arith.constant 0 : i32
      %dma_wait3A_901 = arith.constant 0 : i32
      %dma_wait3A_902 = tpu.memref_slice %arg7[%run_scoped3A_655, %dma_wait3A_900, %dma_wait3A_901] : memref<4x80x128xf32, #tpu.memory_space<vmem>> -> memref<1x80x128xf32, #tpu.memory_space<vmem>>
      %dma_wait3A_903 = tpu.memref_squeeze %dma_wait3A_902 : memref<1x80x128xf32, #tpu.memory_space<vmem>> -> memref<80x128xf32, #tpu.memory_space<vmem>>
      %dma_wait3A_904 = arith.constant 0 : i32
      %dma_wait3A_905 = tpu.memref_slice %arg8[%add3A_654, %dma_wait3A_904] : memref<10240x128xf32, #tpu.memory_space<vmem_shared>> -> memref<80x128xf32, #tpu.memory_space<vmem_shared>>
      %dma_wait3A_906 = arith.constant 0 : i32
      %dma_wait3A_907 = arith.constant 0 : i32
      %dma_wait3A_908 = tpu.memref_slice %arg7[%run_scoped3A_655, %dma_wait3A_906, %dma_wait3A_907] : memref<4x80x128xf32, #tpu.memory_space<vmem>> -> memref<1x80x128xf32, #tpu.memory_space<vmem>>
      %dma_wait3A_909 = tpu.memref_squeeze %dma_wait3A_908 : memref<1x80x128xf32, #tpu.memory_space<vmem>> -> memref<80x128xf32, #tpu.memory_space<vmem>>
      %dma_wait3A_910 = arith.constant 0 : i32
      %dma_wait3A_911 = tpu.memref_slice %arg8[%add3A_654, %dma_wait3A_910] : memref<10240x128xf32, #tpu.memory_space<vmem_shared>> -> memref<80x128xf32, #tpu.memory_space<vmem_shared>>
      tpu.wait_dma2 semaphore(%run_scoped3A_887 : memref<!tpu.dma_semaphore, #tpu.memory_space<semaphore_mem>>) src(%dma_wait3A_911 : memref<80x128xf32, #tpu.memory_space<vmem_shared>>) dst(%dma_wait3A_909 : memref<80x128xf32, #tpu.memory_space<vmem>>)
      tpu.yield
    }) : () -> ()
    %dma_start3A_656 = arith.constant 3 : i32
    %dma_start3A_657 = arith.constant 0 : i32
    %dma_start3A_658 = arith.constant 0 : i32
    %dma_start3A_659 = tpu.memref_slice %arg7[%dma_start3A_656, %dma_start3A_657, %dma_start3A_658] : memref<4x80x128xf32, #tpu.memory_space<vmem>> -> memref<1x80x128xf32, #tpu.memory_space<vmem>>
    %dma_start3A_660 = tpu.memref_squeeze %dma_start3A_659 : memref<1x80x128xf32, #tpu.memory_space<vmem>> -> memref<80x128xf32, #tpu.memory_space<vmem>>
    %dma_start3A_661 = arith.constant 0 : i32
    %dma_start3A_662 = tpu.memref_slice %arg5[%arg0, %add3A_654, %dma_start3A_661] : memref<2x10240x128xf32, #tpu.memory_space<hbm>> -> memref<1x80x128xf32, #tpu.memory_space<hbm>>
    %dma_start3A_663 = tpu.memref_squeeze %dma_start3A_662 : memref<1x80x128xf32, #tpu.memory_space<hbm>> -> memref<80x128xf32, #tpu.memory_space<hbm>>
    %dma_start3A_664 = arith.constant 0 : i32
    %dma_start3A_665 = tpu.memref_slice %arg5[%arg0, %add3A_654, %dma_start3A_664] : memref<2x10240x128xf32, #tpu.memory_space<hbm>> -> memref<1x80x128xf32, #tpu.memory_space<hbm>>
    %dma_start3A_666 = tpu.memref_squeeze %dma_start3A_665 : memref<1x80x128xf32, #tpu.memory_space<hbm>> -> memref<80x128xf32, #tpu.memory_space<hbm>>
    %dma_start3A_667 = arith.constant 0 : i32
    %dma_start3A_668 = arith.constant 0 : i32
    %dma_start3A_669 = tpu.memref_slice %arg7[%dma_start3A_656, %dma_start3A_667, %dma_start3A_668] : memref<4x80x128xf32, #tpu.memory_space<vmem>> -> memref<1x80x128xf32, #tpu.memory_space<vmem>>
    %dma_start3A_670 = tpu.memref_squeeze %dma_start3A_669 : memref<1x80x128xf32, #tpu.memory_space<vmem>> -> memref<80x128xf32, #tpu.memory_space<vmem>>
    tpu.enqueue_dma source(%dma_start3A_670 : memref<80x128xf32, #tpu.memory_space<vmem>>) target(%dma_start3A_666 : memref<80x128xf32, #tpu.memory_space<hbm>>) target_semaphore(%arg16 : memref<!tpu.dma_semaphore, #tpu.memory_space<semaphore_mem>>)
    %mul3A_671 = arith.constant 640 : i32
    %mul3A_672 = arith.muli %arg1, %mul3A_671 : i32
    %add3A_673 = arith.constant 320 : i32
    %add3A_674 = arith.addi %mul3A_672, %add3A_673 : i32
    %dma_wait3A_675 = arith.constant 0 : i32
    %dma_wait3A_676 = arith.constant 0 : i32
    %dma_wait3A_677 = arith.constant 0 : i32
    %dma_wait3A_678 = tpu.memref_slice %arg7[%dma_wait3A_675, %dma_wait3A_676, %dma_wait3A_677] : memref<4x80x128xf32, #tpu.memory_space<vmem>> -> memref<1x80x128xf32, #tpu.memory_space<vmem>>
    %dma_wait3A_679 = tpu.memref_squeeze %dma_wait3A_678 : memref<1x80x128xf32, #tpu.memory_space<vmem>> -> memref<80x128xf32, #tpu.memory_space<vmem>>
    %dma_wait3A_680 = arith.constant 0 : i32
    %dma_wait3A_681 = arith.constant 0 : i32
    %dma_wait3A_682 = tpu.memref_slice %arg5[%arg0, %dma_wait3A_680, %dma_wait3A_681] : memref<2x10240x128xf32, #tpu.memory_space<hbm>> -> memref<1x80x128xf32, #tpu.memory_space<hbm>>
    %dma_wait3A_683 = tpu.memref_squeeze %dma_wait3A_682 : memref<1x80x128xf32, #tpu.memory_space<hbm>> -> memref<80x128xf32, #tpu.memory_space<hbm>>
    %dma_wait3A_684 = arith.constant 0 : i32
    %dma_wait3A_685 = arith.constant 0 : i32
    %dma_wait3A_686 = tpu.memref_slice %arg5[%arg0, %dma_wait3A_684, %dma_wait3A_685] : memref<2x10240x128xf32, #tpu.memory_space<hbm>> -> memref<1x80x128xf32, #tpu.memory_space<hbm>>
    %dma_wait3A_687 = tpu.memref_squeeze %dma_wait3A_686 : memref<1x80x128xf32, #tpu.memory_space<hbm>> -> memref<80x128xf32, #tpu.memory_space<hbm>>
    %dma_wait3A_688 = arith.constant 0 : i32
    %dma_wait3A_689 = arith.constant 0 : i32
    %dma_wait3A_690 = tpu.memref_slice %arg7[%dma_wait3A_675, %dma_wait3A_688, %dma_wait3A_689] : memref<4x80x128xf32, #tpu.memory_space<vmem>> -> memref<1x80x128xf32, #tpu.memory_space<vmem>>
    %dma_wait3A_691 = tpu.memref_squeeze %dma_wait3A_690 : memref<1x80x128xf32, #tpu.memory_space<vmem>> -> memref<80x128xf32, #tpu.memory_space<vmem>>
    tpu.wait_dma2 semaphore(%arg13 : memref<!tpu.dma_semaphore, #tpu.memory_space<semaphore_mem>>) src(%dma_wait3A_691 : memref<80x128xf32, #tpu.memory_space<vmem>>) dst(%dma_wait3A_687 : memref<80x128xf32, #tpu.memory_space<hbm>>)
    %run_scoped3A_692 = arith.constant 0 : i32
    "tpu.region"() ({
      %run_scoped3A_887 = tpu.sem_alloc : memref<!tpu.dma_semaphore, #tpu.memory_space<semaphore_mem>>
      %dma_start3A_888 = arith.constant 0 : i32
      %dma_start3A_889 = arith.constant 0 : i32
      %dma_start3A_890 = tpu.memref_slice %arg7[%run_scoped3A_692, %dma_start3A_888, %dma_start3A_889] : memref<4x80x128xf32, #tpu.memory_space<vmem>> -> memref<1x80x128xf32, #tpu.memory_space<vmem>>
      %dma_start3A_891 = tpu.memref_squeeze %dma_start3A_890 : memref<1x80x128xf32, #tpu.memory_space<vmem>> -> memref<80x128xf32, #tpu.memory_space<vmem>>
      %dma_start3A_892 = arith.constant 0 : i32
      %dma_start3A_893 = tpu.memref_slice %arg8[%add3A_674, %dma_start3A_892] : memref<10240x128xf32, #tpu.memory_space<vmem_shared>> -> memref<80x128xf32, #tpu.memory_space<vmem_shared>>
      %dma_start3A_894 = arith.constant 0 : i32
      %dma_start3A_895 = arith.constant 0 : i32
      %dma_start3A_896 = tpu.memref_slice %arg7[%run_scoped3A_692, %dma_start3A_894, %dma_start3A_895] : memref<4x80x128xf32, #tpu.memory_space<vmem>> -> memref<1x80x128xf32, #tpu.memory_space<vmem>>
      %dma_start3A_897 = tpu.memref_squeeze %dma_start3A_896 : memref<1x80x128xf32, #tpu.memory_space<vmem>> -> memref<80x128xf32, #tpu.memory_space<vmem>>
      %dma_start3A_898 = arith.constant 0 : i32
      %dma_start3A_899 = tpu.memref_slice %arg8[%add3A_674, %dma_start3A_898] : memref<10240x128xf32, #tpu.memory_space<vmem_shared>> -> memref<80x128xf32, #tpu.memory_space<vmem_shared>>
      tpu.enqueue_dma source(%dma_start3A_899 : memref<80x128xf32, #tpu.memory_space<vmem_shared>>) target(%dma_start3A_897 : memref<80x128xf32, #tpu.memory_space<vmem>>) target_semaphore(%run_scoped3A_887 : memref<!tpu.dma_semaphore, #tpu.memory_space<semaphore_mem>>)
      %dma_wait3A_900 = arith.constant 0 : i32
      %dma_wait3A_901 = arith.constant 0 : i32
      %dma_wait3A_902 = tpu.memref_slice %arg7[%run_scoped3A_692, %dma_wait3A_900, %dma_wait3A_901] : memref<4x80x128xf32, #tpu.memory_space<vmem>> -> memref<1x80x128xf32, #tpu.memory_space<vmem>>
      %dma_wait3A_903 = tpu.memref_squeeze %dma_wait3A_902 : memref<1x80x128xf32, #tpu.memory_space<vmem>> -> memref<80x128xf32, #tpu.memory_space<vmem>>
      %dma_wait3A_904 = arith.constant 0 : i32
      %dma_wait3A_905 = tpu.memref_slice %arg8[%add3A_674, %dma_wait3A_904] : memref<10240x128xf32, #tpu.memory_space<vmem_shared>> -> memref<80x128xf32, #tpu.memory_space<vmem_shared>>
      %dma_wait3A_906 = arith.constant 0 : i32
      %dma_wait3A_907 = arith.constant 0 : i32
      %dma_wait3A_908 = tpu.memref_slice %arg7[%run_scoped3A_692, %dma_wait3A_906, %dma_wait3A_907] : memref<4x80x128xf32, #tpu.memory_space<vmem>> -> memref<1x80x128xf32, #tpu.memory_space<vmem>>
      %dma_wait3A_909 = tpu.memref_squeeze %dma_wait3A_908 : memref<1x80x128xf32, #tpu.memory_space<vmem>> -> memref<80x128xf32, #tpu.memory_space<vmem>>
      %dma_wait3A_910 = arith.constant 0 : i32
      %dma_wait3A_911 = tpu.memref_slice %arg8[%add3A_674, %dma_wait3A_910] : memref<10240x128xf32, #tpu.memory_space<vmem_shared>> -> memref<80x128xf32, #tpu.memory_space<vmem_shared>>
      tpu.wait_dma2 semaphore(%run_scoped3A_887 : memref<!tpu.dma_semaphore, #tpu.memory_space<semaphore_mem>>) src(%dma_wait3A_911 : memref<80x128xf32, #tpu.memory_space<vmem_shared>>) dst(%dma_wait3A_909 : memref<80x128xf32, #tpu.memory_space<vmem>>)
      tpu.yield
    }) : () -> ()
    %dma_start3A_693 = arith.constant 0 : i32
    %dma_start3A_694 = arith.constant 0 : i32
    %dma_start3A_695 = arith.constant 0 : i32
    %dma_start3A_696 = tpu.memref_slice %arg7[%dma_start3A_693, %dma_start3A_694, %dma_start3A_695] : memref<4x80x128xf32, #tpu.memory_space<vmem>> -> memref<1x80x128xf32, #tpu.memory_space<vmem>>
    %dma_start3A_697 = tpu.memref_squeeze %dma_start3A_696 : memref<1x80x128xf32, #tpu.memory_space<vmem>> -> memref<80x128xf32, #tpu.memory_space<vmem>>
    %dma_start3A_698 = arith.constant 0 : i32
    %dma_start3A_699 = tpu.memref_slice %arg5[%arg0, %add3A_674, %dma_start3A_698] : memref<2x10240x128xf32, #tpu.memory_space<hbm>> -> memref<1x80x128xf32, #tpu.memory_space<hbm>>
    %dma_start3A_700 = tpu.memref_squeeze %dma_start3A_699 : memref<1x80x128xf32, #tpu.memory_space<hbm>> -> memref<80x128xf32, #tpu.memory_space<hbm>>
    %dma_start3A_701 = arith.constant 0 : i32
    %dma_start3A_702 = tpu.memref_slice %arg5[%arg0, %add3A_674, %dma_start3A_701] : memref<2x10240x128xf32, #tpu.memory_space<hbm>> -> memref<1x80x128xf32, #tpu.memory_space<hbm>>
    %dma_start3A_703 = tpu.memref_squeeze %dma_start3A_702 : memref<1x80x128xf32, #tpu.memory_space<hbm>> -> memref<80x128xf32, #tpu.memory_space<hbm>>
    %dma_start3A_704 = arith.constant 0 : i32
    %dma_start3A_705 = arith.constant 0 : i32
    %dma_start3A_706 = tpu.memref_slice %arg7[%dma_start3A_693, %dma_start3A_704, %dma_start3A_705] : memref<4x80x128xf32, #tpu.memory_space<vmem>> -> memref<1x80x128xf32, #tpu.memory_space<vmem>>
    %dma_start3A_707 = tpu.memref_squeeze %dma_start3A_706 : memref<1x80x128xf32, #tpu.memory_space<vmem>> -> memref<80x128xf32, #tpu.memory_space<vmem>>
    tpu.enqueue_dma source(%dma_start3A_707 : memref<80x128xf32, #tpu.memory_space<vmem>>) target(%dma_start3A_703 : memref<80x128xf32, #tpu.memory_space<hbm>>) target_semaphore(%arg13 : memref<!tpu.dma_semaphore, #tpu.memory_space<semaphore_mem>>)
    %mul3A_708 = arith.constant 640 : i32
    %mul3A_709 = arith.muli %arg1, %mul3A_708 : i32
    %add3A_710 = arith.constant 400 : i32
    %add3A_711 = arith.addi %mul3A_709, %add3A_710 : i32
    %dma_wait3A_712 = arith.constant 1 : i32
    %dma_wait3A_713 = arith.constant 0 : i32
    %dma_wait3A_714 = arith.constant 0 : i32
    %dma_wait3A_715 = tpu.memref_slice %arg7[%dma_wait3A_712, %dma_wait3A_713, %dma_wait3A_714] : memref<4x80x128xf32, #tpu.memory_space<vmem>> -> memref<1x80x128xf32, #tpu.memory_space<vmem>>
    %dma_wait3A_716 = tpu.memref_squeeze %dma_wait3A_715 : memref<1x80x128xf32, #tpu.memory_space<vmem>> -> memref<80x128xf32, #tpu.memory_space<vmem>>
    %dma_wait3A_717 = arith.constant 0 : i32
    %dma_wait3A_718 = arith.constant 0 : i32
    %dma_wait3A_719 = tpu.memref_slice %arg5[%arg0, %dma_wait3A_717, %dma_wait3A_718] : memref<2x10240x128xf32, #tpu.memory_space<hbm>> -> memref<1x80x128xf32, #tpu.memory_space<hbm>>
    %dma_wait3A_720 = tpu.memref_squeeze %dma_wait3A_719 : memref<1x80x128xf32, #tpu.memory_space<hbm>> -> memref<80x128xf32, #tpu.memory_space<hbm>>
    %dma_wait3A_721 = arith.constant 0 : i32
    %dma_wait3A_722 = arith.constant 0 : i32
    %dma_wait3A_723 = tpu.memref_slice %arg5[%arg0, %dma_wait3A_721, %dma_wait3A_722] : memref<2x10240x128xf32, #tpu.memory_space<hbm>> -> memref<1x80x128xf32, #tpu.memory_space<hbm>>
    %dma_wait3A_724 = tpu.memref_squeeze %dma_wait3A_723 : memref<1x80x128xf32, #tpu.memory_space<hbm>> -> memref<80x128xf32, #tpu.memory_space<hbm>>
    %dma_wait3A_725 = arith.constant 0 : i32
    %dma_wait3A_726 = arith.constant 0 : i32
    %dma_wait3A_727 = tpu.memref_slice %arg7[%dma_wait3A_712, %dma_wait3A_725, %dma_wait3A_726] : memref<4x80x128xf32, #tpu.memory_space<vmem>> -> memref<1x80x128xf32, #tpu.memory_space<vmem>>
    %dma_wait3A_728 = tpu.memref_squeeze %dma_wait3A_727 : memref<1x80x128xf32, #tpu.memory_space<vmem>> -> memref<80x128xf32, #tpu.memory_space<vmem>>
    tpu.wait_dma2 semaphore(%arg14 : memref<!tpu.dma_semaphore, #tpu.memory_space<semaphore_mem>>) src(%dma_wait3A_728 : memref<80x128xf32, #tpu.memory_space<vmem>>) dst(%dma_wait3A_724 : memref<80x128xf32, #tpu.memory_space<hbm>>)
    %run_scoped3A_729 = arith.constant 1 : i32
    "tpu.region"() ({
      %run_scoped3A_887 = tpu.sem_alloc : memref<!tpu.dma_semaphore, #tpu.memory_space<semaphore_mem>>
      %dma_start3A_888 = arith.constant 0 : i32
      %dma_start3A_889 = arith.constant 0 : i32
      %dma_start3A_890 = tpu.memref_slice %arg7[%run_scoped3A_729, %dma_start3A_888, %dma_start3A_889] : memref<4x80x128xf32, #tpu.memory_space<vmem>> -> memref<1x80x128xf32, #tpu.memory_space<vmem>>
      %dma_start3A_891 = tpu.memref_squeeze %dma_start3A_890 : memref<1x80x128xf32, #tpu.memory_space<vmem>> -> memref<80x128xf32, #tpu.memory_space<vmem>>
      %dma_start3A_892 = arith.constant 0 : i32
      %dma_start3A_893 = tpu.memref_slice %arg8[%add3A_711, %dma_start3A_892] : memref<10240x128xf32, #tpu.memory_space<vmem_shared>> -> memref<80x128xf32, #tpu.memory_space<vmem_shared>>
      %dma_start3A_894 = arith.constant 0 : i32
      %dma_start3A_895 = arith.constant 0 : i32
      %dma_start3A_896 = tpu.memref_slice %arg7[%run_scoped3A_729, %dma_start3A_894, %dma_start3A_895] : memref<4x80x128xf32, #tpu.memory_space<vmem>> -> memref<1x80x128xf32, #tpu.memory_space<vmem>>
      %dma_start3A_897 = tpu.memref_squeeze %dma_start3A_896 : memref<1x80x128xf32, #tpu.memory_space<vmem>> -> memref<80x128xf32, #tpu.memory_space<vmem>>
      %dma_start3A_898 = arith.constant 0 : i32
      %dma_start3A_899 = tpu.memref_slice %arg8[%add3A_711, %dma_start3A_898] : memref<10240x128xf32, #tpu.memory_space<vmem_shared>> -> memref<80x128xf32, #tpu.memory_space<vmem_shared>>
      tpu.enqueue_dma source(%dma_start3A_899 : memref<80x128xf32, #tpu.memory_space<vmem_shared>>) target(%dma_start3A_897 : memref<80x128xf32, #tpu.memory_space<vmem>>) target_semaphore(%run_scoped3A_887 : memref<!tpu.dma_semaphore, #tpu.memory_space<semaphore_mem>>)
      %dma_wait3A_900 = arith.constant 0 : i32
      %dma_wait3A_901 = arith.constant 0 : i32
      %dma_wait3A_902 = tpu.memref_slice %arg7[%run_scoped3A_729, %dma_wait3A_900, %dma_wait3A_901] : memref<4x80x128xf32, #tpu.memory_space<vmem>> -> memref<1x80x128xf32, #tpu.memory_space<vmem>>
      %dma_wait3A_903 = tpu.memref_squeeze %dma_wait3A_902 : memref<1x80x128xf32, #tpu.memory_space<vmem>> -> memref<80x128xf32, #tpu.memory_space<vmem>>
      %dma_wait3A_904 = arith.constant 0 : i32
      %dma_wait3A_905 = tpu.memref_slice %arg8[%add3A_711, %dma_wait3A_904] : memref<10240x128xf32, #tpu.memory_space<vmem_shared>> -> memref<80x128xf32, #tpu.memory_space<vmem_shared>>
      %dma_wait3A_906 = arith.constant 0 : i32
      %dma_wait3A_907 = arith.constant 0 : i32
      %dma_wait3A_908 = tpu.memref_slice %arg7[%run_scoped3A_729, %dma_wait3A_906, %dma_wait3A_907] : memref<4x80x128xf32, #tpu.memory_space<vmem>> -> memref<1x80x128xf32, #tpu.memory_space<vmem>>
      %dma_wait3A_909 = tpu.memref_squeeze %dma_wait3A_908 : memref<1x80x128xf32, #tpu.memory_space<vmem>> -> memref<80x128xf32, #tpu.memory_space<vmem>>
      %dma_wait3A_910 = arith.constant 0 : i32
      %dma_wait3A_911 = tpu.memref_slice %arg8[%add3A_711, %dma_wait3A_910] : memref<10240x128xf32, #tpu.memory_space<vmem_shared>> -> memref<80x128xf32, #tpu.memory_space<vmem_shared>>
      tpu.wait_dma2 semaphore(%run_scoped3A_887 : memref<!tpu.dma_semaphore, #tpu.memory_space<semaphore_mem>>) src(%dma_wait3A_911 : memref<80x128xf32, #tpu.memory_space<vmem_shared>>) dst(%dma_wait3A_909 : memref<80x128xf32, #tpu.memory_space<vmem>>)
      tpu.yield
    }) : () -> ()
    %dma_start3A_730 = arith.constant 1 : i32
    %dma_start3A_731 = arith.constant 0 : i32
    %dma_start3A_732 = arith.constant 0 : i32
    %dma_start3A_733 = tpu.memref_slice %arg7[%dma_start3A_730, %dma_start3A_731, %dma_start3A_732] : memref<4x80x128xf32, #tpu.memory_space<vmem>> -> memref<1x80x128xf32, #tpu.memory_space<vmem>>
    %dma_start3A_734 = tpu.memref_squeeze %dma_start3A_733 : memref<1x80x128xf32, #tpu.memory_space<vmem>> -> memref<80x128xf32, #tpu.memory_space<vmem>>
    %dma_start3A_735 = arith.constant 0 : i32
    %dma_start3A_736 = tpu.memref_slice %arg5[%arg0, %add3A_711, %dma_start3A_735] : memref<2x10240x128xf32, #tpu.memory_space<hbm>> -> memref<1x80x128xf32, #tpu.memory_space<hbm>>
    %dma_start3A_737 = tpu.memref_squeeze %dma_start3A_736 : memref<1x80x128xf32, #tpu.memory_space<hbm>> -> memref<80x128xf32, #tpu.memory_space<hbm>>
    %dma_start3A_738 = arith.constant 0 : i32
    %dma_start3A_739 = tpu.memref_slice %arg5[%arg0, %add3A_711, %dma_start3A_738] : memref<2x10240x128xf32, #tpu.memory_space<hbm>> -> memref<1x80x128xf32, #tpu.memory_space<hbm>>
    %dma_start3A_740 = tpu.memref_squeeze %dma_start3A_739 : memref<1x80x128xf32, #tpu.memory_space<hbm>> -> memref<80x128xf32, #tpu.memory_space<hbm>>
    %dma_start3A_741 = arith.constant 0 : i32
    %dma_start3A_742 = arith.constant 0 : i32
    %dma_start3A_743 = tpu.memref_slice %arg7[%dma_start3A_730, %dma_start3A_741, %dma_start3A_742] : memref<4x80x128xf32, #tpu.memory_space<vmem>> -> memref<1x80x128xf32, #tpu.memory_space<vmem>>
    %dma_start3A_744 = tpu.memref_squeeze %dma_start3A_743 : memref<1x80x128xf32, #tpu.memory_space<vmem>> -> memref<80x128xf32, #tpu.memory_space<vmem>>
    tpu.enqueue_dma source(%dma_start3A_744 : memref<80x128xf32, #tpu.memory_space<vmem>>) target(%dma_start3A_740 : memref<80x128xf32, #tpu.memory_space<hbm>>) target_semaphore(%arg14 : memref<!tpu.dma_semaphore, #tpu.memory_space<semaphore_mem>>)
    %mul3A_745 = arith.constant 640 : i32
    %mul3A_746 = arith.muli %arg1, %mul3A_745 : i32
    %add3A_747 = arith.constant 480 : i32
    %add3A_748 = arith.addi %mul3A_746, %add3A_747 : i32
    %dma_wait3A_749 = arith.constant 2 : i32
    %dma_wait3A_750 = arith.constant 0 : i32
    %dma_wait3A_751 = arith.constant 0 : i32
    %dma_wait3A_752 = tpu.memref_slice %arg7[%dma_wait3A_749, %dma_wait3A_750, %dma_wait3A_751] : memref<4x80x128xf32, #tpu.memory_space<vmem>> -> memref<1x80x128xf32, #tpu.memory_space<vmem>>
    %dma_wait3A_753 = tpu.memref_squeeze %dma_wait3A_752 : memref<1x80x128xf32, #tpu.memory_space<vmem>> -> memref<80x128xf32, #tpu.memory_space<vmem>>
    %dma_wait3A_754 = arith.constant 0 : i32
    %dma_wait3A_755 = arith.constant 0 : i32
    %dma_wait3A_756 = tpu.memref_slice %arg5[%arg0, %dma_wait3A_754, %dma_wait3A_755] : memref<2x10240x128xf32, #tpu.memory_space<hbm>> -> memref<1x80x128xf32, #tpu.memory_space<hbm>>
    %dma_wait3A_757 = tpu.memref_squeeze %dma_wait3A_756 : memref<1x80x128xf32, #tpu.memory_space<hbm>> -> memref<80x128xf32, #tpu.memory_space<hbm>>
    %dma_wait3A_758 = arith.constant 0 : i32
    %dma_wait3A_759 = arith.constant 0 : i32
    %dma_wait3A_760 = tpu.memref_slice %arg5[%arg0, %dma_wait3A_758, %dma_wait3A_759] : memref<2x10240x128xf32, #tpu.memory_space<hbm>> -> memref<1x80x128xf32, #tpu.memory_space<hbm>>
    %dma_wait3A_761 = tpu.memref_squeeze %dma_wait3A_760 : memref<1x80x128xf32, #tpu.memory_space<hbm>> -> memref<80x128xf32, #tpu.memory_space<hbm>>
    %dma_wait3A_762 = arith.constant 0 : i32
    %dma_wait3A_763 = arith.constant 0 : i32
    %dma_wait3A_764 = tpu.memref_slice %arg7[%dma_wait3A_749, %dma_wait3A_762, %dma_wait3A_763] : memref<4x80x128xf32, #tpu.memory_space<vmem>> -> memref<1x80x128xf32, #tpu.memory_space<vmem>>
    %dma_wait3A_765 = tpu.memref_squeeze %dma_wait3A_764 : memref<1x80x128xf32, #tpu.memory_space<vmem>> -> memref<80x128xf32, #tpu.memory_space<vmem>>
    tpu.wait_dma2 semaphore(%arg15 : memref<!tpu.dma_semaphore, #tpu.memory_space<semaphore_mem>>) src(%dma_wait3A_765 : memref<80x128xf32, #tpu.memory_space<vmem>>) dst(%dma_wait3A_761 : memref<80x128xf32, #tpu.memory_space<hbm>>)
    %run_scoped3A_766 = arith.constant 2 : i32
    "tpu.region"() ({
      %run_scoped3A_887 = tpu.sem_alloc : memref<!tpu.dma_semaphore, #tpu.memory_space<semaphore_mem>>
      %dma_start3A_888 = arith.constant 0 : i32
      %dma_start3A_889 = arith.constant 0 : i32
      %dma_start3A_890 = tpu.memref_slice %arg7[%run_scoped3A_766, %dma_start3A_888, %dma_start3A_889] : memref<4x80x128xf32, #tpu.memory_space<vmem>> -> memref<1x80x128xf32, #tpu.memory_space<vmem>>
      %dma_start3A_891 = tpu.memref_squeeze %dma_start3A_890 : memref<1x80x128xf32, #tpu.memory_space<vmem>> -> memref<80x128xf32, #tpu.memory_space<vmem>>
      %dma_start3A_892 = arith.constant 0 : i32
      %dma_start3A_893 = tpu.memref_slice %arg8[%add3A_748, %dma_start3A_892] : memref<10240x128xf32, #tpu.memory_space<vmem_shared>> -> memref<80x128xf32, #tpu.memory_space<vmem_shared>>
      %dma_start3A_894 = arith.constant 0 : i32
      %dma_start3A_895 = arith.constant 0 : i32
      %dma_start3A_896 = tpu.memref_slice %arg7[%run_scoped3A_766, %dma_start3A_894, %dma_start3A_895] : memref<4x80x128xf32, #tpu.memory_space<vmem>> -> memref<1x80x128xf32, #tpu.memory_space<vmem>>
      %dma_start3A_897 = tpu.memref_squeeze %dma_start3A_896 : memref<1x80x128xf32, #tpu.memory_space<vmem>> -> memref<80x128xf32, #tpu.memory_space<vmem>>
      %dma_start3A_898 = arith.constant 0 : i32
      %dma_start3A_899 = tpu.memref_slice %arg8[%add3A_748, %dma_start3A_898] : memref<10240x128xf32, #tpu.memory_space<vmem_shared>> -> memref<80x128xf32, #tpu.memory_space<vmem_shared>>
      tpu.enqueue_dma source(%dma_start3A_899 : memref<80x128xf32, #tpu.memory_space<vmem_shared>>) target(%dma_start3A_897 : memref<80x128xf32, #tpu.memory_space<vmem>>) target_semaphore(%run_scoped3A_887 : memref<!tpu.dma_semaphore, #tpu.memory_space<semaphore_mem>>)
      %dma_wait3A_900 = arith.constant 0 : i32
      %dma_wait3A_901 = arith.constant 0 : i32
      %dma_wait3A_902 = tpu.memref_slice %arg7[%run_scoped3A_766, %dma_wait3A_900, %dma_wait3A_901] : memref<4x80x128xf32, #tpu.memory_space<vmem>> -> memref<1x80x128xf32, #tpu.memory_space<vmem>>
      %dma_wait3A_903 = tpu.memref_squeeze %dma_wait3A_902 : memref<1x80x128xf32, #tpu.memory_space<vmem>> -> memref<80x128xf32, #tpu.memory_space<vmem>>
      %dma_wait3A_904 = arith.constant 0 : i32
      %dma_wait3A_905 = tpu.memref_slice %arg8[%add3A_748, %dma_wait3A_904] : memref<10240x128xf32, #tpu.memory_space<vmem_shared>> -> memref<80x128xf32, #tpu.memory_space<vmem_shared>>
      %dma_wait3A_906 = arith.constant 0 : i32
      %dma_wait3A_907 = arith.constant 0 : i32
      %dma_wait3A_908 = tpu.memref_slice %arg7[%run_scoped3A_766, %dma_wait3A_906, %dma_wait3A_907] : memref<4x80x128xf32, #tpu.memory_space<vmem>> -> memref<1x80x128xf32, #tpu.memory_space<vmem>>
      %dma_wait3A_909 = tpu.memref_squeeze %dma_wait3A_908 : memref<1x80x128xf32, #tpu.memory_space<vmem>> -> memref<80x128xf32, #tpu.memory_space<vmem>>
      %dma_wait3A_910 = arith.constant 0 : i32
      %dma_wait3A_911 = tpu.memref_slice %arg8[%add3A_748, %dma_wait3A_910] : memref<10240x128xf32, #tpu.memory_space<vmem_shared>> -> memref<80x128xf32, #tpu.memory_space<vmem_shared>>
      tpu.wait_dma2 semaphore(%run_scoped3A_887 : memref<!tpu.dma_semaphore, #tpu.memory_space<semaphore_mem>>) src(%dma_wait3A_911 : memref<80x128xf32, #tpu.memory_space<vmem_shared>>) dst(%dma_wait3A_909 : memref<80x128xf32, #tpu.memory_space<vmem>>)
      tpu.yield
    }) : () -> ()
    %dma_start3A_767 = arith.constant 2 : i32
    %dma_start3A_768 = arith.constant 0 : i32
    %dma_start3A_769 = arith.constant 0 : i32
    %dma_start3A_770 = tpu.memref_slice %arg7[%dma_start3A_767, %dma_start3A_768, %dma_start3A_769] : memref<4x80x128xf32, #tpu.memory_space<vmem>> -> memref<1x80x128xf32, #tpu.memory_space<vmem>>
    %dma_start3A_771 = tpu.memref_squeeze %dma_start3A_770 : memref<1x80x128xf32, #tpu.memory_space<vmem>> -> memref<80x128xf32, #tpu.memory_space<vmem>>
    %dma_start3A_772 = arith.constant 0 : i32
    %dma_start3A_773 = tpu.memref_slice %arg5[%arg0, %add3A_748, %dma_start3A_772] : memref<2x10240x128xf32, #tpu.memory_space<hbm>> -> memref<1x80x128xf32, #tpu.memory_space<hbm>>
    %dma_start3A_774 = tpu.memref_squeeze %dma_start3A_773 : memref<1x80x128xf32, #tpu.memory_space<hbm>> -> memref<80x128xf32, #tpu.memory_space<hbm>>
    %dma_start3A_775 = arith.constant 0 : i32
    %dma_start3A_776 = tpu.memref_slice %arg5[%arg0, %add3A_748, %dma_start3A_775] : memref<2x10240x128xf32, #tpu.memory_space<hbm>> -> memref<1x80x128xf32, #tpu.memory_space<hbm>>
    %dma_start3A_777 = tpu.memref_squeeze %dma_start3A_776 : memref<1x80x128xf32, #tpu.memory_space<hbm>> -> memref<80x128xf32, #tpu.memory_space<hbm>>
    %dma_start3A_778 = arith.constant 0 : i32
    %dma_start3A_779 = arith.constant 0 : i32
    %dma_start3A_780 = tpu.memref_slice %arg7[%dma_start3A_767, %dma_start3A_778, %dma_start3A_779] : memref<4x80x128xf32, #tpu.memory_space<vmem>> -> memref<1x80x128xf32, #tpu.memory_space<vmem>>
    %dma_start3A_781 = tpu.memref_squeeze %dma_start3A_780 : memref<1x80x128xf32, #tpu.memory_space<vmem>> -> memref<80x128xf32, #tpu.memory_space<vmem>>
    tpu.enqueue_dma source(%dma_start3A_781 : memref<80x128xf32, #tpu.memory_space<vmem>>) target(%dma_start3A_777 : memref<80x128xf32, #tpu.memory_space<hbm>>) target_semaphore(%arg15 : memref<!tpu.dma_semaphore, #tpu.memory_space<semaphore_mem>>)
    %mul3A_782 = arith.constant 640 : i32
    %mul3A_783 = arith.muli %arg1, %mul3A_782 : i32
    %add3A_784 = arith.constant 560 : i32
    %add3A_785 = arith.addi %mul3A_783, %add3A_784 : i32
    %dma_wait3A_786 = arith.constant 3 : i32
    %dma_wait3A_787 = arith.constant 0 : i32
    %dma_wait3A_788 = arith.constant 0 : i32
    %dma_wait3A_789 = tpu.memref_slice %arg7[%dma_wait3A_786, %dma_wait3A_787, %dma_wait3A_788] : memref<4x80x128xf32, #tpu.memory_space<vmem>> -> memref<1x80x128xf32, #tpu.memory_space<vmem>>
    %dma_wait3A_790 = tpu.memref_squeeze %dma_wait3A_789 : memref<1x80x128xf32, #tpu.memory_space<vmem>> -> memref<80x128xf32, #tpu.memory_space<vmem>>
    %dma_wait3A_791 = arith.constant 0 : i32
    %dma_wait3A_792 = arith.constant 0 : i32
    %dma_wait3A_793 = tpu.memref_slice %arg5[%arg0, %dma_wait3A_791, %dma_wait3A_792] : memref<2x10240x128xf32, #tpu.memory_space<hbm>> -> memref<1x80x128xf32, #tpu.memory_space<hbm>>
    %dma_wait3A_794 = tpu.memref_squeeze %dma_wait3A_793 : memref<1x80x128xf32, #tpu.memory_space<hbm>> -> memref<80x128xf32, #tpu.memory_space<hbm>>
    %dma_wait3A_795 = arith.constant 0 : i32
    %dma_wait3A_796 = arith.constant 0 : i32
    %dma_wait3A_797 = tpu.memref_slice %arg5[%arg0, %dma_wait3A_795, %dma_wait3A_796] : memref<2x10240x128xf32, #tpu.memory_space<hbm>> -> memref<1x80x128xf32, #tpu.memory_space<hbm>>
    %dma_wait3A_798 = tpu.memref_squeeze %dma_wait3A_797 : memref<1x80x128xf32, #tpu.memory_space<hbm>> -> memref<80x128xf32, #tpu.memory_space<hbm>>
    %dma_wait3A_799 = arith.constant 0 : i32
    %dma_wait3A_800 = arith.constant 0 : i32
    %dma_wait3A_801 = tpu.memref_slice %arg7[%dma_wait3A_786, %dma_wait3A_799, %dma_wait3A_800] : memref<4x80x128xf32, #tpu.memory_space<vmem>> -> memref<1x80x128xf32, #tpu.memory_space<vmem>>
    %dma_wait3A_802 = tpu.memref_squeeze %dma_wait3A_801 : memref<1x80x128xf32, #tpu.memory_space<vmem>> -> memref<80x128xf32, #tpu.memory_space<vmem>>
    tpu.wait_dma2 semaphore(%arg16 : memref<!tpu.dma_semaphore, #tpu.memory_space<semaphore_mem>>) src(%dma_wait3A_802 : memref<80x128xf32, #tpu.memory_space<vmem>>) dst(%dma_wait3A_798 : memref<80x128xf32, #tpu.memory_space<hbm>>)
    %run_scoped3A_803 = arith.constant 3 : i32
    "tpu.region"() ({
      %run_scoped3A_887 = tpu.sem_alloc : memref<!tpu.dma_semaphore, #tpu.memory_space<semaphore_mem>>
      %dma_start3A_888 = arith.constant 0 : i32
      %dma_start3A_889 = arith.constant 0 : i32
      %dma_start3A_890 = tpu.memref_slice %arg7[%run_scoped3A_803, %dma_start3A_888, %dma_start3A_889] : memref<4x80x128xf32, #tpu.memory_space<vmem>> -> memref<1x80x128xf32, #tpu.memory_space<vmem>>
      %dma_start3A_891 = tpu.memref_squeeze %dma_start3A_890 : memref<1x80x128xf32, #tpu.memory_space<vmem>> -> memref<80x128xf32, #tpu.memory_space<vmem>>
      %dma_start3A_892 = arith.constant 0 : i32
      %dma_start3A_893 = tpu.memref_slice %arg8[%add3A_785, %dma_start3A_892] : memref<10240x128xf32, #tpu.memory_space<vmem_shared>> -> memref<80x128xf32, #tpu.memory_space<vmem_shared>>
      %dma_start3A_894 = arith.constant 0 : i32
      %dma_start3A_895 = arith.constant 0 : i32
      %dma_start3A_896 = tpu.memref_slice %arg7[%run_scoped3A_803, %dma_start3A_894, %dma_start3A_895] : memref<4x80x128xf32, #tpu.memory_space<vmem>> -> memref<1x80x128xf32, #tpu.memory_space<vmem>>
      %dma_start3A_897 = tpu.memref_squeeze %dma_start3A_896 : memref<1x80x128xf32, #tpu.memory_space<vmem>> -> memref<80x128xf32, #tpu.memory_space<vmem>>
      %dma_start3A_898 = arith.constant 0 : i32
      %dma_start3A_899 = tpu.memref_slice %arg8[%add3A_785, %dma_start3A_898] : memref<10240x128xf32, #tpu.memory_space<vmem_shared>> -> memref<80x128xf32, #tpu.memory_space<vmem_shared>>
      tpu.enqueue_dma source(%dma_start3A_899 : memref<80x128xf32, #tpu.memory_space<vmem_shared>>) target(%dma_start3A_897 : memref<80x128xf32, #tpu.memory_space<vmem>>) target_semaphore(%run_scoped3A_887 : memref<!tpu.dma_semaphore, #tpu.memory_space<semaphore_mem>>)
      %dma_wait3A_900 = arith.constant 0 : i32
      %dma_wait3A_901 = arith.constant 0 : i32
      %dma_wait3A_902 = tpu.memref_slice %arg7[%run_scoped3A_803, %dma_wait3A_900, %dma_wait3A_901] : memref<4x80x128xf32, #tpu.memory_space<vmem>> -> memref<1x80x128xf32, #tpu.memory_space<vmem>>
      %dma_wait3A_903 = tpu.memref_squeeze %dma_wait3A_902 : memref<1x80x128xf32, #tpu.memory_space<vmem>> -> memref<80x128xf32, #tpu.memory_space<vmem>>
      %dma_wait3A_904 = arith.constant 0 : i32
      %dma_wait3A_905 = tpu.memref_slice %arg8[%add3A_785, %dma_wait3A_904] : memref<10240x128xf32, #tpu.memory_space<vmem_shared>> -> memref<80x128xf32, #tpu.memory_space<vmem_shared>>
      %dma_wait3A_906 = arith.constant 0 : i32
      %dma_wait3A_907 = arith.constant 0 : i32
      %dma_wait3A_908 = tpu.memref_slice %arg7[%run_scoped3A_803, %dma_wait3A_906, %dma_wait3A_907] : memref<4x80x128xf32, #tpu.memory_space<vmem>> -> memref<1x80x128xf32, #tpu.memory_space<vmem>>
      %dma_wait3A_909 = tpu.memref_squeeze %dma_wait3A_908 : memref<1x80x128xf32, #tpu.memory_space<vmem>> -> memref<80x128xf32, #tpu.memory_space<vmem>>
      %dma_wait3A_910 = arith.constant 0 : i32
      %dma_wait3A_911 = tpu.memref_slice %arg8[%add3A_785, %dma_wait3A_910] : memref<10240x128xf32, #tpu.memory_space<vmem_shared>> -> memref<80x128xf32, #tpu.memory_space<vmem_shared>>
      tpu.wait_dma2 semaphore(%run_scoped3A_887 : memref<!tpu.dma_semaphore, #tpu.memory_space<semaphore_mem>>) src(%dma_wait3A_911 : memref<80x128xf32, #tpu.memory_space<vmem_shared>>) dst(%dma_wait3A_909 : memref<80x128xf32, #tpu.memory_space<vmem>>)
      tpu.yield
    }) : () -> ()
    %dma_start3A_804 = arith.constant 3 : i32
    %dma_start3A_805 = arith.constant 0 : i32
    %dma_start3A_806 = arith.constant 0 : i32
    %dma_start3A_807 = tpu.memref_slice %arg7[%dma_start3A_804, %dma_start3A_805, %dma_start3A_806] : memref<4x80x128xf32, #tpu.memory_space<vmem>> -> memref<1x80x128xf32, #tpu.memory_space<vmem>>
    %dma_start3A_808 = tpu.memref_squeeze %dma_start3A_807 : memref<1x80x128xf32, #tpu.memory_space<vmem>> -> memref<80x128xf32, #tpu.memory_space<vmem>>
    %dma_start3A_809 = arith.constant 0 : i32
    %dma_start3A_810 = tpu.memref_slice %arg5[%arg0, %add3A_785, %dma_start3A_809] : memref<2x10240x128xf32, #tpu.memory_space<hbm>> -> memref<1x80x128xf32, #tpu.memory_space<hbm>>
    %dma_start3A_811 = tpu.memref_squeeze %dma_start3A_810 : memref<1x80x128xf32, #tpu.memory_space<hbm>> -> memref<80x128xf32, #tpu.memory_space<hbm>>
    %dma_start3A_812 = arith.constant 0 : i32
    %dma_start3A_813 = tpu.memref_slice %arg5[%arg0, %add3A_785, %dma_start3A_812] : memref<2x10240x128xf32, #tpu.memory_space<hbm>> -> memref<1x80x128xf32, #tpu.memory_space<hbm>>
    %dma_start3A_814 = tpu.memref_squeeze %dma_start3A_813 : memref<1x80x128xf32, #tpu.memory_space<hbm>> -> memref<80x128xf32, #tpu.memory_space<hbm>>
    %dma_start3A_815 = arith.constant 0 : i32
    %dma_start3A_816 = arith.constant 0 : i32
    %dma_start3A_817 = tpu.memref_slice %arg7[%dma_start3A_804, %dma_start3A_815, %dma_start3A_816] : memref<4x80x128xf32, #tpu.memory_space<vmem>> -> memref<1x80x128xf32, #tpu.memory_space<vmem>>
    %dma_start3A_818 = tpu.memref_squeeze %dma_start3A_817 : memref<1x80x128xf32, #tpu.memory_space<vmem>> -> memref<80x128xf32, #tpu.memory_space<vmem>>
    tpu.enqueue_dma source(%dma_start3A_818 : memref<80x128xf32, #tpu.memory_space<vmem>>) target(%dma_start3A_814 : memref<80x128xf32, #tpu.memory_space<hbm>>) target_semaphore(%arg16 : memref<!tpu.dma_semaphore, #tpu.memory_space<semaphore_mem>>)
    %dma_wait3A_819 = arith.constant 0 : i32
    %dma_wait3A_820 = arith.constant 0 : i32
    %dma_wait3A_821 = arith.constant 0 : i32
    %dma_wait3A_822 = tpu.memref_slice %arg7[%dma_wait3A_819, %dma_wait3A_820, %dma_wait3A_821] : memref<4x80x128xf32, #tpu.memory_space<vmem>> -> memref<1x80x128xf32, #tpu.memory_space<vmem>>
    %dma_wait3A_823 = tpu.memref_squeeze %dma_wait3A_822 : memref<1x80x128xf32, #tpu.memory_space<vmem>> -> memref<80x128xf32, #tpu.memory_space<vmem>>
    %dma_wait3A_824 = arith.constant 0 : i32
    %dma_wait3A_825 = arith.constant 0 : i32
    %dma_wait3A_826 = tpu.memref_slice %arg5[%arg0, %dma_wait3A_824, %dma_wait3A_825] : memref<2x10240x128xf32, #tpu.memory_space<hbm>> -> memref<1x80x128xf32, #tpu.memory_space<hbm>>
    %dma_wait3A_827 = tpu.memref_squeeze %dma_wait3A_826 : memref<1x80x128xf32, #tpu.memory_space<hbm>> -> memref<80x128xf32, #tpu.memory_space<hbm>>
    %dma_wait3A_828 = arith.constant 0 : i32
    %dma_wait3A_829 = arith.constant 0 : i32
    %dma_wait3A_830 = tpu.memref_slice %arg5[%arg0, %dma_wait3A_828, %dma_wait3A_829] : memref<2x10240x128xf32, #tpu.memory_space<hbm>> -> memref<1x80x128xf32, #tpu.memory_space<hbm>>
    %dma_wait3A_831 = tpu.memref_squeeze %dma_wait3A_830 : memref<1x80x128xf32, #tpu.memory_space<hbm>> -> memref<80x128xf32, #tpu.memory_space<hbm>>
    %dma_wait3A_832 = arith.constant 0 : i32
    %dma_wait3A_833 = arith.constant 0 : i32
    %dma_wait3A_834 = tpu.memref_slice %arg7[%dma_wait3A_819, %dma_wait3A_832, %dma_wait3A_833] : memref<4x80x128xf32, #tpu.memory_space<vmem>> -> memref<1x80x128xf32, #tpu.memory_space<vmem>>
    %dma_wait3A_835 = tpu.memref_squeeze %dma_wait3A_834 : memref<1x80x128xf32, #tpu.memory_space<vmem>> -> memref<80x128xf32, #tpu.memory_space<vmem>>
    tpu.wait_dma2 semaphore(%arg13 : memref<!tpu.dma_semaphore, #tpu.memory_space<semaphore_mem>>) src(%dma_wait3A_835 : memref<80x128xf32, #tpu.memory_space<vmem>>) dst(%dma_wait3A_831 : memref<80x128xf32, #tpu.memory_space<hbm>>)
    %dma_wait3A_836 = arith.constant 1 : i32
    %dma_wait3A_837 = arith.constant 0 : i32
    %dma_wait3A_838 = arith.constant 0 : i32
    %dma_wait3A_839 = tpu.memref_slice %arg7[%dma_wait3A_836, %dma_wait3A_837, %dma_wait3A_838] : memref<4x80x128xf32, #tpu.memory_space<vmem>> -> memref<1x80x128xf32, #tpu.memory_space<vmem>>
    %dma_wait3A_840 = tpu.memref_squeeze %dma_wait3A_839 : memref<1x80x128xf32, #tpu.memory_space<vmem>> -> memref<80x128xf32, #tpu.memory_space<vmem>>
    %dma_wait3A_841 = arith.constant 0 : i32
    %dma_wait3A_842 = arith.constant 0 : i32
    %dma_wait3A_843 = tpu.memref_slice %arg5[%arg0, %dma_wait3A_841, %dma_wait3A_842] : memref<2x10240x128xf32, #tpu.memory_space<hbm>> -> memref<1x80x128xf32, #tpu.memory_space<hbm>>
    %dma_wait3A_844 = tpu.memref_squeeze %dma_wait3A_843 : memref<1x80x128xf32, #tpu.memory_space<hbm>> -> memref<80x128xf32, #tpu.memory_space<hbm>>
    %dma_wait3A_845 = arith.constant 0 : i32
    %dma_wait3A_846 = arith.constant 0 : i32
    %dma_wait3A_847 = tpu.memref_slice %arg5[%arg0, %dma_wait3A_845, %dma_wait3A_846] : memref<2x10240x128xf32, #tpu.memory_space<hbm>> -> memref<1x80x128xf32, #tpu.memory_space<hbm>>
    %dma_wait3A_848 = tpu.memref_squeeze %dma_wait3A_847 : memref<1x80x128xf32, #tpu.memory_space<hbm>> -> memref<80x128xf32, #tpu.memory_space<hbm>>
    %dma_wait3A_849 = arith.constant 0 : i32
    %dma_wait3A_850 = arith.constant 0 : i32
    %dma_wait3A_851 = tpu.memref_slice %arg7[%dma_wait3A_836, %dma_wait3A_849, %dma_wait3A_850] : memref<4x80x128xf32, #tpu.memory_space<vmem>> -> memref<1x80x128xf32, #tpu.memory_space<vmem>>
    %dma_wait3A_852 = tpu.memref_squeeze %dma_wait3A_851 : memref<1x80x128xf32, #tpu.memory_space<vmem>> -> memref<80x128xf32, #tpu.memory_space<vmem>>
    tpu.wait_dma2 semaphore(%arg14 : memref<!tpu.dma_semaphore, #tpu.memory_space<semaphore_mem>>) src(%dma_wait3A_852 : memref<80x128xf32, #tpu.memory_space<vmem>>) dst(%dma_wait3A_848 : memref<80x128xf32, #tpu.memory_space<hbm>>)
    %dma_wait3A_853 = arith.constant 2 : i32
    %dma_wait3A_854 = arith.constant 0 : i32
    %dma_wait3A_855 = arith.constant 0 : i32
    %dma_wait3A_856 = tpu.memref_slice %arg7[%dma_wait3A_853, %dma_wait3A_854, %dma_wait3A_855] : memref<4x80x128xf32, #tpu.memory_space<vmem>> -> memref<1x80x128xf32, #tpu.memory_space<vmem>>
    %dma_wait3A_857 = tpu.memref_squeeze %dma_wait3A_856 : memref<1x80x128xf32, #tpu.memory_space<vmem>> -> memref<80x128xf32, #tpu.memory_space<vmem>>
    %dma_wait3A_858 = arith.constant 0 : i32
    %dma_wait3A_859 = arith.constant 0 : i32
    %dma_wait3A_860 = tpu.memref_slice %arg5[%arg0, %dma_wait3A_858, %dma_wait3A_859] : memref<2x10240x128xf32, #tpu.memory_space<hbm>> -> memref<1x80x128xf32, #tpu.memory_space<hbm>>
    %dma_wait3A_861 = tpu.memref_squeeze %dma_wait3A_860 : memref<1x80x128xf32, #tpu.memory_space<hbm>> -> memref<80x128xf32, #tpu.memory_space<hbm>>
    %dma_wait3A_862 = arith.constant 0 : i32
    %dma_wait3A_863 = arith.constant 0 : i32
    %dma_wait3A_864 = tpu.memref_slice %arg5[%arg0, %dma_wait3A_862, %dma_wait3A_863] : memref<2x10240x128xf32, #tpu.memory_space<hbm>> -> memref<1x80x128xf32, #tpu.memory_space<hbm>>
    %dma_wait3A_865 = tpu.memref_squeeze %dma_wait3A_864 : memref<1x80x128xf32, #tpu.memory_space<hbm>> -> memref<80x128xf32, #tpu.memory_space<hbm>>
    %dma_wait3A_866 = arith.constant 0 : i32
    %dma_wait3A_867 = arith.constant 0 : i32
    %dma_wait3A_868 = tpu.memref_slice %arg7[%dma_wait3A_853, %dma_wait3A_866, %dma_wait3A_867] : memref<4x80x128xf32, #tpu.memory_space<vmem>> -> memref<1x80x128xf32, #tpu.memory_space<vmem>>
    %dma_wait3A_869 = tpu.memref_squeeze %dma_wait3A_868 : memref<1x80x128xf32, #tpu.memory_space<vmem>> -> memref<80x128xf32, #tpu.memory_space<vmem>>
    tpu.wait_dma2 semaphore(%arg15 : memref<!tpu.dma_semaphore, #tpu.memory_space<semaphore_mem>>) src(%dma_wait3A_869 : memref<80x128xf32, #tpu.memory_space<vmem>>) dst(%dma_wait3A_865 : memref<80x128xf32, #tpu.memory_space<hbm>>)
    %dma_wait3A_870 = arith.constant 3 : i32
    %dma_wait3A_871 = arith.constant 0 : i32
    %dma_wait3A_872 = arith.constant 0 : i32
    %dma_wait3A_873 = tpu.memref_slice %arg7[%dma_wait3A_870, %dma_wait3A_871, %dma_wait3A_872] : memref<4x80x128xf32, #tpu.memory_space<vmem>> -> memref<1x80x128xf32, #tpu.memory_space<vmem>>
    %dma_wait3A_874 = tpu.memref_squeeze %dma_wait3A_873 : memref<1x80x128xf32, #tpu.memory_space<vmem>> -> memref<80x128xf32, #tpu.memory_space<vmem>>
    %dma_wait3A_875 = arith.constant 0 : i32
    %dma_wait3A_876 = arith.constant 0 : i32
    %dma_wait3A_877 = tpu.memref_slice %arg5[%arg0, %dma_wait3A_875, %dma_wait3A_876] : memref<2x10240x128xf32, #tpu.memory_space<hbm>> -> memref<1x80x128xf32, #tpu.memory_space<hbm>>
    %dma_wait3A_878 = tpu.memref_squeeze %dma_wait3A_877 : memref<1x80x128xf32, #tpu.memory_space<hbm>> -> memref<80x128xf32, #tpu.memory_space<hbm>>
    %dma_wait3A_879 = arith.constant 0 : i32
    %dma_wait3A_880 = arith.constant 0 : i32
    %dma_wait3A_881 = tpu.memref_slice %arg5[%arg0, %dma_wait3A_879, %dma_wait3A_880] : memref<2x10240x128xf32, #tpu.memory_space<hbm>> -> memref<1x80x128xf32, #tpu.memory_space<hbm>>
    %dma_wait3A_882 = tpu.memref_squeeze %dma_wait3A_881 : memref<1x80x128xf32, #tpu.memory_space<hbm>> -> memref<80x128xf32, #tpu.memory_space<hbm>>
    %dma_wait3A_883 = arith.constant 0 : i32
    %dma_wait3A_884 = arith.constant 0 : i32
    %dma_wait3A_885 = tpu.memref_slice %arg7[%dma_wait3A_870, %dma_wait3A_883, %dma_wait3A_884] : memref<4x80x128xf32, #tpu.memory_space<vmem>> -> memref<1x80x128xf32, #tpu.memory_space<vmem>>
    %dma_wait3A_886 = tpu.memref_squeeze %dma_wait3A_885 : memref<1x80x128xf32, #tpu.memory_space<vmem>> -> memref<80x128xf32, #tpu.memory_space<vmem>>
    tpu.wait_dma2 semaphore(%arg16 : memref<!tpu.dma_semaphore, #tpu.memory_space<semaphore_mem>>) src(%dma_wait3A_886 : memref<80x128xf32, #tpu.memory_space<vmem>>) dst(%dma_wait3A_882 : memref<80x128xf32, #tpu.memory_space<hbm>>)
    return
  }
}

#map = affine_map<(d0, d1) -> (0)>
module attributes {stable_mosaic.version = 14 : i64} {
  func.func @_sc_degree(%arg0: i32, %arg1: i32, %arg2: memref<320000xi32, #tpu.memory_space<hbm>>, %arg3: memref<327680xf32, #tpu.memory_space<hbm>>, %arg4: memref<10240xf32, #tpu.memory_space<vmem>>, %arg5: memref<10000xi32, #tpu.memory_space<vmem>>) attributes {dimension_semantics = [#tpu.dimension_semantics<core_parallel>, #tpu.dimension_semantics<subcore_parallel>], iteration_bounds = array<i64: 2, 16>, scalar_prefetch = 0 : i64, scratch_operands = 2 : i64, tpu.core_type = #tpu.core_type<sc_vector_subcore>, window_params = [{transform_indices = #map}, {transform_indices = #map}]} {
    %mul3A = arith.constant 16 : i32
    %mul3A_0 = arith.muli %arg0, %mul3A : i32
    %add3A = arith.addi %mul3A_0, %arg1 : i32
    %scan3A = arith.constant 0 : i32
    %scan3A_1 = arith.constant 0 : i32
    %scan3A_2 = arith.constant 640 : i32
    %scan3A_3 = arith.addi %scan3A_1, %scan3A_2 : i32
    %scan3A_4 = arith.constant 1 : i32
    scf.for %scan3A_17 = %scan3A_1 to %scan3A_3 step %scan3A_4  : i32 {
      %broadcast_in_dim3A_18 = arith.constant 0.000000e+00 : f32
      %broadcast_in_dim3A_19 = vector.broadcast %broadcast_in_dim3A_18 : f32 to vector<16xf32>
      %mul3A_20 = arith.constant 16 : i32
      %mul3A_21 = arith.muli %scan3A_17, %mul3A_20 : i32
      %swap3A = arith.index_cast %mul3A_21 : i32 to index
      %swap3A_22 = tpu.vector_load %arg4[%swap3A] {strides = array<i32>} : memref<10240xf32, #tpu.memory_space<vmem>>, vector<16xf32>,
      tpu.vector_store %arg4[%swap3A], %broadcast_in_dim3A_19 {strides = array<i32>} : memref<10240xf32, #tpu.memory_space<vmem>>, vector<16xf32>,
    }
    %scan3A_5 = arith.constant 640 : i32
    %mul3A_6 = arith.constant 10000 : i32
    %mul3A_7 = arith.muli %add3A, %mul3A_6 : i32
    "tpu.region"() ({
      %run_scoped3A = tpu.sem_alloc : memref<!tpu.dma_semaphore, #tpu.memory_space<semaphore_mem>>
      %dma_start3A = tpu.memref_slice %arg2[%mul3A_7] : memref<320000xi32, #tpu.memory_space<hbm>> -> memref<10000xi32, #tpu.memory_space<hbm>>
      %dma_start3A_17 = tpu.memref_slice %arg2[%mul3A_7] : memref<320000xi32, #tpu.memory_space<hbm>> -> memref<10000xi32, #tpu.memory_space<hbm>>
      tpu.enqueue_dma source(%dma_start3A_17 : memref<10000xi32, #tpu.memory_space<hbm>>) target(%arg5 : memref<10000xi32, #tpu.memory_space<vmem>>) target_semaphore(%run_scoped3A : memref<!tpu.dma_semaphore, #tpu.memory_space<semaphore_mem>>)
      %dma_wait3A = tpu.memref_slice %arg2[%mul3A_7] : memref<320000xi32, #tpu.memory_space<hbm>> -> memref<10000xi32, #tpu.memory_space<hbm>>
      %dma_wait3A_18 = tpu.memref_slice %arg2[%mul3A_7] : memref<320000xi32, #tpu.memory_space<hbm>> -> memref<10000xi32, #tpu.memory_space<hbm>>
      tpu.wait_dma2 semaphore(%run_scoped3A : memref<!tpu.dma_semaphore, #tpu.memory_space<semaphore_mem>>) src(%dma_wait3A_18 : memref<10000xi32, #tpu.memory_space<hbm>>) dst(%arg5 : memref<10000xi32, #tpu.memory_space<vmem>>)
      tpu.yield
    }) : () -> ()
    %broadcast_in_dim3A = arith.constant 1.000000e+00 : f32
    %broadcast_in_dim3A_8 = vector.broadcast %broadcast_in_dim3A : f32 to vector<16xf32>
    %scan3A_9 = arith.constant 0 : i32
    %scan3A_10 = arith.constant 0 : i32
    %scan3A_11 = arith.constant 625 : i32
    %scan3A_12 = arith.addi %scan3A_10, %scan3A_11 : i32
    %scan3A_13 = arith.constant 1 : i32
    scf.for %scan3A_17 = %scan3A_10 to %scan3A_12 step %scan3A_13  : i32 {
      %mul3A_18 = arith.constant 16 : i32
      %mul3A_19 = arith.muli %scan3A_17, %mul3A_18 : i32
      %get3A = arith.index_cast %mul3A_19 : i32 to index
      %get3A_20 = tpu.vector_load %arg5[%get3A] {strides = array<i32>} : memref<10000xi32, #tpu.memory_space<vmem>>, vector<16xi32>,
      tpu.vector_store_idx %arg4[%get3A_20], %broadcast_in_dim3A_8 {add = true} : memref<10240xf32, #tpu.memory_space<vmem>>[vector<16xi32>], vector<16xf32>,
    }
    %scan3A_14 = arith.constant 625 : i32
    %mul3A_15 = arith.constant 10240 : i32
    %mul3A_16 = arith.muli %add3A, %mul3A_15 : i32
    "tpu.region"() ({
      %run_scoped3A = tpu.sem_alloc : memref<!tpu.dma_semaphore, #tpu.memory_space<semaphore_mem>>
      %dma_start3A = tpu.memref_slice %arg3[%mul3A_16] : memref<327680xf32, #tpu.memory_space<hbm>> -> memref<10240xf32, #tpu.memory_space<hbm>>
      %dma_start3A_17 = tpu.memref_slice %arg3[%mul3A_16] : memref<327680xf32, #tpu.memory_space<hbm>> -> memref<10240xf32, #tpu.memory_space<hbm>>
      tpu.enqueue_dma source(%arg4 : memref<10240xf32, #tpu.memory_space<vmem>>) target(%dma_start3A_17 : memref<10240xf32, #tpu.memory_space<hbm>>) target_semaphore(%run_scoped3A : memref<!tpu.dma_semaphore, #tpu.memory_space<semaphore_mem>>)
      %dma_wait3A = tpu.memref_slice %arg3[%mul3A_16] : memref<327680xf32, #tpu.memory_space<hbm>> -> memref<10240xf32, #tpu.memory_space<hbm>>
      %dma_wait3A_18 = tpu.memref_slice %arg3[%mul3A_16] : memref<327680xf32, #tpu.memory_space<hbm>> -> memref<10240xf32, #tpu.memory_space<hbm>>
      tpu.wait_dma2 semaphore(%run_scoped3A : memref<!tpu.dma_semaphore, #tpu.memory_space<semaphore_mem>>) src(%arg4 : memref<10240xf32, #tpu.memory_space<vmem>>) dst(%dma_wait3A_18 : memref<10240xf32, #tpu.memory_space<hbm>>)
      tpu.yield
    }) : () -> ()
    return
  }
}

#map = affine_map<(d0, d1) -> (0, 0)>
#map1 = affine_map<(d0, d1) -> (0, 0, 0, 0)>
#map2 = affine_map<(d0, d1) -> (0, 0, 0)>
module attributes {stable_mosaic.version = 14 : i64} {
  func.func @_sc_scatter(%arg0: i32, %arg1: i32, %arg2: memref<10000x128xf32, #tpu.memory_space<hbm>>, %arg3: memref<32x125x1x80xi32, #tpu.memory_space<hbm>>, %arg4: memref<32x125x1x80xi32, #tpu.memory_space<hbm>>, %arg5: memref<2x10240x128xf32, #tpu.memory_space<hbm>>, %arg6: memref<4x2x80xi32, #tpu.memory_space<vmem>>, %arg7: memref<4x80x128xf32, #tpu.memory_space<vmem>>, %arg8: memref<10240x128xf32, #tpu.memory_space<vmem_shared>>, %arg9: memref<!tpu.dma_semaphore, #tpu.memory_space<semaphore_mem>>, %arg10: memref<!tpu.dma_semaphore, #tpu.memory_space<semaphore_mem>>, %arg11: memref<!tpu.dma_semaphore, #tpu.memory_space<semaphore_mem>>, %arg12: memref<!tpu.dma_semaphore, #tpu.memory_space<semaphore_mem>>, %arg13: memref<!tpu.dma_semaphore, #tpu.memory_space<semaphore_mem>>, %arg14: memref<!tpu.dma_semaphore, #tpu.memory_space<semaphore_mem>>, %arg15: memref<!tpu.dma_semaphore, #tpu.memory_space<semaphore_mem>>, %arg16: memref<!tpu.dma_semaphore, #tpu.memory_space<semaphore_mem>>) attributes {dimension_semantics = [#tpu.dimension_semantics<core_parallel>, #tpu.dimension_semantics<subcore_parallel>], iteration_bounds = array<i64: 2, 16>, scalar_prefetch = 0 : i64, scratch_operands = 11 : i64, tpu.core_type = #tpu.core_type<sc_vector_subcore>, window_params = [{transform_indices = #map}, {transform_indices = #map1}, {transform_indices = #map1}, {transform_indices = #map2}]} {
    %mul3A = arith.constant 16 : i32
    %mul3A_0 = arith.muli %arg0, %mul3A : i32
    %add3A = arith.addi %mul3A_0, %arg1 : i32
    %dma_start3A = arith.constant 0 : i32
    %dma_start3A_1 = arith.constant 0 : i32
    %dma_start3A_2 = arith.constant 0 : i32
    %dma_start3A_3 = arith.constant 0 : i32
    %dma_start3A_4 = tpu.memref_slice %arg6[%dma_start3A_1, %dma_start3A_2, %dma_start3A_3] : memref<4x2x80xi32, #tpu.memory_space<vmem>> -> memref<1x1x80xi32, #tpu.memory_space<vmem>>
    %dma_start3A_5 = tpu.memref_squeeze %dma_start3A_4 : memref<1x1x80xi32, #tpu.memory_space<vmem>> -> memref<1x80xi32, #tpu.memory_space<vmem>>
    %dma_start3A_6 = arith.constant 0 : i32
    %dma_start3A_7 = arith.constant 0 : i32
    %dma_start3A_8 = tpu.memref_slice %arg3[%add3A, %dma_start3A, %dma_start3A_6, %dma_start3A_7] : memref<32x125x1x80xi32, #tpu.memory_space<hbm>> -> memref<1x1x1x80xi32, #tpu.memory_space<hbm>>
    %dma_start3A_9 = tpu.memref_squeeze %dma_start3A_8 : memref<1x1x1x80xi32, #tpu.memory_space<hbm>> -> memref<1x80xi32, #tpu.memory_space<hbm>>
    %dma_start3A_10 = arith.constant 0 : i32
    %dma_start3A_11 = arith.constant 0 : i32
    %dma_start3A_12 = tpu.memref_slice %arg6[%dma_start3A_1, %dma_start3A_10, %dma_start3A_11] : memref<4x2x80xi32, #tpu.memory_space<vmem>> -> memref<1x1x80xi32, #tpu.memory_space<vmem>>
    %dma_start3A_13 = tpu.memref_squeeze %dma_start3A_12 : memref<1x1x80xi32, #tpu.memory_space<vmem>> -> memref<1x80xi32, #tpu.memory_space<vmem>>
    %dma_start3A_14 = arith.constant 0 : i32
    %dma_start3A_15 = arith.constant 0 : i32
    %dma_start3A_16 = tpu.memref_slice %arg3[%add3A, %dma_start3A, %dma_start3A_14, %dma_start3A_15] : memref<32x125x1x80xi32, #tpu.memory_space<hbm>> -> memref<1x1x1x80xi32, #tpu.memory_space<hbm>>
    %dma_start3A_17 = tpu.memref_squeeze %dma_start3A_16 : memref<1x1x1x80xi32, #tpu.memory_space<hbm>> -> memref<1x80xi32, #tpu.memory_space<hbm>>
    tpu.enqueue_dma source(%dma_start3A_17 : memref<1x80xi32, #tpu.memory_space<hbm>>) target(%dma_start3A_13 : memref<1x80xi32, #tpu.memory_space<vmem>>) target_semaphore(%arg9 : memref<!tpu.dma_semaphore, #tpu.memory_space<semaphore_mem>>)
    %dma_start3A_18 = arith.constant 0 : i32
    %dma_start3A_19 = arith.constant 0 : i32
    %dma_start3A_20 = arith.constant 1 : i32
    %dma_start3A_21 = arith.constant 0 : i32
    %dma_start3A_22 = tpu.memref_slice %arg6[%dma_start3A_19, %dma_start3A_20, %dma_start3A_21] : memref<4x2x80xi32, #tpu.memory_space<vmem>> -> memref<1x1x80xi32, #tpu.memory_space<vmem>>
    %dma_start3A_23 = tpu.memref_squeeze %dma_start3A_22 : memref<1x1x80xi32, #tpu.memory_space<vmem>> -> memref<1x80xi32, #tpu.memory_space<vmem>>
    %dma_start3A_24 = arith.constant 0 : i32
    %dma_start3A_25 = arith.constant 0 : i32
    %dma_start3A_26 = tpu.memref_slice %arg4[%add3A, %dma_start3A_18, %dma_start3A_24, %dma_start3A_25] : memref<32x125x1x80xi32, #tpu.memory_space<hbm>> -> memref<1x1x1x80xi32, #tpu.memory_space<hbm>>
    %dma_start3A_27 = tpu.memref_squeeze %dma_start3A_26 : memref<1x1x1x80xi32, #tpu.memory_space<hbm>> -> memref<1x80xi32, #tpu.memory_space<hbm>>
    %dma_start3A_28 = arith.constant 1 : i32
    %dma_start3A_29 = arith.constant 0 : i32
    %dma_start3A_30 = tpu.memref_slice %arg6[%dma_start3A_19, %dma_start3A_28, %dma_start3A_29] : memref<4x2x80xi32, #tpu.memory_space<vmem>> -> memref<1x1x80xi32, #tpu.memory_space<vmem>>
    %dma_start3A_31 = tpu.memref_squeeze %dma_start3A_30 : memref<1x1x80xi32, #tpu.memory_space<vmem>> -> memref<1x80xi32, #tpu.memory_space<vmem>>
    %dma_start3A_32 = arith.constant 0 : i32
    %dma_start3A_33 = arith.constant 0 : i32
    %dma_start3A_34 = tpu.memref_slice %arg4[%add3A, %dma_start3A_18, %dma_start3A_32, %dma_start3A_33] : memref<32x125x1x80xi32, #tpu.memory_space<hbm>> -> memref<1x1x1x80xi32, #tpu.memory_space<hbm>>
    %dma_start3A_35 = tpu.memref_squeeze %dma_start3A_34 : memref<1x1x1x80xi32, #tpu.memory_space<hbm>> -> memref<1x80xi32, #tpu.memory_space<hbm>>
    tpu.enqueue_dma source(%dma_start3A_35 : memref<1x80xi32, #tpu.memory_space<hbm>>) target(%dma_start3A_31 : memref<1x80xi32, #tpu.memory_space<vmem>>) target_semaphore(%arg13 : memref<!tpu.dma_semaphore, #tpu.memory_space<semaphore_mem>>)
    %dma_start3A_36 = arith.constant 1 : i32
    %dma_start3A_37 = arith.constant 1 : i32
    %dma_start3A_38 = arith.constant 0 : i32
    %dma_start3A_39 = arith.constant 0 : i32
    %dma_start3A_40 = tpu.memref_slice %arg6[%dma_start3A_37, %dma_start3A_38, %dma_start3A_39] : memref<4x2x80xi32, #tpu.memory_space<vmem>> -> memref<1x1x80xi32, #tpu.memory_space<vmem>>
    %dma_start3A_41 = tpu.memref_squeeze %dma_start3A_40 : memref<1x1x80xi32, #tpu.memory_space<vmem>> -> memref<1x80xi32, #tpu.memory_space<vmem>>
    %dma_start3A_42 = arith.constant 0 : i32
    %dma_start3A_43 = arith.constant 0 : i32
    %dma_start3A_44 = tpu.memref_slice %arg3[%add3A, %dma_start3A_36, %dma_start3A_42, %dma_start3A_43] : memref<32x125x1x80xi32, #tpu.memory_space<hbm>> -> memref<1x1x1x80xi32, #tpu.memory_space<hbm>>
    %dma_start3A_45 = tpu.memref_squeeze %dma_start3A_44 : memref<1x1x1x80xi32, #tpu.memory_space<hbm>> -> memref<1x80xi32, #tpu.memory_space<hbm>>
    %dma_start3A_46 = arith.constant 0 : i32
    %dma_start3A_47 = arith.constant 0 : i32
    %dma_start3A_48 = tpu.memref_slice %arg6[%dma_start3A_37, %dma_start3A_46, %dma_start3A_47] : memref<4x2x80xi32, #tpu.memory_space<vmem>> -> memref<1x1x80xi32, #tpu.memory_space<vmem>>
    %dma_start3A_49 = tpu.memref_squeeze %dma_start3A_48 : memref<1x1x80xi32, #tpu.memory_space<vmem>> -> memref<1x80xi32, #tpu.memory_space<vmem>>
    %dma_start3A_50 = arith.constant 0 : i32
    %dma_start3A_51 = arith.constant 0 : i32
    %dma_start3A_52 = tpu.memref_slice %arg3[%add3A, %dma_start3A_36, %dma_start3A_50, %dma_start3A_51] : memref<32x125x1x80xi32, #tpu.memory_space<hbm>> -> memref<1x1x1x80xi32, #tpu.memory_space<hbm>>
    %dma_start3A_53 = tpu.memref_squeeze %dma_start3A_52 : memref<1x1x1x80xi32, #tpu.memory_space<hbm>> -> memref<1x80xi32, #tpu.memory_space<hbm>>
    tpu.enqueue_dma source(%dma_start3A_53 : memref<1x80xi32, #tpu.memory_space<hbm>>) target(%dma_start3A_49 : memref<1x80xi32, #tpu.memory_space<vmem>>) target_semaphore(%arg10 : memref<!tpu.dma_semaphore, #tpu.memory_space<semaphore_mem>>)
    %dma_start3A_54 = arith.constant 1 : i32
    %dma_start3A_55 = arith.constant 1 : i32
    %dma_start3A_56 = arith.constant 1 : i32
    %dma_start3A_57 = arith.constant 0 : i32
    %dma_start3A_58 = tpu.memref_slice %arg6[%dma_start3A_55, %dma_start3A_56, %dma_start3A_57] : memref<4x2x80xi32, #tpu.memory_space<vmem>> -> memref<1x1x80xi32, #tpu.memory_space<vmem>>
    %dma_start3A_59 = tpu.memref_squeeze %dma_start3A_58 : memref<1x1x80xi32, #tpu.memory_space<vmem>> -> memref<1x80xi32, #tpu.memory_space<vmem>>
    %dma_start3A_60 = arith.constant 0 : i32
    %dma_start3A_61 = arith.constant 0 : i32
    %dma_start3A_62 = tpu.memref_slice %arg4[%add3A, %dma_start3A_54, %dma_start3A_60, %dma_start3A_61] : memref<32x125x1x80xi32, #tpu.memory_space<hbm>> -> memref<1x1x1x80xi32, #tpu.memory_space<hbm>>
    %dma_start3A_63 = tpu.memref_squeeze %dma_start3A_62 : memref<1x1x1x80xi32, #tpu.memory_space<hbm>> -> memref<1x80xi32, #tpu.memory_space<hbm>>
    %dma_start3A_64 = arith.constant 1 : i32
    %dma_start3A_65 = arith.constant 0 : i32
    %dma_start3A_66 = tpu.memref_slice %arg6[%dma_start3A_55, %dma_start3A_64, %dma_start3A_65] : memref<4x2x80xi32, #tpu.memory_space<vmem>> -> memref<1x1x80xi32, #tpu.memory_space<vmem>>
    %dma_start3A_67 = tpu.memref_squeeze %dma_start3A_66 : memref<1x1x80xi32, #tpu.memory_space<vmem>> -> memref<1x80xi32, #tpu.memory_space<vmem>>
    %dma_start3A_68 = arith.constant 0 : i32
    %dma_start3A_69 = arith.constant 0 : i32
    %dma_start3A_70 = tpu.memref_slice %arg4[%add3A, %dma_start3A_54, %dma_start3A_68, %dma_start3A_69] : memref<32x125x1x80xi32, #tpu.memory_space<hbm>> -> memref<1x1x1x80xi32, #tpu.memory_space<hbm>>
    %dma_start3A_71 = tpu.memref_squeeze %dma_start3A_70 : memref<1x1x1x80xi32, #tpu.memory_space<hbm>> -> memref<1x80xi32, #tpu.memory_space<hbm>>
    tpu.enqueue_dma source(%dma_start3A_71 : memref<1x80xi32, #tpu.memory_space<hbm>>) target(%dma_start3A_67 : memref<1x80xi32, #tpu.memory_space<vmem>>) target_semaphore(%arg14 : memref<!tpu.dma_semaphore, #tpu.memory_space<semaphore_mem>>)
    %dma_start3A_72 = arith.constant 2 : i32
    %dma_start3A_73 = arith.constant 2 : i32
    %dma_start3A_74 = arith.constant 0 : i32
    %dma_start3A_75 = arith.constant 0 : i32
    %dma_start3A_76 = tpu.memref_slice %arg6[%dma_start3A_73, %dma_start3A_74, %dma_start3A_75] : memref<4x2x80xi32, #tpu.memory_space<vmem>> -> memref<1x1x80xi32, #tpu.memory_space<vmem>>
    %dma_start3A_77 = tpu.memref_squeeze %dma_start3A_76 : memref<1x1x80xi32, #tpu.memory_space<vmem>> -> memref<1x80xi32, #tpu.memory_space<vmem>>
    %dma_start3A_78 = arith.constant 0 : i32
    %dma_start3A_79 = arith.constant 0 : i32
    %dma_start3A_80 = tpu.memref_slice %arg3[%add3A, %dma_start3A_72, %dma_start3A_78, %dma_start3A_79] : memref<32x125x1x80xi32, #tpu.memory_space<hbm>> -> memref<1x1x1x80xi32, #tpu.memory_space<hbm>>
    %dma_start3A_81 = tpu.memref_squeeze %dma_start3A_80 : memref<1x1x1x80xi32, #tpu.memory_space<hbm>> -> memref<1x80xi32, #tpu.memory_space<hbm>>
    %dma_start3A_82 = arith.constant 0 : i32
    %dma_start3A_83 = arith.constant 0 : i32
    %dma_start3A_84 = tpu.memref_slice %arg6[%dma_start3A_73, %dma_start3A_82, %dma_start3A_83] : memref<4x2x80xi32, #tpu.memory_space<vmem>> -> memref<1x1x80xi32, #tpu.memory_space<vmem>>
    %dma_start3A_85 = tpu.memref_squeeze %dma_start3A_84 : memref<1x1x80xi32, #tpu.memory_space<vmem>> -> memref<1x80xi32, #tpu.memory_space<vmem>>
    %dma_start3A_86 = arith.constant 0 : i32
    %dma_start3A_87 = arith.constant 0 : i32
    %dma_start3A_88 = tpu.memref_slice %arg3[%add3A, %dma_start3A_72, %dma_start3A_86, %dma_start3A_87] : memref<32x125x1x80xi32, #tpu.memory_space<hbm>> -> memref<1x1x1x80xi32, #tpu.memory_space<hbm>>
    %dma_start3A_89 = tpu.memref_squeeze %dma_start3A_88 : memref<1x1x1x80xi32, #tpu.memory_space<hbm>> -> memref<1x80xi32, #tpu.memory_space<hbm>>
    tpu.enqueue_dma source(%dma_start3A_89 : memref<1x80xi32, #tpu.memory_space<hbm>>) target(%dma_start3A_85 : memref<1x80xi32, #tpu.memory_space<vmem>>) target_semaphore(%arg11 : memref<!tpu.dma_semaphore, #tpu.memory_space<semaphore_mem>>)
    %dma_start3A_90 = arith.constant 2 : i32
    %dma_start3A_91 = arith.constant 2 : i32
    %dma_start3A_92 = arith.constant 1 : i32
    %dma_start3A_93 = arith.constant 0 : i32
    %dma_start3A_94 = tpu.memref_slice %arg6[%dma_start3A_91, %dma_start3A_92, %dma_start3A_93] : memref<4x2x80xi32, #tpu.memory_space<vmem>> -> memref<1x1x80xi32, #tpu.memory_space<vmem>>
    %dma_start3A_95 = tpu.memref_squeeze %dma_start3A_94 : memref<1x1x80xi32, #tpu.memory_space<vmem>> -> memref<1x80xi32, #tpu.memory_space<vmem>>
    %dma_start3A_96 = arith.constant 0 : i32
    %dma_start3A_97 = arith.constant 0 : i32
    %dma_start3A_98 = tpu.memref_slice %arg4[%add3A, %dma_start3A_90, %dma_start3A_96, %dma_start3A_97] : memref<32x125x1x80xi32, #tpu.memory_space<hbm>> -> memref<1x1x1x80xi32, #tpu.memory_space<hbm>>
    %dma_start3A_99 = tpu.memref_squeeze %dma_start3A_98 : memref<1x1x1x80xi32, #tpu.memory_space<hbm>> -> memref<1x80xi32, #tpu.memory_space<hbm>>
    %dma_start3A_100 = arith.constant 1 : i32
    %dma_start3A_101 = arith.constant 0 : i32
    %dma_start3A_102 = tpu.memref_slice %arg6[%dma_start3A_91, %dma_start3A_100, %dma_start3A_101] : memref<4x2x80xi32, #tpu.memory_space<vmem>> -> memref<1x1x80xi32, #tpu.memory_space<vmem>>
    %dma_start3A_103 = tpu.memref_squeeze %dma_start3A_102 : memref<1x1x80xi32, #tpu.memory_space<vmem>> -> memref<1x80xi32, #tpu.memory_space<vmem>>
    %dma_start3A_104 = arith.constant 0 : i32
    %dma_start3A_105 = arith.constant 0 : i32
    %dma_start3A_106 = tpu.memref_slice %arg4[%add3A, %dma_start3A_90, %dma_start3A_104, %dma_start3A_105] : memref<32x125x1x80xi32, #tpu.memory_space<hbm>> -> memref<1x1x1x80xi32, #tpu.memory_space<hbm>>
    %dma_start3A_107 = tpu.memref_squeeze %dma_start3A_106 : memref<1x1x1x80xi32, #tpu.memory_space<hbm>> -> memref<1x80xi32, #tpu.memory_space<hbm>>
    tpu.enqueue_dma source(%dma_start3A_107 : memref<1x80xi32, #tpu.memory_space<hbm>>) target(%dma_start3A_103 : memref<1x80xi32, #tpu.memory_space<vmem>>) target_semaphore(%arg15 : memref<!tpu.dma_semaphore, #tpu.memory_space<semaphore_mem>>)
    %dma_start3A_108 = arith.constant 3 : i32
    %dma_start3A_109 = arith.constant 3 : i32
    %dma_start3A_110 = arith.constant 0 : i32
    %dma_start3A_111 = arith.constant 0 : i32
    %dma_start3A_112 = tpu.memref_slice %arg6[%dma_start3A_109, %dma_start3A_110, %dma_start3A_111] : memref<4x2x80xi32, #tpu.memory_space<vmem>> -> memref<1x1x80xi32, #tpu.memory_space<vmem>>
    %dma_start3A_113 = tpu.memref_squeeze %dma_start3A_112 : memref<1x1x80xi32, #tpu.memory_space<vmem>> -> memref<1x80xi32, #tpu.memory_space<vmem>>
    %dma_start3A_114 = arith.constant 0 : i32
    %dma_start3A_115 = arith.constant 0 : i32
    %dma_start3A_116 = tpu.memref_slice %arg3[%add3A, %dma_start3A_108, %dma_start3A_114, %dma_start3A_115] : memref<32x125x1x80xi32, #tpu.memory_space<hbm>> -> memref<1x1x1x80xi32, #tpu.memory_space<hbm>>
    %dma_start3A_117 = tpu.memref_squeeze %dma_start3A_116 : memref<1x1x1x80xi32, #tpu.memory_space<hbm>> -> memref<1x80xi32, #tpu.memory_space<hbm>>
    %dma_start3A_118 = arith.constant 0 : i32
    %dma_start3A_119 = arith.constant 0 : i32
    %dma_start3A_120 = tpu.memref_slice %arg6[%dma_start3A_109, %dma_start3A_118, %dma_start3A_119] : memref<4x2x80xi32, #tpu.memory_space<vmem>> -> memref<1x1x80xi32, #tpu.memory_space<vmem>>
    %dma_start3A_121 = tpu.memref_squeeze %dma_start3A_120 : memref<1x1x80xi32, #tpu.memory_space<vmem>> -> memref<1x80xi32, #tpu.memory_space<vmem>>
    %dma_start3A_122 = arith.constant 0 : i32
    %dma_start3A_123 = arith.constant 0 : i32
    %dma_start3A_124 = tpu.memref_slice %arg3[%add3A, %dma_start3A_108, %dma_start3A_122, %dma_start3A_123] : memref<32x125x1x80xi32, #tpu.memory_space<hbm>> -> memref<1x1x1x80xi32, #tpu.memory_space<hbm>>
    %dma_start3A_125 = tpu.memref_squeeze %dma_start3A_124 : memref<1x1x1x80xi32, #tpu.memory_space<hbm>> -> memref<1x80xi32, #tpu.memory_space<hbm>>
    tpu.enqueue_dma source(%dma_start3A_125 : memref<1x80xi32, #tpu.memory_space<hbm>>) target(%dma_start3A_121 : memref<1x80xi32, #tpu.memory_space<vmem>>) target_semaphore(%arg12 : memref<!tpu.dma_semaphore, #tpu.memory_space<semaphore_mem>>)
    %dma_start3A_126 = arith.constant 3 : i32
    %dma_start3A_127 = arith.constant 3 : i32
    %dma_start3A_128 = arith.constant 1 : i32
    %dma_start3A_129 = arith.constant 0 : i32
    %dma_start3A_130 = tpu.memref_slice %arg6[%dma_start3A_127, %dma_start3A_128, %dma_start3A_129] : memref<4x2x80xi32, #tpu.memory_space<vmem>> -> memref<1x1x80xi32, #tpu.memory_space<vmem>>
    %dma_start3A_131 = tpu.memref_squeeze %dma_start3A_130 : memref<1x1x80xi32, #tpu.memory_space<vmem>> -> memref<1x80xi32, #tpu.memory_space<vmem>>
    %dma_start3A_132 = arith.constant 0 : i32
    %dma_start3A_133 = arith.constant 0 : i32
    %dma_start3A_134 = tpu.memref_slice %arg4[%add3A, %dma_start3A_126, %dma_start3A_132, %dma_start3A_133] : memref<32x125x1x80xi32, #tpu.memory_space<hbm>> -> memref<1x1x1x80xi32, #tpu.memory_space<hbm>>
    %dma_start3A_135 = tpu.memref_squeeze %dma_start3A_134 : memref<1x1x1x80xi32, #tpu.memory_space<hbm>> -> memref<1x80xi32, #tpu.memory_space<hbm>>
    %dma_start3A_136 = arith.constant 1 : i32
    %dma_start3A_137 = arith.constant 0 : i32
    %dma_start3A_138 = tpu.memref_slice %arg6[%dma_start3A_127, %dma_start3A_136, %dma_start3A_137] : memref<4x2x80xi32, #tpu.memory_space<vmem>> -> memref<1x1x80xi32, #tpu.memory_space<vmem>>
    %dma_start3A_139 = tpu.memref_squeeze %dma_start3A_138 : memref<1x1x80xi32, #tpu.memory_space<vmem>> -> memref<1x80xi32, #tpu.memory_space<vmem>>
    %dma_start3A_140 = arith.constant 0 : i32
    %dma_start3A_141 = arith.constant 0 : i32
    %dma_start3A_142 = tpu.memref_slice %arg4[%add3A, %dma_start3A_126, %dma_start3A_140, %dma_start3A_141] : memref<32x125x1x80xi32, #tpu.memory_space<hbm>> -> memref<1x1x1x80xi32, #tpu.memory_space<hbm>>
    %dma_start3A_143 = tpu.memref_squeeze %dma_start3A_142 : memref<1x1x1x80xi32, #tpu.memory_space<hbm>> -> memref<1x80xi32, #tpu.memory_space<hbm>>
    tpu.enqueue_dma source(%dma_start3A_143 : memref<1x80xi32, #tpu.memory_space<hbm>>) target(%dma_start3A_139 : memref<1x80xi32, #tpu.memory_space<vmem>>) target_semaphore(%arg16 : memref<!tpu.dma_semaphore, #tpu.memory_space<semaphore_mem>>)
    %scan3A = arith.constant 0 : i32
    %scan3A_144 = arith.constant 0 : i32
    %scan3A_145 = arith.constant 640 : i32
    %scan3A_146 = arith.addi %scan3A_144, %scan3A_145 : i32
    %scan3A_147 = arith.constant 1 : i32
    scf.for %scan3A_887 = %scan3A_144 to %scan3A_146 step %scan3A_147  : i32 {
      %broadcast_in_dim3A = arith.constant 0.000000e+00 : f32
      %broadcast_in_dim3A_888 = vector.broadcast %broadcast_in_dim3A : f32 to vector<16xf32>
      %jit3A = arith.constant 8 : i32
      %div3A = arith.divsi %scan3A_887, %jit3A : i32
      %sign3A = arith.constant 0 : i32
      %sign3A_889 = arith.cmpi sgt, %scan3A_887, %sign3A : i32
      %sign3A_890 = arith.extui %sign3A_889 : i1 to i32
      %sign3A_891 = arith.constant 0 : i32
      %sign3A_892 = arith.cmpi slt, %scan3A_887, %sign3A_891 : i32
      %sign3A_893 = arith.extui %sign3A_892 : i1 to i32
      %sign3A_894 = arith.subi %sign3A_890, %sign3A_893 : i32
      %sign3A_895 = arith.constant 0 : i32
      %sign3A_896 = arith.cmpi sgt, %jit3A, %sign3A_895 : i32
      %sign3A_897 = arith.extui %sign3A_896 : i1 to i32
      %sign3A_898 = arith.constant 0 : i32
      %sign3A_899 = arith.cmpi slt, %jit3A, %sign3A_898 : i32
      %sign3A_900 = arith.extui %sign3A_899 : i1 to i32
      %sign3A_901 = arith.subi %sign3A_897, %sign3A_900 : i32
      %ne3A = arith.cmpi ne, %sign3A_894, %sign3A_901 : i32
      %rem3A = arith.remsi %scan3A_887, %jit3A : i32
      %ne3A_902 = arith.constant 0 : i32
      %ne3A_903 = arith.cmpi ne, %rem3A, %ne3A_902 : i32
      %and3A = arith.andi %ne3A, %ne3A_903 : i1
      %sub3A = arith.constant 1 : i32
      %sub3A_904 = arith.subi %div3A, %sub3A : i32
      %select_n3A = arith.select %and3A, %sub3A_904, %div3A : i32
      %jit3A_905 = arith.constant 8 : i32
      %eq3A = arith.constant 0 : i32
      %eq3A_906 = arith.cmpi eq, %jit3A_905, %eq3A : i32
      %jit3A_907 = arith.constant 1 : i32
      %select_n3A_908 = arith.select %eq3A_906, %jit3A_907, %jit3A_905 : i32
      %rem3A_909 = arith.remsi %scan3A_887, %select_n3A_908 : i32
      %ne3A_910 = arith.constant 0 : i32
      %ne3A_911 = arith.cmpi ne, %rem3A_909, %ne3A_910 : i32
      %lt3A = arith.constant 0 : i32
      %lt3A_912 = arith.cmpi slt, %rem3A_909, %lt3A : i32
      %lt3A_913 = arith.constant 0 : i32
      %lt3A_914 = arith.cmpi slt, %select_n3A_908, %lt3A_913 : i32
      %ne3A_915 = arith.xori %lt3A_912, %lt3A_914 : i1
      %and3A_916 = arith.andi %ne3A_915, %ne3A_911 : i1
      %add3A_917 = arith.addi %rem3A_909, %select_n3A_908 : i32
      %select_n3A_918 = arith.select %and3A_916, %add3A_917, %rem3A_909 : i32
      %mul3A_919 = arith.constant 16 : i32
      %mul3A_920 = arith.muli %select_n3A_918, %mul3A_919 : i32
      %swap3A = arith.constant 3 : i32
      %swap3A_921 = arith.index_cast %swap3A : i32 to index
      %swap3A_922 = arith.index_cast %select_n3A : i32 to index
      %swap3A_923 = arith.index_cast %mul3A_920 : i32 to index
      %swap3A_924 = tpu.vector_load %arg7[%swap3A_921, %swap3A_922, %swap3A_923] {strides = array<i32>} : memref<4x80x128xf32, #tpu.memory_space<vmem>>, vector<1x1x16xf32>,
      %swap3A_925 = vector.shape_cast %swap3A_924 : vector<1x1x16xf32> to vector<16xf32>
      %swap3A_926 = vector.shape_cast %broadcast_in_dim3A_888 : vector<16xf32> to vector<1x1x16xf32>
      tpu.vector_store %arg7[%swap3A_921, %swap3A_922, %swap3A_923], %swap3A_926 {strides = array<i32>} : memref<4x80x128xf32, #tpu.memory_space<vmem>>, vector<1x1x16xf32>,
    }
    %scan3A_148 = arith.constant 640 : i32
    %mul3A_149 = arith.constant 640 : i32
    %mul3A_150 = arith.muli %arg1, %mul3A_149 : i32
    %add3A_151 = arith.constant 0 : i32
    %add3A_152 = arith.addi %mul3A_150, %add3A_151 : i32
    %dma_start3A_153 = arith.constant 3 : i32
    %dma_start3A_154 = arith.constant 0 : i32
    %dma_start3A_155 = arith.constant 0 : i32
    %dma_start3A_156 = tpu.memref_slice %arg7[%dma_start3A_153, %dma_start3A_154, %dma_start3A_155] : memref<4x80x128xf32, #tpu.memory_space<vmem>> -> memref<1x80x128xf32, #tpu.memory_space<vmem>>
    %dma_start3A_157 = tpu.memref_squeeze %dma_start3A_156 : memref<1x80x128xf32, #tpu.memory_space<vmem>> -> memref<80x128xf32, #tpu.memory_space<vmem>>
    %dma_start3A_158 = arith.constant 0 : i32
    %dma_start3A_159 = tpu.memref_slice %arg8[%add3A_152, %dma_start3A_158] : memref<10240x128xf32, #tpu.memory_space<vmem_shared>> -> memref<80x128xf32, #tpu.memory_space<vmem_shared>>
    %dma_start3A_160 = arith.constant 0 : i32
    %dma_start3A_161 = tpu.memref_slice %arg8[%add3A_152, %dma_start3A_160] : memref<10240x128xf32, #tpu.memory_space<vmem_shared>> -> memref<80x128xf32, #tpu.memory_space<vmem_shared>>
    %dma_start3A_162 = arith.constant 0 : i32
    %dma_start3A_163 = arith.constant 0 : i32
    %dma_start3A_164 = tpu.memref_slice %arg7[%dma_start3A_153, %dma_start3A_162, %dma_start3A_163] : memref<4x80x128xf32, #tpu.memory_space<vmem>> -> memref<1x80x128xf32, #tpu.memory_space<vmem>>
    %dma_start3A_165 = tpu.memref_squeeze %dma_start3A_164 : memref<1x80x128xf32, #tpu.memory_space<vmem>> -> memref<80x128xf32, #tpu.memory_space<vmem>>
    tpu.enqueue_dma source(%dma_start3A_165 : memref<80x128xf32, #tpu.memory_space<vmem>>) target(%dma_start3A_161 : memref<80x128xf32, #tpu.memory_space<vmem_shared>>) target_semaphore(%arg13 : memref<!tpu.dma_semaphore, #tpu.memory_space<semaphore_mem>>)
    %mul3A_166 = arith.constant 640 : i32
    %mul3A_167 = arith.muli %arg1, %mul3A_166 : i32
    %add3A_168 = arith.constant 80 : i32
    %add3A_169 = arith.addi %mul3A_167, %add3A_168 : i32
    %dma_start3A_170 = arith.constant 3 : i32
    %dma_start3A_171 = arith.constant 0 : i32
    %dma_start3A_172 = arith.constant 0 : i32
    %dma_start3A_173 = tpu.memref_slice %arg7[%dma_start3A_170, %dma_start3A_171, %dma_start3A_172] : memref<4x80x128xf32, #tpu.memory_space<vmem>> -> memref<1x80x128xf32, #tpu.memory_space<vmem>>
    %dma_start3A_174 = tpu.memref_squeeze %dma_start3A_173 : memref<1x80x128xf32, #tpu.memory_space<vmem>> -> memref<80x128xf32, #tpu.memory_space<vmem>>
    %dma_start3A_175 = arith.constant 0 : i32
    %dma_start3A_176 = tpu.memref_slice %arg8[%add3A_169, %dma_start3A_175] : memref<10240x128xf32, #tpu.memory_space<vmem_shared>> -> memref<80x128xf32, #tpu.memory_space<vmem_shared>>
    %dma_start3A_177 = arith.constant 0 : i32
    %dma_start3A_178 = tpu.memref_slice %arg8[%add3A_169, %dma_start3A_177] : memref<10240x128xf32, #tpu.memory_space<vmem_shared>> -> memref<80x128xf32, #tpu.memory_space<vmem_shared>>
    %dma_start3A_179 = arith.constant 0 : i32
    %dma_start3A_180 = arith.constant 0 : i32
    %dma_start3A_181 = tpu.memref_slice %arg7[%dma_start3A_170, %dma_start3A_179, %dma_start3A_180] : memref<4x80x128xf32, #tpu.memory_space<vmem>> -> memref<1x80x128xf32, #tpu.memory_space<vmem>>
    %dma_start3A_182 = tpu.memref_squeeze %dma_start3A_181 : memref<1x80x128xf32, #tpu.memory_space<vmem>> -> memref<80x128xf32, #tpu.memory_space<vmem>>
    tpu.enqueue_dma source(%dma_start3A_182 : memref<80x128xf32, #tpu.memory_space<vmem>>) target(%dma_start3A_178 : memref<80x128xf32, #tpu.memory_space<vmem_shared>>) target_semaphore(%arg13 : memref<!tpu.dma_semaphore, #tpu.memory_space<semaphore_mem>>)
    %mul3A_183 = arith.constant 640 : i32
    %mul3A_184 = arith.muli %arg1, %mul3A_183 : i32
    %add3A_185 = arith.constant 160 : i32
    %add3A_186 = arith.addi %mul3A_184, %add3A_185 : i32
    %dma_start3A_187 = arith.constant 3 : i32
    %dma_start3A_188 = arith.constant 0 : i32
    %dma_start3A_189 = arith.constant 0 : i32
    %dma_start3A_190 = tpu.memref_slice %arg7[%dma_start3A_187, %dma_start3A_188, %dma_start3A_189] : memref<4x80x128xf32, #tpu.memory_space<vmem>> -> memref<1x80x128xf32, #tpu.memory_space<vmem>>
    %dma_start3A_191 = tpu.memref_squeeze %dma_start3A_190 : memref<1x80x128xf32, #tpu.memory_space<vmem>> -> memref<80x128xf32, #tpu.memory_space<vmem>>
    %dma_start3A_192 = arith.constant 0 : i32
    %dma_start3A_193 = tpu.memref_slice %arg8[%add3A_186, %dma_start3A_192] : memref<10240x128xf32, #tpu.memory_space<vmem_shared>> -> memref<80x128xf32, #tpu.memory_space<vmem_shared>>
    %dma_start3A_194 = arith.constant 0 : i32
    %dma_start3A_195 = tpu.memref_slice %arg8[%add3A_186, %dma_start3A_194] : memref<10240x128xf32, #tpu.memory_space<vmem_shared>> -> memref<80x128xf32, #tpu.memory_space<vmem_shared>>
    %dma_start3A_196 = arith.constant 0 : i32
    %dma_start3A_197 = arith.constant 0 : i32
    %dma_start3A_198 = tpu.memref_slice %arg7[%dma_start3A_187, %dma_start3A_196, %dma_start3A_197] : memref<4x80x128xf32, #tpu.memory_space<vmem>> -> memref<1x80x128xf32, #tpu.memory_space<vmem>>
    %dma_start3A_199 = tpu.memref_squeeze %dma_start3A_198 : memref<1x80x128xf32, #tpu.memory_space<vmem>> -> memref<80x128xf32, #tpu.memory_space<vmem>>
    tpu.enqueue_dma source(%dma_start3A_199 : memref<80x128xf32, #tpu.memory_space<vmem>>) target(%dma_start3A_195 : memref<80x128xf32, #tpu.memory_space<vmem_shared>>) target_semaphore(%arg13 : memref<!tpu.dma_semaphore, #tpu.memory_space<semaphore_mem>>)
    %mul3A_200 = arith.constant 640 : i32
    %mul3A_201 = arith.muli %arg1, %mul3A_200 : i32
    %add3A_202 = arith.constant 240 : i32
    %add3A_203 = arith.addi %mul3A_201, %add3A_202 : i32
    %dma_start3A_204 = arith.constant 3 : i32
    %dma_start3A_205 = arith.constant 0 : i32
    %dma_start3A_206 = arith.constant 0 : i32
    %dma_start3A_207 = tpu.memref_slice %arg7[%dma_start3A_204, %dma_start3A_205, %dma_start3A_206] : memref<4x80x128xf32, #tpu.memory_space<vmem>> -> memref<1x80x128xf32, #tpu.memory_space<vmem>>
    %dma_start3A_208 = tpu.memref_squeeze %dma_start3A_207 : memref<1x80x128xf32, #tpu.memory_space<vmem>> -> memref<80x128xf32, #tpu.memory_space<vmem>>
    %dma_start3A_209 = arith.constant 0 : i32
    %dma_start3A_210 = tpu.memref_slice %arg8[%add3A_203, %dma_start3A_209] : memref<10240x128xf32, #tpu.memory_space<vmem_shared>> -> memref<80x128xf32, #tpu.memory_space<vmem_shared>>
    %dma_start3A_211 = arith.constant 0 : i32
    %dma_start3A_212 = tpu.memref_slice %arg8[%add3A_203, %dma_start3A_211] : memref<10240x128xf32, #tpu.memory_space<vmem_shared>> -> memref<80x128xf32, #tpu.memory_space<vmem_shared>>
    %dma_start3A_213 = arith.constant 0 : i32
    %dma_start3A_214 = arith.constant 0 : i32
    %dma_start3A_215 = tpu.memref_slice %arg7[%dma_start3A_204, %dma_start3A_213, %dma_start3A_214] : memref<4x80x128xf32, #tpu.memory_space<vmem>> -> memref<1x80x128xf32, #tpu.memory_space<vmem>>
    %dma_start3A_216 = tpu.memref_squeeze %dma_start3A_215 : memref<1x80x128xf32, #tpu.memory_space<vmem>> -> memref<80x128xf32, #tpu.memory_space<vmem>>
    tpu.enqueue_dma source(%dma_start3A_216 : memref<80x128xf32, #tpu.memory_space<vmem>>) target(%dma_start3A_212 : memref<80x128xf32, #tpu.memory_space<vmem_shared>>) target_semaphore(%arg13 : memref<!tpu.dma_semaphore, #tpu.memory_space<semaphore_mem>>)
    %mul3A_217 = arith.constant 640 : i32
    %mul3A_218 = arith.muli %arg1, %mul3A_217 : i32
    %add3A_219 = arith.constant 320 : i32
    %add3A_220 = arith.addi %mul3A_218, %add3A_219 : i32
    %dma_start3A_221 = arith.constant 3 : i32
    %dma_start3A_222 = arith.constant 0 : i32
    %dma_start3A_223 = arith.constant 0 : i32
    %dma_start3A_224 = tpu.memref_slice %arg7[%dma_start3A_221, %dma_start3A_222, %dma_start3A_223] : memref<4x80x128xf32, #tpu.memory_space<vmem>> -> memref<1x80x128xf32, #tpu.memory_space<vmem>>
    %dma_start3A_225 = tpu.memref_squeeze %dma_start3A_224 : memref<1x80x128xf32, #tpu.memory_space<vmem>> -> memref<80x128xf32, #tpu.memory_space<vmem>>
    %dma_start3A_226 = arith.constant 0 : i32
    %dma_start3A_227 = tpu.memref_slice %arg8[%add3A_220, %dma_start3A_226] : memref<10240x128xf32, #tpu.memory_space<vmem_shared>> -> memref<80x128xf32, #tpu.memory_space<vmem_shared>>
    %dma_start3A_228 = arith.constant 0 : i32
    %dma_start3A_229 = tpu.memref_slice %arg8[%add3A_220, %dma_start3A_228] : memref<10240x128xf32, #tpu.memory_space<vmem_shared>> -> memref<80x128xf32, #tpu.memory_space<vmem_shared>>
    %dma_start3A_230 = arith.constant 0 : i32
    %dma_start3A_231 = arith.constant 0 : i32
    %dma_start3A_232 = tpu.memref_slice %arg7[%dma_start3A_221, %dma_start3A_230, %dma_start3A_231] : memref<4x80x128xf32, #tpu.memory_space<vmem>> -> memref<1x80x128xf32, #tpu.memory_space<vmem>>
    %dma_start3A_233 = tpu.memref_squeeze %dma_start3A_232 : memref<1x80x128xf32, #tpu.memory_space<vmem>> -> memref<80x128xf32, #tpu.memory_space<vmem>>
    tpu.enqueue_dma source(%dma_start3A_233 : memref<80x128xf32, #tpu.memory_space<vmem>>) target(%dma_start3A_229 : memref<80x128xf32, #tpu.memory_space<vmem_shared>>) target_semaphore(%arg13 : memref<!tpu.dma_semaphore, #tpu.memory_space<semaphore_mem>>)
    %mul3A_234 = arith.constant 640 : i32
    %mul3A_235 = arith.muli %arg1, %mul3A_234 : i32
    %add3A_236 = arith.constant 400 : i32
    %add3A_237 = arith.addi %mul3A_235, %add3A_236 : i32
    %dma_start3A_238 = arith.constant 3 : i32
    %dma_start3A_239 = arith.constant 0 : i32
    %dma_start3A_240 = arith.constant 0 : i32
    %dma_start3A_241 = tpu.memref_slice %arg7[%dma_start3A_238, %dma_start3A_239, %dma_start3A_240] : memref<4x80x128xf32, #tpu.memory_space<vmem>> -> memref<1x80x128xf32, #tpu.memory_space<vmem>>
    %dma_start3A_242 = tpu.memref_squeeze %dma_start3A_241 : memref<1x80x128xf32, #tpu.memory_space<vmem>> -> memref<80x128xf32, #tpu.memory_space<vmem>>
    %dma_start3A_243 = arith.constant 0 : i32
    %dma_start3A_244 = tpu.memref_slice %arg8[%add3A_237, %dma_start3A_243] : memref<10240x128xf32, #tpu.memory_space<vmem_shared>> -> memref<80x128xf32, #tpu.memory_space<vmem_shared>>
    %dma_start3A_245 = arith.constant 0 : i32
    %dma_start3A_246 = tpu.memref_slice %arg8[%add3A_237, %dma_start3A_245] : memref<10240x128xf32, #tpu.memory_space<vmem_shared>> -> memref<80x128xf32, #tpu.memory_space<vmem_shared>>
    %dma_start3A_247 = arith.constant 0 : i32
    %dma_start3A_248 = arith.constant 0 : i32
    %dma_start3A_249 = tpu.memref_slice %arg7[%dma_start3A_238, %dma_start3A_247, %dma_start3A_248] : memref<4x80x128xf32, #tpu.memory_space<vmem>> -> memref<1x80x128xf32, #tpu.memory_space<vmem>>
    %dma_start3A_250 = tpu.memref_squeeze %dma_start3A_249 : memref<1x80x128xf32, #tpu.memory_space<vmem>> -> memref<80x128xf32, #tpu.memory_space<vmem>>
    tpu.enqueue_dma source(%dma_start3A_250 : memref<80x128xf32, #tpu.memory_space<vmem>>) target(%dma_start3A_246 : memref<80x128xf32, #tpu.memory_space<vmem_shared>>) target_semaphore(%arg13 : memref<!tpu.dma_semaphore, #tpu.memory_space<semaphore_mem>>)
    %mul3A_251 = arith.constant 640 : i32
    %mul3A_252 = arith.muli %arg1, %mul3A_251 : i32
    %add3A_253 = arith.constant 480 : i32
    %add3A_254 = arith.addi %mul3A_252, %add3A_253 : i32
    %dma_start3A_255 = arith.constant 3 : i32
    %dma_start3A_256 = arith.constant 0 : i32
    %dma_start3A_257 = arith.constant 0 : i32
    %dma_start3A_258 = tpu.memref_slice %arg7[%dma_start3A_255, %dma_start3A_256, %dma_start3A_257] : memref<4x80x128xf32, #tpu.memory_space<vmem>> -> memref<1x80x128xf32, #tpu.memory_space<vmem>>
    %dma_start3A_259 = tpu.memref_squeeze %dma_start3A_258 : memref<1x80x128xf32, #tpu.memory_space<vmem>> -> memref<80x128xf32, #tpu.memory_space<vmem>>
    %dma_start3A_260 = arith.constant 0 : i32
    %dma_start3A_261 = tpu.memref_slice %arg8[%add3A_254, %dma_start3A_260] : memref<10240x128xf32, #tpu.memory_space<vmem_shared>> -> memref<80x128xf32, #tpu.memory_space<vmem_shared>>
    %dma_start3A_262 = arith.constant 0 : i32
    %dma_start3A_263 = tpu.memref_slice %arg8[%add3A_254, %dma_start3A_262] : memref<10240x128xf32, #tpu.memory_space<vmem_shared>> -> memref<80x128xf32, #tpu.memory_space<vmem_shared>>
    %dma_start3A_264 = arith.constant 0 : i32
    %dma_start3A_265 = arith.constant 0 : i32
    %dma_start3A_266 = tpu.memref_slice %arg7[%dma_start3A_255, %dma_start3A_264, %dma_start3A_265] : memref<4x80x128xf32, #tpu.memory_space<vmem>> -> memref<1x80x128xf32, #tpu.memory_space<vmem>>
    %dma_start3A_267 = tpu.memref_squeeze %dma_start3A_266 : memref<1x80x128xf32, #tpu.memory_space<vmem>> -> memref<80x128xf32, #tpu.memory_space<vmem>>
    tpu.enqueue_dma source(%dma_start3A_267 : memref<80x128xf32, #tpu.memory_space<vmem>>) target(%dma_start3A_263 : memref<80x128xf32, #tpu.memory_space<vmem_shared>>) target_semaphore(%arg13 : memref<!tpu.dma_semaphore, #tpu.memory_space<semaphore_mem>>)
    %mul3A_268 = arith.constant 640 : i32
    %mul3A_269 = arith.muli %arg1, %mul3A_268 : i32
    %add3A_270 = arith.constant 560 : i32
    %add3A_271 = arith.addi %mul3A_269, %add3A_270 : i32
    %dma_start3A_272 = arith.constant 3 : i32
    %dma_start3A_273 = arith.constant 0 : i32
    %dma_start3A_274 = arith.constant 0 : i32
    %dma_start3A_275 = tpu.memref_slice %arg7[%dma_start3A_272, %dma_start3A_273, %dma_start3A_274] : memref<4x80x128xf32, #tpu.memory_space<vmem>> -> memref<1x80x128xf32, #tpu.memory_space<vmem>>
    %dma_start3A_276 = tpu.memref_squeeze %dma_start3A_275 : memref<1x80x128xf32, #tpu.memory_space<vmem>> -> memref<80x128xf32, #tpu.memory_space<vmem>>
    %dma_start3A_277 = arith.constant 0 : i32
    %dma_start3A_278 = tpu.memref_slice %arg8[%add3A_271, %dma_start3A_277] : memref<10240x128xf32, #tpu.memory_space<vmem_shared>> -> memref<80x128xf32, #tpu.memory_space<vmem_shared>>
    %dma_start3A_279 = arith.constant 0 : i32
    %dma_start3A_280 = tpu.memref_slice %arg8[%add3A_271, %dma_start3A_279] : memref<10240x128xf32, #tpu.memory_space<vmem_shared>> -> memref<80x128xf32, #tpu.memory_space<vmem_shared>>
    %dma_start3A_281 = arith.constant 0 : i32
    %dma_start3A_282 = arith.constant 0 : i32
    %dma_start3A_283 = tpu.memref_slice %arg7[%dma_start3A_272, %dma_start3A_281, %dma_start3A_282] : memref<4x80x128xf32, #tpu.memory_space<vmem>> -> memref<1x80x128xf32, #tpu.memory_space<vmem>>
    %dma_start3A_284 = tpu.memref_squeeze %dma_start3A_283 : memref<1x80x128xf32, #tpu.memory_space<vmem>> -> memref<80x128xf32, #tpu.memory_space<vmem>>
    tpu.enqueue_dma source(%dma_start3A_284 : memref<80x128xf32, #tpu.memory_space<vmem>>) target(%dma_start3A_280 : memref<80x128xf32, #tpu.memory_space<vmem_shared>>) target_semaphore(%arg13 : memref<!tpu.dma_semaphore, #tpu.memory_space<semaphore_mem>>)
    %dma_wait3A = arith.constant 0 : i32
    %dma_wait3A_285 = arith.constant 0 : i32
    %dma_wait3A_286 = arith.constant 0 : i32
    %dma_wait3A_287 = arith.constant 0 : i32
    %dma_wait3A_288 = tpu.memref_slice %arg6[%dma_wait3A_285, %dma_wait3A_286, %dma_wait3A_287] : memref<4x2x80xi32, #tpu.memory_space<vmem>> -> memref<1x1x80xi32, #tpu.memory_space<vmem>>
    %dma_wait3A_289 = tpu.memref_squeeze %dma_wait3A_288 : memref<1x1x80xi32, #tpu.memory_space<vmem>> -> memref<1x80xi32, #tpu.memory_space<vmem>>
    %dma_wait3A_290 = arith.constant 0 : i32
    %dma_wait3A_291 = arith.constant 0 : i32
    %dma_wait3A_292 = tpu.memref_slice %arg3[%add3A, %dma_wait3A, %dma_wait3A_290, %dma_wait3A_291] : memref<32x125x1x80xi32, #tpu.memory_space<hbm>> -> memref<1x1x1x80xi32, #tpu.memory_space<hbm>>
    %dma_wait3A_293 = tpu.memref_squeeze %dma_wait3A_292 : memref<1x1x1x80xi32, #tpu.memory_space<hbm>> -> memref<1x80xi32, #tpu.memory_space<hbm>>
    %dma_wait3A_294 = arith.constant 0 : i32
    %dma_wait3A_295 = arith.constant 0 : i32
    %dma_wait3A_296 = tpu.memref_slice %arg6[%dma_wait3A_285, %dma_wait3A_294, %dma_wait3A_295] : memref<4x2x80xi32, #tpu.memory_space<vmem>> -> memref<1x1x80xi32, #tpu.memory_space<vmem>>
    %dma_wait3A_297 = tpu.memref_squeeze %dma_wait3A_296 : memref<1x1x80xi32, #tpu.memory_space<vmem>> -> memref<1x80xi32, #tpu.memory_space<vmem>>
    %dma_wait3A_298 = arith.constant 0 : i32
    %dma_wait3A_299 = arith.constant 0 : i32
    %dma_wait3A_300 = tpu.memref_slice %arg3[%add3A, %dma_wait3A, %dma_wait3A_298, %dma_wait3A_299] : memref<32x125x1x80xi32, #tpu.memory_space<hbm>> -> memref<1x1x1x80xi32, #tpu.memory_space<hbm>>
    %dma_wait3A_301 = tpu.memref_squeeze %dma_wait3A_300 : memref<1x1x1x80xi32, #tpu.memory_space<hbm>> -> memref<1x80xi32, #tpu.memory_space<hbm>>
    tpu.wait_dma2 semaphore(%arg9 : memref<!tpu.dma_semaphore, #tpu.memory_space<semaphore_mem>>) src(%dma_wait3A_301 : memref<1x80xi32, #tpu.memory_space<hbm>>) dst(%dma_wait3A_297 : memref<1x80xi32, #tpu.memory_space<vmem>>)
    %dma_start3A_302 = arith.constant 0 : i32
    %dma_start3A_303 = arith.constant 0 : i32
    %dma_start3A_304 = arith.constant 0 : i32
    %dma_start3A_305 = arith.constant 0 : i32
    %dma_start3A_306 = arith.constant 0 : i32
    %dma_start3A_307 = tpu.memref_slice %arg7[%dma_start3A_304, %dma_start3A_305, %dma_start3A_306] : memref<4x80x128xf32, #tpu.memory_space<vmem>> -> memref<1x80x128xf32, #tpu.memory_space<vmem>>
    %dma_start3A_308 = tpu.memref_squeeze %dma_start3A_307 : memref<1x80x128xf32, #tpu.memory_space<vmem>> -> memref<80x128xf32, #tpu.memory_space<vmem>>
    %dma_start3A_309 = arith.constant 0 : i32
    %dma_start3A_310 = tpu.memref_slice %arg6[%dma_start3A_302, %dma_start3A_303, %dma_start3A_309] : memref<4x2x80xi32, #tpu.memory_space<vmem>> -> memref<1x1x80xi32, #tpu.memory_space<vmem>>
    %dma_start3A_311 = tpu.memref_squeeze %dma_start3A_310 : memref<1x1x80xi32, #tpu.memory_space<vmem>> -> memref<80xi32, #tpu.memory_space<vmem>>
    %dma_start3A_312 = arith.constant 0 : i32
    %dma_start3A_313 = arith.constant 0 : i32
    %dma_start3A_314 = tpu.memref_slice %arg2[%dma_start3A_312, %dma_start3A_313] : memref<10000x128xf32, #tpu.memory_space<hbm>> -> memref<10000x128xf32, #tpu.memory_space<hbm>>
    tpu.enqueue_indirect_dma source(%dma_start3A_314 : memref<10000x128xf32, #tpu.memory_space<hbm>>) target(%dma_start3A_308 : memref<80x128xf32, #tpu.memory_space<vmem>>) offsets(%dma_start3A_311 : memref<80xi32, #tpu.memory_space<vmem>>) semaphore(%arg9 : memref<!tpu.dma_semaphore, #tpu.memory_space<semaphore_mem>>)
    %dma_wait3A_315 = arith.constant 0 : i32
    %dma_wait3A_316 = arith.constant 1 : i32
    %dma_wait3A_317 = arith.constant 0 : i32
    %dma_wait3A_318 = arith.constant 0 : i32
    %dma_wait3A_319 = tpu.memref_slice %arg6[%dma_wait3A_316, %dma_wait3A_317, %dma_wait3A_318] : memref<4x2x80xi32, #tpu.memory_space<vmem>> -> memref<1x1x80xi32, #tpu.memory_space<vmem>>
    %dma_wait3A_320 = tpu.memref_squeeze %dma_wait3A_319 : memref<1x1x80xi32, #tpu.memory_space<vmem>> -> memref<1x80xi32, #tpu.memory_space<vmem>>
    %dma_wait3A_321 = arith.constant 0 : i32
    %dma_wait3A_322 = arith.constant 0 : i32
    %dma_wait3A_323 = tpu.memref_slice %arg3[%add3A, %dma_wait3A_315, %dma_wait3A_321, %dma_wait3A_322] : memref<32x125x1x80xi32, #tpu.memory_space<hbm>> -> memref<1x1x1x80xi32, #tpu.memory_space<hbm>>
    %dma_wait3A_324 = tpu.memref_squeeze %dma_wait3A_323 : memref<1x1x1x80xi32, #tpu.memory_space<hbm>> -> memref<1x80xi32, #tpu.memory_space<hbm>>
    %dma_wait3A_325 = arith.constant 0 : i32
    %dma_wait3A_326 = arith.constant 0 : i32
    %dma_wait3A_327 = tpu.memref_slice %arg6[%dma_wait3A_316, %dma_wait3A_325, %dma_wait3A_326] : memref<4x2x80xi32, #tpu.memory_space<vmem>> -> memref<1x1x80xi32, #tpu.memory_space<vmem>>
    %dma_wait3A_328 = tpu.memref_squeeze %dma_wait3A_327 : memref<1x1x80xi32, #tpu.memory_space<vmem>> -> memref<1x80xi32, #tpu.memory_space<vmem>>
    %dma_wait3A_329 = arith.constant 0 : i32
    %dma_wait3A_330 = arith.constant 0 : i32
    %dma_wait3A_331 = tpu.memref_slice %arg3[%add3A, %dma_wait3A_315, %dma_wait3A_329, %dma_wait3A_330] : memref<32x125x1x80xi32, #tpu.memory_space<hbm>> -> memref<1x1x1x80xi32, #tpu.memory_space<hbm>>
    %dma_wait3A_332 = tpu.memref_squeeze %dma_wait3A_331 : memref<1x1x1x80xi32, #tpu.memory_space<hbm>> -> memref<1x80xi32, #tpu.memory_space<hbm>>
    tpu.wait_dma2 semaphore(%arg10 : memref<!tpu.dma_semaphore, #tpu.memory_space<semaphore_mem>>) src(%dma_wait3A_332 : memref<1x80xi32, #tpu.memory_space<hbm>>) dst(%dma_wait3A_328 : memref<1x80xi32, #tpu.memory_space<vmem>>)
    %dma_start3A_333 = arith.constant 1 : i32
    %dma_start3A_334 = arith.constant 0 : i32
    %dma_start3A_335 = arith.constant 1 : i32
    %dma_start3A_336 = arith.constant 0 : i32
    %dma_start3A_337 = arith.constant 0 : i32
    %dma_start3A_338 = tpu.memref_slice %arg7[%dma_start3A_335, %dma_start3A_336, %dma_start3A_337] : memref<4x80x128xf32, #tpu.memory_space<vmem>> -> memref<1x80x128xf32, #tpu.memory_space<vmem>>
    %dma_start3A_339 = tpu.memref_squeeze %dma_start3A_338 : memref<1x80x128xf32, #tpu.memory_space<vmem>> -> memref<80x128xf32, #tpu.memory_space<vmem>>
    %dma_start3A_340 = arith.constant 0 : i32
    %dma_start3A_341 = tpu.memref_slice %arg6[%dma_start3A_333, %dma_start3A_334, %dma_start3A_340] : memref<4x2x80xi32, #tpu.memory_space<vmem>> -> memref<1x1x80xi32, #tpu.memory_space<vmem>>
    %dma_start3A_342 = tpu.memref_squeeze %dma_start3A_341 : memref<1x1x80xi32, #tpu.memory_space<vmem>> -> memref<80xi32, #tpu.memory_space<vmem>>
    %dma_start3A_343 = arith.constant 0 : i32
    %dma_start3A_344 = arith.constant 0 : i32
    %dma_start3A_345 = tpu.memref_slice %arg2[%dma_start3A_343, %dma_start3A_344] : memref<10000x128xf32, #tpu.memory_space<hbm>> -> memref<10000x128xf32, #tpu.memory_space<hbm>>
    tpu.enqueue_indirect_dma source(%dma_start3A_345 : memref<10000x128xf32, #tpu.memory_space<hbm>>) target(%dma_start3A_339 : memref<80x128xf32, #tpu.memory_space<vmem>>) offsets(%dma_start3A_342 : memref<80xi32, #tpu.memory_space<vmem>>) semaphore(%arg10 : memref<!tpu.dma_semaphore, #tpu.memory_space<semaphore_mem>>)
    %dma_wait3A_346 = arith.constant 0 : i32
    %dma_wait3A_347 = arith.constant 2 : i32
    %dma_wait3A_348 = arith.constant 0 : i32
    %dma_wait3A_349 = arith.constant 0 : i32
    %dma_wait3A_350 = tpu.memref_slice %arg6[%dma_wait3A_347, %dma_wait3A_348, %dma_wait3A_349] : memref<4x2x80xi32, #tpu.memory_space<vmem>> -> memref<1x1x80xi32, #tpu.memory_space<vmem>>
    %dma_wait3A_351 = tpu.memref_squeeze %dma_wait3A_350 : memref<1x1x80xi32, #tpu.memory_space<vmem>> -> memref<1x80xi32, #tpu.memory_space<vmem>>
    %dma_wait3A_352 = arith.constant 0 : i32
    %dma_wait3A_353 = arith.constant 0 : i32
    %dma_wait3A_354 = tpu.memref_slice %arg3[%add3A, %dma_wait3A_346, %dma_wait3A_352, %dma_wait3A_353] : memref<32x125x1x80xi32, #tpu.memory_space<hbm>> -> memref<1x1x1x80xi32, #tpu.memory_space<hbm>>
    %dma_wait3A_355 = tpu.memref_squeeze %dma_wait3A_354 : memref<1x1x1x80xi32, #tpu.memory_space<hbm>> -> memref<1x80xi32, #tpu.memory_space<hbm>>
    %dma_wait3A_356 = arith.constant 0 : i32
    %dma_wait3A_357 = arith.constant 0 : i32
    %dma_wait3A_358 = tpu.memref_slice %arg6[%dma_wait3A_347, %dma_wait3A_356, %dma_wait3A_357] : memref<4x2x80xi32, #tpu.memory_space<vmem>> -> memref<1x1x80xi32, #tpu.memory_space<vmem>>
    %dma_wait3A_359 = tpu.memref_squeeze %dma_wait3A_358 : memref<1x1x80xi32, #tpu.memory_space<vmem>> -> memref<1x80xi32, #tpu.memory_space<vmem>>
    %dma_wait3A_360 = arith.constant 0 : i32
    %dma_wait3A_361 = arith.constant 0 : i32
    %dma_wait3A_362 = tpu.memref_slice %arg3[%add3A, %dma_wait3A_346, %dma_wait3A_360, %dma_wait3A_361] : memref<32x125x1x80xi32, #tpu.memory_space<hbm>> -> memref<1x1x1x80xi32, #tpu.memory_space<hbm>>
    %dma_wait3A_363 = tpu.memref_squeeze %dma_wait3A_362 : memref<1x1x1x80xi32, #tpu.memory_space<hbm>> -> memref<1x80xi32, #tpu.memory_space<hbm>>
    tpu.wait_dma2 semaphore(%arg11 : memref<!tpu.dma_semaphore, #tpu.memory_space<semaphore_mem>>) src(%dma_wait3A_363 : memref<1x80xi32, #tpu.memory_space<hbm>>) dst(%dma_wait3A_359 : memref<1x80xi32, #tpu.memory_space<vmem>>)
    %dma_start3A_364 = arith.constant 2 : i32
    %dma_start3A_365 = arith.constant 0 : i32
    %dma_start3A_366 = arith.constant 2 : i32
    %dma_start3A_367 = arith.constant 0 : i32
    %dma_start3A_368 = arith.constant 0 : i32
    %dma_start3A_369 = tpu.memref_slice %arg7[%dma_start3A_366, %dma_start3A_367, %dma_start3A_368] : memref<4x80x128xf32, #tpu.memory_space<vmem>> -> memref<1x80x128xf32, #tpu.memory_space<vmem>>
    %dma_start3A_370 = tpu.memref_squeeze %dma_start3A_369 : memref<1x80x128xf32, #tpu.memory_space<vmem>> -> memref<80x128xf32, #tpu.memory_space<vmem>>
    %dma_start3A_371 = arith.constant 0 : i32
    %dma_start3A_372 = tpu.memref_slice %arg6[%dma_start3A_364, %dma_start3A_365, %dma_start3A_371] : memref<4x2x80xi32, #tpu.memory_space<vmem>> -> memref<1x1x80xi32, #tpu.memory_space<vmem>>
    %dma_start3A_373 = tpu.memref_squeeze %dma_start3A_372 : memref<1x1x80xi32, #tpu.memory_space<vmem>> -> memref<80xi32, #tpu.memory_space<vmem>>
    %dma_start3A_374 = arith.constant 0 : i32
    %dma_start3A_375 = arith.constant 0 : i32
    %dma_start3A_376 = tpu.memref_slice %arg2[%dma_start3A_374, %dma_start3A_375] : memref<10000x128xf32, #tpu.memory_space<hbm>> -> memref<10000x128xf32, #tpu.memory_space<hbm>>
    tpu.enqueue_indirect_dma source(%dma_start3A_376 : memref<10000x128xf32, #tpu.memory_space<hbm>>) target(%dma_start3A_370 : memref<80x128xf32, #tpu.memory_space<vmem>>) offsets(%dma_start3A_373 : memref<80xi32, #tpu.memory_space<vmem>>) semaphore(%arg11 : memref<!tpu.dma_semaphore, #tpu.memory_space<semaphore_mem>>)
    %dma_wait3A_377 = arith.constant 3 : i32
    %dma_wait3A_378 = arith.constant 0 : i32
    %dma_wait3A_379 = arith.constant 0 : i32
    %dma_wait3A_380 = tpu.memref_slice %arg7[%dma_wait3A_377, %dma_wait3A_378, %dma_wait3A_379] : memref<4x80x128xf32, #tpu.memory_space<vmem>> -> memref<1x80x128xf32, #tpu.memory_space<vmem>>
    %dma_wait3A_381 = tpu.memref_squeeze %dma_wait3A_380 : memref<1x80x128xf32, #tpu.memory_space<vmem>> -> memref<80x128xf32, #tpu.memory_space<vmem>>
    %dma_wait3A_382 = arith.constant 0 : i32
    %dma_wait3A_383 = arith.constant 0 : i32
    %dma_wait3A_384 = tpu.memref_slice %arg8[%dma_wait3A_382, %dma_wait3A_383] : memref<10240x128xf32, #tpu.memory_space<vmem_shared>> -> memref<80x128xf32, #tpu.memory_space<vmem_shared>>
    %dma_wait3A_385 = arith.constant 0 : i32
    %dma_wait3A_386 = arith.constant 0 : i32
    %dma_wait3A_387 = tpu.memref_slice %arg8[%dma_wait3A_385, %dma_wait3A_386] : memref<10240x128xf32, #tpu.memory_space<vmem_shared>> -> memref<80x128xf32, #tpu.memory_space<vmem_shared>>
    %dma_wait3A_388 = arith.constant 0 : i32
    %dma_wait3A_389 = arith.constant 0 : i32
    %dma_wait3A_390 = tpu.memref_slice %arg7[%dma_wait3A_377, %dma_wait3A_388, %dma_wait3A_389] : memref<4x80x128xf32, #tpu.memory_space<vmem>> -> memref<1x80x128xf32, #tpu.memory_space<vmem>>
    %dma_wait3A_391 = tpu.memref_squeeze %dma_wait3A_390 : memref<1x80x128xf32, #tpu.memory_space<vmem>> -> memref<80x128xf32, #tpu.memory_space<vmem>>
    tpu.wait_dma2 semaphore(%arg13 : memref<!tpu.dma_semaphore, #tpu.memory_space<semaphore_mem>>) src(%dma_wait3A_391 : memref<80x128xf32, #tpu.memory_space<vmem>>) dst(%dma_wait3A_387 : memref<80x128xf32, #tpu.memory_space<vmem_shared>>)
    %dma_wait3A_392 = arith.constant 3 : i32
    %dma_wait3A_393 = arith.constant 0 : i32
    %dma_wait3A_394 = arith.constant 0 : i32
    %dma_wait3A_395 = tpu.memref_slice %arg7[%dma_wait3A_392, %dma_wait3A_393, %dma_wait3A_394] : memref<4x80x128xf32, #tpu.memory_space<vmem>> -> memref<1x80x128xf32, #tpu.memory_space<vmem>>
    %dma_wait3A_396 = tpu.memref_squeeze %dma_wait3A_395 : memref<1x80x128xf32, #tpu.memory_space<vmem>> -> memref<80x128xf32, #tpu.memory_space<vmem>>
    %dma_wait3A_397 = arith.constant 0 : i32
    %dma_wait3A_398 = arith.constant 0 : i32
    %dma_wait3A_399 = tpu.memref_slice %arg8[%dma_wait3A_397, %dma_wait3A_398] : memref<10240x128xf32, #tpu.memory_space<vmem_shared>> -> memref<80x128xf32, #tpu.memory_space<vmem_shared>>
    %dma_wait3A_400 = arith.constant 0 : i32
    %dma_wait3A_401 = arith.constant 0 : i32
    %dma_wait3A_402 = tpu.memref_slice %arg8[%dma_wait3A_400, %dma_wait3A_401] : memref<10240x128xf32, #tpu.memory_space<vmem_shared>> -> memref<80x128xf32, #tpu.memory_space<vmem_shared>>
    %dma_wait3A_403 = arith.constant 0 : i32
    %dma_wait3A_404 = arith.constant 0 : i32
    %dma_wait3A_405 = tpu.memref_slice %arg7[%dma_wait3A_392, %dma_wait3A_403, %dma_wait3A_404] : memref<4x80x128xf32, #tpu.memory_space<vmem>> -> memref<1x80x128xf32, #tpu.memory_space<vmem>>
    %dma_wait3A_406 = tpu.memref_squeeze %dma_wait3A_405 : memref<1x80x128xf32, #tpu.memory_space<vmem>> -> memref<80x128xf32, #tpu.memory_space<vmem>>
    tpu.wait_dma2 semaphore(%arg13 : memref<!tpu.dma_semaphore, #tpu.memory_space<semaphore_mem>>) src(%dma_wait3A_406 : memref<80x128xf32, #tpu.memory_space<vmem>>) dst(%dma_wait3A_402 : memref<80x128xf32, #tpu.memory_space<vmem_shared>>)
    %dma_wait3A_407 = arith.constant 3 : i32
    %dma_wait3A_408 = arith.constant 0 : i32
    %dma_wait3A_409 = arith.constant 0 : i32
    %dma_wait3A_410 = tpu.memref_slice %arg7[%dma_wait3A_407, %dma_wait3A_408, %dma_wait3A_409] : memref<4x80x128xf32, #tpu.memory_space<vmem>> -> memref<1x80x128xf32, #tpu.memory_space<vmem>>
    %dma_wait3A_411 = tpu.memref_squeeze %dma_wait3A_410 : memref<1x80x128xf32, #tpu.memory_space<vmem>> -> memref<80x128xf32, #tpu.memory_space<vmem>>
    %dma_wait3A_412 = arith.constant 0 : i32
    %dma_wait3A_413 = arith.constant 0 : i32
    %dma_wait3A_414 = tpu.memref_slice %arg8[%dma_wait3A_412, %dma_wait3A_413] : memref<10240x128xf32, #tpu.memory_space<vmem_shared>> -> memref<80x128xf32, #tpu.memory_space<vmem_shared>>
    %dma_wait3A_415 = arith.constant 0 : i32
    %dma_wait3A_416 = arith.constant 0 : i32
    %dma_wait3A_417 = tpu.memref_slice %arg8[%dma_wait3A_415, %dma_wait3A_416] : memref<10240x128xf32, #tpu.memory_space<vmem_shared>> -> memref<80x128xf32, #tpu.memory_space<vmem_shared>>
    %dma_wait3A_418 = arith.constant 0 : i32
    %dma_wait3A_419 = arith.constant 0 : i32
    %dma_wait3A_420 = tpu.memref_slice %arg7[%dma_wait3A_407, %dma_wait3A_418, %dma_wait3A_419] : memref<4x80x128xf32, #tpu.memory_space<vmem>> -> memref<1x80x128xf32, #tpu.memory_space<vmem>>
    %dma_wait3A_421 = tpu.memref_squeeze %dma_wait3A_420 : memref<1x80x128xf32, #tpu.memory_space<vmem>> -> memref<80x128xf32, #tpu.memory_space<vmem>>
    tpu.wait_dma2 semaphore(%arg13 : memref<!tpu.dma_semaphore, #tpu.memory_space<semaphore_mem>>) src(%dma_wait3A_421 : memref<80x128xf32, #tpu.memory_space<vmem>>) dst(%dma_wait3A_417 : memref<80x128xf32, #tpu.memory_space<vmem_shared>>)
    %dma_wait3A_422 = arith.constant 3 : i32
    %dma_wait3A_423 = arith.constant 0 : i32
    %dma_wait3A_424 = arith.constant 0 : i32
    %dma_wait3A_425 = tpu.memref_slice %arg7[%dma_wait3A_422, %dma_wait3A_423, %dma_wait3A_424] : memref<4x80x128xf32, #tpu.memory_space<vmem>> -> memref<1x80x128xf32, #tpu.memory_space<vmem>>
    %dma_wait3A_426 = tpu.memref_squeeze %dma_wait3A_425 : memref<1x80x128xf32, #tpu.memory_space<vmem>> -> memref<80x128xf32, #tpu.memory_space<vmem>>
    %dma_wait3A_427 = arith.constant 0 : i32
    %dma_wait3A_428 = arith.constant 0 : i32
    %dma_wait3A_429 = tpu.memref_slice %arg8[%dma_wait3A_427, %dma_wait3A_428] : memref<10240x128xf32, #tpu.memory_space<vmem_shared>> -> memref<80x128xf32, #tpu.memory_space<vmem_shared>>
    %dma_wait3A_430 = arith.constant 0 : i32
    %dma_wait3A_431 = arith.constant 0 : i32
    %dma_wait3A_432 = tpu.memref_slice %arg8[%dma_wait3A_430, %dma_wait3A_431] : memref<10240x128xf32, #tpu.memory_space<vmem_shared>> -> memref<80x128xf32, #tpu.memory_space<vmem_shared>>
    %dma_wait3A_433 = arith.constant 0 : i32
    %dma_wait3A_434 = arith.constant 0 : i32
    %dma_wait3A_435 = tpu.memref_slice %arg7[%dma_wait3A_422, %dma_wait3A_433, %dma_wait3A_434] : memref<4x80x128xf32, #tpu.memory_space<vmem>> -> memref<1x80x128xf32, #tpu.memory_space<vmem>>
    %dma_wait3A_436 = tpu.memref_squeeze %dma_wait3A_435 : memref<1x80x128xf32, #tpu.memory_space<vmem>> -> memref<80x128xf32, #tpu.memory_space<vmem>>
    tpu.wait_dma2 semaphore(%arg13 : memref<!tpu.dma_semaphore, #tpu.memory_space<semaphore_mem>>) src(%dma_wait3A_436 : memref<80x128xf32, #tpu.memory_space<vmem>>) dst(%dma_wait3A_432 : memref<80x128xf32, #tpu.memory_space<vmem_shared>>)
    %dma_wait3A_437 = arith.constant 3 : i32
    %dma_wait3A_438 = arith.constant 0 : i32
    %dma_wait3A_439 = arith.constant 0 : i32
    %dma_wait3A_440 = tpu.memref_slice %arg7[%dma_wait3A_437, %dma_wait3A_438, %dma_wait3A_439] : memref<4x80x128xf32, #tpu.memory_space<vmem>> -> memref<1x80x128xf32, #tpu.memory_space<vmem>>
    %dma_wait3A_441 = tpu.memref_squeeze %dma_wait3A_440 : memref<1x80x128xf32, #tpu.memory_space<vmem>> -> memref<80x128xf32, #tpu.memory_space<vmem>>
    %dma_wait3A_442 = arith.constant 0 : i32
    %dma_wait3A_443 = arith.constant 0 : i32
    %dma_wait3A_444 = tpu.memref_slice %arg8[%dma_wait3A_442, %dma_wait3A_443] : memref<10240x128xf32, #tpu.memory_space<vmem_shared>> -> memref<80x128xf32, #tpu.memory_space<vmem_shared>>
    %dma_wait3A_445 = arith.constant 0 : i32
    %dma_wait3A_446 = arith.constant 0 : i32
    %dma_wait3A_447 = tpu.memref_slice %arg8[%dma_wait3A_445, %dma_wait3A_446] : memref<10240x128xf32, #tpu.memory_space<vmem_shared>> -> memref<80x128xf32, #tpu.memory_space<vmem_shared>>
    %dma_wait3A_448 = arith.constant 0 : i32
    %dma_wait3A_449 = arith.constant 0 : i32
    %dma_wait3A_450 = tpu.memref_slice %arg7[%dma_wait3A_437, %dma_wait3A_448, %dma_wait3A_449] : memref<4x80x128xf32, #tpu.memory_space<vmem>> -> memref<1x80x128xf32, #tpu.memory_space<vmem>>
    %dma_wait3A_451 = tpu.memref_squeeze %dma_wait3A_450 : memref<1x80x128xf32, #tpu.memory_space<vmem>> -> memref<80x128xf32, #tpu.memory_space<vmem>>
    tpu.wait_dma2 semaphore(%arg13 : memref<!tpu.dma_semaphore, #tpu.memory_space<semaphore_mem>>) src(%dma_wait3A_451 : memref<80x128xf32, #tpu.memory_space<vmem>>) dst(%dma_wait3A_447 : memref<80x128xf32, #tpu.memory_space<vmem_shared>>)
    %dma_wait3A_452 = arith.constant 3 : i32
    %dma_wait3A_453 = arith.constant 0 : i32
    %dma_wait3A_454 = arith.constant 0 : i32
    %dma_wait3A_455 = tpu.memref_slice %arg7[%dma_wait3A_452, %dma_wait3A_453, %dma_wait3A_454] : memref<4x80x128xf32, #tpu.memory_space<vmem>> -> memref<1x80x128xf32, #tpu.memory_space<vmem>>
    %dma_wait3A_456 = tpu.memref_squeeze %dma_wait3A_455 : memref<1x80x128xf32, #tpu.memory_space<vmem>> -> memref<80x128xf32, #tpu.memory_space<vmem>>
    %dma_wait3A_457 = arith.constant 0 : i32
    %dma_wait3A_458 = arith.constant 0 : i32
    %dma_wait3A_459 = tpu.memref_slice %arg8[%dma_wait3A_457, %dma_wait3A_458] : memref<10240x128xf32, #tpu.memory_space<vmem_shared>> -> memref<80x128xf32, #tpu.memory_space<vmem_shared>>
    %dma_wait3A_460 = arith.constant 0 : i32
    %dma_wait3A_461 = arith.constant 0 : i32
    %dma_wait3A_462 = tpu.memref_slice %arg8[%dma_wait3A_460, %dma_wait3A_461] : memref<10240x128xf32, #tpu.memory_space<vmem_shared>> -> memref<80x128xf32, #tpu.memory_space<vmem_shared>>
    %dma_wait3A_463 = arith.constant 0 : i32
    %dma_wait3A_464 = arith.constant 0 : i32
    %dma_wait3A_465 = tpu.memref_slice %arg7[%dma_wait3A_452, %dma_wait3A_463, %dma_wait3A_464] : memref<4x80x128xf32, #tpu.memory_space<vmem>> -> memref<1x80x128xf32, #tpu.memory_space<vmem>>
    %dma_wait3A_466 = tpu.memref_squeeze %dma_wait3A_465 : memref<1x80x128xf32, #tpu.memory_space<vmem>> -> memref<80x128xf32, #tpu.memory_space<vmem>>
    tpu.wait_dma2 semaphore(%arg13 : memref<!tpu.dma_semaphore, #tpu.memory_space<semaphore_mem>>) src(%dma_wait3A_466 : memref<80x128xf32, #tpu.memory_space<vmem>>) dst(%dma_wait3A_462 : memref<80x128xf32, #tpu.memory_space<vmem_shared>>)
    %dma_wait3A_467 = arith.constant 3 : i32
    %dma_wait3A_468 = arith.constant 0 : i32
    %dma_wait3A_469 = arith.constant 0 : i32
    %dma_wait3A_470 = tpu.memref_slice %arg7[%dma_wait3A_467, %dma_wait3A_468, %dma_wait3A_469] : memref<4x80x128xf32, #tpu.memory_space<vmem>> -> memref<1x80x128xf32, #tpu.memory_space<vmem>>
    %dma_wait3A_471 = tpu.memref_squeeze %dma_wait3A_470 : memref<1x80x128xf32, #tpu.memory_space<vmem>> -> memref<80x128xf32, #tpu.memory_space<vmem>>
    %dma_wait3A_472 = arith.constant 0 : i32
    %dma_wait3A_473 = arith.constant 0 : i32
    %dma_wait3A_474 = tpu.memref_slice %arg8[%dma_wait3A_472, %dma_wait3A_473] : memref<10240x128xf32, #tpu.memory_space<vmem_shared>> -> memref<80x128xf32, #tpu.memory_space<vmem_shared>>
    %dma_wait3A_475 = arith.constant 0 : i32
    %dma_wait3A_476 = arith.constant 0 : i32
    %dma_wait3A_477 = tpu.memref_slice %arg8[%dma_wait3A_475, %dma_wait3A_476] : memref<10240x128xf32, #tpu.memory_space<vmem_shared>> -> memref<80x128xf32, #tpu.memory_space<vmem_shared>>
    %dma_wait3A_478 = arith.constant 0 : i32
    %dma_wait3A_479 = arith.constant 0 : i32
    %dma_wait3A_480 = tpu.memref_slice %arg7[%dma_wait3A_467, %dma_wait3A_478, %dma_wait3A_479] : memref<4x80x128xf32, #tpu.memory_space<vmem>> -> memref<1x80x128xf32, #tpu.memory_space<vmem>>
    %dma_wait3A_481 = tpu.memref_squeeze %dma_wait3A_480 : memref<1x80x128xf32, #tpu.memory_space<vmem>> -> memref<80x128xf32, #tpu.memory_space<vmem>>
    tpu.wait_dma2 semaphore(%arg13 : memref<!tpu.dma_semaphore, #tpu.memory_space<semaphore_mem>>) src(%dma_wait3A_481 : memref<80x128xf32, #tpu.memory_space<vmem>>) dst(%dma_wait3A_477 : memref<80x128xf32, #tpu.memory_space<vmem_shared>>)
    %dma_wait3A_482 = arith.constant 3 : i32
    %dma_wait3A_483 = arith.constant 0 : i32
    %dma_wait3A_484 = arith.constant 0 : i32
    %dma_wait3A_485 = tpu.memref_slice %arg7[%dma_wait3A_482, %dma_wait3A_483, %dma_wait3A_484] : memref<4x80x128xf32, #tpu.memory_space<vmem>> -> memref<1x80x128xf32, #tpu.memory_space<vmem>>
    %dma_wait3A_486 = tpu.memref_squeeze %dma_wait3A_485 : memref<1x80x128xf32, #tpu.memory_space<vmem>> -> memref<80x128xf32, #tpu.memory_space<vmem>>
    %dma_wait3A_487 = arith.constant 0 : i32
    %dma_wait3A_488 = arith.constant 0 : i32
    %dma_wait3A_489 = tpu.memref_slice %arg8[%dma_wait3A_487, %dma_wait3A_488] : memref<10240x128xf32, #tpu.memory_space<vmem_shared>> -> memref<80x128xf32, #tpu.memory_space<vmem_shared>>
    %dma_wait3A_490 = arith.constant 0 : i32
    %dma_wait3A_491 = arith.constant 0 : i32
    %dma_wait3A_492 = tpu.memref_slice %arg8[%dma_wait3A_490, %dma_wait3A_491] : memref<10240x128xf32, #tpu.memory_space<vmem_shared>> -> memref<80x128xf32, #tpu.memory_space<vmem_shared>>
    %dma_wait3A_493 = arith.constant 0 : i32
    %dma_wait3A_494 = arith.constant 0 : i32
    %dma_wait3A_495 = tpu.memref_slice %arg7[%dma_wait3A_482, %dma_wait3A_493, %dma_wait3A_494] : memref<4x80x128xf32, #tpu.memory_space<vmem>> -> memref<1x80x128xf32, #tpu.memory_space<vmem>>
    %dma_wait3A_496 = tpu.memref_squeeze %dma_wait3A_495 : memref<1x80x128xf32, #tpu.memory_space<vmem>> -> memref<80x128xf32, #tpu.memory_space<vmem>>
    tpu.wait_dma2 semaphore(%arg13 : memref<!tpu.dma_semaphore, #tpu.memory_space<semaphore_mem>>) src(%dma_wait3A_496 : memref<80x128xf32, #tpu.memory_space<vmem>>) dst(%dma_wait3A_492 : memref<80x128xf32, #tpu.memory_space<vmem_shared>>)
    %dma_wait3A_497 = arith.constant 0 : i32
    %dma_wait3A_498 = arith.constant 3 : i32
    %dma_wait3A_499 = arith.constant 0 : i32
    %dma_wait3A_500 = arith.constant 0 : i32
    %dma_wait3A_501 = tpu.memref_slice %arg6[%dma_wait3A_498, %dma_wait3A_499, %dma_wait3A_500] : memref<4x2x80xi32, #tpu.memory_space<vmem>> -> memref<1x1x80xi32, #tpu.memory_space<vmem>>
    %dma_wait3A_502 = tpu.memref_squeeze %dma_wait3A_501 : memref<1x1x80xi32, #tpu.memory_space<vmem>> -> memref<1x80xi32, #tpu.memory_space<vmem>>
    %dma_wait3A_503 = arith.constant 0 : i32
    %dma_wait3A_504 = arith.constant 0 : i32
    %dma_wait3A_505 = tpu.memref_slice %arg3[%add3A, %dma_wait3A_497, %dma_wait3A_503, %dma_wait3A_504] : memref<32x125x1x80xi32, #tpu.memory_space<hbm>> -> memref<1x1x1x80xi32, #tpu.memory_space<hbm>>
    %dma_wait3A_506 = tpu.memref_squeeze %dma_wait3A_505 : memref<1x1x1x80xi32, #tpu.memory_space<hbm>> -> memref<1x80xi32, #tpu.memory_space<hbm>>
    %dma_wait3A_507 = arith.constant 0 : i32
    %dma_wait3A_508 = arith.constant 0 : i32
    %dma_wait3A_509 = tpu.memref_slice %arg6[%dma_wait3A_498, %dma_wait3A_507, %dma_wait3A_508] : memref<4x2x80xi32, #tpu.memory_space<vmem>> -> memref<1x1x80xi32, #tpu.memory_space<vmem>>
    %dma_wait3A_510 = tpu.memref_squeeze %dma_wait3A_509 : memref<1x1x80xi32, #tpu.memory_space<vmem>> -> memref<1x80xi32, #tpu.memory_space<vmem>>
    %dma_wait3A_511 = arith.constant 0 : i32
    %dma_wait3A_512 = arith.constant 0 : i32
    %dma_wait3A_513 = tpu.memref_slice %arg3[%add3A, %dma_wait3A_497, %dma_wait3A_511, %dma_wait3A_512] : memref<32x125x1x80xi32, #tpu.memory_space<hbm>> -> memref<1x1x1x80xi32, #tpu.memory_space<hbm>>
    %dma_wait3A_514 = tpu.memref_squeeze %dma_wait3A_513 : memref<1x1x1x80xi32, #tpu.memory_space<hbm>> -> memref<1x80xi32, #tpu.memory_space<hbm>>
    tpu.wait_dma2 semaphore(%arg12 : memref<!tpu.dma_semaphore, #tpu.memory_space<semaphore_mem>>) src(%dma_wait3A_514 : memref<1x80xi32, #tpu.memory_space<hbm>>) dst(%dma_wait3A_510 : memref<1x80xi32, #tpu.memory_space<vmem>>)
    %dma_start3A_515 = arith.constant 3 : i32
    %dma_start3A_516 = arith.constant 0 : i32
    %dma_start3A_517 = arith.constant 3 : i32
    %dma_start3A_518 = arith.constant 0 : i32
    %dma_start3A_519 = arith.constant 0 : i32
    %dma_start3A_520 = tpu.memref_slice %arg7[%dma_start3A_517, %dma_start3A_518, %dma_start3A_519] : memref<4x80x128xf32, #tpu.memory_space<vmem>> -> memref<1x80x128xf32, #tpu.memory_space<vmem>>
    %dma_start3A_521 = tpu.memref_squeeze %dma_start3A_520 : memref<1x80x128xf32, #tpu.memory_space<vmem>> -> memref<80x128xf32, #tpu.memory_space<vmem>>
    %dma_start3A_522 = arith.constant 0 : i32
    %dma_start3A_523 = tpu.memref_slice %arg6[%dma_start3A_515, %dma_start3A_516, %dma_start3A_522] : memref<4x2x80xi32, #tpu.memory_space<vmem>> -> memref<1x1x80xi32, #tpu.memory_space<vmem>>
    %dma_start3A_524 = tpu.memref_squeeze %dma_start3A_523 : memref<1x1x80xi32, #tpu.memory_space<vmem>> -> memref<80xi32, #tpu.memory_space<vmem>>
    %dma_start3A_525 = arith.constant 0 : i32
    %dma_start3A_526 = arith.constant 0 : i32
    %dma_start3A_527 = tpu.memref_slice %arg2[%dma_start3A_525, %dma_start3A_526] : memref<10000x128xf32, #tpu.memory_space<hbm>> -> memref<10000x128xf32, #tpu.memory_space<hbm>>
    tpu.enqueue_indirect_dma source(%dma_start3A_527 : memref<10000x128xf32, #tpu.memory_space<hbm>>) target(%dma_start3A_521 : memref<80x128xf32, #tpu.memory_space<vmem>>) offsets(%dma_start3A_524 : memref<80xi32, #tpu.memory_space<vmem>>) semaphore(%arg12 : memref<!tpu.dma_semaphore, #tpu.memory_space<semaphore_mem>>)
    %barrier3A = arith.constant 0 : index
    tpu.barrier barrier_id(%barrier3A)
    %scan3A_528 = arith.constant 0 : i32
    %scan3A_529 = arith.constant 0 : i32
    %scan3A_530 = arith.constant 31 : i32
    %scan3A_531 = arith.addi %scan3A_529, %scan3A_530 : i32
    %scan3A_532 = arith.constant 1 : i32
    scf.for %scan3A_887 = %scan3A_529 to %scan3A_531 step %scan3A_532  : i32 {
      %mul3A_888 = arith.constant 4 : i32
      %mul3A_889 = arith.muli %scan3A_887, %mul3A_888 : i32
      %add3A_890 = arith.constant 0 : i32
      %add3A_891 = arith.addi %mul3A_889, %add3A_890 : i32
      %add3A_892 = arith.constant 4 : i32
      %add3A_893 = arith.addi %add3A_891, %add3A_892 : i32
      %dma_wait3A_894 = arith.constant 0 : i32
      %dma_wait3A_895 = arith.constant 0 : i32
      %dma_wait3A_896 = arith.constant 0 : i32
      %dma_wait3A_897 = arith.constant 0 : i32
      %dma_wait3A_898 = arith.constant 0 : i32
      %dma_wait3A_899 = tpu.memref_slice %arg7[%dma_wait3A_896, %dma_wait3A_897, %dma_wait3A_898] : memref<4x80x128xf32, #tpu.memory_space<vmem>> -> memref<1x80x128xf32, #tpu.memory_space<vmem>>
      %dma_wait3A_900 = tpu.memref_squeeze %dma_wait3A_899 : memref<1x80x128xf32, #tpu.memory_space<vmem>> -> memref<80x128xf32, #tpu.memory_space<vmem>>
      %dma_wait3A_901 = arith.constant 0 : i32
      %dma_wait3A_902 = tpu.memref_slice %arg6[%dma_wait3A_894, %dma_wait3A_895, %dma_wait3A_901] : memref<4x2x80xi32, #tpu.memory_space<vmem>> -> memref<1x1x80xi32, #tpu.memory_space<vmem>>
      %dma_wait3A_903 = tpu.memref_squeeze %dma_wait3A_902 : memref<1x1x80xi32, #tpu.memory_space<vmem>> -> memref<80xi32, #tpu.memory_space<vmem>>
      %dma_wait3A_904 = arith.constant 0 : i32
      %dma_wait3A_905 = arith.constant 0 : i32
      %dma_wait3A_906 = tpu.memref_slice %arg2[%dma_wait3A_904, %dma_wait3A_905] : memref<10000x128xf32, #tpu.memory_space<hbm>> -> memref<10000x128xf32, #tpu.memory_space<hbm>>
      tpu.wait_indirect_dma semaphore(%arg9 : memref<!tpu.dma_semaphore, #tpu.memory_space<semaphore_mem>>) src(%dma_wait3A_906 : memref<10000x128xf32, #tpu.memory_space<hbm>>) dst(%dma_wait3A_900 : memref<80x128xf32, #tpu.memory_space<vmem>>)
      %lt3A = arith.constant 125 : i32
      %lt3A_907 = arith.cmpi slt, %add3A_893, %lt3A : i32
      %convert_element_type3A = arith.extui %lt3A_907 : i1 to i32
      %cond3A = arith.constant 0 : i32
      %cond3A_908 = arith.cmpi ne, %convert_element_type3A, %cond3A : i32
      scf.if %cond3A_908 {
        %dma_start3A_1187 = arith.constant 0 : i32
        %dma_start3A_1188 = arith.constant 0 : i32
        %dma_start3A_1189 = arith.constant 0 : i32
        %dma_start3A_1190 = tpu.memref_slice %arg6[%dma_start3A_1187, %dma_start3A_1188, %dma_start3A_1189] : memref<4x2x80xi32, #tpu.memory_space<vmem>> -> memref<1x1x80xi32, #tpu.memory_space<vmem>>
        %dma_start3A_1191 = tpu.memref_squeeze %dma_start3A_1190 : memref<1x1x80xi32, #tpu.memory_space<vmem>> -> memref<1x80xi32, #tpu.memory_space<vmem>>
        %dma_start3A_1192 = arith.constant 0 : i32
        %dma_start3A_1193 = arith.constant 0 : i32
        %dma_start3A_1194 = tpu.memref_slice %arg3[%add3A, %add3A_893, %dma_start3A_1192, %dma_start3A_1193] : memref<32x125x1x80xi32, #tpu.memory_space<hbm>> -> memref<1x1x1x80xi32, #tpu.memory_space<hbm>>
        %dma_start3A_1195 = tpu.memref_squeeze %dma_start3A_1194 : memref<1x1x1x80xi32, #tpu.memory_space<hbm>> -> memref<1x80xi32, #tpu.memory_space<hbm>>
        %dma_start3A_1196 = arith.constant 0 : i32
        %dma_start3A_1197 = arith.constant 0 : i32
        %dma_start3A_1198 = tpu.memref_slice %arg6[%dma_start3A_1187, %dma_start3A_1196, %dma_start3A_1197] : memref<4x2x80xi32, #tpu.memory_space<vmem>> -> memref<1x1x80xi32, #tpu.memory_space<vmem>>
        %dma_start3A_1199 = tpu.memref_squeeze %dma_start3A_1198 : memref<1x1x80xi32, #tpu.memory_space<vmem>> -> memref<1x80xi32, #tpu.memory_space<vmem>>
        %dma_start3A_1200 = arith.constant 0 : i32
        %dma_start3A_1201 = arith.constant 0 : i32
        %dma_start3A_1202 = tpu.memref_slice %arg3[%add3A, %add3A_893, %dma_start3A_1200, %dma_start3A_1201] : memref<32x125x1x80xi32, #tpu.memory_space<hbm>> -> memref<1x1x1x80xi32, #tpu.memory_space<hbm>>
        %dma_start3A_1203 = tpu.memref_squeeze %dma_start3A_1202 : memref<1x1x1x80xi32, #tpu.memory_space<hbm>> -> memref<1x80xi32, #tpu.memory_space<hbm>>
        tpu.enqueue_dma source(%dma_start3A_1203 : memref<1x80xi32, #tpu.memory_space<hbm>>) target(%dma_start3A_1199 : memref<1x80xi32, #tpu.memory_space<vmem>>) target_semaphore(%arg9 : memref<!tpu.dma_semaphore, #tpu.memory_space<semaphore_mem>>)
      } else {
      }
      %dma_wait3A_909 = arith.constant 0 : i32
      %dma_wait3A_910 = arith.constant 0 : i32
      %dma_wait3A_911 = arith.constant 1 : i32
      %dma_wait3A_912 = arith.constant 0 : i32
      %dma_wait3A_913 = tpu.memref_slice %arg6[%dma_wait3A_910, %dma_wait3A_911, %dma_wait3A_912] : memref<4x2x80xi32, #tpu.memory_space<vmem>> -> memref<1x1x80xi32, #tpu.memory_space<vmem>>
      %dma_wait3A_914 = tpu.memref_squeeze %dma_wait3A_913 : memref<1x1x80xi32, #tpu.memory_space<vmem>> -> memref<1x80xi32, #tpu.memory_space<vmem>>
      %dma_wait3A_915 = arith.constant 0 : i32
      %dma_wait3A_916 = arith.constant 0 : i32
      %dma_wait3A_917 = tpu.memref_slice %arg4[%add3A, %dma_wait3A_909, %dma_wait3A_915, %dma_wait3A_916] : memref<32x125x1x80xi32, #tpu.memory_space<hbm>> -> memref<1x1x1x80xi32, #tpu.memory_space<hbm>>
      %dma_wait3A_918 = tpu.memref_squeeze %dma_wait3A_917 : memref<1x1x1x80xi32, #tpu.memory_space<hbm>> -> memref<1x80xi32, #tpu.memory_space<hbm>>
      %dma_wait3A_919 = arith.constant 1 : i32
      %dma_wait3A_920 = arith.constant 0 : i32
      %dma_wait3A_921 = tpu.memref_slice %arg6[%dma_wait3A_910, %dma_wait3A_919, %dma_wait3A_920] : memref<4x2x80xi32, #tpu.memory_space<vmem>> -> memref<1x1x80xi32, #tpu.memory_space<vmem>>
      %dma_wait3A_922 = tpu.memref_squeeze %dma_wait3A_921 : memref<1x1x80xi32, #tpu.memory_space<vmem>> -> memref<1x80xi32, #tpu.memory_space<vmem>>
      %dma_wait3A_923 = arith.constant 0 : i32
      %dma_wait3A_924 = arith.constant 0 : i32
      %dma_wait3A_925 = tpu.memref_slice %arg4[%add3A, %dma_wait3A_909, %dma_wait3A_923, %dma_wait3A_924] : memref<32x125x1x80xi32, #tpu.memory_space<hbm>> -> memref<1x1x1x80xi32, #tpu.memory_space<hbm>>
      %dma_wait3A_926 = tpu.memref_squeeze %dma_wait3A_925 : memref<1x1x1x80xi32, #tpu.memory_space<hbm>> -> memref<1x80xi32, #tpu.memory_space<hbm>>
      tpu.wait_dma2 semaphore(%arg13 : memref<!tpu.dma_semaphore, #tpu.memory_space<semaphore_mem>>) src(%dma_wait3A_926 : memref<1x80xi32, #tpu.memory_space<hbm>>) dst(%dma_wait3A_922 : memref<1x80xi32, #tpu.memory_space<vmem>>)
      %dma_start3A_927 = arith.constant 0 : i32
      %dma_start3A_928 = arith.constant 0 : i32
      %dma_start3A_929 = arith.constant 1 : i32
      %dma_start3A_930 = arith.constant 0 : i32
      %dma_start3A_931 = arith.constant 0 : i32
      %dma_start3A_932 = tpu.memref_slice %arg7[%dma_start3A_927, %dma_start3A_930, %dma_start3A_931] : memref<4x80x128xf32, #tpu.memory_space<vmem>> -> memref<1x80x128xf32, #tpu.memory_space<vmem>>
      %dma_start3A_933 = tpu.memref_squeeze %dma_start3A_932 : memref<1x80x128xf32, #tpu.memory_space<vmem>> -> memref<80x128xf32, #tpu.memory_space<vmem>>
      %dma_start3A_934 = arith.constant 0 : i32
      %dma_start3A_935 = tpu.memref_slice %arg6[%dma_start3A_928, %dma_start3A_929, %dma_start3A_934] : memref<4x2x80xi32, #tpu.memory_space<vmem>> -> memref<1x1x80xi32, #tpu.memory_space<vmem>>
      %dma_start3A_936 = tpu.memref_squeeze %dma_start3A_935 : memref<1x1x80xi32, #tpu.memory_space<vmem>> -> memref<80xi32, #tpu.memory_space<vmem>>
      %dma_start3A_937 = arith.constant 0 : i32
      %dma_start3A_938 = arith.constant 0 : i32
      %dma_start3A_939 = tpu.memref_slice %arg8[%dma_start3A_937, %dma_start3A_938] : memref<10240x128xf32, #tpu.memory_space<vmem_shared>> -> memref<10240x128xf32, #tpu.memory_space<vmem_shared>>
      tpu.enqueue_indirect_dma source(%dma_start3A_933 : memref<80x128xf32, #tpu.memory_space<vmem>>) target(%dma_start3A_939 : memref<10240x128xf32, #tpu.memory_space<vmem_shared>>) offsets(%dma_start3A_936 : memref<80xi32, #tpu.memory_space<vmem>>) semaphore(%arg13 : memref<!tpu.dma_semaphore, #tpu.memory_space<semaphore_mem>>) {add = true}
      %add3A_940 = arith.constant 1 : i32
      %add3A_941 = arith.addi %mul3A_889, %add3A_940 : i32
      %add3A_942 = arith.constant 4 : i32
      %add3A_943 = arith.addi %add3A_941, %add3A_942 : i32
      %dma_wait3A_944 = arith.constant 1 : i32
      %dma_wait3A_945 = arith.constant 0 : i32
      %dma_wait3A_946 = arith.constant 1 : i32
      %dma_wait3A_947 = arith.constant 0 : i32
      %dma_wait3A_948 = arith.constant 0 : i32
      %dma_wait3A_949 = tpu.memref_slice %arg7[%dma_wait3A_946, %dma_wait3A_947, %dma_wait3A_948] : memref<4x80x128xf32, #tpu.memory_space<vmem>> -> memref<1x80x128xf32, #tpu.memory_space<vmem>>
      %dma_wait3A_950 = tpu.memref_squeeze %dma_wait3A_949 : memref<1x80x128xf32, #tpu.memory_space<vmem>> -> memref<80x128xf32, #tpu.memory_space<vmem>>
      %dma_wait3A_951 = arith.constant 0 : i32
      %dma_wait3A_952 = tpu.memref_slice %arg6[%dma_wait3A_944, %dma_wait3A_945, %dma_wait3A_951] : memref<4x2x80xi32, #tpu.memory_space<vmem>> -> memref<1x1x80xi32, #tpu.memory_space<vmem>>
      %dma_wait3A_953 = tpu.memref_squeeze %dma_wait3A_952 : memref<1x1x80xi32, #tpu.memory_space<vmem>> -> memref<80xi32, #tpu.memory_space<vmem>>
      %dma_wait3A_954 = arith.constant 0 : i32
      %dma_wait3A_955 = arith.constant 0 : i32
      %dma_wait3A_956 = tpu.memref_slice %arg2[%dma_wait3A_954, %dma_wait3A_955] : memref<10000x128xf32, #tpu.memory_space<hbm>> -> memref<10000x128xf32, #tpu.memory_space<hbm>>
      tpu.wait_indirect_dma semaphore(%arg10 : memref<!tpu.dma_semaphore, #tpu.memory_space<semaphore_mem>>) src(%dma_wait3A_956 : memref<10000x128xf32, #tpu.memory_space<hbm>>) dst(%dma_wait3A_950 : memref<80x128xf32, #tpu.memory_space<vmem>>)
      %lt3A_957 = arith.constant 125 : i32
      %lt3A_958 = arith.cmpi slt, %add3A_943, %lt3A_957 : i32
      %convert_element_type3A_959 = arith.extui %lt3A_958 : i1 to i32
      %cond3A_960 = arith.constant 0 : i32
      %cond3A_961 = arith.cmpi ne, %convert_element_type3A_959, %cond3A_960 : i32
      scf.if %cond3A_961 {
        %dma_start3A_1187 = arith.constant 1 : i32
        %dma_start3A_1188 = arith.constant 0 : i32
        %dma_start3A_1189 = arith.constant 0 : i32
        %dma_start3A_1190 = tpu.memref_slice %arg6[%dma_start3A_1187, %dma_start3A_1188, %dma_start3A_1189] : memref<4x2x80xi32, #tpu.memory_space<vmem>> -> memref<1x1x80xi32, #tpu.memory_space<vmem>>
        %dma_start3A_1191 = tpu.memref_squeeze %dma_start3A_1190 : memref<1x1x80xi32, #tpu.memory_space<vmem>> -> memref<1x80xi32, #tpu.memory_space<vmem>>
        %dma_start3A_1192 = arith.constant 0 : i32
        %dma_start3A_1193 = arith.constant 0 : i32
        %dma_start3A_1194 = tpu.memref_slice %arg3[%add3A, %add3A_943, %dma_start3A_1192, %dma_start3A_1193] : memref<32x125x1x80xi32, #tpu.memory_space<hbm>> -> memref<1x1x1x80xi32, #tpu.memory_space<hbm>>
        %dma_start3A_1195 = tpu.memref_squeeze %dma_start3A_1194 : memref<1x1x1x80xi32, #tpu.memory_space<hbm>> -> memref<1x80xi32, #tpu.memory_space<hbm>>
        %dma_start3A_1196 = arith.constant 0 : i32
        %dma_start3A_1197 = arith.constant 0 : i32
        %dma_start3A_1198 = tpu.memref_slice %arg6[%dma_start3A_1187, %dma_start3A_1196, %dma_start3A_1197] : memref<4x2x80xi32, #tpu.memory_space<vmem>> -> memref<1x1x80xi32, #tpu.memory_space<vmem>>
        %dma_start3A_1199 = tpu.memref_squeeze %dma_start3A_1198 : memref<1x1x80xi32, #tpu.memory_space<vmem>> -> memref<1x80xi32, #tpu.memory_space<vmem>>
        %dma_start3A_1200 = arith.constant 0 : i32
        %dma_start3A_1201 = arith.constant 0 : i32
        %dma_start3A_1202 = tpu.memref_slice %arg3[%add3A, %add3A_943, %dma_start3A_1200, %dma_start3A_1201] : memref<32x125x1x80xi32, #tpu.memory_space<hbm>> -> memref<1x1x1x80xi32, #tpu.memory_space<hbm>>
        %dma_start3A_1203 = tpu.memref_squeeze %dma_start3A_1202 : memref<1x1x1x80xi32, #tpu.memory_space<hbm>> -> memref<1x80xi32, #tpu.memory_space<hbm>>
        tpu.enqueue_dma source(%dma_start3A_1203 : memref<1x80xi32, #tpu.memory_space<hbm>>) target(%dma_start3A_1199 : memref<1x80xi32, #tpu.memory_space<vmem>>) target_semaphore(%arg10 : memref<!tpu.dma_semaphore, #tpu.memory_space<semaphore_mem>>)
      } else {
      }
      %dma_wait3A_962 = arith.constant 0 : i32
      %dma_wait3A_963 = arith.constant 1 : i32
      %dma_wait3A_964 = arith.constant 1 : i32
      %dma_wait3A_965 = arith.constant 0 : i32
      %dma_wait3A_966 = tpu.memref_slice %arg6[%dma_wait3A_963, %dma_wait3A_964, %dma_wait3A_965] : memref<4x2x80xi32, #tpu.memory_space<vmem>> -> memref<1x1x80xi32, #tpu.memory_space<vmem>>
      %dma_wait3A_967 = tpu.memref_squeeze %dma_wait3A_966 : memref<1x1x80xi32, #tpu.memory_space<vmem>> -> memref<1x80xi32, #tpu.memory_space<vmem>>
      %dma_wait3A_968 = arith.constant 0 : i32
      %dma_wait3A_969 = arith.constant 0 : i32
      %dma_wait3A_970 = tpu.memref_slice %arg4[%add3A, %dma_wait3A_962, %dma_wait3A_968, %dma_wait3A_969] : memref<32x125x1x80xi32, #tpu.memory_space<hbm>> -> memref<1x1x1x80xi32, #tpu.memory_space<hbm>>
      %dma_wait3A_971 = tpu.memref_squeeze %dma_wait3A_970 : memref<1x1x1x80xi32, #tpu.memory_space<hbm>> -> memref<1x80xi32, #tpu.memory_space<hbm>>
      %dma_wait3A_972 = arith.constant 1 : i32
      %dma_wait3A_973 = arith.constant 0 : i32
      %dma_wait3A_974 = tpu.memref_slice %arg6[%dma_wait3A_963, %dma_wait3A_972, %dma_wait3A_973] : memref<4x2x80xi32, #tpu.memory_space<vmem>> -> memref<1x1x80xi32, #tpu.memory_space<vmem>>
      %dma_wait3A_975 = tpu.memref_squeeze %dma_wait3A_974 : memref<1x1x80xi32, #tpu.memory_space<vmem>> -> memref<1x80xi32, #tpu.memory_space<vmem>>
      %dma_wait3A_976 = arith.constant 0 : i32
      %dma_wait3A_977 = arith.constant 0 : i32
      %dma_wait3A_978 = tpu.memref_slice %arg4[%add3A, %dma_wait3A_962, %dma_wait3A_976, %dma_wait3A_977] : memref<32x125x1x80xi32, #tpu.memory_space<hbm>> -> memref<1x1x1x80xi32, #tpu.memory_space<hbm>>
      %dma_wait3A_979 = tpu.memref_squeeze %dma_wait3A_978 : memref<1x1x1x80xi32, #tpu.memory_space<hbm>> -> memref<1x80xi32, #tpu.memory_space<hbm>>
      tpu.wait_dma2 semaphore(%arg14 : memref<!tpu.dma_semaphore, #tpu.memory_space<semaphore_mem>>) src(%dma_wait3A_979 : memref<1x80xi32, #tpu.memory_space<hbm>>) dst(%dma_wait3A_975 : memref<1x80xi32, #tpu.memory_space<vmem>>)
      %dma_start3A_980 = arith.constant 1 : i32
      %dma_start3A_981 = arith.constant 1 : i32
      %dma_start3A_982 = arith.constant 1 : i32
      %dma_start3A_983 = arith.constant 0 : i32
      %dma_start3A_984 = arith.constant 0 : i32
      %dma_start3A_985 = tpu.memref_slice %arg7[%dma_start3A_980, %dma_start3A_983, %dma_start3A_984] : memref<4x80x128xf32, #tpu.memory_space<vmem>> -> memref<1x80x128xf32, #tpu.memory_space<vmem>>
      %dma_start3A_986 = tpu.memref_squeeze %dma_start3A_985 : memref<1x80x128xf32, #tpu.memory_space<vmem>> -> memref<80x128xf32, #tpu.memory_space<vmem>>
      %dma_start3A_987 = arith.constant 0 : i32
      %dma_start3A_988 = tpu.memref_slice %arg6[%dma_start3A_981, %dma_start3A_982, %dma_start3A_987] : memref<4x2x80xi32, #tpu.memory_space<vmem>> -> memref<1x1x80xi32, #tpu.memory_space<vmem>>
      %dma_start3A_989 = tpu.memref_squeeze %dma_start3A_988 : memref<1x1x80xi32, #tpu.memory_space<vmem>> -> memref<80xi32, #tpu.memory_space<vmem>>
      %dma_start3A_990 = arith.constant 0 : i32
      %dma_start3A_991 = arith.constant 0 : i32
      %dma_start3A_992 = tpu.memref_slice %arg8[%dma_start3A_990, %dma_start3A_991] : memref<10240x128xf32, #tpu.memory_space<vmem_shared>> -> memref<10240x128xf32, #tpu.memory_space<vmem_shared>>
      tpu.enqueue_indirect_dma source(%dma_start3A_986 : memref<80x128xf32, #tpu.memory_space<vmem>>) target(%dma_start3A_992 : memref<10240x128xf32, #tpu.memory_space<vmem_shared>>) offsets(%dma_start3A_989 : memref<80xi32, #tpu.memory_space<vmem>>) semaphore(%arg14 : memref<!tpu.dma_semaphore, #tpu.memory_space<semaphore_mem>>) {add = true}
      %add3A_993 = arith.constant 2 : i32
      %add3A_994 = arith.addi %mul3A_889, %add3A_993 : i32
      %add3A_995 = arith.constant 4 : i32
      %add3A_996 = arith.addi %add3A_994, %add3A_995 : i32
      %dma_wait3A_997 = arith.constant 2 : i32
      %dma_wait3A_998 = arith.constant 0 : i32
      %dma_wait3A_999 = arith.constant 2 : i32
      %dma_wait3A_1000 = arith.constant 0 : i32
      %dma_wait3A_1001 = arith.constant 0 : i32
      %dma_wait3A_1002 = tpu.memref_slice %arg7[%dma_wait3A_999, %dma_wait3A_1000, %dma_wait3A_1001] : memref<4x80x128xf32, #tpu.memory_space<vmem>> -> memref<1x80x128xf32, #tpu.memory_space<vmem>>
      %dma_wait3A_1003 = tpu.memref_squeeze %dma_wait3A_1002 : memref<1x80x128xf32, #tpu.memory_space<vmem>> -> memref<80x128xf32, #tpu.memory_space<vmem>>
      %dma_wait3A_1004 = arith.constant 0 : i32
      %dma_wait3A_1005 = tpu.memref_slice %arg6[%dma_wait3A_997, %dma_wait3A_998, %dma_wait3A_1004] : memref<4x2x80xi32, #tpu.memory_space<vmem>> -> memref<1x1x80xi32, #tpu.memory_space<vmem>>
      %dma_wait3A_1006 = tpu.memref_squeeze %dma_wait3A_1005 : memref<1x1x80xi32, #tpu.memory_space<vmem>> -> memref<80xi32, #tpu.memory_space<vmem>>
      %dma_wait3A_1007 = arith.constant 0 : i32
      %dma_wait3A_1008 = arith.constant 0 : i32
      %dma_wait3A_1009 = tpu.memref_slice %arg2[%dma_wait3A_1007, %dma_wait3A_1008] : memref<10000x128xf32, #tpu.memory_space<hbm>> -> memref<10000x128xf32, #tpu.memory_space<hbm>>
      tpu.wait_indirect_dma semaphore(%arg11 : memref<!tpu.dma_semaphore, #tpu.memory_space<semaphore_mem>>) src(%dma_wait3A_1009 : memref<10000x128xf32, #tpu.memory_space<hbm>>) dst(%dma_wait3A_1003 : memref<80x128xf32, #tpu.memory_space<vmem>>)
      %lt3A_1010 = arith.constant 125 : i32
      %lt3A_1011 = arith.cmpi slt, %add3A_996, %lt3A_1010 : i32
      %convert_element_type3A_1012 = arith.extui %lt3A_1011 : i1 to i32
      %cond3A_1013 = arith.constant 0 : i32
      %cond3A_1014 = arith.cmpi ne, %convert_element_type3A_1012, %cond3A_1013 : i32
      scf.if %cond3A_1014 {
        %dma_start3A_1187 = arith.constant 2 : i32
        %dma_start3A_1188 = arith.constant 0 : i32
        %dma_start3A_1189 = arith.constant 0 : i32
        %dma_start3A_1190 = tpu.memref_slice %arg6[%dma_start3A_1187, %dma_start3A_1188, %dma_start3A_1189] : memref<4x2x80xi32, #tpu.memory_space<vmem>> -> memref<1x1x80xi32, #tpu.memory_space<vmem>>
        %dma_start3A_1191 = tpu.memref_squeeze %dma_start3A_1190 : memref<1x1x80xi32, #tpu.memory_space<vmem>> -> memref<1x80xi32, #tpu.memory_space<vmem>>
        %dma_start3A_1192 = arith.constant 0 : i32
        %dma_start3A_1193 = arith.constant 0 : i32
        %dma_start3A_1194 = tpu.memref_slice %arg3[%add3A, %add3A_996, %dma_start3A_1192, %dma_start3A_1193] : memref<32x125x1x80xi32, #tpu.memory_space<hbm>> -> memref<1x1x1x80xi32, #tpu.memory_space<hbm>>
        %dma_start3A_1195 = tpu.memref_squeeze %dma_start3A_1194 : memref<1x1x1x80xi32, #tpu.memory_space<hbm>> -> memref<1x80xi32, #tpu.memory_space<hbm>>
        %dma_start3A_1196 = arith.constant 0 : i32
        %dma_start3A_1197 = arith.constant 0 : i32
        %dma_start3A_1198 = tpu.memref_slice %arg6[%dma_start3A_1187, %dma_start3A_1196, %dma_start3A_1197] : memref<4x2x80xi32, #tpu.memory_space<vmem>> -> memref<1x1x80xi32, #tpu.memory_space<vmem>>
        %dma_start3A_1199 = tpu.memref_squeeze %dma_start3A_1198 : memref<1x1x80xi32, #tpu.memory_space<vmem>> -> memref<1x80xi32, #tpu.memory_space<vmem>>
        %dma_start3A_1200 = arith.constant 0 : i32
        %dma_start3A_1201 = arith.constant 0 : i32
        %dma_start3A_1202 = tpu.memref_slice %arg3[%add3A, %add3A_996, %dma_start3A_1200, %dma_start3A_1201] : memref<32x125x1x80xi32, #tpu.memory_space<hbm>> -> memref<1x1x1x80xi32, #tpu.memory_space<hbm>>
        %dma_start3A_1203 = tpu.memref_squeeze %dma_start3A_1202 : memref<1x1x1x80xi32, #tpu.memory_space<hbm>> -> memref<1x80xi32, #tpu.memory_space<hbm>>
        tpu.enqueue_dma source(%dma_start3A_1203 : memref<1x80xi32, #tpu.memory_space<hbm>>) target(%dma_start3A_1199 : memref<1x80xi32, #tpu.memory_space<vmem>>) target_semaphore(%arg11 : memref<!tpu.dma_semaphore, #tpu.memory_space<semaphore_mem>>)
      } else {
      }
      %dma_wait3A_1015 = arith.constant 0 : i32
      %dma_wait3A_1016 = arith.constant 2 : i32
      %dma_wait3A_1017 = arith.constant 1 : i32
      %dma_wait3A_1018 = arith.constant 0 : i32
      %dma_wait3A_1019 = tpu.memref_slice %arg6[%dma_wait3A_1016, %dma_wait3A_1017, %dma_wait3A_1018] : memref<4x2x80xi32, #tpu.memory_space<vmem>> -> memref<1x1x80xi32, #tpu.memory_space<vmem>>
      %dma_wait3A_1020 = tpu.memref_squeeze %dma_wait3A_1019 : memref<1x1x80xi32, #tpu.memory_space<vmem>> -> memref<1x80xi32, #tpu.memory_space<vmem>>
      %dma_wait3A_1021 = arith.constant 0 : i32
      %dma_wait3A_1022 = arith.constant 0 : i32
      %dma_wait3A_1023 = tpu.memref_slice %arg4[%add3A, %dma_wait3A_1015, %dma_wait3A_1021, %dma_wait3A_1022] : memref<32x125x1x80xi32, #tpu.memory_space<hbm>> -> memref<1x1x1x80xi32, #tpu.memory_space<hbm>>
      %dma_wait3A_1024 = tpu.memref_squeeze %dma_wait3A_1023 : memref<1x1x1x80xi32, #tpu.memory_space<hbm>> -> memref<1x80xi32, #tpu.memory_space<hbm>>
      %dma_wait3A_1025 = arith.constant 1 : i32
      %dma_wait3A_1026 = arith.constant 0 : i32
      %dma_wait3A_1027 = tpu.memref_slice %arg6[%dma_wait3A_1016, %dma_wait3A_1025, %dma_wait3A_1026] : memref<4x2x80xi32, #tpu.memory_space<vmem>> -> memref<1x1x80xi32, #tpu.memory_space<vmem>>
      %dma_wait3A_1028 = tpu.memref_squeeze %dma_wait3A_1027 : memref<1x1x80xi32, #tpu.memory_space<vmem>> -> memref<1x80xi32, #tpu.memory_space<vmem>>
      %dma_wait3A_1029 = arith.constant 0 : i32
      %dma_wait3A_1030 = arith.constant 0 : i32
      %dma_wait3A_1031 = tpu.memref_slice %arg4[%add3A, %dma_wait3A_1015, %dma_wait3A_1029, %dma_wait3A_1030] : memref<32x125x1x80xi32, #tpu.memory_space<hbm>> -> memref<1x1x1x80xi32, #tpu.memory_space<hbm>>
      %dma_wait3A_1032 = tpu.memref_squeeze %dma_wait3A_1031 : memref<1x1x1x80xi32, #tpu.memory_space<hbm>> -> memref<1x80xi32, #tpu.memory_space<hbm>>
      tpu.wait_dma2 semaphore(%arg15 : memref<!tpu.dma_semaphore, #tpu.memory_space<semaphore_mem>>) src(%dma_wait3A_1032 : memref<1x80xi32, #tpu.memory_space<hbm>>) dst(%dma_wait3A_1028 : memref<1x80xi32, #tpu.memory_space<vmem>>)
      %dma_start3A_1033 = arith.constant 2 : i32
      %dma_start3A_1034 = arith.constant 2 : i32
      %dma_start3A_1035 = arith.constant 1 : i32
      %dma_start3A_1036 = arith.constant 0 : i32
      %dma_start3A_1037 = arith.constant 0 : i32
      %dma_start3A_1038 = tpu.memref_slice %arg7[%dma_start3A_1033, %dma_start3A_1036, %dma_start3A_1037] : memref<4x80x128xf32, #tpu.memory_space<vmem>> -> memref<1x80x128xf32, #tpu.memory_space<vmem>>
      %dma_start3A_1039 = tpu.memref_squeeze %dma_start3A_1038 : memref<1x80x128xf32, #tpu.memory_space<vmem>> -> memref<80x128xf32, #tpu.memory_space<vmem>>
      %dma_start3A_1040 = arith.constant 0 : i32
      %dma_start3A_1041 = tpu.memref_slice %arg6[%dma_start3A_1034, %dma_start3A_1035, %dma_start3A_1040] : memref<4x2x80xi32, #tpu.memory_space<vmem>> -> memref<1x1x80xi32, #tpu.memory_space<vmem>>
      %dma_start3A_1042 = tpu.memref_squeeze %dma_start3A_1041 : memref<1x1x80xi32, #tpu.memory_space<vmem>> -> memref<80xi32, #tpu.memory_space<vmem>>
      %dma_start3A_1043 = arith.constant 0 : i32
      %dma_start3A_1044 = arith.constant 0 : i32
      %dma_start3A_1045 = tpu.memref_slice %arg8[%dma_start3A_1043, %dma_start3A_1044] : memref<10240x128xf32, #tpu.memory_space<vmem_shared>> -> memref<10240x128xf32, #tpu.memory_space<vmem_shared>>
      tpu.enqueue_indirect_dma source(%dma_start3A_1039 : memref<80x128xf32, #tpu.memory_space<vmem>>) target(%dma_start3A_1045 : memref<10240x128xf32, #tpu.memory_space<vmem_shared>>) offsets(%dma_start3A_1042 : memref<80xi32, #tpu.memory_space<vmem>>) semaphore(%arg15 : memref<!tpu.dma_semaphore, #tpu.memory_space<semaphore_mem>>) {add = true}
      %add3A_1046 = arith.constant 3 : i32
      %add3A_1047 = arith.addi %mul3A_889, %add3A_1046 : i32
      %add3A_1048 = arith.constant 4 : i32
      %add3A_1049 = arith.addi %add3A_1047, %add3A_1048 : i32
      %dma_wait3A_1050 = arith.constant 3 : i32
      %dma_wait3A_1051 = arith.constant 0 : i32
      %dma_wait3A_1052 = arith.constant 3 : i32
      %dma_wait3A_1053 = arith.constant 0 : i32
      %dma_wait3A_1054 = arith.constant 0 : i32
      %dma_wait3A_1055 = tpu.memref_slice %arg7[%dma_wait3A_1052, %dma_wait3A_1053, %dma_wait3A_1054] : memref<4x80x128xf32, #tpu.memory_space<vmem>> -> memref<1x80x128xf32, #tpu.memory_space<vmem>>
      %dma_wait3A_1056 = tpu.memref_squeeze %dma_wait3A_1055 : memref<1x80x128xf32, #tpu.memory_space<vmem>> -> memref<80x128xf32, #tpu.memory_space<vmem>>
      %dma_wait3A_1057 = arith.constant 0 : i32
      %dma_wait3A_1058 = tpu.memref_slice %arg6[%dma_wait3A_1050, %dma_wait3A_1051, %dma_wait3A_1057] : memref<4x2x80xi32, #tpu.memory_space<vmem>> -> memref<1x1x80xi32, #tpu.memory_space<vmem>>
      %dma_wait3A_1059 = tpu.memref_squeeze %dma_wait3A_1058 : memref<1x1x80xi32, #tpu.memory_space<vmem>> -> memref<80xi32, #tpu.memory_space<vmem>>
      %dma_wait3A_1060 = arith.constant 0 : i32
      %dma_wait3A_1061 = arith.constant 0 : i32
      %dma_wait3A_1062 = tpu.memref_slice %arg2[%dma_wait3A_1060, %dma_wait3A_1061] : memref<10000x128xf32, #tpu.memory_space<hbm>> -> memref<10000x128xf32, #tpu.memory_space<hbm>>
      tpu.wait_indirect_dma semaphore(%arg12 : memref<!tpu.dma_semaphore, #tpu.memory_space<semaphore_mem>>) src(%dma_wait3A_1062 : memref<10000x128xf32, #tpu.memory_space<hbm>>) dst(%dma_wait3A_1056 : memref<80x128xf32, #tpu.memory_space<vmem>>)
      %lt3A_1063 = arith.constant 125 : i32
      %lt3A_1064 = arith.cmpi slt, %add3A_1049, %lt3A_1063 : i32
      %convert_element_type3A_1065 = arith.extui %lt3A_1064 : i1 to i32
      %cond3A_1066 = arith.constant 0 : i32
      %cond3A_1067 = arith.cmpi ne, %convert_element_type3A_1065, %cond3A_1066 : i32
      scf.if %cond3A_1067 {
        %dma_start3A_1187 = arith.constant 3 : i32
        %dma_start3A_1188 = arith.constant 0 : i32
        %dma_start3A_1189 = arith.constant 0 : i32
        %dma_start3A_1190 = tpu.memref_slice %arg6[%dma_start3A_1187, %dma_start3A_1188, %dma_start3A_1189] : memref<4x2x80xi32, #tpu.memory_space<vmem>> -> memref<1x1x80xi32, #tpu.memory_space<vmem>>
        %dma_start3A_1191 = tpu.memref_squeeze %dma_start3A_1190 : memref<1x1x80xi32, #tpu.memory_space<vmem>> -> memref<1x80xi32, #tpu.memory_space<vmem>>
        %dma_start3A_1192 = arith.constant 0 : i32
        %dma_start3A_1193 = arith.constant 0 : i32
        %dma_start3A_1194 = tpu.memref_slice %arg3[%add3A, %add3A_1049, %dma_start3A_1192, %dma_start3A_1193] : memref<32x125x1x80xi32, #tpu.memory_space<hbm>> -> memref<1x1x1x80xi32, #tpu.memory_space<hbm>>
        %dma_start3A_1195 = tpu.memref_squeeze %dma_start3A_1194 : memref<1x1x1x80xi32, #tpu.memory_space<hbm>> -> memref<1x80xi32, #tpu.memory_space<hbm>>
        %dma_start3A_1196 = arith.constant 0 : i32
        %dma_start3A_1197 = arith.constant 0 : i32
        %dma_start3A_1198 = tpu.memref_slice %arg6[%dma_start3A_1187, %dma_start3A_1196, %dma_start3A_1197] : memref<4x2x80xi32, #tpu.memory_space<vmem>> -> memref<1x1x80xi32, #tpu.memory_space<vmem>>
        %dma_start3A_1199 = tpu.memref_squeeze %dma_start3A_1198 : memref<1x1x80xi32, #tpu.memory_space<vmem>> -> memref<1x80xi32, #tpu.memory_space<vmem>>
        %dma_start3A_1200 = arith.constant 0 : i32
        %dma_start3A_1201 = arith.constant 0 : i32
        %dma_start3A_1202 = tpu.memref_slice %arg3[%add3A, %add3A_1049, %dma_start3A_1200, %dma_start3A_1201] : memref<32x125x1x80xi32, #tpu.memory_space<hbm>> -> memref<1x1x1x80xi32, #tpu.memory_space<hbm>>
        %dma_start3A_1203 = tpu.memref_squeeze %dma_start3A_1202 : memref<1x1x1x80xi32, #tpu.memory_space<hbm>> -> memref<1x80xi32, #tpu.memory_space<hbm>>
        tpu.enqueue_dma source(%dma_start3A_1203 : memref<1x80xi32, #tpu.memory_space<hbm>>) target(%dma_start3A_1199 : memref<1x80xi32, #tpu.memory_space<vmem>>) target_semaphore(%arg12 : memref<!tpu.dma_semaphore, #tpu.memory_space<semaphore_mem>>)
      } else {
      }
      %dma_wait3A_1068 = arith.constant 0 : i32
      %dma_wait3A_1069 = arith.constant 3 : i32
      %dma_wait3A_1070 = arith.constant 1 : i32
      %dma_wait3A_1071 = arith.constant 0 : i32
      %dma_wait3A_1072 = tpu.memref_slice %arg6[%dma_wait3A_1069, %dma_wait3A_1070, %dma_wait3A_1071] : memref<4x2x80xi32, #tpu.memory_space<vmem>> -> memref<1x1x80xi32, #tpu.memory_space<vmem>>
      %dma_wait3A_1073 = tpu.memref_squeeze %dma_wait3A_1072 : memref<1x1x80xi32, #tpu.memory_space<vmem>> -> memref<1x80xi32, #tpu.memory_space<vmem>>
      %dma_wait3A_1074 = arith.constant 0 : i32
      %dma_wait3A_1075 = arith.constant 0 : i32
      %dma_wait3A_1076 = tpu.memref_slice %arg4[%add3A, %dma_wait3A_1068, %dma_wait3A_1074, %dma_wait3A_1075] : memref<32x125x1x80xi32, #tpu.memory_space<hbm>> -> memref<1x1x1x80xi32, #tpu.memory_space<hbm>>
      %dma_wait3A_1077 = tpu.memref_squeeze %dma_wait3A_1076 : memref<1x1x1x80xi32, #tpu.memory_space<hbm>> -> memref<1x80xi32, #tpu.memory_space<hbm>>
      %dma_wait3A_1078 = arith.constant 1 : i32
      %dma_wait3A_1079 = arith.constant 0 : i32
      %dma_wait3A_1080 = tpu.memref_slice %arg6[%dma_wait3A_1069, %dma_wait3A_1078, %dma_wait3A_1079] : memref<4x2x80xi32, #tpu.memory_space<vmem>> -> memref<1x1x80xi32, #tpu.memory_space<vmem>>
      %dma_wait3A_1081 = tpu.memref_squeeze %dma_wait3A_1080 : memref<1x1x80xi32, #tpu.memory_space<vmem>> -> memref<1x80xi32, #tpu.memory_space<vmem>>
      %dma_wait3A_1082 = arith.constant 0 : i32
      %dma_wait3A_1083 = arith.constant 0 : i32
      %dma_wait3A_1084 = tpu.memref_slice %arg4[%add3A, %dma_wait3A_1068, %dma_wait3A_1082, %dma_wait3A_1083] : memref<32x125x1x80xi32, #tpu.memory_space<hbm>> -> memref<1x1x1x80xi32, #tpu.memory_space<hbm>>
      %dma_wait3A_1085 = tpu.memref_squeeze %dma_wait3A_1084 : memref<1x1x1x80xi32, #tpu.memory_space<hbm>> -> memref<1x80xi32, #tpu.memory_space<hbm>>
      tpu.wait_dma2 semaphore(%arg16 : memref<!tpu.dma_semaphore, #tpu.memory_space<semaphore_mem>>) src(%dma_wait3A_1085 : memref<1x80xi32, #tpu.memory_space<hbm>>) dst(%dma_wait3A_1081 : memref<1x80xi32, #tpu.memory_space<vmem>>)
      %dma_start3A_1086 = arith.constant 3 : i32
      %dma_start3A_1087 = arith.constant 3 : i32
      %dma_start3A_1088 = arith.constant 1 : i32
      %dma_start3A_1089 = arith.constant 0 : i32
      %dma_start3A_1090 = arith.constant 0 : i32
      %dma_start3A_1091 = tpu.memref_slice %arg7[%dma_start3A_1086, %dma_start3A_1089, %dma_start3A_1090] : memref<4x80x128xf32, #tpu.memory_space<vmem>> -> memref<1x80x128xf32, #tpu.memory_space<vmem>>
      %dma_start3A_1092 = tpu.memref_squeeze %dma_start3A_1091 : memref<1x80x128xf32, #tpu.memory_space<vmem>> -> memref<80x128xf32, #tpu.memory_space<vmem>>
      %dma_start3A_1093 = arith.constant 0 : i32
      %dma_start3A_1094 = tpu.memref_slice %arg6[%dma_start3A_1087, %dma_start3A_1088, %dma_start3A_1093] : memref<4x2x80xi32, #tpu.memory_space<vmem>> -> memref<1x1x80xi32, #tpu.memory_space<vmem>>
      %dma_start3A_1095 = tpu.memref_squeeze %dma_start3A_1094 : memref<1x1x80xi32, #tpu.memory_space<vmem>> -> memref<80xi32, #tpu.memory_space<vmem>>
      %dma_start3A_1096 = arith.constant 0 : i32
      %dma_start3A_1097 = arith.constant 0 : i32
      %dma_start3A_1098 = tpu.memref_slice %arg8[%dma_start3A_1096, %dma_start3A_1097] : memref<10240x128xf32, #tpu.memory_space<vmem_shared>> -> memref<10240x128xf32, #tpu.memory_space<vmem_shared>>
      tpu.enqueue_indirect_dma source(%dma_start3A_1092 : memref<80x128xf32, #tpu.memory_space<vmem>>) target(%dma_start3A_1098 : memref<10240x128xf32, #tpu.memory_space<vmem_shared>>) offsets(%dma_start3A_1095 : memref<80xi32, #tpu.memory_space<vmem>>) semaphore(%arg16 : memref<!tpu.dma_semaphore, #tpu.memory_space<semaphore_mem>>) {add = true}
      %add3A_1099 = arith.constant 4 : i32
      %add3A_1100 = arith.addi %mul3A_889, %add3A_1099 : i32
      %add3A_1101 = arith.constant 0 : i32
      %add3A_1102 = arith.addi %add3A_1100, %add3A_1101 : i32
      %dma_wait3A_1103 = arith.constant 0 : i32
      %dma_wait3A_1104 = arith.constant 0 : i32
      %dma_wait3A_1105 = arith.constant 1 : i32
      %dma_wait3A_1106 = arith.constant 0 : i32
      %dma_wait3A_1107 = arith.constant 0 : i32
      %dma_wait3A_1108 = tpu.memref_slice %arg7[%dma_wait3A_1103, %dma_wait3A_1106, %dma_wait3A_1107] : memref<4x80x128xf32, #tpu.memory_space<vmem>> -> memref<1x80x128xf32, #tpu.memory_space<vmem>>
      %dma_wait3A_1109 = tpu.memref_squeeze %dma_wait3A_1108 : memref<1x80x128xf32, #tpu.memory_space<vmem>> -> memref<80x128xf32, #tpu.memory_space<vmem>>
      %dma_wait3A_1110 = arith.constant 0 : i32
      %dma_wait3A_1111 = tpu.memref_slice %arg6[%dma_wait3A_1104, %dma_wait3A_1105, %dma_wait3A_1110] : memref<4x2x80xi32, #tpu.memory_space<vmem>> -> memref<1x1x80xi32, #tpu.memory_space<vmem>>
      %dma_wait3A_1112 = tpu.memref_squeeze %dma_wait3A_1111 : memref<1x1x80xi32, #tpu.memory_space<vmem>> -> memref<80xi32, #tpu.memory_space<vmem>>
      %dma_wait3A_1113 = arith.constant 0 : i32
      %dma_wait3A_1114 = arith.constant 0 : i32
      %dma_wait3A_1115 = tpu.memref_slice %arg8[%dma_wait3A_1113, %dma_wait3A_1114] : memref<10240x128xf32, #tpu.memory_space<vmem_shared>> -> memref<10240x128xf32, #tpu.memory_space<vmem_shared>>
      tpu.wait_indirect_dma semaphore(%arg13 : memref<!tpu.dma_semaphore, #tpu.memory_space<semaphore_mem>>) src(%dma_wait3A_1109 : memref<80x128xf32, #tpu.memory_space<vmem>>) dst(%dma_wait3A_1115 : memref<10240x128xf32, #tpu.memory_space<vmem_shared>>)
      %lt3A_1116 = arith.constant 125 : i32
      %lt3A_1117 = arith.cmpi slt, %add3A_1102, %lt3A_1116 : i32
      %convert_element_type3A_1118 = arith.extui %lt3A_1117 : i1 to i32
      %cond3A_1119 = arith.constant 0 : i32
      %cond3A_1120 = arith.cmpi ne, %convert_element_type3A_1118, %cond3A_1119 : i32
      scf.if %cond3A_1120 {
        %dma_start3A_1187 = arith.constant 0 : i32
        %dma_start3A_1188 = arith.constant 1 : i32
        %dma_start3A_1189 = arith.constant 0 : i32
        %dma_start3A_1190 = tpu.memref_slice %arg6[%dma_start3A_1187, %dma_start3A_1188, %dma_start3A_1189] : memref<4x2x80xi32, #tpu.memory_space<vmem>> -> memref<1x1x80xi32, #tpu.memory_space<vmem>>
        %dma_start3A_1191 = tpu.memref_squeeze %dma_start3A_1190 : memref<1x1x80xi32, #tpu.memory_space<vmem>> -> memref<1x80xi32, #tpu.memory_space<vmem>>
        %dma_start3A_1192 = arith.constant 0 : i32
        %dma_start3A_1193 = arith.constant 0 : i32
        %dma_start3A_1194 = tpu.memref_slice %arg4[%add3A, %add3A_1102, %dma_start3A_1192, %dma_start3A_1193] : memref<32x125x1x80xi32, #tpu.memory_space<hbm>> -> memref<1x1x1x80xi32, #tpu.memory_space<hbm>>
        %dma_start3A_1195 = tpu.memref_squeeze %dma_start3A_1194 : memref<1x1x1x80xi32, #tpu.memory_space<hbm>> -> memref<1x80xi32, #tpu.memory_space<hbm>>
        %dma_start3A_1196 = arith.constant 1 : i32
        %dma_start3A_1197 = arith.constant 0 : i32
        %dma_start3A_1198 = tpu.memref_slice %arg6[%dma_start3A_1187, %dma_start3A_1196, %dma_start3A_1197] : memref<4x2x80xi32, #tpu.memory_space<vmem>> -> memref<1x1x80xi32, #tpu.memory_space<vmem>>
        %dma_start3A_1199 = tpu.memref_squeeze %dma_start3A_1198 : memref<1x1x80xi32, #tpu.memory_space<vmem>> -> memref<1x80xi32, #tpu.memory_space<vmem>>
        %dma_start3A_1200 = arith.constant 0 : i32
        %dma_start3A_1201 = arith.constant 0 : i32
        %dma_start3A_1202 = tpu.memref_slice %arg4[%add3A, %add3A_1102, %dma_start3A_1200, %dma_start3A_1201] : memref<32x125x1x80xi32, #tpu.memory_space<hbm>> -> memref<1x1x1x80xi32, #tpu.memory_space<hbm>>
        %dma_start3A_1203 = tpu.memref_squeeze %dma_start3A_1202 : memref<1x1x1x80xi32, #tpu.memory_space<hbm>> -> memref<1x80xi32, #tpu.memory_space<hbm>>
        tpu.enqueue_dma source(%dma_start3A_1203 : memref<1x80xi32, #tpu.memory_space<hbm>>) target(%dma_start3A_1199 : memref<1x80xi32, #tpu.memory_space<vmem>>) target_semaphore(%arg13 : memref<!tpu.dma_semaphore, #tpu.memory_space<semaphore_mem>>)
        %dma_wait3A_1204 = arith.constant 0 : i32
        %dma_wait3A_1205 = arith.constant 0 : i32
        %dma_wait3A_1206 = arith.constant 0 : i32
        %dma_wait3A_1207 = arith.constant 0 : i32
        %dma_wait3A_1208 = tpu.memref_slice %arg6[%dma_wait3A_1205, %dma_wait3A_1206, %dma_wait3A_1207] : memref<4x2x80xi32, #tpu.memory_space<vmem>> -> memref<1x1x80xi32, #tpu.memory_space<vmem>>
        %dma_wait3A_1209 = tpu.memref_squeeze %dma_wait3A_1208 : memref<1x1x80xi32, #tpu.memory_space<vmem>> -> memref<1x80xi32, #tpu.memory_space<vmem>>
        %dma_wait3A_1210 = arith.constant 0 : i32
        %dma_wait3A_1211 = arith.constant 0 : i32
        %dma_wait3A_1212 = tpu.memref_slice %arg3[%add3A, %dma_wait3A_1204, %dma_wait3A_1210, %dma_wait3A_1211] : memref<32x125x1x80xi32, #tpu.memory_space<hbm>> -> memref<1x1x1x80xi32, #tpu.memory_space<hbm>>
        %dma_wait3A_1213 = tpu.memref_squeeze %dma_wait3A_1212 : memref<1x1x1x80xi32, #tpu.memory_space<hbm>> -> memref<1x80xi32, #tpu.memory_space<hbm>>
        %dma_wait3A_1214 = arith.constant 0 : i32
        %dma_wait3A_1215 = arith.constant 0 : i32
        %dma_wait3A_1216 = tpu.memref_slice %arg6[%dma_wait3A_1205, %dma_wait3A_1214, %dma_wait3A_1215] : memref<4x2x80xi32, #tpu.memory_space<vmem>> -> memref<1x1x80xi32, #tpu.memory_space<vmem>>
        %dma_wait3A_1217 = tpu.memref_squeeze %dma_wait3A_1216 : memref<1x1x80xi32, #tpu.memory_space<vmem>> -> memref<1x80xi32, #tpu.memory_space<vmem>>
        %dma_wait3A_1218 = arith.constant 0 : i32
        %dma_wait3A_1219 = arith.constant 0 : i32
        %dma_wait3A_1220 = tpu.memref_slice %arg3[%add3A, %dma_wait3A_1204, %dma_wait3A_1218, %dma_wait3A_1219] : memref<32x125x1x80xi32, #tpu.memory_space<hbm>> -> memref<1x1x1x80xi32, #tpu.memory_space<hbm>>
        %dma_wait3A_1221 = tpu.memref_squeeze %dma_wait3A_1220 : memref<1x1x1x80xi32, #tpu.memory_space<hbm>> -> memref<1x80xi32, #tpu.memory_space<hbm>>
        tpu.wait_dma2 semaphore(%arg9 : memref<!tpu.dma_semaphore, #tpu.memory_space<semaphore_mem>>) src(%dma_wait3A_1221 : memref<1x80xi32, #tpu.memory_space<hbm>>) dst(%dma_wait3A_1217 : memref<1x80xi32, #tpu.memory_space<vmem>>)
        %dma_start3A_1222 = arith.constant 0 : i32
        %dma_start3A_1223 = arith.constant 0 : i32
        %dma_start3A_1224 = arith.constant 0 : i32
        %dma_start3A_1225 = arith.constant 0 : i32
        %dma_start3A_1226 = arith.constant 0 : i32
        %dma_start3A_1227 = tpu.memref_slice %arg7[%dma_start3A_1224, %dma_start3A_1225, %dma_start3A_1226] : memref<4x80x128xf32, #tpu.memory_space<vmem>> -> memref<1x80x128xf32, #tpu.memory_space<vmem>>
        %dma_start3A_1228 = tpu.memref_squeeze %dma_start3A_1227 : memref<1x80x128xf32, #tpu.memory_space<vmem>> -> memref<80x128xf32, #tpu.memory_space<vmem>>
        %dma_start3A_1229 = arith.constant 0 : i32
        %dma_start3A_1230 = tpu.memref_slice %arg6[%dma_start3A_1222, %dma_start3A_1223, %dma_start3A_1229] : memref<4x2x80xi32, #tpu.memory_space<vmem>> -> memref<1x1x80xi32, #tpu.memory_space<vmem>>
        %dma_start3A_1231 = tpu.memref_squeeze %dma_start3A_1230 : memref<1x1x80xi32, #tpu.memory_space<vmem>> -> memref<80xi32, #tpu.memory_space<vmem>>
        %dma_start3A_1232 = arith.constant 0 : i32
        %dma_start3A_1233 = arith.constant 0 : i32
        %dma_start3A_1234 = tpu.memref_slice %arg2[%dma_start3A_1232, %dma_start3A_1233] : memref<10000x128xf32, #tpu.memory_space<hbm>> -> memref<10000x128xf32, #tpu.memory_space<hbm>>
        tpu.enqueue_indirect_dma source(%dma_start3A_1234 : memref<10000x128xf32, #tpu.memory_space<hbm>>) target(%dma_start3A_1228 : memref<80x128xf32, #tpu.memory_space<vmem>>) offsets(%dma_start3A_1231 : memref<80xi32, #tpu.memory_space<vmem>>) semaphore(%arg9 : memref<!tpu.dma_semaphore, #tpu.memory_space<semaphore_mem>>)
      } else {
      }
      %add3A_1121 = arith.constant 4 : i32
      %add3A_1122 = arith.addi %mul3A_889, %add3A_1121 : i32
      %add3A_1123 = arith.constant 1 : i32
      %add3A_1124 = arith.addi %add3A_1122, %add3A_1123 : i32
      %dma_wait3A_1125 = arith.constant 1 : i32
      %dma_wait3A_1126 = arith.constant 1 : i32
      %dma_wait3A_1127 = arith.constant 1 : i32
      %dma_wait3A_1128 = arith.constant 0 : i32
      %dma_wait3A_1129 = arith.constant 0 : i32
      %dma_wait3A_1130 = tpu.memref_slice %arg7[%dma_wait3A_1125, %dma_wait3A_1128, %dma_wait3A_1129] : memref<4x80x128xf32, #tpu.memory_space<vmem>> -> memref<1x80x128xf32, #tpu.memory_space<vmem>>
      %dma_wait3A_1131 = tpu.memref_squeeze %dma_wait3A_1130 : memref<1x80x128xf32, #tpu.memory_space<vmem>> -> memref<80x128xf32, #tpu.memory_space<vmem>>
      %dma_wait3A_1132 = arith.constant 0 : i32
      %dma_wait3A_1133 = tpu.memref_slice %arg6[%dma_wait3A_1126, %dma_wait3A_1127, %dma_wait3A_1132] : memref<4x2x80xi32, #tpu.memory_space<vmem>> -> memref<1x1x80xi32, #tpu.memory_space<vmem>>
      %dma_wait3A_1134 = tpu.memref_squeeze %dma_wait3A_1133 : memref<1x1x80xi32, #tpu.memory_space<vmem>> -> memref<80xi32, #tpu.memory_space<vmem>>
      %dma_wait3A_1135 = arith.constant 0 : i32
      %dma_wait3A_1136 = arith.constant 0 : i32
      %dma_wait3A_1137 = tpu.memref_slice %arg8[%dma_wait3A_1135, %dma_wait3A_1136] : memref<10240x128xf32, #tpu.memory_space<vmem_shared>> -> memref<10240x128xf32, #tpu.memory_space<vmem_shared>>
      tpu.wait_indirect_dma semaphore(%arg14 : memref<!tpu.dma_semaphore, #tpu.memory_space<semaphore_mem>>) src(%dma_wait3A_1131 : memref<80x128xf32, #tpu.memory_space<vmem>>) dst(%dma_wait3A_1137 : memref<10240x128xf32, #tpu.memory_space<vmem_shared>>)
      %lt3A_1138 = arith.constant 125 : i32
      %lt3A_1139 = arith.cmpi slt, %add3A_1124, %lt3A_1138 : i32
      %convert_element_type3A_1140 = arith.extui %lt3A_1139 : i1 to i32
      %cond3A_1141 = arith.constant 0 : i32
      %cond3A_1142 = arith.cmpi ne, %convert_element_type3A_1140, %cond3A_1141 : i32
      scf.if %cond3A_1142 {
        %dma_start3A_1187 = arith.constant 1 : i32
        %dma_start3A_1188 = arith.constant 1 : i32
        %dma_start3A_1189 = arith.constant 0 : i32
        %dma_start3A_1190 = tpu.memref_slice %arg6[%dma_start3A_1187, %dma_start3A_1188, %dma_start3A_1189] : memref<4x2x80xi32, #tpu.memory_space<vmem>> -> memref<1x1x80xi32, #tpu.memory_space<vmem>>
        %dma_start3A_1191 = tpu.memref_squeeze %dma_start3A_1190 : memref<1x1x80xi32, #tpu.memory_space<vmem>> -> memref<1x80xi32, #tpu.memory_space<vmem>>
        %dma_start3A_1192 = arith.constant 0 : i32
        %dma_start3A_1193 = arith.constant 0 : i32
        %dma_start3A_1194 = tpu.memref_slice %arg4[%add3A, %add3A_1124, %dma_start3A_1192, %dma_start3A_1193] : memref<32x125x1x80xi32, #tpu.memory_space<hbm>> -> memref<1x1x1x80xi32, #tpu.memory_space<hbm>>
        %dma_start3A_1195 = tpu.memref_squeeze %dma_start3A_1194 : memref<1x1x1x80xi32, #tpu.memory_space<hbm>> -> memref<1x80xi32, #tpu.memory_space<hbm>>
        %dma_start3A_1196 = arith.constant 1 : i32
        %dma_start3A_1197 = arith.constant 0 : i32
        %dma_start3A_1198 = tpu.memref_slice %arg6[%dma_start3A_1187, %dma_start3A_1196, %dma_start3A_1197] : memref<4x2x80xi32, #tpu.memory_space<vmem>> -> memref<1x1x80xi32, #tpu.memory_space<vmem>>
        %dma_start3A_1199 = tpu.memref_squeeze %dma_start3A_1198 : memref<1x1x80xi32, #tpu.memory_space<vmem>> -> memref<1x80xi32, #tpu.memory_space<vmem>>
        %dma_start3A_1200 = arith.constant 0 : i32
        %dma_start3A_1201 = arith.constant 0 : i32
        %dma_start3A_1202 = tpu.memref_slice %arg4[%add3A, %add3A_1124, %dma_start3A_1200, %dma_start3A_1201] : memref<32x125x1x80xi32, #tpu.memory_space<hbm>> -> memref<1x1x1x80xi32, #tpu.memory_space<hbm>>
        %dma_start3A_1203 = tpu.memref_squeeze %dma_start3A_1202 : memref<1x1x1x80xi32, #tpu.memory_space<hbm>> -> memref<1x80xi32, #tpu.memory_space<hbm>>
        tpu.enqueue_dma source(%dma_start3A_1203 : memref<1x80xi32, #tpu.memory_space<hbm>>) target(%dma_start3A_1199 : memref<1x80xi32, #tpu.memory_space<vmem>>) target_semaphore(%arg14 : memref<!tpu.dma_semaphore, #tpu.memory_space<semaphore_mem>>)
        %dma_wait3A_1204 = arith.constant 0 : i32
        %dma_wait3A_1205 = arith.constant 1 : i32
        %dma_wait3A_1206 = arith.constant 0 : i32
        %dma_wait3A_1207 = arith.constant 0 : i32
        %dma_wait3A_1208 = tpu.memref_slice %arg6[%dma_wait3A_1205, %dma_wait3A_1206, %dma_wait3A_1207] : memref<4x2x80xi32, #tpu.memory_space<vmem>> -> memref<1x1x80xi32, #tpu.memory_space<vmem>>
        %dma_wait3A_1209 = tpu.memref_squeeze %dma_wait3A_1208 : memref<1x1x80xi32, #tpu.memory_space<vmem>> -> memref<1x80xi32, #tpu.memory_space<vmem>>
        %dma_wait3A_1210 = arith.constant 0 : i32
        %dma_wait3A_1211 = arith.constant 0 : i32
        %dma_wait3A_1212 = tpu.memref_slice %arg3[%add3A, %dma_wait3A_1204, %dma_wait3A_1210, %dma_wait3A_1211] : memref<32x125x1x80xi32, #tpu.memory_space<hbm>> -> memref<1x1x1x80xi32, #tpu.memory_space<hbm>>
        %dma_wait3A_1213 = tpu.memref_squeeze %dma_wait3A_1212 : memref<1x1x1x80xi32, #tpu.memory_space<hbm>> -> memref<1x80xi32, #tpu.memory_space<hbm>>
        %dma_wait3A_1214 = arith.constant 0 : i32
        %dma_wait3A_1215 = arith.constant 0 : i32
        %dma_wait3A_1216 = tpu.memref_slice %arg6[%dma_wait3A_1205, %dma_wait3A_1214, %dma_wait3A_1215] : memref<4x2x80xi32, #tpu.memory_space<vmem>> -> memref<1x1x80xi32, #tpu.memory_space<vmem>>
        %dma_wait3A_1217 = tpu.memref_squeeze %dma_wait3A_1216 : memref<1x1x80xi32, #tpu.memory_space<vmem>> -> memref<1x80xi32, #tpu.memory_space<vmem>>
        %dma_wait3A_1218 = arith.constant 0 : i32
        %dma_wait3A_1219 = arith.constant 0 : i32
        %dma_wait3A_1220 = tpu.memref_slice %arg3[%add3A, %dma_wait3A_1204, %dma_wait3A_1218, %dma_wait3A_1219] : memref<32x125x1x80xi32, #tpu.memory_space<hbm>> -> memref<1x1x1x80xi32, #tpu.memory_space<hbm>>
        %dma_wait3A_1221 = tpu.memref_squeeze %dma_wait3A_1220 : memref<1x1x1x80xi32, #tpu.memory_space<hbm>> -> memref<1x80xi32, #tpu.memory_space<hbm>>
        tpu.wait_dma2 semaphore(%arg10 : memref<!tpu.dma_semaphore, #tpu.memory_space<semaphore_mem>>) src(%dma_wait3A_1221 : memref<1x80xi32, #tpu.memory_space<hbm>>) dst(%dma_wait3A_1217 : memref<1x80xi32, #tpu.memory_space<vmem>>)
        %dma_start3A_1222 = arith.constant 1 : i32
        %dma_start3A_1223 = arith.constant 0 : i32
        %dma_start3A_1224 = arith.constant 1 : i32
        %dma_start3A_1225 = arith.constant 0 : i32
        %dma_start3A_1226 = arith.constant 0 : i32
        %dma_start3A_1227 = tpu.memref_slice %arg7[%dma_start3A_1224, %dma_start3A_1225, %dma_start3A_1226] : memref<4x80x128xf32, #tpu.memory_space<vmem>> -> memref<1x80x128xf32, #tpu.memory_space<vmem>>
        %dma_start3A_1228 = tpu.memref_squeeze %dma_start3A_1227 : memref<1x80x128xf32, #tpu.memory_space<vmem>> -> memref<80x128xf32, #tpu.memory_space<vmem>>
        %dma_start3A_1229 = arith.constant 0 : i32
        %dma_start3A_1230 = tpu.memref_slice %arg6[%dma_start3A_1222, %dma_start3A_1223, %dma_start3A_1229] : memref<4x2x80xi32, #tpu.memory_space<vmem>> -> memref<1x1x80xi32, #tpu.memory_space<vmem>>
        %dma_start3A_1231 = tpu.memref_squeeze %dma_start3A_1230 : memref<1x1x80xi32, #tpu.memory_space<vmem>> -> memref<80xi32, #tpu.memory_space<vmem>>
        %dma_start3A_1232 = arith.constant 0 : i32
        %dma_start3A_1233 = arith.constant 0 : i32
        %dma_start3A_1234 = tpu.memref_slice %arg2[%dma_start3A_1232, %dma_start3A_1233] : memref<10000x128xf32, #tpu.memory_space<hbm>> -> memref<10000x128xf32, #tpu.memory_space<hbm>>
        tpu.enqueue_indirect_dma source(%dma_start3A_1234 : memref<10000x128xf32, #tpu.memory_space<hbm>>) target(%dma_start3A_1228 : memref<80x128xf32, #tpu.memory_space<vmem>>) offsets(%dma_start3A_1231 : memref<80xi32, #tpu.memory_space<vmem>>) semaphore(%arg10 : memref<!tpu.dma_semaphore, #tpu.memory_space<semaphore_mem>>)
      } else {
      }
      %add3A_1143 = arith.constant 4 : i32
      %add3A_1144 = arith.addi %mul3A_889, %add3A_1143 : i32
      %add3A_1145 = arith.constant 2 : i32
      %add3A_1146 = arith.addi %add3A_1144, %add3A_1145 : i32
      %dma_wait3A_1147 = arith.constant 2 : i32
      %dma_wait3A_1148 = arith.constant 2 : i32
      %dma_wait3A_1149 = arith.constant 1 : i32
      %dma_wait3A_1150 = arith.constant 0 : i32
      %dma_wait3A_1151 = arith.constant 0 : i32
      %dma_wait3A_1152 = tpu.memref_slice %arg7[%dma_wait3A_1147, %dma_wait3A_1150, %dma_wait3A_1151] : memref<4x80x128xf32, #tpu.memory_space<vmem>> -> memref<1x80x128xf32, #tpu.memory_space<vmem>>
      %dma_wait3A_1153 = tpu.memref_squeeze %dma_wait3A_1152 : memref<1x80x128xf32, #tpu.memory_space<vmem>> -> memref<80x128xf32, #tpu.memory_space<vmem>>
      %dma_wait3A_1154 = arith.constant 0 : i32
      %dma_wait3A_1155 = tpu.memref_slice %arg6[%dma_wait3A_1148, %dma_wait3A_1149, %dma_wait3A_1154] : memref<4x2x80xi32, #tpu.memory_space<vmem>> -> memref<1x1x80xi32, #tpu.memory_space<vmem>>
      %dma_wait3A_1156 = tpu.memref_squeeze %dma_wait3A_1155 : memref<1x1x80xi32, #tpu.memory_space<vmem>> -> memref<80xi32, #tpu.memory_space<vmem>>
      %dma_wait3A_1157 = arith.constant 0 : i32
      %dma_wait3A_1158 = arith.constant 0 : i32
      %dma_wait3A_1159 = tpu.memref_slice %arg8[%dma_wait3A_1157, %dma_wait3A_1158] : memref<10240x128xf32, #tpu.memory_space<vmem_shared>> -> memref<10240x128xf32, #tpu.memory_space<vmem_shared>>
      tpu.wait_indirect_dma semaphore(%arg15 : memref<!tpu.dma_semaphore, #tpu.memory_space<semaphore_mem>>) src(%dma_wait3A_1153 : memref<80x128xf32, #tpu.memory_space<vmem>>) dst(%dma_wait3A_1159 : memref<10240x128xf32, #tpu.memory_space<vmem_shared>>)
      %lt3A_1160 = arith.constant 125 : i32
      %lt3A_1161 = arith.cmpi slt, %add3A_1146, %lt3A_1160 : i32
      %convert_element_type3A_1162 = arith.extui %lt3A_1161 : i1 to i32
      %cond3A_1163 = arith.constant 0 : i32
      %cond3A_1164 = arith.cmpi ne, %convert_element_type3A_1162, %cond3A_1163 : i32
      scf.if %cond3A_1164 {
        %dma_start3A_1187 = arith.constant 2 : i32
        %dma_start3A_1188 = arith.constant 1 : i32
        %dma_start3A_1189 = arith.constant 0 : i32
        %dma_start3A_1190 = tpu.memref_slice %arg6[%dma_start3A_1187, %dma_start3A_1188, %dma_start3A_1189] : memref<4x2x80xi32, #tpu.memory_space<vmem>> -> memref<1x1x80xi32, #tpu.memory_space<vmem>>
        %dma_start3A_1191 = tpu.memref_squeeze %dma_start3A_1190 : memref<1x1x80xi32, #tpu.memory_space<vmem>> -> memref<1x80xi32, #tpu.memory_space<vmem>>
        %dma_start3A_1192 = arith.constant 0 : i32
        %dma_start3A_1193 = arith.constant 0 : i32
        %dma_start3A_1194 = tpu.memref_slice %arg4[%add3A, %add3A_1146, %dma_start3A_1192, %dma_start3A_1193] : memref<32x125x1x80xi32, #tpu.memory_space<hbm>> -> memref<1x1x1x80xi32, #tpu.memory_space<hbm>>
        %dma_start3A_1195 = tpu.memref_squeeze %dma_start3A_1194 : memref<1x1x1x80xi32, #tpu.memory_space<hbm>> -> memref<1x80xi32, #tpu.memory_space<hbm>>
        %dma_start3A_1196 = arith.constant 1 : i32
        %dma_start3A_1197 = arith.constant 0 : i32
        %dma_start3A_1198 = tpu.memref_slice %arg6[%dma_start3A_1187, %dma_start3A_1196, %dma_start3A_1197] : memref<4x2x80xi32, #tpu.memory_space<vmem>> -> memref<1x1x80xi32, #tpu.memory_space<vmem>>
        %dma_start3A_1199 = tpu.memref_squeeze %dma_start3A_1198 : memref<1x1x80xi32, #tpu.memory_space<vmem>> -> memref<1x80xi32, #tpu.memory_space<vmem>>
        %dma_start3A_1200 = arith.constant 0 : i32
        %dma_start3A_1201 = arith.constant 0 : i32
        %dma_start3A_1202 = tpu.memref_slice %arg4[%add3A, %add3A_1146, %dma_start3A_1200, %dma_start3A_1201] : memref<32x125x1x80xi32, #tpu.memory_space<hbm>> -> memref<1x1x1x80xi32, #tpu.memory_space<hbm>>
        %dma_start3A_1203 = tpu.memref_squeeze %dma_start3A_1202 : memref<1x1x1x80xi32, #tpu.memory_space<hbm>> -> memref<1x80xi32, #tpu.memory_space<hbm>>
        tpu.enqueue_dma source(%dma_start3A_1203 : memref<1x80xi32, #tpu.memory_space<hbm>>) target(%dma_start3A_1199 : memref<1x80xi32, #tpu.memory_space<vmem>>) target_semaphore(%arg15 : memref<!tpu.dma_semaphore, #tpu.memory_space<semaphore_mem>>)
        %dma_wait3A_1204 = arith.constant 0 : i32
        %dma_wait3A_1205 = arith.constant 2 : i32
        %dma_wait3A_1206 = arith.constant 0 : i32
        %dma_wait3A_1207 = arith.constant 0 : i32
        %dma_wait3A_1208 = tpu.memref_slice %arg6[%dma_wait3A_1205, %dma_wait3A_1206, %dma_wait3A_1207] : memref<4x2x80xi32, #tpu.memory_space<vmem>> -> memref<1x1x80xi32, #tpu.memory_space<vmem>>
        %dma_wait3A_1209 = tpu.memref_squeeze %dma_wait3A_1208 : memref<1x1x80xi32, #tpu.memory_space<vmem>> -> memref<1x80xi32, #tpu.memory_space<vmem>>
        %dma_wait3A_1210 = arith.constant 0 : i32
        %dma_wait3A_1211 = arith.constant 0 : i32
        %dma_wait3A_1212 = tpu.memref_slice %arg3[%add3A, %dma_wait3A_1204, %dma_wait3A_1210, %dma_wait3A_1211] : memref<32x125x1x80xi32, #tpu.memory_space<hbm>> -> memref<1x1x1x80xi32, #tpu.memory_space<hbm>>
        %dma_wait3A_1213 = tpu.memref_squeeze %dma_wait3A_1212 : memref<1x1x1x80xi32, #tpu.memory_space<hbm>> -> memref<1x80xi32, #tpu.memory_space<hbm>>
        %dma_wait3A_1214 = arith.constant 0 : i32
        %dma_wait3A_1215 = arith.constant 0 : i32
        %dma_wait3A_1216 = tpu.memref_slice %arg6[%dma_wait3A_1205, %dma_wait3A_1214, %dma_wait3A_1215] : memref<4x2x80xi32, #tpu.memory_space<vmem>> -> memref<1x1x80xi32, #tpu.memory_space<vmem>>
        %dma_wait3A_1217 = tpu.memref_squeeze %dma_wait3A_1216 : memref<1x1x80xi32, #tpu.memory_space<vmem>> -> memref<1x80xi32, #tpu.memory_space<vmem>>
        %dma_wait3A_1218 = arith.constant 0 : i32
        %dma_wait3A_1219 = arith.constant 0 : i32
        %dma_wait3A_1220 = tpu.memref_slice %arg3[%add3A, %dma_wait3A_1204, %dma_wait3A_1218, %dma_wait3A_1219] : memref<32x125x1x80xi32, #tpu.memory_space<hbm>> -> memref<1x1x1x80xi32, #tpu.memory_space<hbm>>
        %dma_wait3A_1221 = tpu.memref_squeeze %dma_wait3A_1220 : memref<1x1x1x80xi32, #tpu.memory_space<hbm>> -> memref<1x80xi32, #tpu.memory_space<hbm>>
        tpu.wait_dma2 semaphore(%arg11 : memref<!tpu.dma_semaphore, #tpu.memory_space<semaphore_mem>>) src(%dma_wait3A_1221 : memref<1x80xi32, #tpu.memory_space<hbm>>) dst(%dma_wait3A_1217 : memref<1x80xi32, #tpu.memory_space<vmem>>)
        %dma_start3A_1222 = arith.constant 2 : i32
        %dma_start3A_1223 = arith.constant 0 : i32
        %dma_start3A_1224 = arith.constant 2 : i32
        %dma_start3A_1225 = arith.constant 0 : i32
        %dma_start3A_1226 = arith.constant 0 : i32
        %dma_start3A_1227 = tpu.memref_slice %arg7[%dma_start3A_1224, %dma_start3A_1225, %dma_start3A_1226] : memref<4x80x128xf32, #tpu.memory_space<vmem>> -> memref<1x80x128xf32, #tpu.memory_space<vmem>>
        %dma_start3A_1228 = tpu.memref_squeeze %dma_start3A_1227 : memref<1x80x128xf32, #tpu.memory_space<vmem>> -> memref<80x128xf32, #tpu.memory_space<vmem>>
        %dma_start3A_1229 = arith.constant 0 : i32
        %dma_start3A_1230 = tpu.memref_slice %arg6[%dma_start3A_1222, %dma_start3A_1223, %dma_start3A_1229] : memref<4x2x80xi32, #tpu.memory_space<vmem>> -> memref<1x1x80xi32, #tpu.memory_space<vmem>>
        %dma_start3A_1231 = tpu.memref_squeeze %dma_start3A_1230 : memref<1x1x80xi32, #tpu.memory_space<vmem>> -> memref<80xi32, #tpu.memory_space<vmem>>
        %dma_start3A_1232 = arith.constant 0 : i32
        %dma_start3A_1233 = arith.constant 0 : i32
        %dma_start3A_1234 = tpu.memref_slice %arg2[%dma_start3A_1232, %dma_start3A_1233] : memref<10000x128xf32, #tpu.memory_space<hbm>> -> memref<10000x128xf32, #tpu.memory_space<hbm>>
        tpu.enqueue_indirect_dma source(%dma_start3A_1234 : memref<10000x128xf32, #tpu.memory_space<hbm>>) target(%dma_start3A_1228 : memref<80x128xf32, #tpu.memory_space<vmem>>) offsets(%dma_start3A_1231 : memref<80xi32, #tpu.memory_space<vmem>>) semaphore(%arg11 : memref<!tpu.dma_semaphore, #tpu.memory_space<semaphore_mem>>)
      } else {
      }
      %add3A_1165 = arith.constant 4 : i32
      %add3A_1166 = arith.addi %mul3A_889, %add3A_1165 : i32
      %add3A_1167 = arith.constant 3 : i32
      %add3A_1168 = arith.addi %add3A_1166, %add3A_1167 : i32
      %dma_wait3A_1169 = arith.constant 3 : i32
      %dma_wait3A_1170 = arith.constant 3 : i32
      %dma_wait3A_1171 = arith.constant 1 : i32
      %dma_wait3A_1172 = arith.constant 0 : i32
      %dma_wait3A_1173 = arith.constant 0 : i32
      %dma_wait3A_1174 = tpu.memref_slice %arg7[%dma_wait3A_1169, %dma_wait3A_1172, %dma_wait3A_1173] : memref<4x80x128xf32, #tpu.memory_space<vmem>> -> memref<1x80x128xf32, #tpu.memory_space<vmem>>
      %dma_wait3A_1175 = tpu.memref_squeeze %dma_wait3A_1174 : memref<1x80x128xf32, #tpu.memory_space<vmem>> -> memref<80x128xf32, #tpu.memory_space<vmem>>
      %dma_wait3A_1176 = arith.constant 0 : i32
      %dma_wait3A_1177 = tpu.memref_slice %arg6[%dma_wait3A_1170, %dma_wait3A_1171, %dma_wait3A_1176] : memref<4x2x80xi32, #tpu.memory_space<vmem>> -> memref<1x1x80xi32, #tpu.memory_space<vmem>>
      %dma_wait3A_1178 = tpu.memref_squeeze %dma_wait3A_1177 : memref<1x1x80xi32, #tpu.memory_space<vmem>> -> memref<80xi32, #tpu.memory_space<vmem>>
      %dma_wait3A_1179 = arith.constant 0 : i32
      %dma_wait3A_1180 = arith.constant 0 : i32
      %dma_wait3A_1181 = tpu.memref_slice %arg8[%dma_wait3A_1179, %dma_wait3A_1180] : memref<10240x128xf32, #tpu.memory_space<vmem_shared>> -> memref<10240x128xf32, #tpu.memory_space<vmem_shared>>
      tpu.wait_indirect_dma semaphore(%arg16 : memref<!tpu.dma_semaphore, #tpu.memory_space<semaphore_mem>>) src(%dma_wait3A_1175 : memref<80x128xf32, #tpu.memory_space<vmem>>) dst(%dma_wait3A_1181 : memref<10240x128xf32, #tpu.memory_space<vmem_shared>>)
      %lt3A_1182 = arith.constant 125 : i32
      %lt3A_1183 = arith.cmpi slt, %add3A_1168, %lt3A_1182 : i32
      %convert_element_type3A_1184 = arith.extui %lt3A_1183 : i1 to i32
      %cond3A_1185 = arith.constant 0 : i32
      %cond3A_1186 = arith.cmpi ne, %convert_element_type3A_1184, %cond3A_1185 : i32
      scf.if %cond3A_1186 {
        %dma_start3A_1187 = arith.constant 3 : i32
        %dma_start3A_1188 = arith.constant 1 : i32
        %dma_start3A_1189 = arith.constant 0 : i32
        %dma_start3A_1190 = tpu.memref_slice %arg6[%dma_start3A_1187, %dma_start3A_1188, %dma_start3A_1189] : memref<4x2x80xi32, #tpu.memory_space<vmem>> -> memref<1x1x80xi32, #tpu.memory_space<vmem>>
        %dma_start3A_1191 = tpu.memref_squeeze %dma_start3A_1190 : memref<1x1x80xi32, #tpu.memory_space<vmem>> -> memref<1x80xi32, #tpu.memory_space<vmem>>
        %dma_start3A_1192 = arith.constant 0 : i32
        %dma_start3A_1193 = arith.constant 0 : i32
        %dma_start3A_1194 = tpu.memref_slice %arg4[%add3A, %add3A_1168, %dma_start3A_1192, %dma_start3A_1193] : memref<32x125x1x80xi32, #tpu.memory_space<hbm>> -> memref<1x1x1x80xi32, #tpu.memory_space<hbm>>
        %dma_start3A_1195 = tpu.memref_squeeze %dma_start3A_1194 : memref<1x1x1x80xi32, #tpu.memory_space<hbm>> -> memref<1x80xi32, #tpu.memory_space<hbm>>
        %dma_start3A_1196 = arith.constant 1 : i32
        %dma_start3A_1197 = arith.constant 0 : i32
        %dma_start3A_1198 = tpu.memref_slice %arg6[%dma_start3A_1187, %dma_start3A_1196, %dma_start3A_1197] : memref<4x2x80xi32, #tpu.memory_space<vmem>> -> memref<1x1x80xi32, #tpu.memory_space<vmem>>
        %dma_start3A_1199 = tpu.memref_squeeze %dma_start3A_1198 : memref<1x1x80xi32, #tpu.memory_space<vmem>> -> memref<1x80xi32, #tpu.memory_space<vmem>>
        %dma_start3A_1200 = arith.constant 0 : i32
        %dma_start3A_1201 = arith.constant 0 : i32
        %dma_start3A_1202 = tpu.memref_slice %arg4[%add3A, %add3A_1168, %dma_start3A_1200, %dma_start3A_1201] : memref<32x125x1x80xi32, #tpu.memory_space<hbm>> -> memref<1x1x1x80xi32, #tpu.memory_space<hbm>>
        %dma_start3A_1203 = tpu.memref_squeeze %dma_start3A_1202 : memref<1x1x1x80xi32, #tpu.memory_space<hbm>> -> memref<1x80xi32, #tpu.memory_space<hbm>>
        tpu.enqueue_dma source(%dma_start3A_1203 : memref<1x80xi32, #tpu.memory_space<hbm>>) target(%dma_start3A_1199 : memref<1x80xi32, #tpu.memory_space<vmem>>) target_semaphore(%arg16 : memref<!tpu.dma_semaphore, #tpu.memory_space<semaphore_mem>>)
        %dma_wait3A_1204 = arith.constant 0 : i32
        %dma_wait3A_1205 = arith.constant 3 : i32
        %dma_wait3A_1206 = arith.constant 0 : i32
        %dma_wait3A_1207 = arith.constant 0 : i32
        %dma_wait3A_1208 = tpu.memref_slice %arg6[%dma_wait3A_1205, %dma_wait3A_1206, %dma_wait3A_1207] : memref<4x2x80xi32, #tpu.memory_space<vmem>> -> memref<1x1x80xi32, #tpu.memory_space<vmem>>
        %dma_wait3A_1209 = tpu.memref_squeeze %dma_wait3A_1208 : memref<1x1x80xi32, #tpu.memory_space<vmem>> -> memref<1x80xi32, #tpu.memory_space<vmem>>
        %dma_wait3A_1210 = arith.constant 0 : i32
        %dma_wait3A_1211 = arith.constant 0 : i32
        %dma_wait3A_1212 = tpu.memref_slice %arg3[%add3A, %dma_wait3A_1204, %dma_wait3A_1210, %dma_wait3A_1211] : memref<32x125x1x80xi32, #tpu.memory_space<hbm>> -> memref<1x1x1x80xi32, #tpu.memory_space<hbm>>
        %dma_wait3A_1213 = tpu.memref_squeeze %dma_wait3A_1212 : memref<1x1x1x80xi32, #tpu.memory_space<hbm>> -> memref<1x80xi32, #tpu.memory_space<hbm>>
        %dma_wait3A_1214 = arith.constant 0 : i32
        %dma_wait3A_1215 = arith.constant 0 : i32
        %dma_wait3A_1216 = tpu.memref_slice %arg6[%dma_wait3A_1205, %dma_wait3A_1214, %dma_wait3A_1215] : memref<4x2x80xi32, #tpu.memory_space<vmem>> -> memref<1x1x80xi32, #tpu.memory_space<vmem>>
        %dma_wait3A_1217 = tpu.memref_squeeze %dma_wait3A_1216 : memref<1x1x80xi32, #tpu.memory_space<vmem>> -> memref<1x80xi32, #tpu.memory_space<vmem>>
        %dma_wait3A_1218 = arith.constant 0 : i32
        %dma_wait3A_1219 = arith.constant 0 : i32
        %dma_wait3A_1220 = tpu.memref_slice %arg3[%add3A, %dma_wait3A_1204, %dma_wait3A_1218, %dma_wait3A_1219] : memref<32x125x1x80xi32, #tpu.memory_space<hbm>> -> memref<1x1x1x80xi32, #tpu.memory_space<hbm>>
        %dma_wait3A_1221 = tpu.memref_squeeze %dma_wait3A_1220 : memref<1x1x1x80xi32, #tpu.memory_space<hbm>> -> memref<1x80xi32, #tpu.memory_space<hbm>>
        tpu.wait_dma2 semaphore(%arg12 : memref<!tpu.dma_semaphore, #tpu.memory_space<semaphore_mem>>) src(%dma_wait3A_1221 : memref<1x80xi32, #tpu.memory_space<hbm>>) dst(%dma_wait3A_1217 : memref<1x80xi32, #tpu.memory_space<vmem>>)
        %dma_start3A_1222 = arith.constant 3 : i32
        %dma_start3A_1223 = arith.constant 0 : i32
        %dma_start3A_1224 = arith.constant 3 : i32
        %dma_start3A_1225 = arith.constant 0 : i32
        %dma_start3A_1226 = arith.constant 0 : i32
        %dma_start3A_1227 = tpu.memref_slice %arg7[%dma_start3A_1224, %dma_start3A_1225, %dma_start3A_1226] : memref<4x80x128xf32, #tpu.memory_space<vmem>> -> memref<1x80x128xf32, #tpu.memory_space<vmem>>
        %dma_start3A_1228 = tpu.memref_squeeze %dma_start3A_1227 : memref<1x80x128xf32, #tpu.memory_space<vmem>> -> memref<80x128xf32, #tpu.memory_space<vmem>>
        %dma_start3A_1229 = arith.constant 0 : i32
        %dma_start3A_1230 = tpu.memref_slice %arg6[%dma_start3A_1222, %dma_start3A_1223, %dma_start3A_1229] : memref<4x2x80xi32, #tpu.memory_space<vmem>> -> memref<1x1x80xi32, #tpu.memory_space<vmem>>
        %dma_start3A_1231 = tpu.memref_squeeze %dma_start3A_1230 : memref<1x1x80xi32, #tpu.memory_space<vmem>> -> memref<80xi32, #tpu.memory_space<vmem>>
        %dma_start3A_1232 = arith.constant 0 : i32
        %dma_start3A_1233 = arith.constant 0 : i32
        %dma_start3A_1234 = tpu.memref_slice %arg2[%dma_start3A_1232, %dma_start3A_1233] : memref<10000x128xf32, #tpu.memory_space<hbm>> -> memref<10000x128xf32, #tpu.memory_space<hbm>>
        tpu.enqueue_indirect_dma source(%dma_start3A_1234 : memref<10000x128xf32, #tpu.memory_space<hbm>>) target(%dma_start3A_1228 : memref<80x128xf32, #tpu.memory_space<vmem>>) offsets(%dma_start3A_1231 : memref<80xi32, #tpu.memory_space<vmem>>) semaphore(%arg12 : memref<!tpu.dma_semaphore, #tpu.memory_space<semaphore_mem>>)
      } else {
      }
    }
    %scan3A_533 = arith.constant 31 : i32
    %dma_wait3A_534 = arith.constant 0 : i32
    %dma_wait3A_535 = arith.constant 0 : i32
    %dma_wait3A_536 = arith.constant 0 : i32
    %dma_wait3A_537 = arith.constant 0 : i32
    %dma_wait3A_538 = arith.constant 0 : i32
    %dma_wait3A_539 = tpu.memref_slice %arg7[%dma_wait3A_536, %dma_wait3A_537, %dma_wait3A_538] : memref<4x80x128xf32, #tpu.memory_space<vmem>> -> memref<1x80x128xf32, #tpu.memory_space<vmem>>
    %dma_wait3A_540 = tpu.memref_squeeze %dma_wait3A_539 : memref<1x80x128xf32, #tpu.memory_space<vmem>> -> memref<80x128xf32, #tpu.memory_space<vmem>>
    %dma_wait3A_541 = arith.constant 0 : i32
    %dma_wait3A_542 = tpu.memref_slice %arg6[%dma_wait3A_534, %dma_wait3A_535, %dma_wait3A_541] : memref<4x2x80xi32, #tpu.memory_space<vmem>> -> memref<1x1x80xi32, #tpu.memory_space<vmem>>
    %dma_wait3A_543 = tpu.memref_squeeze %dma_wait3A_542 : memref<1x1x80xi32, #tpu.memory_space<vmem>> -> memref<80xi32, #tpu.memory_space<vmem>>
    %dma_wait3A_544 = arith.constant 0 : i32
    %dma_wait3A_545 = arith.constant 0 : i32
    %dma_wait3A_546 = tpu.memref_slice %arg2[%dma_wait3A_544, %dma_wait3A_545] : memref<10000x128xf32, #tpu.memory_space<hbm>> -> memref<10000x128xf32, #tpu.memory_space<hbm>>
    tpu.wait_indirect_dma semaphore(%arg9 : memref<!tpu.dma_semaphore, #tpu.memory_space<semaphore_mem>>) src(%dma_wait3A_546 : memref<10000x128xf32, #tpu.memory_space<hbm>>) dst(%dma_wait3A_540 : memref<80x128xf32, #tpu.memory_space<vmem>>)
    %dma_wait3A_547 = arith.constant 0 : i32
    %dma_wait3A_548 = arith.constant 0 : i32
    %dma_wait3A_549 = arith.constant 1 : i32
    %dma_wait3A_550 = arith.constant 0 : i32
    %dma_wait3A_551 = tpu.memref_slice %arg6[%dma_wait3A_548, %dma_wait3A_549, %dma_wait3A_550] : memref<4x2x80xi32, #tpu.memory_space<vmem>> -> memref<1x1x80xi32, #tpu.memory_space<vmem>>
    %dma_wait3A_552 = tpu.memref_squeeze %dma_wait3A_551 : memref<1x1x80xi32, #tpu.memory_space<vmem>> -> memref<1x80xi32, #tpu.memory_space<vmem>>
    %dma_wait3A_553 = arith.constant 0 : i32
    %dma_wait3A_554 = arith.constant 0 : i32
    %dma_wait3A_555 = tpu.memref_slice %arg4[%add3A, %dma_wait3A_547, %dma_wait3A_553, %dma_wait3A_554] : memref<32x125x1x80xi32, #tpu.memory_space<hbm>> -> memref<1x1x1x80xi32, #tpu.memory_space<hbm>>
    %dma_wait3A_556 = tpu.memref_squeeze %dma_wait3A_555 : memref<1x1x1x80xi32, #tpu.memory_space<hbm>> -> memref<1x80xi32, #tpu.memory_space<hbm>>
    %dma_wait3A_557 = arith.constant 1 : i32
    %dma_wait3A_558 = arith.constant 0 : i32
    %dma_wait3A_559 = tpu.memref_slice %arg6[%dma_wait3A_548, %dma_wait3A_557, %dma_wait3A_558] : memref<4x2x80xi32, #tpu.memory_space<vmem>> -> memref<1x1x80xi32, #tpu.memory_space<vmem>>
    %dma_wait3A_560 = tpu.memref_squeeze %dma_wait3A_559 : memref<1x1x80xi32, #tpu.memory_space<vmem>> -> memref<1x80xi32, #tpu.memory_space<vmem>>
    %dma_wait3A_561 = arith.constant 0 : i32
    %dma_wait3A_562 = arith.constant 0 : i32
    %dma_wait3A_563 = tpu.memref_slice %arg4[%add3A, %dma_wait3A_547, %dma_wait3A_561, %dma_wait3A_562] : memref<32x125x1x80xi32, #tpu.memory_space<hbm>> -> memref<1x1x1x80xi32, #tpu.memory_space<hbm>>
    %dma_wait3A_564 = tpu.memref_squeeze %dma_wait3A_563 : memref<1x1x1x80xi32, #tpu.memory_space<hbm>> -> memref<1x80xi32, #tpu.memory_space<hbm>>
    tpu.wait_dma2 semaphore(%arg13 : memref<!tpu.dma_semaphore, #tpu.memory_space<semaphore_mem>>) src(%dma_wait3A_564 : memref<1x80xi32, #tpu.memory_space<hbm>>) dst(%dma_wait3A_560 : memref<1x80xi32, #tpu.memory_space<vmem>>)
    %dma_start3A_565 = arith.constant 0 : i32
    %dma_start3A_566 = arith.constant 0 : i32
    %dma_start3A_567 = arith.constant 1 : i32
    %dma_start3A_568 = arith.constant 0 : i32
    %dma_start3A_569 = arith.constant 0 : i32
    %dma_start3A_570 = tpu.memref_slice %arg7[%dma_start3A_565, %dma_start3A_568, %dma_start3A_569] : memref<4x80x128xf32, #tpu.memory_space<vmem>> -> memref<1x80x128xf32, #tpu.memory_space<vmem>>
    %dma_start3A_571 = tpu.memref_squeeze %dma_start3A_570 : memref<1x80x128xf32, #tpu.memory_space<vmem>> -> memref<80x128xf32, #tpu.memory_space<vmem>>
    %dma_start3A_572 = arith.constant 0 : i32
    %dma_start3A_573 = tpu.memref_slice %arg6[%dma_start3A_566, %dma_start3A_567, %dma_start3A_572] : memref<4x2x80xi32, #tpu.memory_space<vmem>> -> memref<1x1x80xi32, #tpu.memory_space<vmem>>
    %dma_start3A_574 = tpu.memref_squeeze %dma_start3A_573 : memref<1x1x80xi32, #tpu.memory_space<vmem>> -> memref<80xi32, #tpu.memory_space<vmem>>
    %dma_start3A_575 = arith.constant 0 : i32
    %dma_start3A_576 = arith.constant 0 : i32
    %dma_start3A_577 = tpu.memref_slice %arg8[%dma_start3A_575, %dma_start3A_576] : memref<10240x128xf32, #tpu.memory_space<vmem_shared>> -> memref<10240x128xf32, #tpu.memory_space<vmem_shared>>
    tpu.enqueue_indirect_dma source(%dma_start3A_571 : memref<80x128xf32, #tpu.memory_space<vmem>>) target(%dma_start3A_577 : memref<10240x128xf32, #tpu.memory_space<vmem_shared>>) offsets(%dma_start3A_574 : memref<80xi32, #tpu.memory_space<vmem>>) semaphore(%arg13 : memref<!tpu.dma_semaphore, #tpu.memory_space<semaphore_mem>>) {add = true}
    %dma_wait3A_578 = arith.constant 0 : i32
    %dma_wait3A_579 = arith.constant 0 : i32
    %dma_wait3A_580 = arith.constant 1 : i32
    %dma_wait3A_581 = arith.constant 0 : i32
    %dma_wait3A_582 = arith.constant 0 : i32
    %dma_wait3A_583 = tpu.memref_slice %arg7[%dma_wait3A_578, %dma_wait3A_581, %dma_wait3A_582] : memref<4x80x128xf32, #tpu.memory_space<vmem>> -> memref<1x80x128xf32, #tpu.memory_space<vmem>>
    %dma_wait3A_584 = tpu.memref_squeeze %dma_wait3A_583 : memref<1x80x128xf32, #tpu.memory_space<vmem>> -> memref<80x128xf32, #tpu.memory_space<vmem>>
    %dma_wait3A_585 = arith.constant 0 : i32
    %dma_wait3A_586 = tpu.memref_slice %arg6[%dma_wait3A_579, %dma_wait3A_580, %dma_wait3A_585] : memref<4x2x80xi32, #tpu.memory_space<vmem>> -> memref<1x1x80xi32, #tpu.memory_space<vmem>>
    %dma_wait3A_587 = tpu.memref_squeeze %dma_wait3A_586 : memref<1x1x80xi32, #tpu.memory_space<vmem>> -> memref<80xi32, #tpu.memory_space<vmem>>
    %dma_wait3A_588 = arith.constant 0 : i32
    %dma_wait3A_589 = arith.constant 0 : i32
    %dma_wait3A_590 = tpu.memref_slice %arg8[%dma_wait3A_588, %dma_wait3A_589] : memref<10240x128xf32, #tpu.memory_space<vmem_shared>> -> memref<10240x128xf32, #tpu.memory_space<vmem_shared>>
    tpu.wait_indirect_dma semaphore(%arg13 : memref<!tpu.dma_semaphore, #tpu.memory_space<semaphore_mem>>) src(%dma_wait3A_584 : memref<80x128xf32, #tpu.memory_space<vmem>>) dst(%dma_wait3A_590 : memref<10240x128xf32, #tpu.memory_space<vmem_shared>>)
    %barrier3A_591 = arith.constant 0 : index
    tpu.barrier barrier_id(%barrier3A_591)
    %mul3A_592 = arith.constant 640 : i32
    %mul3A_593 = arith.muli %arg1, %mul3A_592 : i32
    %add3A_594 = arith.constant 0 : i32
    %add3A_595 = arith.addi %mul3A_593, %add3A_594 : i32
    %run_scoped3A = arith.constant 0 : i32
    "tpu.region"() ({
      %run_scoped3A_887 = tpu.sem_alloc : memref<!tpu.dma_semaphore, #tpu.memory_space<semaphore_mem>>
      %dma_start3A_888 = arith.constant 0 : i32
      %dma_start3A_889 = arith.constant 0 : i32
      %dma_start3A_890 = tpu.memref_slice %arg7[%run_scoped3A, %dma_start3A_888, %dma_start3A_889] : memref<4x80x128xf32, #tpu.memory_space<vmem>> -> memref<1x80x128xf32, #tpu.memory_space<vmem>>
      %dma_start3A_891 = tpu.memref_squeeze %dma_start3A_890 : memref<1x80x128xf32, #tpu.memory_space<vmem>> -> memref<80x128xf32, #tpu.memory_space<vmem>>
      %dma_start3A_892 = arith.constant 0 : i32
      %dma_start3A_893 = tpu.memref_slice %arg8[%add3A_595, %dma_start3A_892] : memref<10240x128xf32, #tpu.memory_space<vmem_shared>> -> memref<80x128xf32, #tpu.memory_space<vmem_shared>>
      %dma_start3A_894 = arith.constant 0 : i32
      %dma_start3A_895 = arith.constant 0 : i32
      %dma_start3A_896 = tpu.memref_slice %arg7[%run_scoped3A, %dma_start3A_894, %dma_start3A_895] : memref<4x80x128xf32, #tpu.memory_space<vmem>> -> memref<1x80x128xf32, #tpu.memory_space<vmem>>
      %dma_start3A_897 = tpu.memref_squeeze %dma_start3A_896 : memref<1x80x128xf32, #tpu.memory_space<vmem>> -> memref<80x128xf32, #tpu.memory_space<vmem>>
      %dma_start3A_898 = arith.constant 0 : i32
      %dma_start3A_899 = tpu.memref_slice %arg8[%add3A_595, %dma_start3A_898] : memref<10240x128xf32, #tpu.memory_space<vmem_shared>> -> memref<80x128xf32, #tpu.memory_space<vmem_shared>>
      tpu.enqueue_dma source(%dma_start3A_899 : memref<80x128xf32, #tpu.memory_space<vmem_shared>>) target(%dma_start3A_897 : memref<80x128xf32, #tpu.memory_space<vmem>>) target_semaphore(%run_scoped3A_887 : memref<!tpu.dma_semaphore, #tpu.memory_space<semaphore_mem>>)
      %dma_wait3A_900 = arith.constant 0 : i32
      %dma_wait3A_901 = arith.constant 0 : i32
      %dma_wait3A_902 = tpu.memref_slice %arg7[%run_scoped3A, %dma_wait3A_900, %dma_wait3A_901] : memref<4x80x128xf32, #tpu.memory_space<vmem>> -> memref<1x80x128xf32, #tpu.memory_space<vmem>>
      %dma_wait3A_903 = tpu.memref_squeeze %dma_wait3A_902 : memref<1x80x128xf32, #tpu.memory_space<vmem>> -> memref<80x128xf32, #tpu.memory_space<vmem>>
      %dma_wait3A_904 = arith.constant 0 : i32
      %dma_wait3A_905 = tpu.memref_slice %arg8[%add3A_595, %dma_wait3A_904] : memref<10240x128xf32, #tpu.memory_space<vmem_shared>> -> memref<80x128xf32, #tpu.memory_space<vmem_shared>>
      %dma_wait3A_906 = arith.constant 0 : i32
      %dma_wait3A_907 = arith.constant 0 : i32
      %dma_wait3A_908 = tpu.memref_slice %arg7[%run_scoped3A, %dma_wait3A_906, %dma_wait3A_907] : memref<4x80x128xf32, #tpu.memory_space<vmem>> -> memref<1x80x128xf32, #tpu.memory_space<vmem>>
      %dma_wait3A_909 = tpu.memref_squeeze %dma_wait3A_908 : memref<1x80x128xf32, #tpu.memory_space<vmem>> -> memref<80x128xf32, #tpu.memory_space<vmem>>
      %dma_wait3A_910 = arith.constant 0 : i32
      %dma_wait3A_911 = tpu.memref_slice %arg8[%add3A_595, %dma_wait3A_910] : memref<10240x128xf32, #tpu.memory_space<vmem_shared>> -> memref<80x128xf32, #tpu.memory_space<vmem_shared>>
      tpu.wait_dma2 semaphore(%run_scoped3A_887 : memref<!tpu.dma_semaphore, #tpu.memory_space<semaphore_mem>>) src(%dma_wait3A_911 : memref<80x128xf32, #tpu.memory_space<vmem_shared>>) dst(%dma_wait3A_909 : memref<80x128xf32, #tpu.memory_space<vmem>>)
      tpu.yield
    }) : () -> ()
    %dma_start3A_596 = arith.constant 0 : i32
    %dma_start3A_597 = arith.constant 0 : i32
    %dma_start3A_598 = arith.constant 0 : i32
    %dma_start3A_599 = tpu.memref_slice %arg7[%dma_start3A_596, %dma_start3A_597, %dma_start3A_598] : memref<4x80x128xf32, #tpu.memory_space<vmem>> -> memref<1x80x128xf32, #tpu.memory_space<vmem>>
    %dma_start3A_600 = tpu.memref_squeeze %dma_start3A_599 : memref<1x80x128xf32, #tpu.memory_space<vmem>> -> memref<80x128xf32, #tpu.memory_space<vmem>>
    %dma_start3A_601 = arith.constant 0 : i32
    %dma_start3A_602 = tpu.memref_slice %arg5[%arg0, %add3A_595, %dma_start3A_601] : memref<2x10240x128xf32, #tpu.memory_space<hbm>> -> memref<1x80x128xf32, #tpu.memory_space<hbm>>
    %dma_start3A_603 = tpu.memref_squeeze %dma_start3A_602 : memref<1x80x128xf32, #tpu.memory_space<hbm>> -> memref<80x128xf32, #tpu.memory_space<hbm>>
    %dma_start3A_604 = arith.constant 0 : i32
    %dma_start3A_605 = tpu.memref_slice %arg5[%arg0, %add3A_595, %dma_start3A_604] : memref<2x10240x128xf32, #tpu.memory_space<hbm>> -> memref<1x80x128xf32, #tpu.memory_space<hbm>>
    %dma_start3A_606 = tpu.memref_squeeze %dma_start3A_605 : memref<1x80x128xf32, #tpu.memory_space<hbm>> -> memref<80x128xf32, #tpu.memory_space<hbm>>
    %dma_start3A_607 = arith.constant 0 : i32
    %dma_start3A_608 = arith.constant 0 : i32
    %dma_start3A_609 = tpu.memref_slice %arg7[%dma_start3A_596, %dma_start3A_607, %dma_start3A_608] : memref<4x80x128xf32, #tpu.memory_space<vmem>> -> memref<1x80x128xf32, #tpu.memory_space<vmem>>
    %dma_start3A_610 = tpu.memref_squeeze %dma_start3A_609 : memref<1x80x128xf32, #tpu.memory_space<vmem>> -> memref<80x128xf32, #tpu.memory_space<vmem>>
    tpu.enqueue_dma source(%dma_start3A_610 : memref<80x128xf32, #tpu.memory_space<vmem>>) target(%dma_start3A_606 : memref<80x128xf32, #tpu.memory_space<hbm>>) target_semaphore(%arg13 : memref<!tpu.dma_semaphore, #tpu.memory_space<semaphore_mem>>)
    %mul3A_611 = arith.constant 640 : i32
    %mul3A_612 = arith.muli %arg1, %mul3A_611 : i32
    %add3A_613 = arith.constant 80 : i32
    %add3A_614 = arith.addi %mul3A_612, %add3A_613 : i32
    %run_scoped3A_615 = arith.constant 1 : i32
    "tpu.region"() ({
      %run_scoped3A_887 = tpu.sem_alloc : memref<!tpu.dma_semaphore, #tpu.memory_space<semaphore_mem>>
      %dma_start3A_888 = arith.constant 0 : i32
      %dma_start3A_889 = arith.constant 0 : i32
      %dma_start3A_890 = tpu.memref_slice %arg7[%run_scoped3A_615, %dma_start3A_888, %dma_start3A_889] : memref<4x80x128xf32, #tpu.memory_space<vmem>> -> memref<1x80x128xf32, #tpu.memory_space<vmem>>
      %dma_start3A_891 = tpu.memref_squeeze %dma_start3A_890 : memref<1x80x128xf32, #tpu.memory_space<vmem>> -> memref<80x128xf32, #tpu.memory_space<vmem>>
      %dma_start3A_892 = arith.constant 0 : i32
      %dma_start3A_893 = tpu.memref_slice %arg8[%add3A_614, %dma_start3A_892] : memref<10240x128xf32, #tpu.memory_space<vmem_shared>> -> memref<80x128xf32, #tpu.memory_space<vmem_shared>>
      %dma_start3A_894 = arith.constant 0 : i32
      %dma_start3A_895 = arith.constant 0 : i32
      %dma_start3A_896 = tpu.memref_slice %arg7[%run_scoped3A_615, %dma_start3A_894, %dma_start3A_895] : memref<4x80x128xf32, #tpu.memory_space<vmem>> -> memref<1x80x128xf32, #tpu.memory_space<vmem>>
      %dma_start3A_897 = tpu.memref_squeeze %dma_start3A_896 : memref<1x80x128xf32, #tpu.memory_space<vmem>> -> memref<80x128xf32, #tpu.memory_space<vmem>>
      %dma_start3A_898 = arith.constant 0 : i32
      %dma_start3A_899 = tpu.memref_slice %arg8[%add3A_614, %dma_start3A_898] : memref<10240x128xf32, #tpu.memory_space<vmem_shared>> -> memref<80x128xf32, #tpu.memory_space<vmem_shared>>
      tpu.enqueue_dma source(%dma_start3A_899 : memref<80x128xf32, #tpu.memory_space<vmem_shared>>) target(%dma_start3A_897 : memref<80x128xf32, #tpu.memory_space<vmem>>) target_semaphore(%run_scoped3A_887 : memref<!tpu.dma_semaphore, #tpu.memory_space<semaphore_mem>>)
      %dma_wait3A_900 = arith.constant 0 : i32
      %dma_wait3A_901 = arith.constant 0 : i32
      %dma_wait3A_902 = tpu.memref_slice %arg7[%run_scoped3A_615, %dma_wait3A_900, %dma_wait3A_901] : memref<4x80x128xf32, #tpu.memory_space<vmem>> -> memref<1x80x128xf32, #tpu.memory_space<vmem>>
      %dma_wait3A_903 = tpu.memref_squeeze %dma_wait3A_902 : memref<1x80x128xf32, #tpu.memory_space<vmem>> -> memref<80x128xf32, #tpu.memory_space<vmem>>
      %dma_wait3A_904 = arith.constant 0 : i32
      %dma_wait3A_905 = tpu.memref_slice %arg8[%add3A_614, %dma_wait3A_904] : memref<10240x128xf32, #tpu.memory_space<vmem_shared>> -> memref<80x128xf32, #tpu.memory_space<vmem_shared>>
      %dma_wait3A_906 = arith.constant 0 : i32
      %dma_wait3A_907 = arith.constant 0 : i32
      %dma_wait3A_908 = tpu.memref_slice %arg7[%run_scoped3A_615, %dma_wait3A_906, %dma_wait3A_907] : memref<4x80x128xf32, #tpu.memory_space<vmem>> -> memref<1x80x128xf32, #tpu.memory_space<vmem>>
      %dma_wait3A_909 = tpu.memref_squeeze %dma_wait3A_908 : memref<1x80x128xf32, #tpu.memory_space<vmem>> -> memref<80x128xf32, #tpu.memory_space<vmem>>
      %dma_wait3A_910 = arith.constant 0 : i32
      %dma_wait3A_911 = tpu.memref_slice %arg8[%add3A_614, %dma_wait3A_910] : memref<10240x128xf32, #tpu.memory_space<vmem_shared>> -> memref<80x128xf32, #tpu.memory_space<vmem_shared>>
      tpu.wait_dma2 semaphore(%run_scoped3A_887 : memref<!tpu.dma_semaphore, #tpu.memory_space<semaphore_mem>>) src(%dma_wait3A_911 : memref<80x128xf32, #tpu.memory_space<vmem_shared>>) dst(%dma_wait3A_909 : memref<80x128xf32, #tpu.memory_space<vmem>>)
      tpu.yield
    }) : () -> ()
    %dma_start3A_616 = arith.constant 1 : i32
    %dma_start3A_617 = arith.constant 0 : i32
    %dma_start3A_618 = arith.constant 0 : i32
    %dma_start3A_619 = tpu.memref_slice %arg7[%dma_start3A_616, %dma_start3A_617, %dma_start3A_618] : memref<4x80x128xf32, #tpu.memory_space<vmem>> -> memref<1x80x128xf32, #tpu.memory_space<vmem>>
    %dma_start3A_620 = tpu.memref_squeeze %dma_start3A_619 : memref<1x80x128xf32, #tpu.memory_space<vmem>> -> memref<80x128xf32, #tpu.memory_space<vmem>>
    %dma_start3A_621 = arith.constant 0 : i32
    %dma_start3A_622 = tpu.memref_slice %arg5[%arg0, %add3A_614, %dma_start3A_621] : memref<2x10240x128xf32, #tpu.memory_space<hbm>> -> memref<1x80x128xf32, #tpu.memory_space<hbm>>
    %dma_start3A_623 = tpu.memref_squeeze %dma_start3A_622 : memref<1x80x128xf32, #tpu.memory_space<hbm>> -> memref<80x128xf32, #tpu.memory_space<hbm>>
    %dma_start3A_624 = arith.constant 0 : i32
    %dma_start3A_625 = tpu.memref_slice %arg5[%arg0, %add3A_614, %dma_start3A_624] : memref<2x10240x128xf32, #tpu.memory_space<hbm>> -> memref<1x80x128xf32, #tpu.memory_space<hbm>>
    %dma_start3A_626 = tpu.memref_squeeze %dma_start3A_625 : memref<1x80x128xf32, #tpu.memory_space<hbm>> -> memref<80x128xf32, #tpu.memory_space<hbm>>
    %dma_start3A_627 = arith.constant 0 : i32
    %dma_start3A_628 = arith.constant 0 : i32
    %dma_start3A_629 = tpu.memref_slice %arg7[%dma_start3A_616, %dma_start3A_627, %dma_start3A_628] : memref<4x80x128xf32, #tpu.memory_space<vmem>> -> memref<1x80x128xf32, #tpu.memory_space<vmem>>
    %dma_start3A_630 = tpu.memref_squeeze %dma_start3A_629 : memref<1x80x128xf32, #tpu.memory_space<vmem>> -> memref<80x128xf32, #tpu.memory_space<vmem>>
    tpu.enqueue_dma source(%dma_start3A_630 : memref<80x128xf32, #tpu.memory_space<vmem>>) target(%dma_start3A_626 : memref<80x128xf32, #tpu.memory_space<hbm>>) target_semaphore(%arg14 : memref<!tpu.dma_semaphore, #tpu.memory_space<semaphore_mem>>)
    %mul3A_631 = arith.constant 640 : i32
    %mul3A_632 = arith.muli %arg1, %mul3A_631 : i32
    %add3A_633 = arith.constant 160 : i32
    %add3A_634 = arith.addi %mul3A_632, %add3A_633 : i32
    %run_scoped3A_635 = arith.constant 2 : i32
    "tpu.region"() ({
      %run_scoped3A_887 = tpu.sem_alloc : memref<!tpu.dma_semaphore, #tpu.memory_space<semaphore_mem>>
      %dma_start3A_888 = arith.constant 0 : i32
      %dma_start3A_889 = arith.constant 0 : i32
      %dma_start3A_890 = tpu.memref_slice %arg7[%run_scoped3A_635, %dma_start3A_888, %dma_start3A_889] : memref<4x80x128xf32, #tpu.memory_space<vmem>> -> memref<1x80x128xf32, #tpu.memory_space<vmem>>
      %dma_start3A_891 = tpu.memref_squeeze %dma_start3A_890 : memref<1x80x128xf32, #tpu.memory_space<vmem>> -> memref<80x128xf32, #tpu.memory_space<vmem>>
      %dma_start3A_892 = arith.constant 0 : i32
      %dma_start3A_893 = tpu.memref_slice %arg8[%add3A_634, %dma_start3A_892] : memref<10240x128xf32, #tpu.memory_space<vmem_shared>> -> memref<80x128xf32, #tpu.memory_space<vmem_shared>>
      %dma_start3A_894 = arith.constant 0 : i32
      %dma_start3A_895 = arith.constant 0 : i32
      %dma_start3A_896 = tpu.memref_slice %arg7[%run_scoped3A_635, %dma_start3A_894, %dma_start3A_895] : memref<4x80x128xf32, #tpu.memory_space<vmem>> -> memref<1x80x128xf32, #tpu.memory_space<vmem>>
      %dma_start3A_897 = tpu.memref_squeeze %dma_start3A_896 : memref<1x80x128xf32, #tpu.memory_space<vmem>> -> memref<80x128xf32, #tpu.memory_space<vmem>>
      %dma_start3A_898 = arith.constant 0 : i32
      %dma_start3A_899 = tpu.memref_slice %arg8[%add3A_634, %dma_start3A_898] : memref<10240x128xf32, #tpu.memory_space<vmem_shared>> -> memref<80x128xf32, #tpu.memory_space<vmem_shared>>
      tpu.enqueue_dma source(%dma_start3A_899 : memref<80x128xf32, #tpu.memory_space<vmem_shared>>) target(%dma_start3A_897 : memref<80x128xf32, #tpu.memory_space<vmem>>) target_semaphore(%run_scoped3A_887 : memref<!tpu.dma_semaphore, #tpu.memory_space<semaphore_mem>>)
      %dma_wait3A_900 = arith.constant 0 : i32
      %dma_wait3A_901 = arith.constant 0 : i32
      %dma_wait3A_902 = tpu.memref_slice %arg7[%run_scoped3A_635, %dma_wait3A_900, %dma_wait3A_901] : memref<4x80x128xf32, #tpu.memory_space<vmem>> -> memref<1x80x128xf32, #tpu.memory_space<vmem>>
      %dma_wait3A_903 = tpu.memref_squeeze %dma_wait3A_902 : memref<1x80x128xf32, #tpu.memory_space<vmem>> -> memref<80x128xf32, #tpu.memory_space<vmem>>
      %dma_wait3A_904 = arith.constant 0 : i32
      %dma_wait3A_905 = tpu.memref_slice %arg8[%add3A_634, %dma_wait3A_904] : memref<10240x128xf32, #tpu.memory_space<vmem_shared>> -> memref<80x128xf32, #tpu.memory_space<vmem_shared>>
      %dma_wait3A_906 = arith.constant 0 : i32
      %dma_wait3A_907 = arith.constant 0 : i32
      %dma_wait3A_908 = tpu.memref_slice %arg7[%run_scoped3A_635, %dma_wait3A_906, %dma_wait3A_907] : memref<4x80x128xf32, #tpu.memory_space<vmem>> -> memref<1x80x128xf32, #tpu.memory_space<vmem>>
      %dma_wait3A_909 = tpu.memref_squeeze %dma_wait3A_908 : memref<1x80x128xf32, #tpu.memory_space<vmem>> -> memref<80x128xf32, #tpu.memory_space<vmem>>
      %dma_wait3A_910 = arith.constant 0 : i32
      %dma_wait3A_911 = tpu.memref_slice %arg8[%add3A_634, %dma_wait3A_910] : memref<10240x128xf32, #tpu.memory_space<vmem_shared>> -> memref<80x128xf32, #tpu.memory_space<vmem_shared>>
      tpu.wait_dma2 semaphore(%run_scoped3A_887 : memref<!tpu.dma_semaphore, #tpu.memory_space<semaphore_mem>>) src(%dma_wait3A_911 : memref<80x128xf32, #tpu.memory_space<vmem_shared>>) dst(%dma_wait3A_909 : memref<80x128xf32, #tpu.memory_space<vmem>>)
      tpu.yield
    }) : () -> ()
    %dma_start3A_636 = arith.constant 2 : i32
    %dma_start3A_637 = arith.constant 0 : i32
    %dma_start3A_638 = arith.constant 0 : i32
    %dma_start3A_639 = tpu.memref_slice %arg7[%dma_start3A_636, %dma_start3A_637, %dma_start3A_638] : memref<4x80x128xf32, #tpu.memory_space<vmem>> -> memref<1x80x128xf32, #tpu.memory_space<vmem>>
    %dma_start3A_640 = tpu.memref_squeeze %dma_start3A_639 : memref<1x80x128xf32, #tpu.memory_space<vmem>> -> memref<80x128xf32, #tpu.memory_space<vmem>>
    %dma_start3A_641 = arith.constant 0 : i32
    %dma_start3A_642 = tpu.memref_slice %arg5[%arg0, %add3A_634, %dma_start3A_641] : memref<2x10240x128xf32, #tpu.memory_space<hbm>> -> memref<1x80x128xf32, #tpu.memory_space<hbm>>
    %dma_start3A_643 = tpu.memref_squeeze %dma_start3A_642 : memref<1x80x128xf32, #tpu.memory_space<hbm>> -> memref<80x128xf32, #tpu.memory_space<hbm>>
    %dma_start3A_644 = arith.constant 0 : i32
    %dma_start3A_645 = tpu.memref_slice %arg5[%arg0, %add3A_634, %dma_start3A_644] : memref<2x10240x128xf32, #tpu.memory_space<hbm>> -> memref<1x80x128xf32, #tpu.memory_space<hbm>>
    %dma_start3A_646 = tpu.memref_squeeze %dma_start3A_645 : memref<1x80x128xf32, #tpu.memory_space<hbm>> -> memref<80x128xf32, #tpu.memory_space<hbm>>
    %dma_start3A_647 = arith.constant 0 : i32
    %dma_start3A_648 = arith.constant 0 : i32
    %dma_start3A_649 = tpu.memref_slice %arg7[%dma_start3A_636, %dma_start3A_647, %dma_start3A_648] : memref<4x80x128xf32, #tpu.memory_space<vmem>> -> memref<1x80x128xf32, #tpu.memory_space<vmem>>
    %dma_start3A_650 = tpu.memref_squeeze %dma_start3A_649 : memref<1x80x128xf32, #tpu.memory_space<vmem>> -> memref<80x128xf32, #tpu.memory_space<vmem>>
    tpu.enqueue_dma source(%dma_start3A_650 : memref<80x128xf32, #tpu.memory_space<vmem>>) target(%dma_start3A_646 : memref<80x128xf32, #tpu.memory_space<hbm>>) target_semaphore(%arg15 : memref<!tpu.dma_semaphore, #tpu.memory_space<semaphore_mem>>)
    %mul3A_651 = arith.constant 640 : i32
    %mul3A_652 = arith.muli %arg1, %mul3A_651 : i32
    %add3A_653 = arith.constant 240 : i32
    %add3A_654 = arith.addi %mul3A_652, %add3A_653 : i32
    %run_scoped3A_655 = arith.constant 3 : i32
    "tpu.region"() ({
      %run_scoped3A_887 = tpu.sem_alloc : memref<!tpu.dma_semaphore, #tpu.memory_space<semaphore_mem>>
      %dma_start3A_888 = arith.constant 0 : i32
      %dma_start3A_889 = arith.constant 0 : i32
      %dma_start3A_890 = tpu.memref_slice %arg7[%run_scoped3A_655, %dma_start3A_888, %dma_start3A_889] : memref<4x80x128xf32, #tpu.memory_space<vmem>> -> memref<1x80x128xf32, #tpu.memory_space<vmem>>
      %dma_start3A_891 = tpu.memref_squeeze %dma_start3A_890 : memref<1x80x128xf32, #tpu.memory_space<vmem>> -> memref<80x128xf32, #tpu.memory_space<vmem>>
      %dma_start3A_892 = arith.constant 0 : i32
      %dma_start3A_893 = tpu.memref_slice %arg8[%add3A_654, %dma_start3A_892] : memref<10240x128xf32, #tpu.memory_space<vmem_shared>> -> memref<80x128xf32, #tpu.memory_space<vmem_shared>>
      %dma_start3A_894 = arith.constant 0 : i32
      %dma_start3A_895 = arith.constant 0 : i32
      %dma_start3A_896 = tpu.memref_slice %arg7[%run_scoped3A_655, %dma_start3A_894, %dma_start3A_895] : memref<4x80x128xf32, #tpu.memory_space<vmem>> -> memref<1x80x128xf32, #tpu.memory_space<vmem>>
      %dma_start3A_897 = tpu.memref_squeeze %dma_start3A_896 : memref<1x80x128xf32, #tpu.memory_space<vmem>> -> memref<80x128xf32, #tpu.memory_space<vmem>>
      %dma_start3A_898 = arith.constant 0 : i32
      %dma_start3A_899 = tpu.memref_slice %arg8[%add3A_654, %dma_start3A_898] : memref<10240x128xf32, #tpu.memory_space<vmem_shared>> -> memref<80x128xf32, #tpu.memory_space<vmem_shared>>
      tpu.enqueue_dma source(%dma_start3A_899 : memref<80x128xf32, #tpu.memory_space<vmem_shared>>) target(%dma_start3A_897 : memref<80x128xf32, #tpu.memory_space<vmem>>) target_semaphore(%run_scoped3A_887 : memref<!tpu.dma_semaphore, #tpu.memory_space<semaphore_mem>>)
      %dma_wait3A_900 = arith.constant 0 : i32
      %dma_wait3A_901 = arith.constant 0 : i32
      %dma_wait3A_902 = tpu.memref_slice %arg7[%run_scoped3A_655, %dma_wait3A_900, %dma_wait3A_901] : memref<4x80x128xf32, #tpu.memory_space<vmem>> -> memref<1x80x128xf32, #tpu.memory_space<vmem>>
      %dma_wait3A_903 = tpu.memref_squeeze %dma_wait3A_902 : memref<1x80x128xf32, #tpu.memory_space<vmem>> -> memref<80x128xf32, #tpu.memory_space<vmem>>
      %dma_wait3A_904 = arith.constant 0 : i32
      %dma_wait3A_905 = tpu.memref_slice %arg8[%add3A_654, %dma_wait3A_904] : memref<10240x128xf32, #tpu.memory_space<vmem_shared>> -> memref<80x128xf32, #tpu.memory_space<vmem_shared>>
      %dma_wait3A_906 = arith.constant 0 : i32
      %dma_wait3A_907 = arith.constant 0 : i32
      %dma_wait3A_908 = tpu.memref_slice %arg7[%run_scoped3A_655, %dma_wait3A_906, %dma_wait3A_907] : memref<4x80x128xf32, #tpu.memory_space<vmem>> -> memref<1x80x128xf32, #tpu.memory_space<vmem>>
      %dma_wait3A_909 = tpu.memref_squeeze %dma_wait3A_908 : memref<1x80x128xf32, #tpu.memory_space<vmem>> -> memref<80x128xf32, #tpu.memory_space<vmem>>
      %dma_wait3A_910 = arith.constant 0 : i32
      %dma_wait3A_911 = tpu.memref_slice %arg8[%add3A_654, %dma_wait3A_910] : memref<10240x128xf32, #tpu.memory_space<vmem_shared>> -> memref<80x128xf32, #tpu.memory_space<vmem_shared>>
      tpu.wait_dma2 semaphore(%run_scoped3A_887 : memref<!tpu.dma_semaphore, #tpu.memory_space<semaphore_mem>>) src(%dma_wait3A_911 : memref<80x128xf32, #tpu.memory_space<vmem_shared>>) dst(%dma_wait3A_909 : memref<80x128xf32, #tpu.memory_space<vmem>>)
      tpu.yield
    }) : () -> ()
    %dma_start3A_656 = arith.constant 3 : i32
    %dma_start3A_657 = arith.constant 0 : i32
    %dma_start3A_658 = arith.constant 0 : i32
    %dma_start3A_659 = tpu.memref_slice %arg7[%dma_start3A_656, %dma_start3A_657, %dma_start3A_658] : memref<4x80x128xf32, #tpu.memory_space<vmem>> -> memref<1x80x128xf32, #tpu.memory_space<vmem>>
    %dma_start3A_660 = tpu.memref_squeeze %dma_start3A_659 : memref<1x80x128xf32, #tpu.memory_space<vmem>> -> memref<80x128xf32, #tpu.memory_space<vmem>>
    %dma_start3A_661 = arith.constant 0 : i32
    %dma_start3A_662 = tpu.memref_slice %arg5[%arg0, %add3A_654, %dma_start3A_661] : memref<2x10240x128xf32, #tpu.memory_space<hbm>> -> memref<1x80x128xf32, #tpu.memory_space<hbm>>
    %dma_start3A_663 = tpu.memref_squeeze %dma_start3A_662 : memref<1x80x128xf32, #tpu.memory_space<hbm>> -> memref<80x128xf32, #tpu.memory_space<hbm>>
    %dma_start3A_664 = arith.constant 0 : i32
    %dma_start3A_665 = tpu.memref_slice %arg5[%arg0, %add3A_654, %dma_start3A_664] : memref<2x10240x128xf32, #tpu.memory_space<hbm>> -> memref<1x80x128xf32, #tpu.memory_space<hbm>>
    %dma_start3A_666 = tpu.memref_squeeze %dma_start3A_665 : memref<1x80x128xf32, #tpu.memory_space<hbm>> -> memref<80x128xf32, #tpu.memory_space<hbm>>
    %dma_start3A_667 = arith.constant 0 : i32
    %dma_start3A_668 = arith.constant 0 : i32
    %dma_start3A_669 = tpu.memref_slice %arg7[%dma_start3A_656, %dma_start3A_667, %dma_start3A_668] : memref<4x80x128xf32, #tpu.memory_space<vmem>> -> memref<1x80x128xf32, #tpu.memory_space<vmem>>
    %dma_start3A_670 = tpu.memref_squeeze %dma_start3A_669 : memref<1x80x128xf32, #tpu.memory_space<vmem>> -> memref<80x128xf32, #tpu.memory_space<vmem>>
    tpu.enqueue_dma source(%dma_start3A_670 : memref<80x128xf32, #tpu.memory_space<vmem>>) target(%dma_start3A_666 : memref<80x128xf32, #tpu.memory_space<hbm>>) target_semaphore(%arg16 : memref<!tpu.dma_semaphore, #tpu.memory_space<semaphore_mem>>)
    %mul3A_671 = arith.constant 640 : i32
    %mul3A_672 = arith.muli %arg1, %mul3A_671 : i32
    %add3A_673 = arith.constant 320 : i32
    %add3A_674 = arith.addi %mul3A_672, %add3A_673 : i32
    %dma_wait3A_675 = arith.constant 0 : i32
    %dma_wait3A_676 = arith.constant 0 : i32
    %dma_wait3A_677 = arith.constant 0 : i32
    %dma_wait3A_678 = tpu.memref_slice %arg7[%dma_wait3A_675, %dma_wait3A_676, %dma_wait3A_677] : memref<4x80x128xf32, #tpu.memory_space<vmem>> -> memref<1x80x128xf32, #tpu.memory_space<vmem>>
    %dma_wait3A_679 = tpu.memref_squeeze %dma_wait3A_678 : memref<1x80x128xf32, #tpu.memory_space<vmem>> -> memref<80x128xf32, #tpu.memory_space<vmem>>
    %dma_wait3A_680 = arith.constant 0 : i32
    %dma_wait3A_681 = arith.constant 0 : i32
    %dma_wait3A_682 = tpu.memref_slice %arg5[%arg0, %dma_wait3A_680, %dma_wait3A_681] : memref<2x10240x128xf32, #tpu.memory_space<hbm>> -> memref<1x80x128xf32, #tpu.memory_space<hbm>>
    %dma_wait3A_683 = tpu.memref_squeeze %dma_wait3A_682 : memref<1x80x128xf32, #tpu.memory_space<hbm>> -> memref<80x128xf32, #tpu.memory_space<hbm>>
    %dma_wait3A_684 = arith.constant 0 : i32
    %dma_wait3A_685 = arith.constant 0 : i32
    %dma_wait3A_686 = tpu.memref_slice %arg5[%arg0, %dma_wait3A_684, %dma_wait3A_685] : memref<2x10240x128xf32, #tpu.memory_space<hbm>> -> memref<1x80x128xf32, #tpu.memory_space<hbm>>
    %dma_wait3A_687 = tpu.memref_squeeze %dma_wait3A_686 : memref<1x80x128xf32, #tpu.memory_space<hbm>> -> memref<80x128xf32, #tpu.memory_space<hbm>>
    %dma_wait3A_688 = arith.constant 0 : i32
    %dma_wait3A_689 = arith.constant 0 : i32
    %dma_wait3A_690 = tpu.memref_slice %arg7[%dma_wait3A_675, %dma_wait3A_688, %dma_wait3A_689] : memref<4x80x128xf32, #tpu.memory_space<vmem>> -> memref<1x80x128xf32, #tpu.memory_space<vmem>>
    %dma_wait3A_691 = tpu.memref_squeeze %dma_wait3A_690 : memref<1x80x128xf32, #tpu.memory_space<vmem>> -> memref<80x128xf32, #tpu.memory_space<vmem>>
    tpu.wait_dma2 semaphore(%arg13 : memref<!tpu.dma_semaphore, #tpu.memory_space<semaphore_mem>>) src(%dma_wait3A_691 : memref<80x128xf32, #tpu.memory_space<vmem>>) dst(%dma_wait3A_687 : memref<80x128xf32, #tpu.memory_space<hbm>>)
    %run_scoped3A_692 = arith.constant 0 : i32
    "tpu.region"() ({
      %run_scoped3A_887 = tpu.sem_alloc : memref<!tpu.dma_semaphore, #tpu.memory_space<semaphore_mem>>
      %dma_start3A_888 = arith.constant 0 : i32
      %dma_start3A_889 = arith.constant 0 : i32
      %dma_start3A_890 = tpu.memref_slice %arg7[%run_scoped3A_692, %dma_start3A_888, %dma_start3A_889] : memref<4x80x128xf32, #tpu.memory_space<vmem>> -> memref<1x80x128xf32, #tpu.memory_space<vmem>>
      %dma_start3A_891 = tpu.memref_squeeze %dma_start3A_890 : memref<1x80x128xf32, #tpu.memory_space<vmem>> -> memref<80x128xf32, #tpu.memory_space<vmem>>
      %dma_start3A_892 = arith.constant 0 : i32
      %dma_start3A_893 = tpu.memref_slice %arg8[%add3A_674, %dma_start3A_892] : memref<10240x128xf32, #tpu.memory_space<vmem_shared>> -> memref<80x128xf32, #tpu.memory_space<vmem_shared>>
      %dma_start3A_894 = arith.constant 0 : i32
      %dma_start3A_895 = arith.constant 0 : i32
      %dma_start3A_896 = tpu.memref_slice %arg7[%run_scoped3A_692, %dma_start3A_894, %dma_start3A_895] : memref<4x80x128xf32, #tpu.memory_space<vmem>> -> memref<1x80x128xf32, #tpu.memory_space<vmem>>
      %dma_start3A_897 = tpu.memref_squeeze %dma_start3A_896 : memref<1x80x128xf32, #tpu.memory_space<vmem>> -> memref<80x128xf32, #tpu.memory_space<vmem>>
      %dma_start3A_898 = arith.constant 0 : i32
      %dma_start3A_899 = tpu.memref_slice %arg8[%add3A_674, %dma_start3A_898] : memref<10240x128xf32, #tpu.memory_space<vmem_shared>> -> memref<80x128xf32, #tpu.memory_space<vmem_shared>>
      tpu.enqueue_dma source(%dma_start3A_899 : memref<80x128xf32, #tpu.memory_space<vmem_shared>>) target(%dma_start3A_897 : memref<80x128xf32, #tpu.memory_space<vmem>>) target_semaphore(%run_scoped3A_887 : memref<!tpu.dma_semaphore, #tpu.memory_space<semaphore_mem>>)
      %dma_wait3A_900 = arith.constant 0 : i32
      %dma_wait3A_901 = arith.constant 0 : i32
      %dma_wait3A_902 = tpu.memref_slice %arg7[%run_scoped3A_692, %dma_wait3A_900, %dma_wait3A_901] : memref<4x80x128xf32, #tpu.memory_space<vmem>> -> memref<1x80x128xf32, #tpu.memory_space<vmem>>
      %dma_wait3A_903 = tpu.memref_squeeze %dma_wait3A_902 : memref<1x80x128xf32, #tpu.memory_space<vmem>> -> memref<80x128xf32, #tpu.memory_space<vmem>>
      %dma_wait3A_904 = arith.constant 0 : i32
      %dma_wait3A_905 = tpu.memref_slice %arg8[%add3A_674, %dma_wait3A_904] : memref<10240x128xf32, #tpu.memory_space<vmem_shared>> -> memref<80x128xf32, #tpu.memory_space<vmem_shared>>
      %dma_wait3A_906 = arith.constant 0 : i32
      %dma_wait3A_907 = arith.constant 0 : i32
      %dma_wait3A_908 = tpu.memref_slice %arg7[%run_scoped3A_692, %dma_wait3A_906, %dma_wait3A_907] : memref<4x80x128xf32, #tpu.memory_space<vmem>> -> memref<1x80x128xf32, #tpu.memory_space<vmem>>
      %dma_wait3A_909 = tpu.memref_squeeze %dma_wait3A_908 : memref<1x80x128xf32, #tpu.memory_space<vmem>> -> memref<80x128xf32, #tpu.memory_space<vmem>>
      %dma_wait3A_910 = arith.constant 0 : i32
      %dma_wait3A_911 = tpu.memref_slice %arg8[%add3A_674, %dma_wait3A_910] : memref<10240x128xf32, #tpu.memory_space<vmem_shared>> -> memref<80x128xf32, #tpu.memory_space<vmem_shared>>
      tpu.wait_dma2 semaphore(%run_scoped3A_887 : memref<!tpu.dma_semaphore, #tpu.memory_space<semaphore_mem>>) src(%dma_wait3A_911 : memref<80x128xf32, #tpu.memory_space<vmem_shared>>) dst(%dma_wait3A_909 : memref<80x128xf32, #tpu.memory_space<vmem>>)
      tpu.yield
    }) : () -> ()
    %dma_start3A_693 = arith.constant 0 : i32
    %dma_start3A_694 = arith.constant 0 : i32
    %dma_start3A_695 = arith.constant 0 : i32
    %dma_start3A_696 = tpu.memref_slice %arg7[%dma_start3A_693, %dma_start3A_694, %dma_start3A_695] : memref<4x80x128xf32, #tpu.memory_space<vmem>> -> memref<1x80x128xf32, #tpu.memory_space<vmem>>
    %dma_start3A_697 = tpu.memref_squeeze %dma_start3A_696 : memref<1x80x128xf32, #tpu.memory_space<vmem>> -> memref<80x128xf32, #tpu.memory_space<vmem>>
    %dma_start3A_698 = arith.constant 0 : i32
    %dma_start3A_699 = tpu.memref_slice %arg5[%arg0, %add3A_674, %dma_start3A_698] : memref<2x10240x128xf32, #tpu.memory_space<hbm>> -> memref<1x80x128xf32, #tpu.memory_space<hbm>>
    %dma_start3A_700 = tpu.memref_squeeze %dma_start3A_699 : memref<1x80x128xf32, #tpu.memory_space<hbm>> -> memref<80x128xf32, #tpu.memory_space<hbm>>
    %dma_start3A_701 = arith.constant 0 : i32
    %dma_start3A_702 = tpu.memref_slice %arg5[%arg0, %add3A_674, %dma_start3A_701] : memref<2x10240x128xf32, #tpu.memory_space<hbm>> -> memref<1x80x128xf32, #tpu.memory_space<hbm>>
    %dma_start3A_703 = tpu.memref_squeeze %dma_start3A_702 : memref<1x80x128xf32, #tpu.memory_space<hbm>> -> memref<80x128xf32, #tpu.memory_space<hbm>>
    %dma_start3A_704 = arith.constant 0 : i32
    %dma_start3A_705 = arith.constant 0 : i32
    %dma_start3A_706 = tpu.memref_slice %arg7[%dma_start3A_693, %dma_start3A_704, %dma_start3A_705] : memref<4x80x128xf32, #tpu.memory_space<vmem>> -> memref<1x80x128xf32, #tpu.memory_space<vmem>>
    %dma_start3A_707 = tpu.memref_squeeze %dma_start3A_706 : memref<1x80x128xf32, #tpu.memory_space<vmem>> -> memref<80x128xf32, #tpu.memory_space<vmem>>
    tpu.enqueue_dma source(%dma_start3A_707 : memref<80x128xf32, #tpu.memory_space<vmem>>) target(%dma_start3A_703 : memref<80x128xf32, #tpu.memory_space<hbm>>) target_semaphore(%arg13 : memref<!tpu.dma_semaphore, #tpu.memory_space<semaphore_mem>>)
    %mul3A_708 = arith.constant 640 : i32
    %mul3A_709 = arith.muli %arg1, %mul3A_708 : i32
    %add3A_710 = arith.constant 400 : i32
    %add3A_711 = arith.addi %mul3A_709, %add3A_710 : i32
    %dma_wait3A_712 = arith.constant 1 : i32
    %dma_wait3A_713 = arith.constant 0 : i32
    %dma_wait3A_714 = arith.constant 0 : i32
    %dma_wait3A_715 = tpu.memref_slice %arg7[%dma_wait3A_712, %dma_wait3A_713, %dma_wait3A_714] : memref<4x80x128xf32, #tpu.memory_space<vmem>> -> memref<1x80x128xf32, #tpu.memory_space<vmem>>
    %dma_wait3A_716 = tpu.memref_squeeze %dma_wait3A_715 : memref<1x80x128xf32, #tpu.memory_space<vmem>> -> memref<80x128xf32, #tpu.memory_space<vmem>>
    %dma_wait3A_717 = arith.constant 0 : i32
    %dma_wait3A_718 = arith.constant 0 : i32
    %dma_wait3A_719 = tpu.memref_slice %arg5[%arg0, %dma_wait3A_717, %dma_wait3A_718] : memref<2x10240x128xf32, #tpu.memory_space<hbm>> -> memref<1x80x128xf32, #tpu.memory_space<hbm>>
    %dma_wait3A_720 = tpu.memref_squeeze %dma_wait3A_719 : memref<1x80x128xf32, #tpu.memory_space<hbm>> -> memref<80x128xf32, #tpu.memory_space<hbm>>
    %dma_wait3A_721 = arith.constant 0 : i32
    %dma_wait3A_722 = arith.constant 0 : i32
    %dma_wait3A_723 = tpu.memref_slice %arg5[%arg0, %dma_wait3A_721, %dma_wait3A_722] : memref<2x10240x128xf32, #tpu.memory_space<hbm>> -> memref<1x80x128xf32, #tpu.memory_space<hbm>>
    %dma_wait3A_724 = tpu.memref_squeeze %dma_wait3A_723 : memref<1x80x128xf32, #tpu.memory_space<hbm>> -> memref<80x128xf32, #tpu.memory_space<hbm>>
    %dma_wait3A_725 = arith.constant 0 : i32
    %dma_wait3A_726 = arith.constant 0 : i32
    %dma_wait3A_727 = tpu.memref_slice %arg7[%dma_wait3A_712, %dma_wait3A_725, %dma_wait3A_726] : memref<4x80x128xf32, #tpu.memory_space<vmem>> -> memref<1x80x128xf32, #tpu.memory_space<vmem>>
    %dma_wait3A_728 = tpu.memref_squeeze %dma_wait3A_727 : memref<1x80x128xf32, #tpu.memory_space<vmem>> -> memref<80x128xf32, #tpu.memory_space<vmem>>
    tpu.wait_dma2 semaphore(%arg14 : memref<!tpu.dma_semaphore, #tpu.memory_space<semaphore_mem>>) src(%dma_wait3A_728 : memref<80x128xf32, #tpu.memory_space<vmem>>) dst(%dma_wait3A_724 : memref<80x128xf32, #tpu.memory_space<hbm>>)
    %run_scoped3A_729 = arith.constant 1 : i32
    "tpu.region"() ({
      %run_scoped3A_887 = tpu.sem_alloc : memref<!tpu.dma_semaphore, #tpu.memory_space<semaphore_mem>>
      %dma_start3A_888 = arith.constant 0 : i32
      %dma_start3A_889 = arith.constant 0 : i32
      %dma_start3A_890 = tpu.memref_slice %arg7[%run_scoped3A_729, %dma_start3A_888, %dma_start3A_889] : memref<4x80x128xf32, #tpu.memory_space<vmem>> -> memref<1x80x128xf32, #tpu.memory_space<vmem>>
      %dma_start3A_891 = tpu.memref_squeeze %dma_start3A_890 : memref<1x80x128xf32, #tpu.memory_space<vmem>> -> memref<80x128xf32, #tpu.memory_space<vmem>>
      %dma_start3A_892 = arith.constant 0 : i32
      %dma_start3A_893 = tpu.memref_slice %arg8[%add3A_711, %dma_start3A_892] : memref<10240x128xf32, #tpu.memory_space<vmem_shared>> -> memref<80x128xf32, #tpu.memory_space<vmem_shared>>
      %dma_start3A_894 = arith.constant 0 : i32
      %dma_start3A_895 = arith.constant 0 : i32
      %dma_start3A_896 = tpu.memref_slice %arg7[%run_scoped3A_729, %dma_start3A_894, %dma_start3A_895] : memref<4x80x128xf32, #tpu.memory_space<vmem>> -> memref<1x80x128xf32, #tpu.memory_space<vmem>>
      %dma_start3A_897 = tpu.memref_squeeze %dma_start3A_896 : memref<1x80x128xf32, #tpu.memory_space<vmem>> -> memref<80x128xf32, #tpu.memory_space<vmem>>
      %dma_start3A_898 = arith.constant 0 : i32
      %dma_start3A_899 = tpu.memref_slice %arg8[%add3A_711, %dma_start3A_898] : memref<10240x128xf32, #tpu.memory_space<vmem_shared>> -> memref<80x128xf32, #tpu.memory_space<vmem_shared>>
      tpu.enqueue_dma source(%dma_start3A_899 : memref<80x128xf32, #tpu.memory_space<vmem_shared>>) target(%dma_start3A_897 : memref<80x128xf32, #tpu.memory_space<vmem>>) target_semaphore(%run_scoped3A_887 : memref<!tpu.dma_semaphore, #tpu.memory_space<semaphore_mem>>)
      %dma_wait3A_900 = arith.constant 0 : i32
      %dma_wait3A_901 = arith.constant 0 : i32
      %dma_wait3A_902 = tpu.memref_slice %arg7[%run_scoped3A_729, %dma_wait3A_900, %dma_wait3A_901] : memref<4x80x128xf32, #tpu.memory_space<vmem>> -> memref<1x80x128xf32, #tpu.memory_space<vmem>>
      %dma_wait3A_903 = tpu.memref_squeeze %dma_wait3A_902 : memref<1x80x128xf32, #tpu.memory_space<vmem>> -> memref<80x128xf32, #tpu.memory_space<vmem>>
      %dma_wait3A_904 = arith.constant 0 : i32
      %dma_wait3A_905 = tpu.memref_slice %arg8[%add3A_711, %dma_wait3A_904] : memref<10240x128xf32, #tpu.memory_space<vmem_shared>> -> memref<80x128xf32, #tpu.memory_space<vmem_shared>>
      %dma_wait3A_906 = arith.constant 0 : i32
      %dma_wait3A_907 = arith.constant 0 : i32
      %dma_wait3A_908 = tpu.memref_slice %arg7[%run_scoped3A_729, %dma_wait3A_906, %dma_wait3A_907] : memref<4x80x128xf32, #tpu.memory_space<vmem>> -> memref<1x80x128xf32, #tpu.memory_space<vmem>>
      %dma_wait3A_909 = tpu.memref_squeeze %dma_wait3A_908 : memref<1x80x128xf32, #tpu.memory_space<vmem>> -> memref<80x128xf32, #tpu.memory_space<vmem>>
      %dma_wait3A_910 = arith.constant 0 : i32
      %dma_wait3A_911 = tpu.memref_slice %arg8[%add3A_711, %dma_wait3A_910] : memref<10240x128xf32, #tpu.memory_space<vmem_shared>> -> memref<80x128xf32, #tpu.memory_space<vmem_shared>>
      tpu.wait_dma2 semaphore(%run_scoped3A_887 : memref<!tpu.dma_semaphore, #tpu.memory_space<semaphore_mem>>) src(%dma_wait3A_911 : memref<80x128xf32, #tpu.memory_space<vmem_shared>>) dst(%dma_wait3A_909 : memref<80x128xf32, #tpu.memory_space<vmem>>)
      tpu.yield
    }) : () -> ()
    %dma_start3A_730 = arith.constant 1 : i32
    %dma_start3A_731 = arith.constant 0 : i32
    %dma_start3A_732 = arith.constant 0 : i32
    %dma_start3A_733 = tpu.memref_slice %arg7[%dma_start3A_730, %dma_start3A_731, %dma_start3A_732] : memref<4x80x128xf32, #tpu.memory_space<vmem>> -> memref<1x80x128xf32, #tpu.memory_space<vmem>>
    %dma_start3A_734 = tpu.memref_squeeze %dma_start3A_733 : memref<1x80x128xf32, #tpu.memory_space<vmem>> -> memref<80x128xf32, #tpu.memory_space<vmem>>
    %dma_start3A_735 = arith.constant 0 : i32
    %dma_start3A_736 = tpu.memref_slice %arg5[%arg0, %add3A_711, %dma_start3A_735] : memref<2x10240x128xf32, #tpu.memory_space<hbm>> -> memref<1x80x128xf32, #tpu.memory_space<hbm>>
    %dma_start3A_737 = tpu.memref_squeeze %dma_start3A_736 : memref<1x80x128xf32, #tpu.memory_space<hbm>> -> memref<80x128xf32, #tpu.memory_space<hbm>>
    %dma_start3A_738 = arith.constant 0 : i32
    %dma_start3A_739 = tpu.memref_slice %arg5[%arg0, %add3A_711, %dma_start3A_738] : memref<2x10240x128xf32, #tpu.memory_space<hbm>> -> memref<1x80x128xf32, #tpu.memory_space<hbm>>
    %dma_start3A_740 = tpu.memref_squeeze %dma_start3A_739 : memref<1x80x128xf32, #tpu.memory_space<hbm>> -> memref<80x128xf32, #tpu.memory_space<hbm>>
    %dma_start3A_741 = arith.constant 0 : i32
    %dma_start3A_742 = arith.constant 0 : i32
    %dma_start3A_743 = tpu.memref_slice %arg7[%dma_start3A_730, %dma_start3A_741, %dma_start3A_742] : memref<4x80x128xf32, #tpu.memory_space<vmem>> -> memref<1x80x128xf32, #tpu.memory_space<vmem>>
    %dma_start3A_744 = tpu.memref_squeeze %dma_start3A_743 : memref<1x80x128xf32, #tpu.memory_space<vmem>> -> memref<80x128xf32, #tpu.memory_space<vmem>>
    tpu.enqueue_dma source(%dma_start3A_744 : memref<80x128xf32, #tpu.memory_space<vmem>>) target(%dma_start3A_740 : memref<80x128xf32, #tpu.memory_space<hbm>>) target_semaphore(%arg14 : memref<!tpu.dma_semaphore, #tpu.memory_space<semaphore_mem>>)
    %mul3A_745 = arith.constant 640 : i32
    %mul3A_746 = arith.muli %arg1, %mul3A_745 : i32
    %add3A_747 = arith.constant 480 : i32
    %add3A_748 = arith.addi %mul3A_746, %add3A_747 : i32
    %dma_wait3A_749 = arith.constant 2 : i32
    %dma_wait3A_750 = arith.constant 0 : i32
    %dma_wait3A_751 = arith.constant 0 : i32
    %dma_wait3A_752 = tpu.memref_slice %arg7[%dma_wait3A_749, %dma_wait3A_750, %dma_wait3A_751] : memref<4x80x128xf32, #tpu.memory_space<vmem>> -> memref<1x80x128xf32, #tpu.memory_space<vmem>>
    %dma_wait3A_753 = tpu.memref_squeeze %dma_wait3A_752 : memref<1x80x128xf32, #tpu.memory_space<vmem>> -> memref<80x128xf32, #tpu.memory_space<vmem>>
    %dma_wait3A_754 = arith.constant 0 : i32
    %dma_wait3A_755 = arith.constant 0 : i32
    %dma_wait3A_756 = tpu.memref_slice %arg5[%arg0, %dma_wait3A_754, %dma_wait3A_755] : memref<2x10240x128xf32, #tpu.memory_space<hbm>> -> memref<1x80x128xf32, #tpu.memory_space<hbm>>
    %dma_wait3A_757 = tpu.memref_squeeze %dma_wait3A_756 : memref<1x80x128xf32, #tpu.memory_space<hbm>> -> memref<80x128xf32, #tpu.memory_space<hbm>>
    %dma_wait3A_758 = arith.constant 0 : i32
    %dma_wait3A_759 = arith.constant 0 : i32
    %dma_wait3A_760 = tpu.memref_slice %arg5[%arg0, %dma_wait3A_758, %dma_wait3A_759] : memref<2x10240x128xf32, #tpu.memory_space<hbm>> -> memref<1x80x128xf32, #tpu.memory_space<hbm>>
    %dma_wait3A_761 = tpu.memref_squeeze %dma_wait3A_760 : memref<1x80x128xf32, #tpu.memory_space<hbm>> -> memref<80x128xf32, #tpu.memory_space<hbm>>
    %dma_wait3A_762 = arith.constant 0 : i32
    %dma_wait3A_763 = arith.constant 0 : i32
    %dma_wait3A_764 = tpu.memref_slice %arg7[%dma_wait3A_749, %dma_wait3A_762, %dma_wait3A_763] : memref<4x80x128xf32, #tpu.memory_space<vmem>> -> memref<1x80x128xf32, #tpu.memory_space<vmem>>
    %dma_wait3A_765 = tpu.memref_squeeze %dma_wait3A_764 : memref<1x80x128xf32, #tpu.memory_space<vmem>> -> memref<80x128xf32, #tpu.memory_space<vmem>>
    tpu.wait_dma2 semaphore(%arg15 : memref<!tpu.dma_semaphore, #tpu.memory_space<semaphore_mem>>) src(%dma_wait3A_765 : memref<80x128xf32, #tpu.memory_space<vmem>>) dst(%dma_wait3A_761 : memref<80x128xf32, #tpu.memory_space<hbm>>)
    %run_scoped3A_766 = arith.constant 2 : i32
    "tpu.region"() ({
      %run_scoped3A_887 = tpu.sem_alloc : memref<!tpu.dma_semaphore, #tpu.memory_space<semaphore_mem>>
      %dma_start3A_888 = arith.constant 0 : i32
      %dma_start3A_889 = arith.constant 0 : i32
      %dma_start3A_890 = tpu.memref_slice %arg7[%run_scoped3A_766, %dma_start3A_888, %dma_start3A_889] : memref<4x80x128xf32, #tpu.memory_space<vmem>> -> memref<1x80x128xf32, #tpu.memory_space<vmem>>
      %dma_start3A_891 = tpu.memref_squeeze %dma_start3A_890 : memref<1x80x128xf32, #tpu.memory_space<vmem>> -> memref<80x128xf32, #tpu.memory_space<vmem>>
      %dma_start3A_892 = arith.constant 0 : i32
      %dma_start3A_893 = tpu.memref_slice %arg8[%add3A_748, %dma_start3A_892] : memref<10240x128xf32, #tpu.memory_space<vmem_shared>> -> memref<80x128xf32, #tpu.memory_space<vmem_shared>>
      %dma_start3A_894 = arith.constant 0 : i32
      %dma_start3A_895 = arith.constant 0 : i32
      %dma_start3A_896 = tpu.memref_slice %arg7[%run_scoped3A_766, %dma_start3A_894, %dma_start3A_895] : memref<4x80x128xf32, #tpu.memory_space<vmem>> -> memref<1x80x128xf32, #tpu.memory_space<vmem>>
      %dma_start3A_897 = tpu.memref_squeeze %dma_start3A_896 : memref<1x80x128xf32, #tpu.memory_space<vmem>> -> memref<80x128xf32, #tpu.memory_space<vmem>>
      %dma_start3A_898 = arith.constant 0 : i32
      %dma_start3A_899 = tpu.memref_slice %arg8[%add3A_748, %dma_start3A_898] : memref<10240x128xf32, #tpu.memory_space<vmem_shared>> -> memref<80x128xf32, #tpu.memory_space<vmem_shared>>
      tpu.enqueue_dma source(%dma_start3A_899 : memref<80x128xf32, #tpu.memory_space<vmem_shared>>) target(%dma_start3A_897 : memref<80x128xf32, #tpu.memory_space<vmem>>) target_semaphore(%run_scoped3A_887 : memref<!tpu.dma_semaphore, #tpu.memory_space<semaphore_mem>>)
      %dma_wait3A_900 = arith.constant 0 : i32
      %dma_wait3A_901 = arith.constant 0 : i32
      %dma_wait3A_902 = tpu.memref_slice %arg7[%run_scoped3A_766, %dma_wait3A_900, %dma_wait3A_901] : memref<4x80x128xf32, #tpu.memory_space<vmem>> -> memref<1x80x128xf32, #tpu.memory_space<vmem>>
      %dma_wait3A_903 = tpu.memref_squeeze %dma_wait3A_902 : memref<1x80x128xf32, #tpu.memory_space<vmem>> -> memref<80x128xf32, #tpu.memory_space<vmem>>
      %dma_wait3A_904 = arith.constant 0 : i32
      %dma_wait3A_905 = tpu.memref_slice %arg8[%add3A_748, %dma_wait3A_904] : memref<10240x128xf32, #tpu.memory_space<vmem_shared>> -> memref<80x128xf32, #tpu.memory_space<vmem_shared>>
      %dma_wait3A_906 = arith.constant 0 : i32
      %dma_wait3A_907 = arith.constant 0 : i32
      %dma_wait3A_908 = tpu.memref_slice %arg7[%run_scoped3A_766, %dma_wait3A_906, %dma_wait3A_907] : memref<4x80x128xf32, #tpu.memory_space<vmem>> -> memref<1x80x128xf32, #tpu.memory_space<vmem>>
      %dma_wait3A_909 = tpu.memref_squeeze %dma_wait3A_908 : memref<1x80x128xf32, #tpu.memory_space<vmem>> -> memref<80x128xf32, #tpu.memory_space<vmem>>
      %dma_wait3A_910 = arith.constant 0 : i32
      %dma_wait3A_911 = tpu.memref_slice %arg8[%add3A_748, %dma_wait3A_910] : memref<10240x128xf32, #tpu.memory_space<vmem_shared>> -> memref<80x128xf32, #tpu.memory_space<vmem_shared>>
      tpu.wait_dma2 semaphore(%run_scoped3A_887 : memref<!tpu.dma_semaphore, #tpu.memory_space<semaphore_mem>>) src(%dma_wait3A_911 : memref<80x128xf32, #tpu.memory_space<vmem_shared>>) dst(%dma_wait3A_909 : memref<80x128xf32, #tpu.memory_space<vmem>>)
      tpu.yield
    }) : () -> ()
    %dma_start3A_767 = arith.constant 2 : i32
    %dma_start3A_768 = arith.constant 0 : i32
    %dma_start3A_769 = arith.constant 0 : i32
    %dma_start3A_770 = tpu.memref_slice %arg7[%dma_start3A_767, %dma_start3A_768, %dma_start3A_769] : memref<4x80x128xf32, #tpu.memory_space<vmem>> -> memref<1x80x128xf32, #tpu.memory_space<vmem>>
    %dma_start3A_771 = tpu.memref_squeeze %dma_start3A_770 : memref<1x80x128xf32, #tpu.memory_space<vmem>> -> memref<80x128xf32, #tpu.memory_space<vmem>>
    %dma_start3A_772 = arith.constant 0 : i32
    %dma_start3A_773 = tpu.memref_slice %arg5[%arg0, %add3A_748, %dma_start3A_772] : memref<2x10240x128xf32, #tpu.memory_space<hbm>> -> memref<1x80x128xf32, #tpu.memory_space<hbm>>
    %dma_start3A_774 = tpu.memref_squeeze %dma_start3A_773 : memref<1x80x128xf32, #tpu.memory_space<hbm>> -> memref<80x128xf32, #tpu.memory_space<hbm>>
    %dma_start3A_775 = arith.constant 0 : i32
    %dma_start3A_776 = tpu.memref_slice %arg5[%arg0, %add3A_748, %dma_start3A_775] : memref<2x10240x128xf32, #tpu.memory_space<hbm>> -> memref<1x80x128xf32, #tpu.memory_space<hbm>>
    %dma_start3A_777 = tpu.memref_squeeze %dma_start3A_776 : memref<1x80x128xf32, #tpu.memory_space<hbm>> -> memref<80x128xf32, #tpu.memory_space<hbm>>
    %dma_start3A_778 = arith.constant 0 : i32
    %dma_start3A_779 = arith.constant 0 : i32
    %dma_start3A_780 = tpu.memref_slice %arg7[%dma_start3A_767, %dma_start3A_778, %dma_start3A_779] : memref<4x80x128xf32, #tpu.memory_space<vmem>> -> memref<1x80x128xf32, #tpu.memory_space<vmem>>
    %dma_start3A_781 = tpu.memref_squeeze %dma_start3A_780 : memref<1x80x128xf32, #tpu.memory_space<vmem>> -> memref<80x128xf32, #tpu.memory_space<vmem>>
    tpu.enqueue_dma source(%dma_start3A_781 : memref<80x128xf32, #tpu.memory_space<vmem>>) target(%dma_start3A_777 : memref<80x128xf32, #tpu.memory_space<hbm>>) target_semaphore(%arg15 : memref<!tpu.dma_semaphore, #tpu.memory_space<semaphore_mem>>)
    %mul3A_782 = arith.constant 640 : i32
    %mul3A_783 = arith.muli %arg1, %mul3A_782 : i32
    %add3A_784 = arith.constant 560 : i32
    %add3A_785 = arith.addi %mul3A_783, %add3A_784 : i32
    %dma_wait3A_786 = arith.constant 3 : i32
    %dma_wait3A_787 = arith.constant 0 : i32
    %dma_wait3A_788 = arith.constant 0 : i32
    %dma_wait3A_789 = tpu.memref_slice %arg7[%dma_wait3A_786, %dma_wait3A_787, %dma_wait3A_788] : memref<4x80x128xf32, #tpu.memory_space<vmem>> -> memref<1x80x128xf32, #tpu.memory_space<vmem>>
    %dma_wait3A_790 = tpu.memref_squeeze %dma_wait3A_789 : memref<1x80x128xf32, #tpu.memory_space<vmem>> -> memref<80x128xf32, #tpu.memory_space<vmem>>
    %dma_wait3A_791 = arith.constant 0 : i32
    %dma_wait3A_792 = arith.constant 0 : i32
    %dma_wait3A_793 = tpu.memref_slice %arg5[%arg0, %dma_wait3A_791, %dma_wait3A_792] : memref<2x10240x128xf32, #tpu.memory_space<hbm>> -> memref<1x80x128xf32, #tpu.memory_space<hbm>>
    %dma_wait3A_794 = tpu.memref_squeeze %dma_wait3A_793 : memref<1x80x128xf32, #tpu.memory_space<hbm>> -> memref<80x128xf32, #tpu.memory_space<hbm>>
    %dma_wait3A_795 = arith.constant 0 : i32
    %dma_wait3A_796 = arith.constant 0 : i32
    %dma_wait3A_797 = tpu.memref_slice %arg5[%arg0, %dma_wait3A_795, %dma_wait3A_796] : memref<2x10240x128xf32, #tpu.memory_space<hbm>> -> memref<1x80x128xf32, #tpu.memory_space<hbm>>
    %dma_wait3A_798 = tpu.memref_squeeze %dma_wait3A_797 : memref<1x80x128xf32, #tpu.memory_space<hbm>> -> memref<80x128xf32, #tpu.memory_space<hbm>>
    %dma_wait3A_799 = arith.constant 0 : i32
    %dma_wait3A_800 = arith.constant 0 : i32
    %dma_wait3A_801 = tpu.memref_slice %arg7[%dma_wait3A_786, %dma_wait3A_799, %dma_wait3A_800] : memref<4x80x128xf32, #tpu.memory_space<vmem>> -> memref<1x80x128xf32, #tpu.memory_space<vmem>>
    %dma_wait3A_802 = tpu.memref_squeeze %dma_wait3A_801 : memref<1x80x128xf32, #tpu.memory_space<vmem>> -> memref<80x128xf32, #tpu.memory_space<vmem>>
    tpu.wait_dma2 semaphore(%arg16 : memref<!tpu.dma_semaphore, #tpu.memory_space<semaphore_mem>>) src(%dma_wait3A_802 : memref<80x128xf32, #tpu.memory_space<vmem>>) dst(%dma_wait3A_798 : memref<80x128xf32, #tpu.memory_space<hbm>>)
    %run_scoped3A_803 = arith.constant 3 : i32
    "tpu.region"() ({
      %run_scoped3A_887 = tpu.sem_alloc : memref<!tpu.dma_semaphore, #tpu.memory_space<semaphore_mem>>
      %dma_start3A_888 = arith.constant 0 : i32
      %dma_start3A_889 = arith.constant 0 : i32
      %dma_start3A_890 = tpu.memref_slice %arg7[%run_scoped3A_803, %dma_start3A_888, %dma_start3A_889] : memref<4x80x128xf32, #tpu.memory_space<vmem>> -> memref<1x80x128xf32, #tpu.memory_space<vmem>>
      %dma_start3A_891 = tpu.memref_squeeze %dma_start3A_890 : memref<1x80x128xf32, #tpu.memory_space<vmem>> -> memref<80x128xf32, #tpu.memory_space<vmem>>
      %dma_start3A_892 = arith.constant 0 : i32
      %dma_start3A_893 = tpu.memref_slice %arg8[%add3A_785, %dma_start3A_892] : memref<10240x128xf32, #tpu.memory_space<vmem_shared>> -> memref<80x128xf32, #tpu.memory_space<vmem_shared>>
      %dma_start3A_894 = arith.constant 0 : i32
      %dma_start3A_895 = arith.constant 0 : i32
      %dma_start3A_896 = tpu.memref_slice %arg7[%run_scoped3A_803, %dma_start3A_894, %dma_start3A_895] : memref<4x80x128xf32, #tpu.memory_space<vmem>> -> memref<1x80x128xf32, #tpu.memory_space<vmem>>
      %dma_start3A_897 = tpu.memref_squeeze %dma_start3A_896 : memref<1x80x128xf32, #tpu.memory_space<vmem>> -> memref<80x128xf32, #tpu.memory_space<vmem>>
      %dma_start3A_898 = arith.constant 0 : i32
      %dma_start3A_899 = tpu.memref_slice %arg8[%add3A_785, %dma_start3A_898] : memref<10240x128xf32, #tpu.memory_space<vmem_shared>> -> memref<80x128xf32, #tpu.memory_space<vmem_shared>>
      tpu.enqueue_dma source(%dma_start3A_899 : memref<80x128xf32, #tpu.memory_space<vmem_shared>>) target(%dma_start3A_897 : memref<80x128xf32, #tpu.memory_space<vmem>>) target_semaphore(%run_scoped3A_887 : memref<!tpu.dma_semaphore, #tpu.memory_space<semaphore_mem>>)
      %dma_wait3A_900 = arith.constant 0 : i32
      %dma_wait3A_901 = arith.constant 0 : i32
      %dma_wait3A_902 = tpu.memref_slice %arg7[%run_scoped3A_803, %dma_wait3A_900, %dma_wait3A_901] : memref<4x80x128xf32, #tpu.memory_space<vmem>> -> memref<1x80x128xf32, #tpu.memory_space<vmem>>
      %dma_wait3A_903 = tpu.memref_squeeze %dma_wait3A_902 : memref<1x80x128xf32, #tpu.memory_space<vmem>> -> memref<80x128xf32, #tpu.memory_space<vmem>>
      %dma_wait3A_904 = arith.constant 0 : i32
      %dma_wait3A_905 = tpu.memref_slice %arg8[%add3A_785, %dma_wait3A_904] : memref<10240x128xf32, #tpu.memory_space<vmem_shared>> -> memref<80x128xf32, #tpu.memory_space<vmem_shared>>
      %dma_wait3A_906 = arith.constant 0 : i32
      %dma_wait3A_907 = arith.constant 0 : i32
      %dma_wait3A_908 = tpu.memref_slice %arg7[%run_scoped3A_803, %dma_wait3A_906, %dma_wait3A_907] : memref<4x80x128xf32, #tpu.memory_space<vmem>> -> memref<1x80x128xf32, #tpu.memory_space<vmem>>
      %dma_wait3A_909 = tpu.memref_squeeze %dma_wait3A_908 : memref<1x80x128xf32, #tpu.memory_space<vmem>> -> memref<80x128xf32, #tpu.memory_space<vmem>>
      %dma_wait3A_910 = arith.constant 0 : i32
      %dma_wait3A_911 = tpu.memref_slice %arg8[%add3A_785, %dma_wait3A_910] : memref<10240x128xf32, #tpu.memory_space<vmem_shared>> -> memref<80x128xf32, #tpu.memory_space<vmem_shared>>
      tpu.wait_dma2 semaphore(%run_scoped3A_887 : memref<!tpu.dma_semaphore, #tpu.memory_space<semaphore_mem>>) src(%dma_wait3A_911 : memref<80x128xf32, #tpu.memory_space<vmem_shared>>) dst(%dma_wait3A_909 : memref<80x128xf32, #tpu.memory_space<vmem>>)
      tpu.yield
    }) : () -> ()
    %dma_start3A_804 = arith.constant 3 : i32
    %dma_start3A_805 = arith.constant 0 : i32
    %dma_start3A_806 = arith.constant 0 : i32
    %dma_start3A_807 = tpu.memref_slice %arg7[%dma_start3A_804, %dma_start3A_805, %dma_start3A_806] : memref<4x80x128xf32, #tpu.memory_space<vmem>> -> memref<1x80x128xf32, #tpu.memory_space<vmem>>
    %dma_start3A_808 = tpu.memref_squeeze %dma_start3A_807 : memref<1x80x128xf32, #tpu.memory_space<vmem>> -> memref<80x128xf32, #tpu.memory_space<vmem>>
    %dma_start3A_809 = arith.constant 0 : i32
    %dma_start3A_810 = tpu.memref_slice %arg5[%arg0, %add3A_785, %dma_start3A_809] : memref<2x10240x128xf32, #tpu.memory_space<hbm>> -> memref<1x80x128xf32, #tpu.memory_space<hbm>>
    %dma_start3A_811 = tpu.memref_squeeze %dma_start3A_810 : memref<1x80x128xf32, #tpu.memory_space<hbm>> -> memref<80x128xf32, #tpu.memory_space<hbm>>
    %dma_start3A_812 = arith.constant 0 : i32
    %dma_start3A_813 = tpu.memref_slice %arg5[%arg0, %add3A_785, %dma_start3A_812] : memref<2x10240x128xf32, #tpu.memory_space<hbm>> -> memref<1x80x128xf32, #tpu.memory_space<hbm>>
    %dma_start3A_814 = tpu.memref_squeeze %dma_start3A_813 : memref<1x80x128xf32, #tpu.memory_space<hbm>> -> memref<80x128xf32, #tpu.memory_space<hbm>>
    %dma_start3A_815 = arith.constant 0 : i32
    %dma_start3A_816 = arith.constant 0 : i32
    %dma_start3A_817 = tpu.memref_slice %arg7[%dma_start3A_804, %dma_start3A_815, %dma_start3A_816] : memref<4x80x128xf32, #tpu.memory_space<vmem>> -> memref<1x80x128xf32, #tpu.memory_space<vmem>>
    %dma_start3A_818 = tpu.memref_squeeze %dma_start3A_817 : memref<1x80x128xf32, #tpu.memory_space<vmem>> -> memref<80x128xf32, #tpu.memory_space<vmem>>
    tpu.enqueue_dma source(%dma_start3A_818 : memref<80x128xf32, #tpu.memory_space<vmem>>) target(%dma_start3A_814 : memref<80x128xf32, #tpu.memory_space<hbm>>) target_semaphore(%arg16 : memref<!tpu.dma_semaphore, #tpu.memory_space<semaphore_mem>>)
    %dma_wait3A_819 = arith.constant 0 : i32
    %dma_wait3A_820 = arith.constant 0 : i32
    %dma_wait3A_821 = arith.constant 0 : i32
    %dma_wait3A_822 = tpu.memref_slice %arg7[%dma_wait3A_819, %dma_wait3A_820, %dma_wait3A_821] : memref<4x80x128xf32, #tpu.memory_space<vmem>> -> memref<1x80x128xf32, #tpu.memory_space<vmem>>
    %dma_wait3A_823 = tpu.memref_squeeze %dma_wait3A_822 : memref<1x80x128xf32, #tpu.memory_space<vmem>> -> memref<80x128xf32, #tpu.memory_space<vmem>>
    %dma_wait3A_824 = arith.constant 0 : i32
    %dma_wait3A_825 = arith.constant 0 : i32
    %dma_wait3A_826 = tpu.memref_slice %arg5[%arg0, %dma_wait3A_824, %dma_wait3A_825] : memref<2x10240x128xf32, #tpu.memory_space<hbm>> -> memref<1x80x128xf32, #tpu.memory_space<hbm>>
    %dma_wait3A_827 = tpu.memref_squeeze %dma_wait3A_826 : memref<1x80x128xf32, #tpu.memory_space<hbm>> -> memref<80x128xf32, #tpu.memory_space<hbm>>
    %dma_wait3A_828 = arith.constant 0 : i32
    %dma_wait3A_829 = arith.constant 0 : i32
    %dma_wait3A_830 = tpu.memref_slice %arg5[%arg0, %dma_wait3A_828, %dma_wait3A_829] : memref<2x10240x128xf32, #tpu.memory_space<hbm>> -> memref<1x80x128xf32, #tpu.memory_space<hbm>>
    %dma_wait3A_831 = tpu.memref_squeeze %dma_wait3A_830 : memref<1x80x128xf32, #tpu.memory_space<hbm>> -> memref<80x128xf32, #tpu.memory_space<hbm>>
    %dma_wait3A_832 = arith.constant 0 : i32
    %dma_wait3A_833 = arith.constant 0 : i32
    %dma_wait3A_834 = tpu.memref_slice %arg7[%dma_wait3A_819, %dma_wait3A_832, %dma_wait3A_833] : memref<4x80x128xf32, #tpu.memory_space<vmem>> -> memref<1x80x128xf32, #tpu.memory_space<vmem>>
    %dma_wait3A_835 = tpu.memref_squeeze %dma_wait3A_834 : memref<1x80x128xf32, #tpu.memory_space<vmem>> -> memref<80x128xf32, #tpu.memory_space<vmem>>
    tpu.wait_dma2 semaphore(%arg13 : memref<!tpu.dma_semaphore, #tpu.memory_space<semaphore_mem>>) src(%dma_wait3A_835 : memref<80x128xf32, #tpu.memory_space<vmem>>) dst(%dma_wait3A_831 : memref<80x128xf32, #tpu.memory_space<hbm>>)
    %dma_wait3A_836 = arith.constant 1 : i32
    %dma_wait3A_837 = arith.constant 0 : i32
    %dma_wait3A_838 = arith.constant 0 : i32
    %dma_wait3A_839 = tpu.memref_slice %arg7[%dma_wait3A_836, %dma_wait3A_837, %dma_wait3A_838] : memref<4x80x128xf32, #tpu.memory_space<vmem>> -> memref<1x80x128xf32, #tpu.memory_space<vmem>>
    %dma_wait3A_840 = tpu.memref_squeeze %dma_wait3A_839 : memref<1x80x128xf32, #tpu.memory_space<vmem>> -> memref<80x128xf32, #tpu.memory_space<vmem>>
    %dma_wait3A_841 = arith.constant 0 : i32
    %dma_wait3A_842 = arith.constant 0 : i32
    %dma_wait3A_843 = tpu.memref_slice %arg5[%arg0, %dma_wait3A_841, %dma_wait3A_842] : memref<2x10240x128xf32, #tpu.memory_space<hbm>> -> memref<1x80x128xf32, #tpu.memory_space<hbm>>
    %dma_wait3A_844 = tpu.memref_squeeze %dma_wait3A_843 : memref<1x80x128xf32, #tpu.memory_space<hbm>> -> memref<80x128xf32, #tpu.memory_space<hbm>>
    %dma_wait3A_845 = arith.constant 0 : i32
    %dma_wait3A_846 = arith.constant 0 : i32
    %dma_wait3A_847 = tpu.memref_slice %arg5[%arg0, %dma_wait3A_845, %dma_wait3A_846] : memref<2x10240x128xf32, #tpu.memory_space<hbm>> -> memref<1x80x128xf32, #tpu.memory_space<hbm>>
    %dma_wait3A_848 = tpu.memref_squeeze %dma_wait3A_847 : memref<1x80x128xf32, #tpu.memory_space<hbm>> -> memref<80x128xf32, #tpu.memory_space<hbm>>
    %dma_wait3A_849 = arith.constant 0 : i32
    %dma_wait3A_850 = arith.constant 0 : i32
    %dma_wait3A_851 = tpu.memref_slice %arg7[%dma_wait3A_836, %dma_wait3A_849, %dma_wait3A_850] : memref<4x80x128xf32, #tpu.memory_space<vmem>> -> memref<1x80x128xf32, #tpu.memory_space<vmem>>
    %dma_wait3A_852 = tpu.memref_squeeze %dma_wait3A_851 : memref<1x80x128xf32, #tpu.memory_space<vmem>> -> memref<80x128xf32, #tpu.memory_space<vmem>>
    tpu.wait_dma2 semaphore(%arg14 : memref<!tpu.dma_semaphore, #tpu.memory_space<semaphore_mem>>) src(%dma_wait3A_852 : memref<80x128xf32, #tpu.memory_space<vmem>>) dst(%dma_wait3A_848 : memref<80x128xf32, #tpu.memory_space<hbm>>)
    %dma_wait3A_853 = arith.constant 2 : i32
    %dma_wait3A_854 = arith.constant 0 : i32
    %dma_wait3A_855 = arith.constant 0 : i32
    %dma_wait3A_856 = tpu.memref_slice %arg7[%dma_wait3A_853, %dma_wait3A_854, %dma_wait3A_855] : memref<4x80x128xf32, #tpu.memory_space<vmem>> -> memref<1x80x128xf32, #tpu.memory_space<vmem>>
    %dma_wait3A_857 = tpu.memref_squeeze %dma_wait3A_856 : memref<1x80x128xf32, #tpu.memory_space<vmem>> -> memref<80x128xf32, #tpu.memory_space<vmem>>
    %dma_wait3A_858 = arith.constant 0 : i32
    %dma_wait3A_859 = arith.constant 0 : i32
    %dma_wait3A_860 = tpu.memref_slice %arg5[%arg0, %dma_wait3A_858, %dma_wait3A_859] : memref<2x10240x128xf32, #tpu.memory_space<hbm>> -> memref<1x80x128xf32, #tpu.memory_space<hbm>>
    %dma_wait3A_861 = tpu.memref_squeeze %dma_wait3A_860 : memref<1x80x128xf32, #tpu.memory_space<hbm>> -> memref<80x128xf32, #tpu.memory_space<hbm>>
    %dma_wait3A_862 = arith.constant 0 : i32
    %dma_wait3A_863 = arith.constant 0 : i32
    %dma_wait3A_864 = tpu.memref_slice %arg5[%arg0, %dma_wait3A_862, %dma_wait3A_863] : memref<2x10240x128xf32, #tpu.memory_space<hbm>> -> memref<1x80x128xf32, #tpu.memory_space<hbm>>
    %dma_wait3A_865 = tpu.memref_squeeze %dma_wait3A_864 : memref<1x80x128xf32, #tpu.memory_space<hbm>> -> memref<80x128xf32, #tpu.memory_space<hbm>>
    %dma_wait3A_866 = arith.constant 0 : i32
    %dma_wait3A_867 = arith.constant 0 : i32
    %dma_wait3A_868 = tpu.memref_slice %arg7[%dma_wait3A_853, %dma_wait3A_866, %dma_wait3A_867] : memref<4x80x128xf32, #tpu.memory_space<vmem>> -> memref<1x80x128xf32, #tpu.memory_space<vmem>>
    %dma_wait3A_869 = tpu.memref_squeeze %dma_wait3A_868 : memref<1x80x128xf32, #tpu.memory_space<vmem>> -> memref<80x128xf32, #tpu.memory_space<vmem>>
    tpu.wait_dma2 semaphore(%arg15 : memref<!tpu.dma_semaphore, #tpu.memory_space<semaphore_mem>>) src(%dma_wait3A_869 : memref<80x128xf32, #tpu.memory_space<vmem>>) dst(%dma_wait3A_865 : memref<80x128xf32, #tpu.memory_space<hbm>>)
    %dma_wait3A_870 = arith.constant 3 : i32
    %dma_wait3A_871 = arith.constant 0 : i32
    %dma_wait3A_872 = arith.constant 0 : i32
    %dma_wait3A_873 = tpu.memref_slice %arg7[%dma_wait3A_870, %dma_wait3A_871, %dma_wait3A_872] : memref<4x80x128xf32, #tpu.memory_space<vmem>> -> memref<1x80x128xf32, #tpu.memory_space<vmem>>
    %dma_wait3A_874 = tpu.memref_squeeze %dma_wait3A_873 : memref<1x80x128xf32, #tpu.memory_space<vmem>> -> memref<80x128xf32, #tpu.memory_space<vmem>>
    %dma_wait3A_875 = arith.constant 0 : i32
    %dma_wait3A_876 = arith.constant 0 : i32
    %dma_wait3A_877 = tpu.memref_slice %arg5[%arg0, %dma_wait3A_875, %dma_wait3A_876] : memref<2x10240x128xf32, #tpu.memory_space<hbm>> -> memref<1x80x128xf32, #tpu.memory_space<hbm>>
    %dma_wait3A_878 = tpu.memref_squeeze %dma_wait3A_877 : memref<1x80x128xf32, #tpu.memory_space<hbm>> -> memref<80x128xf32, #tpu.memory_space<hbm>>
    %dma_wait3A_879 = arith.constant 0 : i32
    %dma_wait3A_880 = arith.constant 0 : i32
    %dma_wait3A_881 = tpu.memref_slice %arg5[%arg0, %dma_wait3A_879, %dma_wait3A_880] : memref<2x10240x128xf32, #tpu.memory_space<hbm>> -> memref<1x80x128xf32, #tpu.memory_space<hbm>>
    %dma_wait3A_882 = tpu.memref_squeeze %dma_wait3A_881 : memref<1x80x128xf32, #tpu.memory_space<hbm>> -> memref<80x128xf32, #tpu.memory_space<hbm>>
    %dma_wait3A_883 = arith.constant 0 : i32
    %dma_wait3A_884 = arith.constant 0 : i32
    %dma_wait3A_885 = tpu.memref_slice %arg7[%dma_wait3A_870, %dma_wait3A_883, %dma_wait3A_884] : memref<4x80x128xf32, #tpu.memory_space<vmem>> -> memref<1x80x128xf32, #tpu.memory_space<vmem>>
    %dma_wait3A_886 = tpu.memref_squeeze %dma_wait3A_885 : memref<1x80x128xf32, #tpu.memory_space<vmem>> -> memref<80x128xf32, #tpu.memory_space<vmem>>
    tpu.wait_dma2 semaphore(%arg16 : memref<!tpu.dma_semaphore, #tpu.memory_space<semaphore_mem>>) src(%dma_wait3A_886 : memref<80x128xf32, #tpu.memory_space<vmem>>) dst(%dma_wait3A_882 : memref<80x128xf32, #tpu.memory_space<hbm>>)
    return
  }
}

module attributes {stable_mosaic.version = 14 : i64} {
  func.func @_mm1_body(%arg0: i32, %arg1: memref<1024x128xf32, #tpu.memory_space<vmem>>, %arg2: memref<128x128xf32, #tpu.memory_space<vmem>>, %arg3: memref<32x1024xf32, #tpu.memory_space<vmem>>, %arg4: memref<1024x128xf32, #tpu.memory_space<vmem>>) attributes {dimension_semantics = [#tpu.dimension_semantics<arbitrary>], iteration_bounds = array<i64: 10>, scalar_prefetch = 0 : i64, scratch_operands = 0 : i64, tpu.core_type = #tpu.core_type<tc>, window_params = [{transform_indices = @transform_0, window_bounds = array<i64: 1024, 128>}, {pipeline_mode = #tpu.pipeline_mode<synchronous>, transform_indices = @transform_1, window_bounds = array<i64: 128, 128>}, {transform_indices = @transform_2, window_bounds = array<i64: 32, 1024>}, {transform_indices = @transform_3, window_bounds = array<i64: 1024, 128>}]} {
    %get3A = arith.constant 0 : index
    %get3A_0 = arith.constant 0 : index
    %get3A_1 = vector.load %arg3[%get3A, %get3A_0] : memref<32x1024xf32, #tpu.memory_space<vmem>>, vector<32x1024xf32>
    %reduce_sum3A = arith.constant dense<0.000000e+00> : vector<1024xf32>
    %reduce_sum3A_2 = vector.multi_reduction <add>, %get3A_1, %reduce_sum3A [0] : vector<32x1024xf32> to vector<1024xf32>
    %add3A = arith.constant 1.000000e+00 : f32
    %add3A_3 = vector.broadcast %add3A : f32 to vector<1024xf32>
    %add3A_4 = arith.addf %reduce_sum3A_2, %add3A_3 : vector<1024xf32>
    %max3A = arith.constant 1.000000e+00 : f32
    %max3A_5 = vector.broadcast %max3A : f32 to vector<1024xf32>
    %max3A_6 = arith.maximumf %add3A_4, %max3A_5 : vector<1024xf32>
    %rsqrt3A = math.rsqrt %max3A_6 : vector<1024xf32>
    %get3A_7 = arith.constant 0 : index
    %get3A_8 = arith.constant 0 : index
    %get3A_9 = vector.load %arg1[%get3A_7, %get3A_8] : memref<1024x128xf32, #tpu.memory_space<vmem>>, vector<1024x128xf32>
    %get3A_10 = arith.constant 0 : index
    %get3A_11 = arith.constant 0 : index
    %get3A_12 = vector.load %arg2[%get3A_10, %get3A_11] : memref<128x128xf32, #tpu.memory_space<vmem>>, vector<128x128xf32>
    %dot_general3A = arith.constant dense<0.000000e+00> : vector<1024x128xf32>
    %dot_general3A_13 = tpu.matmul %get3A_9, %get3A_12, %dot_general3A {dimension_numbers = #tpu.dot_dimension_numbers<[1], [0], [0], [1], [0, 0, 1, 1], [], []>, transpose_lhs_hint = false} : vector<1024x128xf32>, vector<128x128xf32>, vector<1024x128xf32> -> vector<1024x128xf32>
    %broadcast_in_dim3A = vector.shape_cast %rsqrt3A : vector<1024xf32> to vector<1024x1xf32>
    %mul3A = vector.broadcast %broadcast_in_dim3A : vector<1024x1xf32> to vector<1024x128xf32>
    %mul3A_14 = arith.mulf %dot_general3A_13, %mul3A : vector<1024x128xf32>
    %swap3A = arith.constant 0 : index
    %swap3A_15 = arith.constant 0 : index
    %swap3A_16 = vector.load %arg4[%swap3A, %swap3A_15] : memref<1024x128xf32, #tpu.memory_space<vmem>>, vector<1024x128xf32>
    tpu.vector_store %arg4[%swap3A, %swap3A_15], %mul3A_14 {strides = array<i32>} : memref<1024x128xf32, #tpu.memory_space<vmem>>, vector<1024x128xf32>,
    return
  }
  func.func @transform_0(%arg0: i32) -> (i32, i32) {
    %c0_i32 = arith.constant 0 : i32
    %c0_i32_0 = arith.constant 0 : i32
    return %arg0, %c0_i32 : i32, i32
  }
  func.func @transform_1(%arg0: i32) -> (i32, i32) {
    %c0_i32 = arith.constant 0 : i32
    %c0_i32_0 = arith.constant 0 : i32
    %c0_i32_1 = arith.constant 0 : i32
    return %c0_i32, %c0_i32_0 : i32, i32
  }
  func.func @transform_2(%arg0: i32) -> (i32, i32) {
    %c0_i32 = arith.constant 0 : i32
    %c0_i32_0 = arith.constant 0 : i32
    return %c0_i32, %arg0 : i32, i32
  }
  func.func @transform_3(%arg0: i32) -> (i32, i32) {
    %c0_i32 = arith.constant 0 : i32
    %c0_i32_0 = arith.constant 0 : i32
    return %arg0, %c0_i32 : i32, i32
  }
}

module attributes {stable_mosaic.version = 14 : i64} {
  func.func @_mm2_body(%arg0: i32, %arg1: memref<2x1024x128xf32, #tpu.memory_space<vmem>>, %arg2: memref<1024x128xf32, #tpu.memory_space<vmem>>, %arg3: memref<32x1024xf32, #tpu.memory_space<vmem>>, %arg4: memref<1x128xf32, #tpu.memory_space<vmem>>, %arg5: memref<128x128xf32, #tpu.memory_space<vmem>>, %arg6: memref<1024x128xf32, #tpu.memory_space<vmem>>) attributes {dimension_semantics = [#tpu.dimension_semantics<arbitrary>], iteration_bounds = array<i64: 10>, scalar_prefetch = 0 : i64, scratch_operands = 0 : i64, tpu.core_type = #tpu.core_type<tc>, window_params = [{transform_indices = @transform_0, window_bounds = array<i64: 2, 1024, 128>}, {transform_indices = @transform_1, window_bounds = array<i64: 1024, 128>}, {transform_indices = @transform_2, window_bounds = array<i64: 32, 1024>}, {pipeline_mode = #tpu.pipeline_mode<synchronous>, transform_indices = @transform_3, window_bounds = array<i64: 1, 128>}, {pipeline_mode = #tpu.pipeline_mode<synchronous>, transform_indices = @transform_4, window_bounds = array<i64: 128, 128>}, {transform_indices = @transform_5, window_bounds = array<i64: 1024, 128>}]} {
    %get3A = arith.constant 0 : index
    %get3A_0 = arith.constant 0 : index
    %get3A_1 = vector.load %arg3[%get3A, %get3A_0] : memref<32x1024xf32, #tpu.memory_space<vmem>>, vector<32x1024xf32>
    %reduce_sum3A = arith.constant dense<0.000000e+00> : vector<1024xf32>
    %reduce_sum3A_2 = vector.multi_reduction <add>, %get3A_1, %reduce_sum3A [0] : vector<32x1024xf32> to vector<1024xf32>
    %add3A = arith.constant 1.000000e+00 : f32
    %add3A_3 = vector.broadcast %add3A : f32 to vector<1024xf32>
    %add3A_4 = arith.addf %reduce_sum3A_2, %add3A_3 : vector<1024xf32>
    %max3A = arith.constant 1.000000e+00 : f32
    %max3A_5 = vector.broadcast %max3A : f32 to vector<1024xf32>
    %max3A_6 = arith.maximumf %add3A_4, %max3A_5 : vector<1024xf32>
    %rsqrt3A = math.rsqrt %max3A_6 : vector<1024xf32>
    %get3A_7 = arith.constant 0 : index
    %get3A_8 = arith.constant 0 : index
    %get3A_9 = arith.constant 0 : index
    %get3A_10 = vector.load %arg1[%get3A_7, %get3A_8, %get3A_9] : memref<2x1024x128xf32, #tpu.memory_space<vmem>>, vector<1x1024x128xf32>
    %get3A_11 = vector.shape_cast %get3A_10 : vector<1x1024x128xf32> to vector<1024x128xf32>
    %get3A_12 = arith.constant 1 : index
    %get3A_13 = arith.constant 0 : index
    %get3A_14 = arith.constant 0 : index
    %get3A_15 = vector.load %arg1[%get3A_12, %get3A_13, %get3A_14] : memref<2x1024x128xf32, #tpu.memory_space<vmem>>, vector<1x1024x128xf32>
    %get3A_16 = vector.shape_cast %get3A_15 : vector<1x1024x128xf32> to vector<1024x128xf32>
    %add3A_17 = arith.addf %get3A_11, %get3A_16 : vector<1024x128xf32>
    %get3A_18 = arith.constant 0 : index
    %get3A_19 = arith.constant 0 : index
    %get3A_20 = vector.load %arg2[%get3A_18, %get3A_19] : memref<1024x128xf32, #tpu.memory_space<vmem>>, vector<1024x128xf32>
    %add3A_21 = arith.addf %add3A_17, %get3A_20 : vector<1024x128xf32>
    %broadcast_in_dim3A = vector.shape_cast %rsqrt3A : vector<1024xf32> to vector<1024x1xf32>
    %mul3A = vector.broadcast %broadcast_in_dim3A : vector<1024x1xf32> to vector<1024x128xf32>
    %mul3A_22 = arith.mulf %add3A_21, %mul3A : vector<1024x128xf32>
    %get3A_23 = arith.constant 0 : index
    %get3A_24 = arith.constant 0 : index
    %get3A_25 = vector.load %arg4[%get3A_23, %get3A_24] : memref<1x128xf32, #tpu.memory_space<vmem>>, vector<1x128xf32>
    %add3A_26 = vector.broadcast %get3A_25 : vector<1x128xf32> to vector<1024x128xf32>
    %add3A_27 = arith.addf %mul3A_22, %add3A_26 : vector<1024x128xf32>
    %max3A_28 = arith.constant 0.000000e+00 : f32
    %max3A_29 = vector.broadcast %max3A_28 : f32 to vector<1024x128xf32>
    %max3A_30 = arith.maximumf %add3A_27, %max3A_29 : vector<1024x128xf32>
    %get3A_31 = arith.constant 0 : index
    %get3A_32 = arith.constant 0 : index
    %get3A_33 = vector.load %arg5[%get3A_31, %get3A_32] : memref<128x128xf32, #tpu.memory_space<vmem>>, vector<128x128xf32>
    %dot_general3A = arith.constant dense<0.000000e+00> : vector<1024x128xf32>
    %dot_general3A_34 = tpu.matmul %max3A_30, %get3A_33, %dot_general3A {dimension_numbers = #tpu.dot_dimension_numbers<[1], [0], [0], [1], [0, 0, 1, 1], [], []>, transpose_lhs_hint = false} : vector<1024x128xf32>, vector<128x128xf32>, vector<1024x128xf32> -> vector<1024x128xf32>
    %broadcast_in_dim3A_35 = vector.shape_cast %rsqrt3A : vector<1024xf32> to vector<1024x1xf32>
    %mul3A_36 = vector.broadcast %broadcast_in_dim3A_35 : vector<1024x1xf32> to vector<1024x128xf32>
    %mul3A_37 = arith.mulf %dot_general3A_34, %mul3A_36 : vector<1024x128xf32>
    %swap3A = arith.constant 0 : index
    %swap3A_38 = arith.constant 0 : index
    %swap3A_39 = vector.load %arg6[%swap3A, %swap3A_38] : memref<1024x128xf32, #tpu.memory_space<vmem>>, vector<1024x128xf32>
    tpu.vector_store %arg6[%swap3A, %swap3A_38], %mul3A_37 {strides = array<i32>} : memref<1024x128xf32, #tpu.memory_space<vmem>>, vector<1024x128xf32>,
    return
  }
  func.func @transform_0(%arg0: i32) -> (i32, i32, i32) {
    %c0_i32 = arith.constant 0 : i32
    %c0_i32_0 = arith.constant 0 : i32
    %c0_i32_1 = arith.constant 0 : i32
    return %c0_i32, %arg0, %c0_i32_0 : i32, i32, i32
  }
  func.func @transform_1(%arg0: i32) -> (i32, i32) {
    %c0_i32 = arith.constant 0 : i32
    %c0_i32_0 = arith.constant 0 : i32
    return %arg0, %c0_i32 : i32, i32
  }
  func.func @transform_2(%arg0: i32) -> (i32, i32) {
    %c0_i32 = arith.constant 0 : i32
    %c0_i32_0 = arith.constant 0 : i32
    return %c0_i32, %arg0 : i32, i32
  }
  func.func @transform_3(%arg0: i32) -> (i32, i32) {
    %c0_i32 = arith.constant 0 : i32
    %c0_i32_0 = arith.constant 0 : i32
    %c0_i32_1 = arith.constant 0 : i32
    return %c0_i32, %c0_i32_0 : i32, i32
  }
  func.func @transform_4(%arg0: i32) -> (i32, i32) {
    %c0_i32 = arith.constant 0 : i32
    %c0_i32_0 = arith.constant 0 : i32
    %c0_i32_1 = arith.constant 0 : i32
    return %c0_i32, %c0_i32_0 : i32, i32
  }
  func.func @transform_5(%arg0: i32) -> (i32, i32) {
    %c0_i32 = arith.constant 0 : i32
    %c0_i32_0 = arith.constant 0 : i32
    return %arg0, %c0_i32 : i32, i32
  }
}

module attributes {stable_mosaic.version = 14 : i64} {
  func.func @_fin_body(%arg0: i32, %arg1: memref<2x1024x128xf32, #tpu.memory_space<vmem>>, %arg2: memref<1024x128xf32, #tpu.memory_space<vmem>>, %arg3: memref<32x1024xf32, #tpu.memory_space<vmem>>, %arg4: memref<1x128xf32, #tpu.memory_space<vmem>>, %arg5: memref<1024x128xf32, #tpu.memory_space<vmem>>) attributes {dimension_semantics = [#tpu.dimension_semantics<arbitrary>], iteration_bounds = array<i64: 10>, scalar_prefetch = 0 : i64, scratch_operands = 0 : i64, tpu.core_type = #tpu.core_type<tc>, window_params = [{transform_indices = @transform_0, window_bounds = array<i64: 2, 1024, 128>}, {transform_indices = @transform_1, window_bounds = array<i64: 1024, 128>}, {transform_indices = @transform_2, window_bounds = array<i64: 32, 1024>}, {pipeline_mode = #tpu.pipeline_mode<synchronous>, transform_indices = @transform_3, window_bounds = array<i64: 1, 128>}, {transform_indices = @transform_4, window_bounds = array<i64: 1024, 128>}]} {
    %get3A = arith.constant 0 : index
    %get3A_0 = arith.constant 0 : index
    %get3A_1 = vector.load %arg3[%get3A, %get3A_0] : memref<32x1024xf32, #tpu.memory_space<vmem>>, vector<32x1024xf32>
    %reduce_sum3A = arith.constant dense<0.000000e+00> : vector<1024xf32>
    %reduce_sum3A_2 = vector.multi_reduction <add>, %get3A_1, %reduce_sum3A [0] : vector<32x1024xf32> to vector<1024xf32>
    %add3A = arith.constant 1.000000e+00 : f32
    %add3A_3 = vector.broadcast %add3A : f32 to vector<1024xf32>
    %add3A_4 = arith.addf %reduce_sum3A_2, %add3A_3 : vector<1024xf32>
    %max3A = arith.constant 1.000000e+00 : f32
    %max3A_5 = vector.broadcast %max3A : f32 to vector<1024xf32>
    %max3A_6 = arith.maximumf %add3A_4, %max3A_5 : vector<1024xf32>
    %rsqrt3A = math.rsqrt %max3A_6 : vector<1024xf32>
    %get3A_7 = arith.constant 0 : index
    %get3A_8 = arith.constant 0 : index
    %get3A_9 = arith.constant 0 : index
    %get3A_10 = vector.load %arg1[%get3A_7, %get3A_8, %get3A_9] : memref<2x1024x128xf32, #tpu.memory_space<vmem>>, vector<1x1024x128xf32>
    %get3A_11 = vector.shape_cast %get3A_10 : vector<1x1024x128xf32> to vector<1024x128xf32>
    %get3A_12 = arith.constant 1 : index
    %get3A_13 = arith.constant 0 : index
    %get3A_14 = arith.constant 0 : index
    %get3A_15 = vector.load %arg1[%get3A_12, %get3A_13, %get3A_14] : memref<2x1024x128xf32, #tpu.memory_space<vmem>>, vector<1x1024x128xf32>
    %get3A_16 = vector.shape_cast %get3A_15 : vector<1x1024x128xf32> to vector<1024x128xf32>
    %add3A_17 = arith.addf %get3A_11, %get3A_16 : vector<1024x128xf32>
    %get3A_18 = arith.constant 0 : index
    %get3A_19 = arith.constant 0 : index
    %get3A_20 = vector.load %arg2[%get3A_18, %get3A_19] : memref<1024x128xf32, #tpu.memory_space<vmem>>, vector<1024x128xf32>
    %add3A_21 = arith.addf %add3A_17, %get3A_20 : vector<1024x128xf32>
    %broadcast_in_dim3A = vector.shape_cast %rsqrt3A : vector<1024xf32> to vector<1024x1xf32>
    %mul3A = vector.broadcast %broadcast_in_dim3A : vector<1024x1xf32> to vector<1024x128xf32>
    %mul3A_22 = arith.mulf %add3A_21, %mul3A : vector<1024x128xf32>
    %get3A_23 = arith.constant 0 : index
    %get3A_24 = arith.constant 0 : index
    %get3A_25 = vector.load %arg4[%get3A_23, %get3A_24] : memref<1x128xf32, #tpu.memory_space<vmem>>, vector<1x128xf32>
    %add3A_26 = vector.broadcast %get3A_25 : vector<1x128xf32> to vector<1024x128xf32>
    %add3A_27 = arith.addf %mul3A_22, %add3A_26 : vector<1024x128xf32>
    %swap3A = arith.constant 0 : index
    %swap3A_28 = arith.constant 0 : index
    %swap3A_29 = vector.load %arg5[%swap3A, %swap3A_28] : memref<1024x128xf32, #tpu.memory_space<vmem>>, vector<1024x128xf32>
    tpu.vector_store %arg5[%swap3A, %swap3A_28], %add3A_27 {strides = array<i32>} : memref<1024x128xf32, #tpu.memory_space<vmem>>, vector<1024x128xf32>,
    return
  }
  func.func @transform_0(%arg0: i32) -> (i32, i32, i32) {
    %c0_i32 = arith.constant 0 : i32
    %c0_i32_0 = arith.constant 0 : i32
    %c0_i32_1 = arith.constant 0 : i32
    return %c0_i32, %arg0, %c0_i32_0 : i32, i32, i32
  }
  func.func @transform_1(%arg0: i32) -> (i32, i32) {
    %c0_i32 = arith.constant 0 : i32
    %c0_i32_0 = arith.constant 0 : i32
    return %arg0, %c0_i32 : i32, i32
  }
  func.func @transform_2(%arg0: i32) -> (i32, i32) {
    %c0_i32 = arith.constant 0 : i32
    %c0_i32_0 = arith.constant 0 : i32
    return %c0_i32, %arg0 : i32, i32
  }
  func.func @transform_3(%arg0: i32) -> (i32, i32) {
    %c0_i32 = arith.constant 0 : i32
    %c0_i32_0 = arith.constant 0 : i32
    %c0_i32_1 = arith.constant 0 : i32
    return %c0_i32, %c0_i32_0 : i32, i32
  }
  func.func @transform_4(%arg0: i32) -> (i32, i32) {
    %c0_i32 = arith.constant 0 : i32
    %c0_i32_0 = arith.constant 0 : i32
    return %arg0, %c0_i32 : i32, i32
  }
}

</mosaic_0001>

<sc_bundles>
// kernel: kernel.11.cloned.1.call-start
scs
__scs_entry_jumppad:
0x0: {  	(pc) =	sbr.rel $0x88, $3  }
0x1: {  	(tag) =	ssettag $0x0;
	lr =	simm.s32 $0x1  }
0x2: {  	[smem:$0x3F9B] =	sst lr;
	_ =	strace $0xD0000000  }
0x3: {  	_ = 	snop  }
0x4: {  	_ = 	snop  }
0x5: {  	_ = 	snop  }
0x6: {  	_ = 	snop  }
0x7: {  	_ = 	snop  }
__scs_overlays_trampoline_lowered:
0x8: {  	[smem:$0x3FAA] =	sst s0  }
0x9: {  	[smem:$0x3FAB] =	sst s1  }
0xa: {  	[smem:$0x3FAC] =	sst s2  }
0xb: {  	[smem:$0x3FAD] =	sst s3  }
0xc: {  	[smem:$0x3FAE] =	sst s4  }
0xd: {  	[smem:$0x3FAF] =	sst s5  }
0xe: {  	[smem:$0x3FB0] =	sst s6  }
0xf: {  	[smem:$0x3FB1] =	sst s7  }
0x10: {  	[smem:$0x3FB2] =	sst s8  }
0x11: {  	[smem:$0x3FB3] =	sst s9;
	s0 =	simm.s32 @!p0 $0x0  }
0x12: {  	s1 =	sld [smem:$0x3F99];
	s0 =	simm.s32 @p0 $0x1  }
0x13: {  	[smem:$0x3FB4] =	sst s0;
	s0 =	simm.s32 @!p1 $0x0  }
0x14: {  	s2 =	sld [smem:$0x3F98];
	s0 =	simm.s32 @p1 $0x1  }
0x15: {  	[smem:$0x3FB5] =	sst s0;
	s0 =	simm.s32 @!p2 $0x0  }
0x16: {  	s3 =	sld [smem:$0x3FDB];
	s0 =	simm.s32 @p2 $0x1  }
0x17: {  	s4 =	simm.s32 $0x1BF5;
	[smem:$0x3FB7] =	sst s0  }
0x18: {  	s0 =	sld [smem:$0x3F9A];
	_ =	swait.ge [sflag:s4], $0x0  }
0x19: {  	s7 =	sld [smem:$0x3F9B]  }
0x1a: {  	s8 =	sadd.s32 $0xFFFFE003, lr  }
0x1b: {  	s9 =	sadd.s32 $0xFFFFFEF7, lr;
	s5 =	simm.s32 $0xFFFFFFFF;
	p2 =	slt.u32 s8, $0xFFFFF086  }
0x1c: {  	p1 =	slt.u32 s9, $0xF7A;
	s5 =	simm.s32 @!p2 $0x0  }
0x1d: {  	s5 =	simm.s32 @p1 $0x1;
	p0 =	seq.s32 s7, s2  }
0x1e: {  	s7 =	smul.u32 @!p0 $0xF7A, s2;
	p2 =	seq.s32 @!p0 s5, $0x0  }
0x1f: {  	s9 =	smul.u32 $0xF7A, s1;
	s8 =	simm.s32 @!p0 $0x1BF5;
	p2 =	por !p2, p0  }
0x20: {  	[sflag:s8] =	ssyncset.s32 @!p0 $0xFFFFF086;
	s6 =	sadd.s32 @!p0 s3, s7;
	s7 =	simm.s32 @!p0 $0x108  }
0x21: {  	s3 =	sadd.s32 s3, s9;
	s6 =	sadd.s32 @!p0 $0x88, s6;
	s7 =	simm.s32 @p2 $0x1082  }
0x22: {  	[simem:s7], [sflag:s8] =	dma.local @!p0 [hbm:s6], $0xF7A  }
0x23: {  	s9 =	sor.u32 $0xD0000000, s2;
	s6 =	simm.s32 $0x108;
	_ =	swait.ge @!p0 [sflag:s8], $0x0  }
0x24: {  	s3 =	sadd.s32 $0x88, s3;
	s6 =	simm.s32 @!p1 $0x1082;
	[sflag:s4] =	ssyncset.s32 $0xFFFFF086  }
0x25: {  	[simem:s6], [sflag:s4] =	dma.local [hbm:s3], $0xF7A  }
0x26: {  	[smem:$0x3F9B] =	sst s1;
	(tag) =	ssettag s2;
	_ =	strace s9  }
0x27: {  	s1 =	sld [smem:$0x3FAB]  }
0x28: {  	s2 =	sld [smem:$0x3FAC]  }
0x29: {  	s4 =	sld [smem:$0x3FAE]  }
0x2a: {  	p0 =	seq.s32 s5, $0x0;
	s5 =	sld [smem:$0x3FAF]  }
0x2b: {  	s6 =	sld [smem:$0x3FB0]  }
0x2c: {  	s7 =	sld [smem:$0x3FB1]  }
0x2d: {  	s3 =	simm.s32 $0x108;
	s8 =	sld [smem:$0x3FB2]  }
0x2e: {  	s3 =	simm.s32 @!p0 $0x1082;
	s9 =	sld [smem:$0x3FB3]  }
0x2f: {  	lr =	sadd.s32 s0, s3;
	s0 =	sld [smem:$0x3FAA]  }
0x30: {  	s3 =	sld [smem:$0x3FAD]  }
0x31: {  	[smem:$0x3FB6] =	sst s10  }
0x32: {  	s10 =	sld [smem:$0x3FB4];
	_ =	sdelay $0x3  }
0x33: {  	p0 =	seq.s32 s10, $0x1;
	s10 =	sld [smem:$0x3FB6];
	_ =	sdelay $0x3  }
0x34: {  	[smem:$0x3FB6] =	sst s10  }
0x35: {  	s10 =	sld [smem:$0x3FB5];
	_ =	sdelay $0x3  }
0x36: {  	p1 =	seq.s32 s10, $0x1;
	s10 =	sld [smem:$0x3FB6];
	_ =	sdelay $0x3  }
0x37: {  	[smem:$0x3FB6] =	sst s10  }
0x38: {  	s10 =	sld [smem:$0x3FB7]  }
0x39: {  	_ = 	snop;
	(pc) =	sbr.ind lr, $3  }
0x3a: {  	_ = 	snop  }
0x3b: {  	_ = 	snop  }
0x3c: {  	p2 =	seq.s32 s10, $0x1;
	s10 =	sld [smem:$0x3FB6]  }
0x3d: {  	_ =	shalt  }
0x3e: {  	_ =	shalt  }
0x3f: {  	_ =	shalt  }
0x40: {  	_ =	shalt  }
0x41: {  	_ =	shalt  }
0x42: {  	_ =	shalt  }
0x43: {  	_ =	shalt  }
0x44: {  	_ =	shalt  }
0x45: {  	_ =	shalt  }
0x46: {  	_ =	shalt  }
0x47: {  	_ =	shalt  }
0x48: {  	_ =	shalt  }
0x49: {  	_ =	shalt  }
0x4a: {  	_ =	shalt  }
0x4b: {  	_ =	shalt  }
0x4c: {  	_ =	shalt  }
0x4d: {  	_ =	shalt  }
0x4e: {  	_ =	shalt  }
0x4f: {  	_ =	shalt  }
0x50: {  	_ =	shalt  }
0x51: {  	_ =	shalt  }
0x52: {  	_ =	shalt  }
0x53: {  	_ =	shalt  }
0x54: {  	_ =	shalt  }
0x55: {  	_ =	shalt  }
0x56: {  	_ =	shalt  }
0x57: {  	_ =	shalt  }
0x58: {  	_ =	shalt  }
0x59: {  	_ =	shalt  }
0x5a: {  	_ =	shalt  }
0x5b: {  	_ =	shalt  }
0x5c: {  	_ =	shalt  }
0x5d: {  	_ =	shalt  }
0x5e: {  	_ =	shalt  }
0x5f: {  	_ =	shalt  }
0x60: {  	_ =	shalt  }
0x61: {  	_ =	shalt  }
0x62: {  	_ =	shalt  }
0x63: {  	_ =	shalt  }
0x64: {  	_ =	shalt  }
0x65: {  	_ =	shalt  }
0x66: {  	_ =	shalt  }
0x67: {  	_ =	shalt  }
0x68: {  	_ =	shalt  }
0x69: {  	_ =	shalt  }
0x6a: {  	_ =	shalt  }
0x6b: {  	_ =	shalt  }
0x6c: {  	_ =	shalt  }
0x6d: {  	_ =	shalt  }
0x6e: {  	_ =	shalt  }
0x6f: {  	_ =	shalt  }
0x70: {  	_ =	shalt  }
0x71: {  	_ =	shalt  }
0x72: {  	_ =	shalt  }
0x73: {  	_ =	shalt  }
0x74: {  	_ =	shalt  }
0x75: {  	_ =	shalt  }
0x76: {  	_ =	shalt  }
0x77: {  	_ =	shalt  }
0x78: {  	_ =	shalt  }
0x79: {  	_ =	shalt  }
0x7a: {  	_ =	shalt  }
0x7b: {  	_ =	shalt  }
0x7c: {  	_ =	shalt  }
0x7d: {  	_ =	shalt  }
0x7e: {  	_ =	shalt  }
0x7f: {  	_ =	shalt  }
0x80: {  	_ =	shalt  }
0x81: {  	_ =	shalt  }
0x82: {  	_ =	shalt  }
0x83: {  	_ =	shalt  }
0x84: {  	_ =	shalt  }
0x85: {  	_ =	shalt  }
0x86: {  	_ =	shalt  }
0x87: {  	_ =	shalt  }
.Lfunc_end0:
.L_simem_size_0:
called_computation.1_lowered:
.L_overlay_start_0:
0x88: {  	s2 =	sld [smem:$0x3FD9]  }
0x89: {  	s3 =	sld [smem:$0x3FFE];
	_ =	sdelay $0x1  }
0x8a: {  	s1 =	srdreg.scid  }
0x8b: {  	s0 =	sand.u32 $0x1, s1  }
0x8c: {  	s17 =	sshll.u32 s0, $0xA;
	s2 =	sadd.s32 s3, s2  }
0x8d: {  	s2 =	sadd.s32 s2, s17  }
0x8e: {  	[smem:$0x3FC2] =	sst s2  }
0x8f: {  	_ = 	snop  }
0x90: {  	s2 =	sld [smem:$0x3FD0];
	(tm) =	ssettm $0x1  }
0x91: {  	s18 =	sld [smem:$0x3FFB];
	_ =	sdelay $0x3  }
0x92: {  	_ =	strace s18  }
0x93: {  	s3 =	sld [smem:$0x3FFC];
	_ =	sdelay $0x3  }
0x94: {  	_ =	strace s3  }
0x95: {  	s3 =	sld [smem:$0x3FFD];
	_ =	sdelay $0x3  }
0x96: {  	_ =	strace s3  }
0x97: {  	_ =	strace $0x8FFFFFFF  }
0x98: {  	s19 =	sld [smem:$0x3FDB];
	_ =	sdelay $0x1  }
0x99: {  	s4 =	simm.s32 $_scs_section_size  }
0x9a: {  	s5 =	simm.s32 $_size__tile_overlayer_lowered;
	s6 =	simm.s32 $_tile_overlayer_lowered  }
0x9b: {  	s22 =	simm.s32 $0x1BFF;
	s21 =	sshll.u32 s6, $0x1;
	s3 =	sadd.s32 s4, s19  }
0x9c: {  	s7 =	simm.s32 $0x0;
	s20 =	sshll.u32 s5, $0x1;
	s5 =	sadd.s32 s21, s3  }
0x9d: {  	[timem:s7], [sflag:s22] =	dma.local [hbm:s5], s20  }
0x9e: {  	_ =	swait.ge [sflag:s22], s20  }
0x9f: {  	s4 =	ssub.s32 $0x0, s20;
	[sflag:s22] =	ssyncset.done $0x0  }
0xa0: {  	[sflag:s22] =	ssyncadd.s32 s4;
	_ =	sdelay $0x1  }
0xa1: {  	s23 =	simm.s32 $0x1B8B  }
0xa2: {  	_ =	swait.ge [sflag:s23], $0x1  }
0xa3: {  	[sflag:s23] =	ssyncset.done $0x0  }
0xa4: {  	s25 =	simm.s32 $0x1B8E;
	s24 =	sld [smem:$0x3FFE];
	[sflag:s23] =	ssyncadd.s32 $0xFFFFFFFF  }
0xa5: {  	s26 =	simm.s32 $execute0_lowered;
	[smem:$0x3FD2] =	sst s25  }
0xa6: {  	s5 =	sshll.u32 s26, $0x1;
	_ =	strace $0x80000049;
	[dreg:$0x1] =	wrdreg $0xFFFFFFFF  }
0xa7: {  	s28 =	simm.s32 $_size_execute0_lowered;
	s3 =	sadd.s32 s3, s5;
	[dreg:$0x0] =	wrdreg $0x0  }
0xa8: {  	s5 =	sshll.u32 s28, $0x1;
	[dreg:$0x2] =	wrdreg s3  }
0xa9: {  	[dreg:$0x3] =	wrdreg s5  }
0xaa: {  	[dreg:$0x4] =	wrdreg $0xC0  }
0xab: {  	_ =	task [dreg:s7], $0x5FFFF  }
0xac: {  	[dreg:$0x1] =	wrdreg $0xFFFFFFFF  }
0xad: {  	[dreg:$0x0] =	wrdreg $0x60  }
0xae: {  	[dreg:$0x2] =	wrdreg s2  }
0xaf: {  	[dreg:$0x3] =	wrdreg s24  }
0xb0: {  	[dreg:$0x4] =	wrdreg $0xA4000  }
0xb1: {  	[dreg:$0x5] =	wrdreg $0x9  }
0xb2: {  	_ =	task.clear_ibuf [dreg:s7], $0x6FFFF;
	_ =	strace $0x90000049  }
0xb3: {  	s29 =	simm.s32 $0x9;
	_ =	strace $0x8000004B  }
0xb4: {  	_ =	swait.ge [sflag:s29], $0x1  }
0xb5: {  	[sflag:s29] =	ssyncadd.s32 $0xFFFFFFFF  }
0xb6: {  	_ =	strace $0x9000004B  }
0xb7: {  	_ =	sfence  }
0xb8: {  	s30 =	sld [smem:$0x0];
	_ =	sdelay $0x2  }
0xb9: {  	s31 =	sshll.u32 s1, $0xD;
	s1 =	sshrl.u32 s1, $0x2  }
0xba: {  	s3 =	sand.u32 $0x4000, s31;
	s1 =	sadd.s32 s1, s30  }
0xbb: {  	s0 =	sor.u32 s3, s0;
	s1 =	sshll.u32 s1, $0x11  }
0xbc: {  	s0 =	sor.u32 s1, s0  }
0xbd: {  	s0 =	sadd.s32 $0x8F2B, s0  }
0xbe: {  	[sflag:s0] =	ssyncadd.remote.s32 $0x1  }
0xbf: {  	_ =	sfence.sel $0xFFFF  }
0xc0: {  	[dreg:$0x0] =	wrdreg $0xFFFFFFFF;
	(pc) =	sbr.abs _section_cstart, $3  }
0xc1: {  	[dreg:$0x1] =	wrdreg $0xFFFFFFFF  }
0xc2: {  	_ =	task.clear_ibuf [dreg:s7], $0x2FFFF;
	_ =	strace $0x9FFFFFFF  }
0xc3: {  	(tm) =	ssettm $0x7FFFFFFF  }
tec
execute0_lowered:
.L_overlay_start_1:
0x0: {  	(tag) =	ssettag $0x1  }
0x1: {  	s1 =	rddreg [dreg:$0x0]  }
0x2: {  	s3 =	rddreg [dreg:$0x1]  }
0x3: {  	s2 =	rddreg [dreg:$0x2];
	s4 =	simm.s32 $0x0;
	s0 =	srdreg.scid  }
0x4: {  	s19 =	stileid.u32;
	s28 =	simm.s32 $0x4;
	s29 =	simm.s32 $0x6  }
0x5: {  	s30 =	simm.s32 $0x7;
	s5 =	sand.u32 $0x1, s0;
	s8 =	smul.u32 $0x14000, s19  }
0x6: {  	[smem:$0x7FF] =	sst s4;
	s9 =	sadd.s32 $0x2B400, s3;
	s11 =	smul.u32 $0x140000, s5  }
0x7: {  	s0 =	ssub.s32 $0x2, s5;
	s6 =	sshll.u32 s5, $0x4;
	s5 =	smul.u32 $0x3E800, s5  }
0x8: {  	s7 =	sshrl.u32 s0, $0x1;
	s6 =	sor.u32 s19, s6;
	s10 =	sadd.s32 $0x5000, s8  }
0x9: {  	s12 =	sadd.s32 $0x7800, s8;
	s15 =	sadd.s32 $0xA000, s8;
	s16 =	sadd.s32 $0xC800, s8  }
0xa: {  	s17 =	sadd.s32 $0xF000, s8;
	s18 =	sadd.s32 $0x11800, s8;
	s0 =	ssub.s32 s0, s7  }
0xb: {  	s6 =	smul.u32 $0x3E80, s6;
	s7 =	sor.u32 $0x2800, s8;
	s8 =	sadd.s32 s8, s11  }
0xc: {  	s14 =	sadd.s32 s11, s10;
	s20 =	sadd.s32 s11, s16;
	s8 =	sshrl.u32 s8, $0x3  }
0xd: {  	s13 =	sadd.s32 s11, s7;
	s25 =	sshrl.u32 s14, $0x3;
	s14 =	sadd.s32 s11, s15  }
0xe: {  	s22 =	sshrl.u32 s20, $0x3;
	s8 =	sadd.s32 s9, s8;
	s24 =	sshrl.u32 s13, $0x3  }
0xf: {  	s26 =	sadd.s32 s9, s25;
	s13 =	sadd.s32 s11, s12;
	[dreg:$0x4] =	wrdreg s8  }
0x10: {  	s21 =	sshrl.u32 s14, $0x3;
	s8 =	sadd.s32 s9, s24;
	[dreg:$0x6] =	wrdreg s26  }
0x11: {  	s23 =	sadd.s32 s9, s22;
	[dreg:$0x5] =	wrdreg s8;
	s8 =	sshrl.u32 s13, $0x3  }
0x12: {  	s6 =	sshrl.u32 s6, $0x3;
	[dreg:$0x9] =	wrdreg s23;
	s8 =	sadd.s32 s9, s8  }
0x13: {  	s24 =	sadd.s32 s11, s17;
	[dreg:$0x7] =	wrdreg s8;
	s8 =	sadd.s32 s9, s21  }
0x14: {  	s11 =	sadd.s32 s11, s18;
	[dreg:$0x8] =	wrdreg s8;
	s8 =	sshrl.u32 s24, $0x3  }
0x15: {  	s25 =	sshrl.u32 s11, $0x3;
	s13 =	sadd.s32 $0x1BA00, s3;
	s8 =	sadd.s32 s9, s8  }
0x16: {  	[dreg:$0xa] =	wrdreg s8;
	s8 =	sadd.s32 s9, s25;
	s9 =	sadd.s32 $0x10, s6  }
0x17: {  	s14 =	sadd.s32 $0xC000, s3;
	[dreg:$0xb] =	wrdreg s8;
	s11 =	sadd.s32 s13, s9  }
0x18: {  	s3 =	sadd.s32 s14, s9;
	_ =	strace $0x8000004A;
	[dreg:$0xc] =	wrdreg s11  }
0x19: {  	s26 =	smul.u32 $0x3E80, s19;
	s20 =	sadd.s32 s13, s6;
	[dreg:$0xd] =	wrdreg s3  }
0x1a: {  	s23 =	sadd.s32 s14, s6;
	s21 =	sadd.s32 $0x20, s6;
	[dreg:$0xe] =	wrdreg s20  }
0x1b: {  	s24 =	sadd.s32 s13, s21;
	s6 =	sadd.s32 $0x30, s6;
	[dreg:$0xf] =	wrdreg s23  }
0x1c: {  	s8 =	sadd.s32 s26, s5;
	s26 =	sadd.s32 s13, s6;
	[dreg:$0x10] =	wrdreg s24  }
0x1d: {  	s31 =	simm.s32 $0x8;
	s6 =	sadd.s32 s14, s6;
	[dreg:$0x12] =	wrdreg s26  }
0x1e: {  	s22 =	smul.u32 $0x50000, s19;
	s9 =	sadd.s32 s7, s2;
	[dreg:$0x13] =	wrdreg s6  }
0x1f: {  	s10 =	sadd.s32 s10, s2;
	s0 =	smax.u32 s0, $0x1;
	[dreg:$0x15] =	wrdreg s9  }
0x20: {  	s19 =	sadd.s32 s18, s2;
	s25 =	sshrl.u32 s22, $0x2;
	[dreg:$0x16] =	wrdreg s10  }
0x21: {  	s7 =	smov.u32 s13;
	s3 =	sadd.s32 s14, s21;
	[dreg:$0x1b] =	wrdreg s19  }
0x22: {  	s11 =	sadd.s32 s12, s2;
	s12 =	sadd.s32 s15, s2;
	[dreg:$0x1c] =	wrdreg s0  }
0x23: {  	s15 =	sadd.s32 s16, s2;
	s16 =	sadd.s32 s17, s2;
	[dreg:$0x11] =	wrdreg s3  }
0x24: {  	s17 =	sadd.s32 $0x280, s8;
	s21 =	sadd.s32 $0x300, s8;
	[dreg:$0x17] =	wrdreg s11  }
0x25: {  	s22 =	sadd.s32 $0x200, s8;
	s23 =	sadd.s32 $0x380, s8;
	[dreg:$0x18] =	wrdreg s12  }
0x26: {  	s9 =	smov.u32 s14;
	s19 =	simm.s32 $0x380;
	[dreg:$0x19] =	wrdreg s15  }
0x27: {  	s6 =	simm.s32 $0x2;
	s3 =	sadd.s32 s25, s2;
	[dreg:$0x1a] =	wrdreg s16  }
0x28: {  	s20 =	sshrl.u32 s17, $0x3;
	s0 =	sshrl.u32 s21, $0x3;
	[dreg:$0x1e] =	wrdreg s22  }
0x29: {  	s25 =	sshrl.u32 s23, $0x3;
	s11 =	simm.s32 $0x80;
	s15 =	simm.s32 $0x180  }
0x2a: {  	s17 =	simm.s32 $0x280;
	s21 =	simm.s32 $0x1;
	s22 =	simm.s32 $0x50  }
0x2b: {  	s23 =	simm.s32 $0x2C00;
	s12 =	simm.s32 $0x0;
	[dreg:$0x14] =	wrdreg s3  }
.Ltmp0:
0x2c: {  	s3 =	sadd.s32 s20, s14;
	s5 =	sadd.s32 s20, s13;
	(pc) =	sbr.rel .LBB2_1-.Ltmp0, $4  }
0x2d: {  	s24 =	sadd.s32 s0, s14;
	s8 =	sadd.s32 s0, s13;
	s26 =	sadd.s32 s25, s14  }
0x2e: {  	s10 =	sadd.s32 s25, s13;
	s20 =	simm.s32 $0x7C00;
	[dreg:$0x1d] =	wrdreg s3  }
0x2f: {  	s0 =	simm.s32 $0x400;
	s25 =	simm.s32 $0x5400;
	[dreg:$0x1f] =	wrdreg s24  }
0x30: {  	v0 =	vimm.f32 $0.0e+00;
	[smem:$0x7FD] =	sst s26;
	s24 =	simm.s32 $0x3;
	s26 =	simm.s32 $0x5  }
.LBB2_6:
0x31: {  	_ =	swait.ge [sflag:s30], $0x2800  }
0x32: {  	[sflag:s30] =	ssyncset.done $0x0  }
0x33: {  	[sflag:s30] =	ssyncadd.s32 $0xFFFFD800  }
0x34: {  	_ =	swait.ge [sflag:s31], $0x2800  }
0x35: {  	[sflag:s31] =	ssyncset.done $0x0  }
0x36: {  	[sflag:s31] =	ssyncadd.s32 $0xFFFFD800  }
0x37: {  	_ =	swait.ge [sflag:s21], $0x2800  }
0x38: {  	[sflag:s21] =	ssyncset.done $0x0  }
0x39: {  	[sflag:s21] =	ssyncadd.s32 $0xFFFFD800  }
0x3a: {  	_ =	swait.ge [sflag:s26], $0x80  }
0x3b: {  	[sflag:s26] =	ssyncset.done $0x0  }
0x3c: {  	[sflag:s26] =	ssyncadd.s32 $0xFFFFFF80  }
0x3d: {  	[spmem:s2] =	stream.indirect.scatter.add.f32 [tilespmem:s0], [sflag:$0x5], $0x80, s11, s22, $0xb8;
	[tilespmem:$0x1E400] =	vst v63  }
0x3e: {  	_ =	swait.ge [sflag:s26], $0x2800  }
0x3f: {  	[sflag:s26] =	ssyncset.done $0x0  }
0x40: {  	[sflag:s26] =	ssyncadd.s32 $0xFFFFD800  }
0x41: {  	[bflag:$0x0] =	sbarrier.arrive $0xFFFF  }
0x42: {  	s12 =	simm.s32 $0x9;
	s3 =	rddreg [dreg:$0x14]  }
0x43: {  	[tilespmem:s0], [sflag:$0x9] =	stream.linear.gather [spmem:s3], $0x2800, $0x38;
	[tilespmem:$0x1E400] =	vst v63  }
0x44: {  	_ =	swait.ge [sflag:s12], $0x2800  }
0x45: {  	[sflag:s12] =	ssyncset.done $0x0  }
0x46: {  	s18 =	rddreg [dreg:$0x4];
	[sflag:s12] =	ssyncadd.s32 $0xFFFFD800  }
0x47: {  	[hbm4b:s18+s4] =	stream.linear.scatter [tilespmem:s0], [sflag:$0x5], $0x2800, $0x38;
	[tilespmem:$0x1E400] =	vst v63  }
0x48: {  	s13 =	rddreg [dreg:$0x15]  }
0x49: {  	[tilespmem:s23], [sflag:$0x9] =	stream.linear.gather [spmem:s13], $0x2800, $0x38;
	[tilespmem:$0x1E400] =	vst v63  }
0x4a: {  	_ =	swait.ge [sflag:s12], $0x2800  }
0x4b: {  	[sflag:s12] =	ssyncset.done $0x0  }
0x4c: {  	s14 =	rddreg [dreg:$0x5];
	[sflag:s12] =	ssyncadd.s32 $0xFFFFD800  }
0x4d: {  	[hbm4b:s14+s4] =	stream.linear.scatter [tilespmem:s23], [sflag:$0x6], $0x2800, $0x38;
	[tilespmem:$0x1E400] =	vst v63  }
0x4e: {  	s16 =	rddreg [dreg:$0x16]  }
0x4f: {  	[tilespmem:s25], [sflag:$0x9] =	stream.linear.gather [spmem:s16], $0x2800, $0x38;
	[tilespmem:$0x1E400] =	vst v63  }
0x50: {  	_ =	swait.ge [sflag:s12], $0x2800  }
0x51: {  	[sflag:s12] =	ssyncset.done $0x0  }
0x52: {  	s18 =	rddreg [dreg:$0x6];
	[sflag:s12] =	ssyncadd.s32 $0xFFFFD800  }
0x53: {  	[hbm4b:s18+s4] =	stream.linear.scatter [tilespmem:s25], [sflag:$0x7], $0x2800, $0x38;
	[tilespmem:$0x1E400] =	vst v63  }
0x54: {  	s13 =	rddreg [dreg:$0x17]  }
0x55: {  	[tilespmem:s20], [sflag:$0x9] =	stream.linear.gather [spmem:s13], $0x2800, $0x38;
	[tilespmem:$0x1E400] =	vst v63  }
0x56: {  	_ =	swait.ge [sflag:s12], $0x2800  }
0x57: {  	[sflag:s12] =	ssyncset.done $0x0  }
0x58: {  	s14 =	rddreg [dreg:$0x7];
	[sflag:s12] =	ssyncadd.s32 $0xFFFFD800  }
0x59: {  	[hbm4b:s14+s4] =	stream.linear.scatter [tilespmem:s20], [sflag:$0x8], $0x2800, $0x38;
	[tilespmem:$0x1E400] =	vst v63  }
0x5a: {  	_ =	swait.ge [sflag:s26], $0x2800  }
0x5b: {  	[sflag:s26] =	ssyncset.done $0x0  }
0x5c: {  	s16 =	rddreg [dreg:$0x18];
	[sflag:s26] =	ssyncadd.s32 $0xFFFFD800  }
0x5d: {  	[tilespmem:s0], [sflag:$0x9] =	stream.linear.gather [spmem:s16], $0x2800, $0x38;
	[tilespmem:$0x1E400] =	vst v63  }
0x5e: {  	_ =	swait.ge [sflag:s12], $0x2800  }
0x5f: {  	[sflag:s12] =	ssyncset.done $0x0  }
0x60: {  	s18 =	rddreg [dreg:$0x8];
	[sflag:s12] =	ssyncadd.s32 $0xFFFFD800  }
0x61: {  	[hbm4b:s18+s4] =	stream.linear.scatter [tilespmem:s0], [sflag:$0x5], $0x2800, $0x38;
	[tilespmem:$0x1E400] =	vst v63  }
0x62: {  	_ =	swait.ge [sflag:s29], $0x2800  }
0x63: {  	[sflag:s29] =	ssyncset.done $0x0  }
0x64: {  	s13 =	rddreg [dreg:$0x19];
	[sflag:s29] =	ssyncadd.s32 $0xFFFFD800  }
0x65: {  	[tilespmem:s23], [sflag:$0x9] =	stream.linear.gather [spmem:s13], $0x2800, $0x38;
	[tilespmem:$0x1E400] =	vst v63  }
0x66: {  	_ =	swait.ge [sflag:s12], $0x2800  }
0x67: {  	[sflag:s12] =	ssyncset.done $0x0  }
0x68: {  	s14 =	rddreg [dreg:$0x9];
	[sflag:s12] =	ssyncadd.s32 $0xFFFFD800  }
0x69: {  	[hbm4b:s14+s4] =	stream.linear.scatter [tilespmem:s23], [sflag:$0x6], $0x2800, $0x38;
	[tilespmem:$0x1E400] =	vst v63  }
0x6a: {  	_ =	swait.ge [sflag:s30], $0x2800  }
0x6b: {  	[sflag:s30] =	ssyncset.done $0x0  }
0x6c: {  	s16 =	rddreg [dreg:$0x1a];
	[sflag:s30] =	ssyncadd.s32 $0xFFFFD800  }
0x6d: {  	[tilespmem:s25], [sflag:$0x9] =	stream.linear.gather [spmem:s16], $0x2800, $0x38;
	[tilespmem:$0x1E400] =	vst v63  }
0x6e: {  	_ =	swait.ge [sflag:s12], $0x2800  }
0x6f: {  	[sflag:s12] =	ssyncset.done $0x0  }
0x70: {  	s18 =	rddreg [dreg:$0xa];
	[sflag:s12] =	ssyncadd.s32 $0xFFFFD800  }
0x71: {  	[hbm4b:s18+s4] =	stream.linear.scatter [tilespmem:s25], [sflag:$0x7], $0x2800, $0x38;
	[tilespmem:$0x1E400] =	vst v63  }
0x72: {  	_ =	swait.ge [sflag:s31], $0x2800  }
0x73: {  	[sflag:s31] =	ssyncset.done $0x0  }
0x74: {  	s13 =	rddreg [dreg:$0x1b];
	[sflag:s31] =	ssyncadd.s32 $0xFFFFD800  }
0x75: {  	[tilespmem:s20], [sflag:$0x9] =	stream.linear.gather [spmem:s13], $0x2800, $0x38;
	[tilespmem:$0x1E400] =	vst v63  }
0x76: {  	_ =	swait.ge [sflag:s12], $0x2800  }
0x77: {  	[sflag:s12] =	ssyncset.done $0x0  }
0x78: {  	s14 =	rddreg [dreg:$0xb];
	[sflag:s12] =	ssyncadd.s32 $0xFFFFD800  }
0x79: {  	[hbm4b:s14+s4] =	stream.linear.scatter [tilespmem:s20], [sflag:$0x8], $0x2800, $0x38;
	[tilespmem:$0x1E400] =	vst v63  }
0x7a: {  	_ =	swait.ge [sflag:s26], $0x2800  }
0x7b: {  	[sflag:s26] =	ssyncset.done $0x0  }
0x7c: {  	[sflag:s26] =	ssyncadd.s32 $0xFFFFD800  }
0x7d: {  	_ =	swait.ge [sflag:s29], $0x2800  }
0x7e: {  	[sflag:s29] =	ssyncset.done $0x0  }
0x7f: {  	[sflag:s29] =	ssyncadd.s32 $0xFFFFD800  }
0x80: {  	_ =	swait.ge [sflag:s30], $0x2800  }
0x81: {  	[sflag:s30] =	ssyncset.done $0x0  }
0x82: {  	[sflag:s30] =	ssyncadd.s32 $0xFFFFD800  }
0x83: {  	_ =	swait.ge [sflag:s31], $0x2800  }
0x84: {  	s16 =	sld [smem:$0x7FC];
	_ =	sdelay $0x2  }
0x85: {  	s18 =	rddreg [dreg:$0x1c];
	s12 =	sadd.s32 $0x1, s16  }
0x86: {  	p0 =	sne.s32 s12, s18  }
.Ltmp1:
0x87: {  	_ = 	snop;
	(pc) =	sbr.rel @!p0 .LBB2_7-.Ltmp1, $3  }
0x88: {  	_ =	sdelay $0x1  }
0x89: {  	[sflag:s31] =	ssyncset.done $0x0  }
0x8a: {  	[sflag:s31] =	ssyncadd.s32 $0xFFFFD800  }
.LBB2_1:
0x8b: {  	[smem:$0x7FC] =	sst s12  }
0x8c: {  	s3 =	rddreg [dreg:$0xe]  }
0x8d: {  	[tilespmem:s4], [sflag:$0x1] =	stream.linear.gather [hbm4b:s3+s4], $0x80, $0x38;
	[tilespmem:$0x1E400] =	vst v63  }
0x8e: {  	s18 =	rddreg [dreg:$0xf]  }
0x8f: {  	[tilespmem:s11], [sflag:$0x5] =	stream.linear.gather [hbm4b:s18+s4], $0x80, $0x38;
	[tilespmem:$0x1E400] =	vst v63  }
0x90: {  	s12 =	rddreg [dreg:$0xc];
	s13 =	simm.s32 $0x100  }
0x91: {  	[tilespmem:s13], [sflag:$0x2] =	stream.linear.gather [hbm4b:s12+s4], $0x80, $0x38;
	[tilespmem:$0x1E400] =	vst v63  }
0x92: {  	s14 =	rddreg [dreg:$0xd]  }
0x93: {  	[tilespmem:s15], [sflag:$0x6] =	stream.linear.gather [hbm4b:s14+s4], $0x80, $0x38;
	[tilespmem:$0x1E400] =	vst v63  }
0x94: {  	s16 =	rddreg [dreg:$0x10];
	s18 =	simm.s32 $0x200  }
0x95: {  	[tilespmem:s18], [sflag:$0x3] =	stream.linear.gather [hbm4b:s16+s4], $0x80, $0x38;
	[tilespmem:$0x1E400] =	vst v63  }
0x96: {  	s12 =	rddreg [dreg:$0x11]  }
0x97: {  	[tilespmem:s17], [sflag:$0x7] =	stream.linear.gather [hbm4b:s12+s4], $0x80, $0x38;
	[tilespmem:$0x1E400] =	vst v63  }
0x98: {  	s13 =	rddreg [dreg:$0x12];
	s14 =	simm.s32 $0x300  }
0x99: {  	[tilespmem:s14], [sflag:$0x4] =	stream.linear.gather [hbm4b:s13+s4], $0x80, $0x38;
	[tilespmem:$0x1E400] =	vst v63  }
0x9a: {  	s16 =	rddreg [dreg:$0x13];
	s18 =	sand.u32 $0xFE00, s4  }
0x9b: {  	[tilespmem:s19], [sflag:$0x8] =	stream.linear.gather [hbm4b:s16+s4], $0x80, $0x38;
	[tilespmem:$0x1E400] =	vst v63  }
0x9c: {  	s18 =	sshrl.u32 s18, $0x2;
	s16 =	sand.u32 $0x70, s4  }
0x9d: {  	s12 =	simm.s32 $0x40;
	s18 =	sor.u32 s16, s18;
	s16 =	simm.s32 $0x0  }
.LBB2_2:
0x9e: {  	p0 =	sne.s32 s12, $0x9FC0  }
0x9f: {  	[tilespmem:s18+$0x7C00] =	vst v0;
	s16 =	sadd.s32 $0x10, s16;
	s18 =	smov.u32 s12;
	s12 =	sadd.s32 $0x40, s12  }
.Ltmp2:
0xa0: {  	(pc) =	sbr.rel @p0 .LBB2_2-.Ltmp2, $4  }
0xa1: {  	_ = 	snop  }
0xa2: {  	s18 =	sand.u32 $0xFE00, s18  }
0xa3: {  	s13 =	sand.u32 $0x70, s16;
	s18 =	sshrl.u32 s18, $0x2  }
0xa4: {  	s18 =	sor.u32 s13, s18  }
0xa5: {  	[tilespmem:s18+$0x7C00] =	vst v0;
	s3 =	rddreg [dreg:$0x14]  }
0xa6: {  	[spmem:s3] =	stream.linear.scatter [tilespmem:s20], [sflag:$0x5], $0x2800, $0x38;
	[tilespmem:$0x1E400] =	vst v63  }
0xa7: {  	s12 =	rddreg [dreg:$0x15]  }
0xa8: {  	[spmem:s12] =	stream.linear.scatter [tilespmem:s20], [sflag:$0x5], $0x2800, $0x38;
	[tilespmem:$0x1E400] =	vst v63  }
0xa9: {  	s13 =	rddreg [dreg:$0x16]  }
0xaa: {  	[spmem:s13] =	stream.linear.scatter [tilespmem:s20], [sflag:$0x5], $0x2800, $0x38;
	[tilespmem:$0x1E400] =	vst v63  }
0xab: {  	s14 =	rddreg [dreg:$0x17]  }
0xac: {  	[spmem:s14] =	stream.linear.scatter [tilespmem:s20], [sflag:$0x5], $0x2800, $0x38;
	[tilespmem:$0x1E400] =	vst v63  }
0xad: {  	s16 =	rddreg [dreg:$0x18]  }
0xae: {  	[spmem:s16] =	stream.linear.scatter [tilespmem:s20], [sflag:$0x5], $0x2800, $0x38;
	[tilespmem:$0x1E400] =	vst v63  }
0xaf: {  	s18 =	rddreg [dreg:$0x19]  }
0xb0: {  	[spmem:s18] =	stream.linear.scatter [tilespmem:s20], [sflag:$0x5], $0x2800, $0x38;
	[tilespmem:$0x1E400] =	vst v63  }
0xb1: {  	s12 =	rddreg [dreg:$0x1a]  }
0xb2: {  	[spmem:s12] =	stream.linear.scatter [tilespmem:s20], [sflag:$0x5], $0x2800, $0x38;
	[tilespmem:$0x1E400] =	vst v63  }
0xb3: {  	s13 =	rddreg [dreg:$0x1b]  }
0xb4: {  	[spmem:s13] =	stream.linear.scatter [tilespmem:s20], [sflag:$0x5], $0x2800, $0x38;
	[tilespmem:$0x1E400] =	vst v63  }
0xb5: {  	_ =	swait.ge [sflag:s21], $0x80  }
0xb6: {  	[sflag:s21] =	ssyncset.done $0x0  }
0xb7: {  	s12 =	simm.s32 $0x0;
	[sflag:s21] =	ssyncadd.s32 $0xFFFFFF80  }
0xb8: {  	[tilespmem:s0], [sflag:$0x1] =	stream.indirect.gather [hbm4b:s1+s22], $0x80, s12, s22, $0xb8;
	[tilespmem:$0x1E400] =	vst v63  }
0xb9: {  	_ =	swait.ge [sflag:s6], $0x80  }
0xba: {  	[sflag:s6] =	ssyncset.done $0x0  }
0xbb: {  	s14 =	simm.s32 $0x100;
	[sflag:s6] =	ssyncadd.s32 $0xFFFFFF80  }
0xbc: {  	[tilespmem:s23], [sflag:$0x2] =	stream.indirect.gather [hbm4b:s1+s22], $0x80, s14, s22, $0xb8;
	[tilespmem:$0x1E400] =	vst v63  }
0xbd: {  	_ =	swait.ge [sflag:s24], $0x80  }
0xbe: {  	[sflag:s24] =	ssyncset.done $0x0  }
0xbf: {  	s16 =	simm.s32 $0x200;
	[sflag:s24] =	ssyncadd.s32 $0xFFFFFF80  }
0xc0: {  	[tilespmem:s25], [sflag:$0x3] =	stream.indirect.gather [hbm4b:s1+s22], $0x80, s16, s22, $0xb8;
	[tilespmem:$0x1E400] =	vst v63  }
0xc1: {  	_ =	swait.ge [sflag:s26], $0x2800  }
0xc2: {  	[sflag:s26] =	ssyncset.done $0x0  }
0xc3: {  	[sflag:s26] =	ssyncadd.s32 $0xFFFFD800  }
0xc4: {  	_ =	swait.ge [sflag:s26], $0x2800  }
0xc5: {  	[sflag:s26] =	ssyncset.done $0x0  }
0xc6: {  	[sflag:s26] =	ssyncadd.s32 $0xFFFFD800  }
0xc7: {  	_ =	swait.ge [sflag:s26], $0x2800  }
0xc8: {  	[sflag:s26] =	ssyncset.done $0x0  }
0xc9: {  	[sflag:s26] =	ssyncadd.s32 $0xFFFFD800  }
0xca: {  	_ =	swait.ge [sflag:s26], $0x2800  }
0xcb: {  	[sflag:s26] =	ssyncset.done $0x0  }
0xcc: {  	[sflag:s26] =	ssyncadd.s32 $0xFFFFD800  }
0xcd: {  	_ =	swait.ge [sflag:s26], $0x2800  }
0xce: {  	[sflag:s26] =	ssyncset.done $0x0  }
0xcf: {  	[sflag:s26] =	ssyncadd.s32 $0xFFFFD800  }
0xd0: {  	_ =	swait.ge [sflag:s26], $0x2800  }
0xd1: {  	[sflag:s26] =	ssyncset.done $0x0  }
0xd2: {  	[sflag:s26] =	ssyncadd.s32 $0xFFFFD800  }
0xd3: {  	_ =	swait.ge [sflag:s26], $0x2800  }
0xd4: {  	[sflag:s26] =	ssyncset.done $0x0  }
0xd5: {  	[sflag:s26] =	ssyncadd.s32 $0xFFFFD800  }
0xd6: {  	_ =	swait.ge [sflag:s26], $0x2800  }
0xd7: {  	[sflag:s26] =	ssyncset.done $0x0  }
0xd8: {  	[sflag:s26] =	ssyncadd.s32 $0xFFFFD800  }
0xd9: {  	_ =	swait.ge [sflag:s28], $0x80  }
0xda: {  	[sflag:s28] =	ssyncset.done $0x0  }
0xdb: {  	s18 =	simm.s32 $0x300;
	[sflag:s28] =	ssyncadd.s32 $0xFFFFFF80  }
0xdc: {  	[tilespmem:s20], [sflag:$0x4] =	stream.indirect.gather [hbm4b:s1+s22], $0x80, s18, s22, $0xb8;
	[tilespmem:$0x1E400] =	vst v63  }
0xdd: {  	[bflag:$0x0] =	sbarrier.arrive $0xFFFF  }
0xde: {  	s16 =	rddreg [dreg:$0x1e]  }
.LBB2_4:
0xdf: {  	_ =	swait.ge [sflag:s21], $0x2800  }
0xe0: {  	s13 =	sshrl.u32 s16, $0x3;
	[sflag:s21] =	ssyncset.done $0x0  }
0xe1: {  	s18 =	sadd.s32 s7, s13;
	[sflag:s21] =	ssyncadd.s32 $0xFFFFD800  }
0xe2: {  	[tilespmem:s4], [sflag:$0x1] =	stream.linear.gather [hbm4b:s18+s4], $0x80, $0x38;
	[tilespmem:$0x1E400] =	vst v63  }
0xe3: {  	_ =	swait.ge [sflag:s26], $0x80  }
0xe4: {  	[sflag:s26] =	ssyncset.done $0x0  }
0xe5: {  	[sflag:s26] =	ssyncadd.s32 $0xFFFFFF80  }
0xe6: {  	[spmem:s2] =	stream.indirect.scatter.add.f32 [tilespmem:s0], [sflag:$0x5], $0x80, s11, s22, $0xb8;
	[tilespmem:$0x1E400] =	vst v63  }
0xe7: {  	p0 =	seq.s32 s12, $0x780;
	_ =	swait.ge [sflag:s6], $0x2800  }
0xe8: {  	s14 =	simm.s32 @!p0 $0x0;
	[sflag:s6] =	ssyncset.done $0x0  }
0xe9: {  	s3 =	simm.s32 @!p0 $0x100;
	s18 =	sadd.s32 @!p0 s12, s5;
	[sflag:s6] =	ssyncadd.s32 $0xFFFFD800  }
0xea: {  	[tilespmem:s3], [sflag:$0x2] =	stream.linear.gather @!p0 [hbm4b:s18+s14], $0x80, $0x38;
	[tilespmem:$0x1E400] =	vst v63  }
0xeb: {  	_ =	swait.ge [sflag:s29], $0x80  }
0xec: {  	[sflag:s29] =	ssyncset.done $0x0  }
0xed: {  	[sflag:s29] =	ssyncadd.s32 $0xFFFFFF80  }
0xee: {  	[spmem:s2] =	stream.indirect.scatter.add.f32 [tilespmem:s23], [sflag:$0x6], $0x80, s15, s22, $0xb8;
	[tilespmem:$0x1E400] =	vst v63  }
0xef: {  	_ =	swait.ge [sflag:s24], $0x2800  }
0xf0: {  	[sflag:s24] =	ssyncset.done $0x0  }
0xf1: {  	s3 =	sadd.s32 @!p0 s12, s8;
	s18 =	simm.s32 @!p0 $0x200;
	[sflag:s24] =	ssyncadd.s32 $0xFFFFD800  }
0xf2: {  	[tilespmem:s18], [sflag:$0x3] =	stream.linear.gather @!p0 [hbm4b:s3+s14], $0x80, $0x38;
	[tilespmem:$0x1E400] =	vst v63  }
0xf3: {  	_ =	swait.ge [sflag:s30], $0x80  }
0xf4: {  	[sflag:s30] =	ssyncset.done $0x0  }
0xf5: {  	[sflag:s30] =	ssyncadd.s32 $0xFFFFFF80  }
0xf6: {  	[spmem:s2] =	stream.indirect.scatter.add.f32 [tilespmem:s25], [sflag:$0x7], $0x80, s17, s22, $0xb8;
	[tilespmem:$0x1E400] =	vst v63  }
0xf7: {  	_ =	swait.ge [sflag:s28], $0x2800  }
0xf8: {  	[sflag:s28] =	ssyncset.done $0x0  }
0xf9: {  	s3 =	sadd.s32 @!p0 s12, s10;
	s18 =	simm.s32 @!p0 $0x300;
	[sflag:s28] =	ssyncadd.s32 $0xFFFFD800  }
0xfa: {  	[tilespmem:s18], [sflag:$0x4] =	stream.linear.gather @!p0 [hbm4b:s3+s14], $0x80, $0x38;
	[tilespmem:$0x1E400] =	vst v63  }
0xfb: {  	_ =	swait.ge [sflag:s31], $0x80  }
0xfc: {  	[sflag:s31] =	ssyncset.done $0x0  }
0xfd: {  	[sflag:s31] =	ssyncadd.s32 $0xFFFFFF80  }
0xfe: {  	[spmem:s2] =	stream.indirect.scatter.add.f32 [tilespmem:s20], [sflag:$0x8], $0x80, s19, s22, $0xb8;
	[tilespmem:$0x1E400] =	vst v63  }
0xff: {  	_ =	swait.ge [sflag:s26], $0x2800  }
0x100: {  	[sflag:s26] =	ssyncset.done $0x0  }
0x101: {  	s18 =	sadd.s32 s9, s13;
	[sflag:s26] =	ssyncadd.s32 $0xFFFFD800  }
0x102: {  	[tilespmem:s11], [sflag:$0x5] =	stream.linear.gather [hbm4b:s18+s4], $0x80, $0x38;
	[tilespmem:$0x1E400] =	vst v63  }
0x103: {  	_ =	swait.ge [sflag:s21], $0x80  }
0x104: {  	[sflag:s21] =	ssyncset.done $0x0  }
.Ltmp3:
0x105: {  	[sflag:s21] =	ssyncadd.s32 $0xFFFFFF80;
	(pc) =	sbr.rel @p0 .LBB2_6-.Ltmp3, $4  }
0x106: {  	[tilespmem:s0], [sflag:$0x1] =	stream.indirect.gather [hbm4b:s1+s22], $0x80, s4, s22, $0xb8;
	[tilespmem:$0x1E400] =	vst v63  }
0x107: {  	_ =	swait.ge [sflag:s29], $0x2800  }
0x108: {  	[sflag:s29] =	ssyncset.done $0x0  }
0x109: {  	[sflag:s29] =	ssyncadd.s32 $0xFFFFD800  }
0x10a: {  	s3 =	rddreg [dreg:$0x1d]  }
0x10b: {  	s3 =	sadd.s32 s12, s3  }
0x10c: {  	[tilespmem:s15], [sflag:$0x6] =	stream.linear.gather [hbm4b:s3+s4], $0x80, $0x38;
	[tilespmem:$0x1E400] =	vst v63  }
0x10d: {  	_ =	swait.ge [sflag:s6], $0x80  }
0x10e: {  	[sflag:s6] =	ssyncset.done $0x0  }
0x10f: {  	s14 =	simm.s32 $0x100;
	[sflag:s6] =	ssyncadd.s32 $0xFFFFFF80  }
0x110: {  	[tilespmem:s23], [sflag:$0x2] =	stream.indirect.gather [hbm4b:s1+s22], $0x80, s14, s22, $0xb8;
	[tilespmem:$0x1E400] =	vst v63  }
0x111: {  	_ =	swait.ge [sflag:s30], $0x2800  }
0x112: {  	[sflag:s30] =	ssyncset.done $0x0;
	s18 =	rddreg [dreg:$0x1f]  }
0x113: {  	[sflag:s30] =	ssyncadd.s32 $0xFFFFD800;
	s3 =	sadd.s32 s12, s18  }
0x114: {  	[tilespmem:s17], [sflag:$0x7] =	stream.linear.gather [hbm4b:s3+s4], $0x80, $0x38;
	[tilespmem:$0x1E400] =	vst v63  }
0x115: {  	_ =	swait.ge [sflag:s24], $0x80  }
0x116: {  	[sflag:s24] =	ssyncset.done $0x0  }
0x117: {  	s13 =	simm.s32 $0x200;
	[sflag:s24] =	ssyncadd.s32 $0xFFFFFF80  }
0x118: {  	[tilespmem:s25], [sflag:$0x3] =	stream.indirect.gather [hbm4b:s1+s22], $0x80, s13, s22, $0xb8;
	[tilespmem:$0x1E400] =	vst v63  }
0x119: {  	_ =	swait.ge [sflag:s31], $0x2800  }
0x11a: {  	s14 =	sld [smem:$0x7FD];
	_ =	sdelay $0x1  }
0x11b: {  	[sflag:s31] =	ssyncset.done $0x0  }
0x11c: {  	[sflag:s31] =	ssyncadd.s32 $0xFFFFD800;
	s3 =	sadd.s32 s12, s14  }
0x11d: {  	[tilespmem:s19], [sflag:$0x8] =	stream.linear.gather [hbm4b:s3+s4], $0x80, $0x38;
	[tilespmem:$0x1E400] =	vst v63  }
.Ltmp4:
0x11e: {  	_ = 	snop;
	(pc) =	sbr.rel .LBB2_4-.Ltmp4, $4  }
0x11f: {  	_ =	swait.ge [sflag:s28], $0x80  }
0x120: {  	s16 =	sadd.s32 $0x200, s16;
	[sflag:s28] =	ssyncset.done $0x0  }
0x121: {  	s18 =	simm.s32 $0x300;
	s12 =	sadd.s32 $0x40, s12;
	[sflag:s28] =	ssyncadd.s32 $0xFFFFFF80  }
0x122: {  	[tilespmem:s20], [sflag:$0x4] =	stream.indirect.gather [hbm4b:s1+s22], $0x80, s18, s22, $0xb8;
	[tilespmem:$0x1E400] =	vst v63  }
.LBB2_7:
0x123: {  	_ =	sfence.sel $0x180000  }
0x124: {  	[bflag:$0x0] =	sbarrier.arrive $0xFFFF  }
0x125: {  	_ =	strace $0x9000004A  }
0x126: {  	s0 =	stileid.u32;
	[bflag:$0x2] =	sbarrier.arrive $0xFFFF  }
0x127: {  	p0 =	sne.s32 s0, $0x0;
	s0 =	rddreg [dreg:$0x3]  }
0x128: {  	s0 =	sadd.s32 @!p0 $0x100000, s0  }
0x129: {  	[sflag:s0] =	ssyncadd.tile.s32 @!p0 $0x1;
	_ =	shalt  }
.Lfunc_end2:
_tile_overlayer_lowered:
.L_overlay_start_2:
0x12a: {  	(tag) =	ssettag $0x2  }
0x12b: {  	s0 =	rddreg [dreg:$0x0];
	s2 =	stileid.u32  }
0x12c: {  	s1 =	rddreg [dreg:$0x1];
	p0 =	sne.s32 s2, $0x0  }
0x12d: {  	s3 =	rddreg [dreg:$0x2];
	[bflag:$0x3] =	sbarrier.arrive $0xFFFF;
	s2 =	simm.s32 @!p0 $0x1C09  }
0x12e: {  	[timem:s3], [sflag:s2] =	dma.local @!p0 [hbm:s0], s1  }
0x12f: {  	s0 =	simm.s32 @!p0 $0x9  }
0x130: {  	_ =	swait.ge @!p0 [sflag:s0], s1  }
0x131: {  	s1 =	ssub.s32 @!p0 $0x0, s1;
	[sflag:s0] =	ssyncset.done @!p0 $0x0  }
0x132: {  	[sflag:s0] =	ssyncadd.s32 @!p0 s1  }
0x133: {  	[bflag:$0x3] =	sbarrier.arrive $0xFFFF  }
0x134: {  	_ =	shalt  }

// kernel: kernel.14.cloned.1.call-start
scs
__scs_entry_jumppad:
0x0: {  	(pc) =	sbr.rel $0x88, $3  }
0x1: {  	(tag) =	ssettag $0x0;
	lr =	simm.s32 $0x1  }
0x2: {  	[smem:$0x3F9B] =	sst lr;
	_ =	strace $0xD0000000  }
0x3: {  	_ = 	snop  }
0x4: {  	_ = 	snop  }
0x5: {  	_ = 	snop  }
0x6: {  	_ = 	snop  }
0x7: {  	_ = 	snop  }
__scs_overlays_trampoline_lowered:
0x8: {  	[smem:$0x3FAA] =	sst s0  }
0x9: {  	[smem:$0x3FAB] =	sst s1  }
0xa: {  	[smem:$0x3FAC] =	sst s2  }
0xb: {  	[smem:$0x3FAD] =	sst s3  }
0xc: {  	[smem:$0x3FAE] =	sst s4  }
0xd: {  	[smem:$0x3FAF] =	sst s5  }
0xe: {  	[smem:$0x3FB0] =	sst s6  }
0xf: {  	[smem:$0x3FB1] =	sst s7  }
0x10: {  	[smem:$0x3FB2] =	sst s8  }
0x11: {  	[smem:$0x3FB3] =	sst s9;
	s0 =	simm.s32 @!p0 $0x0  }
0x12: {  	s1 =	sld [smem:$0x3F99];
	s0 =	simm.s32 @p0 $0x1  }
0x13: {  	[smem:$0x3FB4] =	sst s0;
	s0 =	simm.s32 @!p1 $0x0  }
0x14: {  	s2 =	sld [smem:$0x3F98];
	s0 =	simm.s32 @p1 $0x1  }
0x15: {  	[smem:$0x3FB5] =	sst s0;
	s0 =	simm.s32 @!p2 $0x0  }
0x16: {  	s3 =	sld [smem:$0x3FDB];
	s0 =	simm.s32 @p2 $0x1  }
0x17: {  	s4 =	simm.s32 $0x1BF5;
	[smem:$0x3FB7] =	sst s0  }
0x18: {  	s0 =	sld [smem:$0x3F9A];
	_ =	swait.ge [sflag:s4], $0x0  }
0x19: {  	s7 =	sld [smem:$0x3F9B]  }
0x1a: {  	s8 =	sadd.s32 $0xFFFFE003, lr  }
0x1b: {  	s9 =	sadd.s32 $0xFFFFFEF7, lr;
	s5 =	simm.s32 $0xFFFFFFFF;
	p2 =	slt.u32 s8, $0xFFFFF086  }
0x1c: {  	p1 =	slt.u32 s9, $0xF7A;
	s5 =	simm.s32 @!p2 $0x0  }
0x1d: {  	s5 =	simm.s32 @p1 $0x1;
	p0 =	seq.s32 s7, s2  }
0x1e: {  	s7 =	smul.u32 @!p0 $0xF7A, s2;
	p2 =	seq.s32 @!p0 s5, $0x0  }
0x1f: {  	s9 =	smul.u32 $0xF7A, s1;
	s8 =	simm.s32 @!p0 $0x1BF5;
	p2 =	por !p2, p0  }
0x20: {  	[sflag:s8] =	ssyncset.s32 @!p0 $0xFFFFF086;
	s6 =	sadd.s32 @!p0 s3, s7;
	s7 =	simm.s32 @!p0 $0x108  }
0x21: {  	s3 =	sadd.s32 s3, s9;
	s6 =	sadd.s32 @!p0 $0x88, s6;
	s7 =	simm.s32 @p2 $0x1082  }
0x22: {  	[simem:s7], [sflag:s8] =	dma.local @!p0 [hbm:s6], $0xF7A  }
0x23: {  	s9 =	sor.u32 $0xD0000000, s2;
	s6 =	simm.s32 $0x108;
	_ =	swait.ge @!p0 [sflag:s8], $0x0  }
0x24: {  	s3 =	sadd.s32 $0x88, s3;
	s6 =	simm.s32 @!p1 $0x1082;
	[sflag:s4] =	ssyncset.s32 $0xFFFFF086  }
0x25: {  	[simem:s6], [sflag:s4] =	dma.local [hbm:s3], $0xF7A  }
0x26: {  	[smem:$0x3F9B] =	sst s1;
	(tag) =	ssettag s2;
	_ =	strace s9  }
0x27: {  	s1 =	sld [smem:$0x3FAB]  }
0x28: {  	s2 =	sld [smem:$0x3FAC]  }
0x29: {  	s4 =	sld [smem:$0x3FAE]  }
0x2a: {  	p0 =	seq.s32 s5, $0x0;
	s5 =	sld [smem:$0x3FAF]  }
0x2b: {  	s6 =	sld [smem:$0x3FB0]  }
0x2c: {  	s7 =	sld [smem:$0x3FB1]  }
0x2d: {  	s3 =	simm.s32 $0x108;
	s8 =	sld [smem:$0x3FB2]  }
0x2e: {  	s3 =	simm.s32 @!p0 $0x1082;
	s9 =	sld [smem:$0x3FB3]  }
0x2f: {  	lr =	sadd.s32 s0, s3;
	s0 =	sld [smem:$0x3FAA]  }
0x30: {  	s3 =	sld [smem:$0x3FAD]  }
0x31: {  	[smem:$0x3FB6] =	sst s10  }
0x32: {  	s10 =	sld [smem:$0x3FB4];
	_ =	sdelay $0x3  }
0x33: {  	p0 =	seq.s32 s10, $0x1;
	s10 =	sld [smem:$0x3FB6];
	_ =	sdelay $0x3  }
0x34: {  	[smem:$0x3FB6] =	sst s10  }
0x35: {  	s10 =	sld [smem:$0x3FB5];
	_ =	sdelay $0x3  }
0x36: {  	p1 =	seq.s32 s10, $0x1;
	s10 =	sld [smem:$0x3FB6];
	_ =	sdelay $0x3  }
0x37: {  	[smem:$0x3FB6] =	sst s10  }
0x38: {  	s10 =	sld [smem:$0x3FB7]  }
0x39: {  	_ = 	snop;
	(pc) =	sbr.ind lr, $3  }
0x3a: {  	_ = 	snop  }
0x3b: {  	_ = 	snop  }
0x3c: {  	p2 =	seq.s32 s10, $0x1;
	s10 =	sld [smem:$0x3FB6]  }
0x3d: {  	_ =	shalt  }
0x3e: {  	_ =	shalt  }
0x3f: {  	_ =	shalt  }
0x40: {  	_ =	shalt  }
0x41: {  	_ =	shalt  }
0x42: {  	_ =	shalt  }
0x43: {  	_ =	shalt  }
0x44: {  	_ =	shalt  }
0x45: {  	_ =	shalt  }
0x46: {  	_ =	shalt  }
0x47: {  	_ =	shalt  }
0x48: {  	_ =	shalt  }
0x49: {  	_ =	shalt  }
0x4a: {  	_ =	shalt  }
0x4b: {  	_ =	shalt  }
0x4c: {  	_ =	shalt  }
0x4d: {  	_ =	shalt  }
0x4e: {  	_ =	shalt  }
0x4f: {  	_ =	shalt  }
0x50: {  	_ =	shalt  }
0x51: {  	_ =	shalt  }
0x52: {  	_ =	shalt  }
0x53: {  	_ =	shalt  }
0x54: {  	_ =	shalt  }
0x55: {  	_ =	shalt  }
0x56: {  	_ =	shalt  }
0x57: {  	_ =	shalt  }
0x58: {  	_ =	shalt  }
0x59: {  	_ =	shalt  }
0x5a: {  	_ =	shalt  }
0x5b: {  	_ =	shalt  }
0x5c: {  	_ =	shalt  }
0x5d: {  	_ =	shalt  }
0x5e: {  	_ =	shalt  }
0x5f: {  	_ =	shalt  }
0x60: {  	_ =	shalt  }
0x61: {  	_ =	shalt  }
0x62: {  	_ =	shalt  }
0x63: {  	_ =	shalt  }
0x64: {  	_ =	shalt  }
0x65: {  	_ =	shalt  }
0x66: {  	_ =	shalt  }
0x67: {  	_ =	shalt  }
0x68: {  	_ =	shalt  }
0x69: {  	_ =	shalt  }
0x6a: {  	_ =	shalt  }
0x6b: {  	_ =	shalt  }
0x6c: {  	_ =	shalt  }
0x6d: {  	_ =	shalt  }
0x6e: {  	_ =	shalt  }
0x6f: {  	_ =	shalt  }
0x70: {  	_ =	shalt  }
0x71: {  	_ =	shalt  }
0x72: {  	_ =	shalt  }
0x73: {  	_ =	shalt  }
0x74: {  	_ =	shalt  }
0x75: {  	_ =	shalt  }
0x76: {  	_ =	shalt  }
0x77: {  	_ =	shalt  }
0x78: {  	_ =	shalt  }
0x79: {  	_ =	shalt  }
0x7a: {  	_ =	shalt  }
0x7b: {  	_ =	shalt  }
0x7c: {  	_ =	shalt  }
0x7d: {  	_ =	shalt  }
0x7e: {  	_ =	shalt  }
0x7f: {  	_ =	shalt  }
0x80: {  	_ =	shalt  }
0x81: {  	_ =	shalt  }
0x82: {  	_ =	shalt  }
0x83: {  	_ =	shalt  }
0x84: {  	_ =	shalt  }
0x85: {  	_ =	shalt  }
0x86: {  	_ =	shalt  }
0x87: {  	_ =	shalt  }
.Lfunc_end0:
.L_simem_size_0:
called_computation.2_lowered:
.L_overlay_start_0:
0x88: {  	s2 =	sld [smem:$0x3FD9]  }
0x89: {  	s3 =	sld [smem:$0x3FFE];
	_ =	sdelay $0x1  }
0x8a: {  	s1 =	srdreg.scid  }
0x8b: {  	s0 =	sand.u32 $0x1, s1  }
0x8c: {  	s17 =	sshll.u32 s0, $0xA;
	s2 =	sadd.s32 s3, s2  }
0x8d: {  	s2 =	sadd.s32 s2, s17  }
0x8e: {  	[smem:$0x3FC2] =	sst s2  }
0x8f: {  	_ = 	snop  }
0x90: {  	s2 =	sld [smem:$0x3FD0];
	(tm) =	ssettm $0x1  }
0x91: {  	s18 =	sld [smem:$0x3FFB];
	_ =	sdelay $0x3  }
0x92: {  	_ =	strace s18  }
0x93: {  	s3 =	sld [smem:$0x3FFC];
	_ =	sdelay $0x3  }
0x94: {  	_ =	strace s3  }
0x95: {  	s3 =	sld [smem:$0x3FFD];
	_ =	sdelay $0x3  }
0x96: {  	_ =	strace s3  }
0x97: {  	_ =	strace $0x8FFFFFFF  }
0x98: {  	s19 =	sld [smem:$0x3FDB];
	_ =	sdelay $0x1  }
0x99: {  	s4 =	simm.s32 $_scs_section_size  }
0x9a: {  	s5 =	simm.s32 $_size__tile_overlayer_lowered;
	s6 =	simm.s32 $_tile_overlayer_lowered  }
0x9b: {  	s22 =	simm.s32 $0x1BFF;
	s21 =	sshll.u32 s6, $0x1;
	s3 =	sadd.s32 s4, s19  }
0x9c: {  	s7 =	simm.s32 $0x0;
	s20 =	sshll.u32 s5, $0x1;
	s5 =	sadd.s32 s21, s3  }
0x9d: {  	[timem:s7], [sflag:s22] =	dma.local [hbm:s5], s20  }
0x9e: {  	_ =	swait.ge [sflag:s22], s20  }
0x9f: {  	s4 =	ssub.s32 $0x0, s20;
	[sflag:s22] =	ssyncset.done $0x0  }
0xa0: {  	[sflag:s22] =	ssyncadd.s32 s4;
	_ =	sdelay $0x1  }
0xa1: {  	s23 =	simm.s32 $0x1B8B  }
0xa2: {  	_ =	swait.ge [sflag:s23], $0x1  }
0xa3: {  	[sflag:s23] =	ssyncset.done $0x0  }
0xa4: {  	s25 =	simm.s32 $0x1B8E;
	s24 =	sld [smem:$0x3FFE];
	[sflag:s23] =	ssyncadd.s32 $0xFFFFFFFF  }
0xa5: {  	s26 =	simm.s32 $execute0_lowered;
	[smem:$0x3FD2] =	sst s25  }
0xa6: {  	s5 =	sshll.u32 s26, $0x1;
	_ =	strace $0x8000004C;
	[dreg:$0x1] =	wrdreg $0xFFFFFFFF  }
0xa7: {  	s28 =	simm.s32 $_size_execute0_lowered;
	s3 =	sadd.s32 s3, s5;
	[dreg:$0x0] =	wrdreg $0x0  }
0xa8: {  	s5 =	sshll.u32 s28, $0x1;
	[dreg:$0x2] =	wrdreg s3  }
0xa9: {  	[dreg:$0x3] =	wrdreg s5  }
0xaa: {  	[dreg:$0x4] =	wrdreg $0xC0  }
0xab: {  	_ =	task [dreg:s7], $0x5FFFF  }
0xac: {  	[dreg:$0x1] =	wrdreg $0xFFFFFFFF  }
0xad: {  	[dreg:$0x0] =	wrdreg $0x60  }
0xae: {  	[dreg:$0x2] =	wrdreg s2  }
0xaf: {  	[dreg:$0x3] =	wrdreg s24  }
0xb0: {  	[dreg:$0x4] =	wrdreg $0xA4000  }
0xb1: {  	[dreg:$0x5] =	wrdreg $0x9  }
0xb2: {  	_ =	task.clear_ibuf [dreg:s7], $0x6FFFF;
	_ =	strace $0x9000004C  }
0xb3: {  	s29 =	simm.s32 $0x9;
	_ =	strace $0x8000004E  }
0xb4: {  	_ =	swait.ge [sflag:s29], $0x1  }
0xb5: {  	[sflag:s29] =	ssyncadd.s32 $0xFFFFFFFF  }
0xb6: {  	_ =	strace $0x9000004E  }
0xb7: {  	_ =	sfence  }
0xb8: {  	s30 =	sld [smem:$0x0];
	_ =	sdelay $0x2  }
0xb9: {  	s31 =	sshll.u32 s1, $0xD;
	s1 =	sshrl.u32 s1, $0x2  }
0xba: {  	s3 =	sand.u32 $0x4000, s31;
	s1 =	sadd.s32 s1, s30  }
0xbb: {  	s0 =	sor.u32 s3, s0;
	s1 =	sshll.u32 s1, $0x11  }
0xbc: {  	s0 =	sor.u32 s1, s0  }
0xbd: {  	s0 =	sadd.s32 $0x8F2B, s0  }
0xbe: {  	[sflag:s0] =	ssyncadd.remote.s32 $0x1  }
0xbf: {  	_ =	sfence.sel $0xFFFF  }
0xc0: {  	[dreg:$0x0] =	wrdreg $0xFFFFFFFF;
	(pc) =	sbr.abs _section_cstart, $3  }
0xc1: {  	[dreg:$0x1] =	wrdreg $0xFFFFFFFF  }
0xc2: {  	_ =	task.clear_ibuf [dreg:s7], $0x2FFFF;
	_ =	strace $0x9FFFFFFF  }
0xc3: {  	(tm) =	ssettm $0x7FFFFFFF  }
tec
execute0_lowered:
.L_overlay_start_1:
0x0: {  	(tag) =	ssettag $0x1  }
0x1: {  	s1 =	rddreg [dreg:$0x0]  }
0x2: {  	s3 =	rddreg [dreg:$0x1]  }
0x3: {  	s2 =	rddreg [dreg:$0x2];
	s4 =	simm.s32 $0x0;
	s0 =	srdreg.scid  }
0x4: {  	s19 =	stileid.u32;
	s28 =	simm.s32 $0x4;
	s29 =	simm.s32 $0x6  }
0x5: {  	s30 =	simm.s32 $0x7;
	s5 =	sand.u32 $0x1, s0;
	s8 =	smul.u32 $0x14000, s19  }
0x6: {  	[smem:$0x7FF] =	sst s4;
	s9 =	sadd.s32 $0x2B400, s3;
	s11 =	smul.u32 $0x140000, s5  }
0x7: {  	s0 =	ssub.s32 $0x2, s5;
	s6 =	sshll.u32 s5, $0x4;
	s5 =	smul.u32 $0x3E800, s5  }
0x8: {  	s7 =	sshrl.u32 s0, $0x1;
	s6 =	sor.u32 s19, s6;
	s10 =	sadd.s32 $0x5000, s8  }
0x9: {  	s12 =	sadd.s32 $0x7800, s8;
	s15 =	sadd.s32 $0xA000, s8;
	s16 =	sadd.s32 $0xC800, s8  }
0xa: {  	s17 =	sadd.s32 $0xF000, s8;
	s18 =	sadd.s32 $0x11800, s8;
	s0 =	ssub.s32 s0, s7  }
0xb: {  	s6 =	smul.u32 $0x3E80, s6;
	s7 =	sor.u32 $0x2800, s8;
	s8 =	sadd.s32 s8, s11  }
0xc: {  	s14 =	sadd.s32 s11, s10;
	s20 =	sadd.s32 s11, s16;
	s8 =	sshrl.u32 s8, $0x3  }
0xd: {  	s13 =	sadd.s32 s11, s7;
	s25 =	sshrl.u32 s14, $0x3;
	s14 =	sadd.s32 s11, s15  }
0xe: {  	s22 =	sshrl.u32 s20, $0x3;
	s8 =	sadd.s32 s9, s8;
	s24 =	sshrl.u32 s13, $0x3  }
0xf: {  	s26 =	sadd.s32 s9, s25;
	s13 =	sadd.s32 s11, s12;
	[dreg:$0x4] =	wrdreg s8  }
0x10: {  	s21 =	sshrl.u32 s14, $0x3;
	s8 =	sadd.s32 s9, s24;
	[dreg:$0x6] =	wrdreg s26  }
0x11: {  	s23 =	sadd.s32 s9, s22;
	[dreg:$0x5] =	wrdreg s8;
	s8 =	sshrl.u32 s13, $0x3  }
0x12: {  	s6 =	sshrl.u32 s6, $0x3;
	[dreg:$0x9] =	wrdreg s23;
	s8 =	sadd.s32 s9, s8  }
0x13: {  	s24 =	sadd.s32 s11, s17;
	[dreg:$0x7] =	wrdreg s8;
	s8 =	sadd.s32 s9, s21  }
0x14: {  	s11 =	sadd.s32 s11, s18;
	[dreg:$0x8] =	wrdreg s8;
	s8 =	sshrl.u32 s24, $0x3  }
0x15: {  	s25 =	sshrl.u32 s11, $0x3;
	s13 =	sadd.s32 $0x1BA00, s3;
	s8 =	sadd.s32 s9, s8  }
0x16: {  	[dreg:$0xa] =	wrdreg s8;
	s8 =	sadd.s32 s9, s25;
	s9 =	sadd.s32 $0x10, s6  }
0x17: {  	s14 =	sadd.s32 $0xC000, s3;
	[dreg:$0xb] =	wrdreg s8;
	s11 =	sadd.s32 s13, s9  }
0x18: {  	s3 =	sadd.s32 s14, s9;
	_ =	strace $0x8000004D;
	[dreg:$0xc] =	wrdreg s11  }
0x19: {  	s26 =	smul.u32 $0x3E80, s19;
	s20 =	sadd.s32 s13, s6;
	[dreg:$0xd] =	wrdreg s3  }
0x1a: {  	s23 =	sadd.s32 s14, s6;
	s21 =	sadd.s32 $0x20, s6;
	[dreg:$0xe] =	wrdreg s20  }
0x1b: {  	s24 =	sadd.s32 s13, s21;
	s6 =	sadd.s32 $0x30, s6;
	[dreg:$0xf] =	wrdreg s23  }
0x1c: {  	s8 =	sadd.s32 s26, s5;
	s26 =	sadd.s32 s13, s6;
	[dreg:$0x10] =	wrdreg s24  }
0x1d: {  	s31 =	simm.s32 $0x8;
	s6 =	sadd.s32 s14, s6;
	[dreg:$0x12] =	wrdreg s26  }
0x1e: {  	s22 =	smul.u32 $0x50000, s19;
	s9 =	sadd.s32 s7, s2;
	[dreg:$0x13] =	wrdreg s6  }
0x1f: {  	s10 =	sadd.s32 s10, s2;
	s0 =	smax.u32 s0, $0x1;
	[dreg:$0x15] =	wrdreg s9  }
0x20: {  	s19 =	sadd.s32 s18, s2;
	s25 =	sshrl.u32 s22, $0x2;
	[dreg:$0x16] =	wrdreg s10  }
0x21: {  	s7 =	smov.u32 s13;
	s3 =	sadd.s32 s14, s21;
	[dreg:$0x1b] =	wrdreg s19  }
0x22: {  	s11 =	sadd.s32 s12, s2;
	s12 =	sadd.s32 s15, s2;
	[dreg:$0x1c] =	wrdreg s0  }
0x23: {  	s15 =	sadd.s32 s16, s2;
	s16 =	sadd.s32 s17, s2;
	[dreg:$0x11] =	wrdreg s3  }
0x24: {  	s17 =	sadd.s32 $0x280, s8;
	s21 =	sadd.s32 $0x300, s8;
	[dreg:$0x17] =	wrdreg s11  }
0x25: {  	s22 =	sadd.s32 $0x200, s8;
	s23 =	sadd.s32 $0x380, s8;
	[dreg:$0x18] =	wrdreg s12  }
0x26: {  	s9 =	smov.u32 s14;
	s19 =	simm.s32 $0x380;
	[dreg:$0x19] =	wrdreg s15  }
0x27: {  	s6 =	simm.s32 $0x2;
	s3 =	sadd.s32 s25, s2;
	[dreg:$0x1a] =	wrdreg s16  }
0x28: {  	s20 =	sshrl.u32 s17, $0x3;
	s0 =	sshrl.u32 s21, $0x3;
	[dreg:$0x1e] =	wrdreg s22  }
0x29: {  	s25 =	sshrl.u32 s23, $0x3;
	s11 =	simm.s32 $0x80;
	s15 =	simm.s32 $0x180  }
0x2a: {  	s17 =	simm.s32 $0x280;
	s21 =	simm.s32 $0x1;
	s22 =	simm.s32 $0x50  }
0x2b: {  	s23 =	simm.s32 $0x2C00;
	s12 =	simm.s32 $0x0;
	[dreg:$0x14] =	wrdreg s3  }
.Ltmp0:
0x2c: {  	s3 =	sadd.s32 s20, s14;
	s5 =	sadd.s32 s20, s13;
	(pc) =	sbr.rel .LBB2_1-.Ltmp0, $4  }
0x2d: {  	s24 =	sadd.s32 s0, s14;
	s8 =	sadd.s32 s0, s13;
	s26 =	sadd.s32 s25, s14  }
0x2e: {  	s10 =	sadd.s32 s25, s13;
	s20 =	simm.s32 $0x7C00;
	[dreg:$0x1d] =	wrdreg s3  }
0x2f: {  	s0 =	simm.s32 $0x400;
	s25 =	simm.s32 $0x5400;
	[dreg:$0x1f] =	wrdreg s24  }
0x30: {  	v0 =	vimm.f32 $0.0e+00;
	[smem:$0x7FD] =	sst s26;
	s24 =	simm.s32 $0x3;
	s26 =	simm.s32 $0x5  }
.LBB2_6:
0x31: {  	_ =	swait.ge [sflag:s30], $0x2800  }
0x32: {  	[sflag:s30] =	ssyncset.done $0x0  }
0x33: {  	[sflag:s30] =	ssyncadd.s32 $0xFFFFD800  }
0x34: {  	_ =	swait.ge [sflag:s31], $0x2800  }
0x35: {  	[sflag:s31] =	ssyncset.done $0x0  }
0x36: {  	[sflag:s31] =	ssyncadd.s32 $0xFFFFD800  }
0x37: {  	_ =	swait.ge [sflag:s21], $0x2800  }
0x38: {  	[sflag:s21] =	ssyncset.done $0x0  }
0x39: {  	[sflag:s21] =	ssyncadd.s32 $0xFFFFD800  }
0x3a: {  	_ =	swait.ge [sflag:s26], $0x80  }
0x3b: {  	[sflag:s26] =	ssyncset.done $0x0  }
0x3c: {  	[sflag:s26] =	ssyncadd.s32 $0xFFFFFF80  }
0x3d: {  	[spmem:s2] =	stream.indirect.scatter.add.f32 [tilespmem:s0], [sflag:$0x5], $0x80, s11, s22, $0xb8;
	[tilespmem:$0x1E400] =	vst v63  }
0x3e: {  	_ =	swait.ge [sflag:s26], $0x2800  }
0x3f: {  	[sflag:s26] =	ssyncset.done $0x0  }
0x40: {  	[sflag:s26] =	ssyncadd.s32 $0xFFFFD800  }
0x41: {  	[bflag:$0x0] =	sbarrier.arrive $0xFFFF  }
0x42: {  	s12 =	simm.s32 $0x9;
	s3 =	rddreg [dreg:$0x14]  }
0x43: {  	[tilespmem:s0], [sflag:$0x9] =	stream.linear.gather [spmem:s3], $0x2800, $0x38;
	[tilespmem:$0x1E400] =	vst v63  }
0x44: {  	_ =	swait.ge [sflag:s12], $0x2800  }
0x45: {  	[sflag:s12] =	ssyncset.done $0x0  }
0x46: {  	s18 =	rddreg [dreg:$0x4];
	[sflag:s12] =	ssyncadd.s32 $0xFFFFD800  }
0x47: {  	[hbm4b:s18+s4] =	stream.linear.scatter [tilespmem:s0], [sflag:$0x5], $0x2800, $0x38;
	[tilespmem:$0x1E400] =	vst v63  }
0x48: {  	s13 =	rddreg [dreg:$0x15]  }
0x49: {  	[tilespmem:s23], [sflag:$0x9] =	stream.linear.gather [spmem:s13], $0x2800, $0x38;
	[tilespmem:$0x1E400] =	vst v63  }
0x4a: {  	_ =	swait.ge [sflag:s12], $0x2800  }
0x4b: {  	[sflag:s12] =	ssyncset.done $0x0  }
0x4c: {  	s14 =	rddreg [dreg:$0x5];
	[sflag:s12] =	ssyncadd.s32 $0xFFFFD800  }
0x4d: {  	[hbm4b:s14+s4] =	stream.linear.scatter [tilespmem:s23], [sflag:$0x6], $0x2800, $0x38;
	[tilespmem:$0x1E400] =	vst v63  }
0x4e: {  	s16 =	rddreg [dreg:$0x16]  }
0x4f: {  	[tilespmem:s25], [sflag:$0x9] =	stream.linear.gather [spmem:s16], $0x2800, $0x38;
	[tilespmem:$0x1E400] =	vst v63  }
0x50: {  	_ =	swait.ge [sflag:s12], $0x2800  }
0x51: {  	[sflag:s12] =	ssyncset.done $0x0  }
0x52: {  	s18 =	rddreg [dreg:$0x6];
	[sflag:s12] =	ssyncadd.s32 $0xFFFFD800  }
0x53: {  	[hbm4b:s18+s4] =	stream.linear.scatter [tilespmem:s25], [sflag:$0x7], $0x2800, $0x38;
	[tilespmem:$0x1E400] =	vst v63  }
0x54: {  	s13 =	rddreg [dreg:$0x17]  }
0x55: {  	[tilespmem:s20], [sflag:$0x9] =	stream.linear.gather [spmem:s13], $0x2800, $0x38;
	[tilespmem:$0x1E400] =	vst v63  }
0x56: {  	_ =	swait.ge [sflag:s12], $0x2800  }
0x57: {  	[sflag:s12] =	ssyncset.done $0x0  }
0x58: {  	s14 =	rddreg [dreg:$0x7];
	[sflag:s12] =	ssyncadd.s32 $0xFFFFD800  }
0x59: {  	[hbm4b:s14+s4] =	stream.linear.scatter [tilespmem:s20], [sflag:$0x8], $0x2800, $0x38;
	[tilespmem:$0x1E400] =	vst v63  }
0x5a: {  	_ =	swait.ge [sflag:s26], $0x2800  }
0x5b: {  	[sflag:s26] =	ssyncset.done $0x0  }
0x5c: {  	s16 =	rddreg [dreg:$0x18];
	[sflag:s26] =	ssyncadd.s32 $0xFFFFD800  }
0x5d: {  	[tilespmem:s0], [sflag:$0x9] =	stream.linear.gather [spmem:s16], $0x2800, $0x38;
	[tilespmem:$0x1E400] =	vst v63  }
0x5e: {  	_ =	swait.ge [sflag:s12], $0x2800  }
0x5f: {  	[sflag:s12] =	ssyncset.done $0x0  }
0x60: {  	s18 =	rddreg [dreg:$0x8];
	[sflag:s12] =	ssyncadd.s32 $0xFFFFD800  }
0x61: {  	[hbm4b:s18+s4] =	stream.linear.scatter [tilespmem:s0], [sflag:$0x5], $0x2800, $0x38;
	[tilespmem:$0x1E400] =	vst v63  }
0x62: {  	_ =	swait.ge [sflag:s29], $0x2800  }
0x63: {  	[sflag:s29] =	ssyncset.done $0x0  }
0x64: {  	s13 =	rddreg [dreg:$0x19];
	[sflag:s29] =	ssyncadd.s32 $0xFFFFD800  }
0x65: {  	[tilespmem:s23], [sflag:$0x9] =	stream.linear.gather [spmem:s13], $0x2800, $0x38;
	[tilespmem:$0x1E400] =	vst v63  }
0x66: {  	_ =	swait.ge [sflag:s12], $0x2800  }
0x67: {  	[sflag:s12] =	ssyncset.done $0x0  }
0x68: {  	s14 =	rddreg [dreg:$0x9];
	[sflag:s12] =	ssyncadd.s32 $0xFFFFD800  }
0x69: {  	[hbm4b:s14+s4] =	stream.linear.scatter [tilespmem:s23], [sflag:$0x6], $0x2800, $0x38;
	[tilespmem:$0x1E400] =	vst v63  }
0x6a: {  	_ =	swait.ge [sflag:s30], $0x2800  }
0x6b: {  	[sflag:s30] =	ssyncset.done $0x0  }
0x6c: {  	s16 =	rddreg [dreg:$0x1a];
	[sflag:s30] =	ssyncadd.s32 $0xFFFFD800  }
0x6d: {  	[tilespmem:s25], [sflag:$0x9] =	stream.linear.gather [spmem:s16], $0x2800, $0x38;
	[tilespmem:$0x1E400] =	vst v63  }
0x6e: {  	_ =	swait.ge [sflag:s12], $0x2800  }
0x6f: {  	[sflag:s12] =	ssyncset.done $0x0  }
0x70: {  	s18 =	rddreg [dreg:$0xa];
	[sflag:s12] =	ssyncadd.s32 $0xFFFFD800  }
0x71: {  	[hbm4b:s18+s4] =	stream.linear.scatter [tilespmem:s25], [sflag:$0x7], $0x2800, $0x38;
	[tilespmem:$0x1E400] =	vst v63  }
0x72: {  	_ =	swait.ge [sflag:s31], $0x2800  }
0x73: {  	[sflag:s31] =	ssyncset.done $0x0  }
0x74: {  	s13 =	rddreg [dreg:$0x1b];
	[sflag:s31] =	ssyncadd.s32 $0xFFFFD800  }
0x75: {  	[tilespmem:s20], [sflag:$0x9] =	stream.linear.gather [spmem:s13], $0x2800, $0x38;
	[tilespmem:$0x1E400] =	vst v63  }
0x76: {  	_ =	swait.ge [sflag:s12], $0x2800  }
0x77: {  	[sflag:s12] =	ssyncset.done $0x0  }
0x78: {  	s14 =	rddreg [dreg:$0xb];
	[sflag:s12] =	ssyncadd.s32 $0xFFFFD800  }
0x79: {  	[hbm4b:s14+s4] =	stream.linear.scatter [tilespmem:s20], [sflag:$0x8], $0x2800, $0x38;
	[tilespmem:$0x1E400] =	vst v63  }
0x7a: {  	_ =	swait.ge [sflag:s26], $0x2800  }
0x7b: {  	[sflag:s26] =	ssyncset.done $0x0  }
0x7c: {  	[sflag:s26] =	ssyncadd.s32 $0xFFFFD800  }
0x7d: {  	_ =	swait.ge [sflag:s29], $0x2800  }
0x7e: {  	[sflag:s29] =	ssyncset.done $0x0  }
0x7f: {  	[sflag:s29] =	ssyncadd.s32 $0xFFFFD800  }
0x80: {  	_ =	swait.ge [sflag:s30], $0x2800  }
0x81: {  	[sflag:s30] =	ssyncset.done $0x0  }
0x82: {  	[sflag:s30] =	ssyncadd.s32 $0xFFFFD800  }
0x83: {  	_ =	swait.ge [sflag:s31], $0x2800  }
0x84: {  	s16 =	sld [smem:$0x7FC];
	_ =	sdelay $0x2  }
0x85: {  	s18 =	rddreg [dreg:$0x1c];
	s12 =	sadd.s32 $0x1, s16  }
0x86: {  	p0 =	sne.s32 s12, s18  }
.Ltmp1:
0x87: {  	_ = 	snop;
	(pc) =	sbr.rel @!p0 .LBB2_7-.Ltmp1, $3  }
0x88: {  	_ =	sdelay $0x1  }
0x89: {  	[sflag:s31] =	ssyncset.done $0x0  }
0x8a: {  	[sflag:s31] =	ssyncadd.s32 $0xFFFFD800  }
.LBB2_1:
0x8b: {  	[smem:$0x7FC] =	sst s12  }
0x8c: {  	s3 =	rddreg [dreg:$0xe]  }
0x8d: {  	[tilespmem:s4], [sflag:$0x1] =	stream.linear.gather [hbm4b:s3+s4], $0x80, $0x38;
	[tilespmem:$0x1E400] =	vst v63  }
0x8e: {  	s18 =	rddreg [dreg:$0xf]  }
0x8f: {  	[tilespmem:s11], [sflag:$0x5] =	stream.linear.gather [hbm4b:s18+s4], $0x80, $0x38;
	[tilespmem:$0x1E400] =	vst v63  }
0x90: {  	s12 =	rddreg [dreg:$0xc];
	s13 =	simm.s32 $0x100  }
0x91: {  	[tilespmem:s13], [sflag:$0x2] =	stream.linear.gather [hbm4b:s12+s4], $0x80, $0x38;
	[tilespmem:$0x1E400] =	vst v63  }
0x92: {  	s14 =	rddreg [dreg:$0xd]  }
0x93: {  	[tilespmem:s15], [sflag:$0x6] =	stream.linear.gather [hbm4b:s14+s4], $0x80, $0x38;
	[tilespmem:$0x1E400] =	vst v63  }
0x94: {  	s16 =	rddreg [dreg:$0x10];
	s18 =	simm.s32 $0x200  }
0x95: {  	[tilespmem:s18], [sflag:$0x3] =	stream.linear.gather [hbm4b:s16+s4], $0x80, $0x38;
	[tilespmem:$0x1E400] =	vst v63  }
0x96: {  	s12 =	rddreg [dreg:$0x11]  }
0x97: {  	[tilespmem:s17], [sflag:$0x7] =	stream.linear.gather [hbm4b:s12+s4], $0x80, $0x38;
	[tilespmem:$0x1E400] =	vst v63  }
0x98: {  	s13 =	rddreg [dreg:$0x12];
	s14 =	simm.s32 $0x300  }
0x99: {  	[tilespmem:s14], [sflag:$0x4] =	stream.linear.gather [hbm4b:s13+s4], $0x80, $0x38;
	[tilespmem:$0x1E400] =	vst v63  }
0x9a: {  	s16 =	rddreg [dreg:$0x13];
	s18 =	sand.u32 $0xFE00, s4  }
0x9b: {  	[tilespmem:s19], [sflag:$0x8] =	stream.linear.gather [hbm4b:s16+s4], $0x80, $0x38;
	[tilespmem:$0x1E400] =	vst v63  }
0x9c: {  	s18 =	sshrl.u32 s18, $0x2;
	s16 =	sand.u32 $0x70, s4  }
0x9d: {  	s12 =	simm.s32 $0x40;
	s18 =	sor.u32 s16, s18;
	s16 =	simm.s32 $0x0  }
.LBB2_2:
0x9e: {  	p0 =	sne.s32 s12, $0x9FC0  }
0x9f: {  	[tilespmem:s18+$0x7C00] =	vst v0;
	s16 =	sadd.s32 $0x10, s16;
	s18 =	smov.u32 s12;
	s12 =	sadd.s32 $0x40, s12  }
.Ltmp2:
0xa0: {  	(pc) =	sbr.rel @p0 .LBB2_2-.Ltmp2, $4  }
0xa1: {  	_ = 	snop  }
0xa2: {  	s18 =	sand.u32 $0xFE00, s18  }
0xa3: {  	s13 =	sand.u32 $0x70, s16;
	s18 =	sshrl.u32 s18, $0x2  }
0xa4: {  	s18 =	sor.u32 s13, s18  }
0xa5: {  	[tilespmem:s18+$0x7C00] =	vst v0;
	s3 =	rddreg [dreg:$0x14]  }
0xa6: {  	[spmem:s3] =	stream.linear.scatter [tilespmem:s20], [sflag:$0x5], $0x2800, $0x38;
	[tilespmem:$0x1E400] =	vst v63  }
0xa7: {  	s12 =	rddreg [dreg:$0x15]  }
0xa8: {  	[spmem:s12] =	stream.linear.scatter [tilespmem:s20], [sflag:$0x5], $0x2800, $0x38;
	[tilespmem:$0x1E400] =	vst v63  }
0xa9: {  	s13 =	rddreg [dreg:$0x16]  }
0xaa: {  	[spmem:s13] =	stream.linear.scatter [tilespmem:s20], [sflag:$0x5], $0x2800, $0x38;
	[tilespmem:$0x1E400] =	vst v63  }
0xab: {  	s14 =	rddreg [dreg:$0x17]  }
0xac: {  	[spmem:s14] =	stream.linear.scatter [tilespmem:s20], [sflag:$0x5], $0x2800, $0x38;
	[tilespmem:$0x1E400] =	vst v63  }
0xad: {  	s16 =	rddreg [dreg:$0x18]  }
0xae: {  	[spmem:s16] =	stream.linear.scatter [tilespmem:s20], [sflag:$0x5], $0x2800, $0x38;
	[tilespmem:$0x1E400] =	vst v63  }
0xaf: {  	s18 =	rddreg [dreg:$0x19]  }
0xb0: {  	[spmem:s18] =	stream.linear.scatter [tilespmem:s20], [sflag:$0x5], $0x2800, $0x38;
	[tilespmem:$0x1E400] =	vst v63  }
0xb1: {  	s12 =	rddreg [dreg:$0x1a]  }
0xb2: {  	[spmem:s12] =	stream.linear.scatter [tilespmem:s20], [sflag:$0x5], $0x2800, $0x38;
	[tilespmem:$0x1E400] =	vst v63  }
0xb3: {  	s13 =	rddreg [dreg:$0x1b]  }
0xb4: {  	[spmem:s13] =	stream.linear.scatter [tilespmem:s20], [sflag:$0x5], $0x2800, $0x38;
	[tilespmem:$0x1E400] =	vst v63  }
0xb5: {  	_ =	swait.ge [sflag:s21], $0x80  }
0xb6: {  	[sflag:s21] =	ssyncset.done $0x0  }
0xb7: {  	s12 =	simm.s32 $0x0;
	[sflag:s21] =	ssyncadd.s32 $0xFFFFFF80  }
0xb8: {  	[tilespmem:s0], [sflag:$0x1] =	stream.indirect.gather [hbm4b:s1+s22], $0x80, s12, s22, $0xb8;
	[tilespmem:$0x1E400] =	vst v63  }
0xb9: {  	_ =	swait.ge [sflag:s6], $0x80  }
0xba: {  	[sflag:s6] =	ssyncset.done $0x0  }
0xbb: {  	s14 =	simm.s32 $0x100;
	[sflag:s6] =	ssyncadd.s32 $0xFFFFFF80  }
0xbc: {  	[tilespmem:s23], [sflag:$0x2] =	stream.indirect.gather [hbm4b:s1+s22], $0x80, s14, s22, $0xb8;
	[tilespmem:$0x1E400] =	vst v63  }
0xbd: {  	_ =	swait.ge [sflag:s24], $0x80  }
0xbe: {  	[sflag:s24] =	ssyncset.done $0x0  }
0xbf: {  	s16 =	simm.s32 $0x200;
	[sflag:s24] =	ssyncadd.s32 $0xFFFFFF80  }
0xc0: {  	[tilespmem:s25], [sflag:$0x3] =	stream.indirect.gather [hbm4b:s1+s22], $0x80, s16, s22, $0xb8;
	[tilespmem:$0x1E400] =	vst v63  }
0xc1: {  	_ =	swait.ge [sflag:s26], $0x2800  }
0xc2: {  	[sflag:s26] =	ssyncset.done $0x0  }
0xc3: {  	[sflag:s26] =	ssyncadd.s32 $0xFFFFD800  }
0xc4: {  	_ =	swait.ge [sflag:s26], $0x2800  }
0xc5: {  	[sflag:s26] =	ssyncset.done $0x0  }
0xc6: {  	[sflag:s26] =	ssyncadd.s32 $0xFFFFD800  }
0xc7: {  	_ =	swait.ge [sflag:s26], $0x2800  }
0xc8: {  	[sflag:s26] =	ssyncset.done $0x0  }
0xc9: {  	[sflag:s26] =	ssyncadd.s32 $0xFFFFD800  }
0xca: {  	_ =	swait.ge [sflag:s26], $0x2800  }
0xcb: {  	[sflag:s26] =	ssyncset.done $0x0  }
0xcc: {  	[sflag:s26] =	ssyncadd.s32 $0xFFFFD800  }
0xcd: {  	_ =	swait.ge [sflag:s26], $0x2800  }
0xce: {  	[sflag:s26] =	ssyncset.done $0x0  }
0xcf: {  	[sflag:s26] =	ssyncadd.s32 $0xFFFFD800  }
0xd0: {  	_ =	swait.ge [sflag:s26], $0x2800  }
0xd1: {  	[sflag:s26] =	ssyncset.done $0x0  }
0xd2: {  	[sflag:s26] =	ssyncadd.s32 $0xFFFFD800  }
0xd3: {  	_ =	swait.ge [sflag:s26], $0x2800  }
0xd4: {  	[sflag:s26] =	ssyncset.done $0x0  }
0xd5: {  	[sflag:s26] =	ssyncadd.s32 $0xFFFFD800  }
0xd6: {  	_ =	swait.ge [sflag:s26], $0x2800  }
0xd7: {  	[sflag:s26] =	ssyncset.done $0x0  }
0xd8: {  	[sflag:s26] =	ssyncadd.s32 $0xFFFFD800  }
0xd9: {  	_ =	swait.ge [sflag:s28], $0x80  }
0xda: {  	[sflag:s28] =	ssyncset.done $0x0  }
0xdb: {  	s18 =	simm.s32 $0x300;
	[sflag:s28] =	ssyncadd.s32 $0xFFFFFF80  }
0xdc: {  	[tilespmem:s20], [sflag:$0x4] =	stream.indirect.gather [hbm4b:s1+s22], $0x80, s18, s22, $0xb8;
	[tilespmem:$0x1E400] =	vst v63  }
0xdd: {  	[bflag:$0x0] =	sbarrier.arrive $0xFFFF  }
0xde: {  	s16 =	rddreg [dreg:$0x1e]  }
.LBB2_4:
0xdf: {  	_ =	swait.ge [sflag:s21], $0x2800  }
0xe0: {  	s13 =	sshrl.u32 s16, $0x3;
	[sflag:s21] =	ssyncset.done $0x0  }
0xe1: {  	s18 =	sadd.s32 s7, s13;
	[sflag:s21] =	ssyncadd.s32 $0xFFFFD800  }
0xe2: {  	[tilespmem:s4], [sflag:$0x1] =	stream.linear.gather [hbm4b:s18+s4], $0x80, $0x38;
	[tilespmem:$0x1E400] =	vst v63  }
0xe3: {  	_ =	swait.ge [sflag:s26], $0x80  }
0xe4: {  	[sflag:s26] =	ssyncset.done $0x0  }
0xe5: {  	[sflag:s26] =	ssyncadd.s32 $0xFFFFFF80  }
0xe6: {  	[spmem:s2] =	stream.indirect.scatter.add.f32 [tilespmem:s0], [sflag:$0x5], $0x80, s11, s22, $0xb8;
	[tilespmem:$0x1E400] =	vst v63  }
0xe7: {  	p0 =	seq.s32 s12, $0x780;
	_ =	swait.ge [sflag:s6], $0x2800  }
0xe8: {  	s14 =	simm.s32 @!p0 $0x0;
	[sflag:s6] =	ssyncset.done $0x0  }
0xe9: {  	s3 =	simm.s32 @!p0 $0x100;
	s18 =	sadd.s32 @!p0 s12, s5;
	[sflag:s6] =	ssyncadd.s32 $0xFFFFD800  }
0xea: {  	[tilespmem:s3], [sflag:$0x2] =	stream.linear.gather @!p0 [hbm4b:s18+s14], $0x80, $0x38;
	[tilespmem:$0x1E400] =	vst v63  }
0xeb: {  	_ =	swait.ge [sflag:s29], $0x80  }
0xec: {  	[sflag:s29] =	ssyncset.done $0x0  }
0xed: {  	[sflag:s29] =	ssyncadd.s32 $0xFFFFFF80  }
0xee: {  	[spmem:s2] =	stream.indirect.scatter.add.f32 [tilespmem:s23], [sflag:$0x6], $0x80, s15, s22, $0xb8;
	[tilespmem:$0x1E400] =	vst v63  }
0xef: {  	_ =	swait.ge [sflag:s24], $0x2800  }
0xf0: {  	[sflag:s24] =	ssyncset.done $0x0  }
0xf1: {  	s3 =	sadd.s32 @!p0 s12, s8;
	s18 =	simm.s32 @!p0 $0x200;
	[sflag:s24] =	ssyncadd.s32 $0xFFFFD800  }
0xf2: {  	[tilespmem:s18], [sflag:$0x3] =	stream.linear.gather @!p0 [hbm4b:s3+s14], $0x80, $0x38;
	[tilespmem:$0x1E400] =	vst v63  }
0xf3: {  	_ =	swait.ge [sflag:s30], $0x80  }
0xf4: {  	[sflag:s30] =	ssyncset.done $0x0  }
0xf5: {  	[sflag:s30] =	ssyncadd.s32 $0xFFFFFF80  }
0xf6: {  	[spmem:s2] =	stream.indirect.scatter.add.f32 [tilespmem:s25], [sflag:$0x7], $0x80, s17, s22, $0xb8;
	[tilespmem:$0x1E400] =	vst v63  }
0xf7: {  	_ =	swait.ge [sflag:s28], $0x2800  }
0xf8: {  	[sflag:s28] =	ssyncset.done $0x0  }
0xf9: {  	s3 =	sadd.s32 @!p0 s12, s10;
	s18 =	simm.s32 @!p0 $0x300;
	[sflag:s28] =	ssyncadd.s32 $0xFFFFD800  }
0xfa: {  	[tilespmem:s18], [sflag:$0x4] =	stream.linear.gather @!p0 [hbm4b:s3+s14], $0x80, $0x38;
	[tilespmem:$0x1E400] =	vst v63  }
0xfb: {  	_ =	swait.ge [sflag:s31], $0x80  }
0xfc: {  	[sflag:s31] =	ssyncset.done $0x0  }
0xfd: {  	[sflag:s31] =	ssyncadd.s32 $0xFFFFFF80  }
0xfe: {  	[spmem:s2] =	stream.indirect.scatter.add.f32 [tilespmem:s20], [sflag:$0x8], $0x80, s19, s22, $0xb8;
	[tilespmem:$0x1E400] =	vst v63  }
0xff: {  	_ =	swait.ge [sflag:s26], $0x2800  }
0x100: {  	[sflag:s26] =	ssyncset.done $0x0  }
0x101: {  	s18 =	sadd.s32 s9, s13;
	[sflag:s26] =	ssyncadd.s32 $0xFFFFD800  }
0x102: {  	[tilespmem:s11], [sflag:$0x5] =	stream.linear.gather [hbm4b:s18+s4], $0x80, $0x38;
	[tilespmem:$0x1E400] =	vst v63  }
0x103: {  	_ =	swait.ge [sflag:s21], $0x80  }
0x104: {  	[sflag:s21] =	ssyncset.done $0x0  }
.Ltmp3:
0x105: {  	[sflag:s21] =	ssyncadd.s32 $0xFFFFFF80;
	(pc) =	sbr.rel @p0 .LBB2_6-.Ltmp3, $4  }
0x106: {  	[tilespmem:s0], [sflag:$0x1] =	stream.indirect.gather [hbm4b:s1+s22], $0x80, s4, s22, $0xb8;
	[tilespmem:$0x1E400] =	vst v63  }
0x107: {  	_ =	swait.ge [sflag:s29], $0x2800  }
0x108: {  	[sflag:s29] =	ssyncset.done $0x0  }
0x109: {  	[sflag:s29] =	ssyncadd.s32 $0xFFFFD800  }
0x10a: {  	s3 =	rddreg [dreg:$0x1d]  }
0x10b: {  	s3 =	sadd.s32 s12, s3  }
0x10c: {  	[tilespmem:s15], [sflag:$0x6] =	stream.linear.gather [hbm4b:s3+s4], $0x80, $0x38;
	[tilespmem:$0x1E400] =	vst v63  }
0x10d: {  	_ =	swait.ge [sflag:s6], $0x80  }
0x10e: {  	[sflag:s6] =	ssyncset.done $0x0  }
0x10f: {  	s14 =	simm.s32 $0x100;
	[sflag:s6] =	ssyncadd.s32 $0xFFFFFF80  }
0x110: {  	[tilespmem:s23], [sflag:$0x2] =	stream.indirect.gather [hbm4b:s1+s22], $0x80, s14, s22, $0xb8;
	[tilespmem:$0x1E400] =	vst v63  }
0x111: {  	_ =	swait.ge [sflag:s30], $0x2800  }
0x112: {  	[sflag:s30] =	ssyncset.done $0x0;
	s18 =	rddreg [dreg:$0x1f]  }
0x113: {  	[sflag:s30] =	ssyncadd.s32 $0xFFFFD800;
	s3 =	sadd.s32 s12, s18  }
0x114: {  	[tilespmem:s17], [sflag:$0x7] =	stream.linear.gather [hbm4b:s3+s4], $0x80, $0x38;
	[tilespmem:$0x1E400] =	vst v63  }
0x115: {  	_ =	swait.ge [sflag:s24], $0x80  }
0x116: {  	[sflag:s24] =	ssyncset.done $0x0  }
0x117: {  	s13 =	simm.s32 $0x200;
	[sflag:s24] =	ssyncadd.s32 $0xFFFFFF80  }
0x118: {  	[tilespmem:s25], [sflag:$0x3] =	stream.indirect.gather [hbm4b:s1+s22], $0x80, s13, s22, $0xb8;
	[tilespmem:$0x1E400] =	vst v63  }
0x119: {  	_ =	swait.ge [sflag:s31], $0x2800  }
0x11a: {  	s14 =	sld [smem:$0x7FD];
	_ =	sdelay $0x1  }
0x11b: {  	[sflag:s31] =	ssyncset.done $0x0  }
0x11c: {  	[sflag:s31] =	ssyncadd.s32 $0xFFFFD800;
	s3 =	sadd.s32 s12, s14  }
0x11d: {  	[tilespmem:s19], [sflag:$0x8] =	stream.linear.gather [hbm4b:s3+s4], $0x80, $0x38;
	[tilespmem:$0x1E400] =	vst v63  }
.Ltmp4:
0x11e: {  	_ = 	snop;
	(pc) =	sbr.rel .LBB2_4-.Ltmp4, $4  }
0x11f: {  	_ =	swait.ge [sflag:s28], $0x80  }
0x120: {  	s16 =	sadd.s32 $0x200, s16;
	[sflag:s28] =	ssyncset.done $0x0  }
0x121: {  	s18 =	simm.s32 $0x300;
	s12 =	sadd.s32 $0x40, s12;
	[sflag:s28] =	ssyncadd.s32 $0xFFFFFF80  }
0x122: {  	[tilespmem:s20], [sflag:$0x4] =	stream.indirect.gather [hbm4b:s1+s22], $0x80, s18, s22, $0xb8;
	[tilespmem:$0x1E400] =	vst v63  }
.LBB2_7:
0x123: {  	_ =	sfence.sel $0x180000  }
0x124: {  	[bflag:$0x0] =	sbarrier.arrive $0xFFFF  }
0x125: {  	_ =	strace $0x9000004D  }
0x126: {  	s0 =	stileid.u32;
	[bflag:$0x2] =	sbarrier.arrive $0xFFFF  }
0x127: {  	p0 =	sne.s32 s0, $0x0;
	s0 =	rddreg [dreg:$0x3]  }
0x128: {  	s0 =	sadd.s32 @!p0 $0x100000, s0  }
0x129: {  	[sflag:s0] =	ssyncadd.tile.s32 @!p0 $0x1;
	_ =	shalt  }
.Lfunc_end2:
_tile_overlayer_lowered:
.L_overlay_start_2:
0x12a: {  	(tag) =	ssettag $0x2  }
0x12b: {  	s0 =	rddreg [dreg:$0x0];
	s2 =	stileid.u32  }
0x12c: {  	s1 =	rddreg [dreg:$0x1];
	p0 =	sne.s32 s2, $0x0  }
0x12d: {  	s3 =	rddreg [dreg:$0x2];
	[bflag:$0x3] =	sbarrier.arrive $0xFFFF;
	s2 =	simm.s32 @!p0 $0x1C09  }
0x12e: {  	[timem:s3], [sflag:s2] =	dma.local @!p0 [hbm:s0], s1  }
0x12f: {  	s0 =	simm.s32 @!p0 $0x9  }
0x130: {  	_ =	swait.ge @!p0 [sflag:s0], s1  }
0x131: {  	s1 =	ssub.s32 @!p0 $0x0, s1;
	[sflag:s0] =	ssyncset.done @!p0 $0x0  }
0x132: {  	[sflag:s0] =	ssyncadd.s32 @!p0 s1  }
0x133: {  	[bflag:$0x3] =	sbarrier.arrive $0xFFFF  }
0x134: {  	_ =	shalt  }

// kernel: kernel.8.cloned.1.call-start
scs
__scs_entry_jumppad:
0x0: {  	(pc) =	sbr.rel $0x88, $3  }
0x1: {  	(tag) =	ssettag $0x0;
	lr =	simm.s32 $0x1  }
0x2: {  	[smem:$0x3F9B] =	sst lr;
	_ =	strace $0xD0000000  }
0x3: {  	_ = 	snop  }
0x4: {  	_ = 	snop  }
0x5: {  	_ = 	snop  }
0x6: {  	_ = 	snop  }
0x7: {  	_ = 	snop  }
__scs_overlays_trampoline_lowered:
0x8: {  	[smem:$0x3FAA] =	sst s0  }
0x9: {  	[smem:$0x3FAB] =	sst s1  }
0xa: {  	[smem:$0x3FAC] =	sst s2  }
0xb: {  	[smem:$0x3FAD] =	sst s3  }
0xc: {  	[smem:$0x3FAE] =	sst s4  }
0xd: {  	[smem:$0x3FAF] =	sst s5  }
0xe: {  	[smem:$0x3FB0] =	sst s6  }
0xf: {  	[smem:$0x3FB1] =	sst s7  }
0x10: {  	[smem:$0x3FB2] =	sst s8  }
0x11: {  	[smem:$0x3FB3] =	sst s9;
	s0 =	simm.s32 @!p0 $0x0  }
0x12: {  	s1 =	sld [smem:$0x3F99];
	s0 =	simm.s32 @p0 $0x1  }
0x13: {  	[smem:$0x3FB4] =	sst s0;
	s0 =	simm.s32 @!p1 $0x0  }
0x14: {  	s2 =	sld [smem:$0x3F98];
	s0 =	simm.s32 @p1 $0x1  }
0x15: {  	[smem:$0x3FB5] =	sst s0;
	s0 =	simm.s32 @!p2 $0x0  }
0x16: {  	s3 =	sld [smem:$0x3FDB];
	s0 =	simm.s32 @p2 $0x1  }
0x17: {  	s4 =	simm.s32 $0x1BF5;
	[smem:$0x3FB7] =	sst s0  }
0x18: {  	s0 =	sld [smem:$0x3F9A];
	_ =	swait.ge [sflag:s4], $0x0  }
0x19: {  	s7 =	sld [smem:$0x3F9B]  }
0x1a: {  	s8 =	sadd.s32 $0xFFFFE003, lr  }
0x1b: {  	s9 =	sadd.s32 $0xFFFFFEF7, lr;
	s5 =	simm.s32 $0xFFFFFFFF;
	p2 =	slt.u32 s8, $0xFFFFF086  }
0x1c: {  	p1 =	slt.u32 s9, $0xF7A;
	s5 =	simm.s32 @!p2 $0x0  }
0x1d: {  	s5 =	simm.s32 @p1 $0x1;
	p0 =	seq.s32 s7, s2  }
0x1e: {  	s7 =	smul.u32 @!p0 $0xF7A, s2;
	p2 =	seq.s32 @!p0 s5, $0x0  }
0x1f: {  	s9 =	smul.u32 $0xF7A, s1;
	s8 =	simm.s32 @!p0 $0x1BF5;
	p2 =	por !p2, p0  }
0x20: {  	[sflag:s8] =	ssyncset.s32 @!p0 $0xFFFFF086;
	s6 =	sadd.s32 @!p0 s3, s7;
	s7 =	simm.s32 @!p0 $0x108  }
0x21: {  	s3 =	sadd.s32 s3, s9;
	s6 =	sadd.s32 @!p0 $0x88, s6;
	s7 =	simm.s32 @p2 $0x1082  }
0x22: {  	[simem:s7], [sflag:s8] =	dma.local @!p0 [hbm:s6], $0xF7A  }
0x23: {  	s9 =	sor.u32 $0xD0000000, s2;
	s6 =	simm.s32 $0x108;
	_ =	swait.ge @!p0 [sflag:s8], $0x0  }
0x24: {  	s3 =	sadd.s32 $0x88, s3;
	s6 =	simm.s32 @!p1 $0x1082;
	[sflag:s4] =	ssyncset.s32 $0xFFFFF086  }
0x25: {  	[simem:s6], [sflag:s4] =	dma.local [hbm:s3], $0xF7A  }
0x26: {  	[smem:$0x3F9B] =	sst s1;
	(tag) =	ssettag s2;
	_ =	strace s9  }
0x27: {  	s1 =	sld [smem:$0x3FAB]  }
0x28: {  	s2 =	sld [smem:$0x3FAC]  }
0x29: {  	s4 =	sld [smem:$0x3FAE]  }
0x2a: {  	p0 =	seq.s32 s5, $0x0;
	s5 =	sld [smem:$0x3FAF]  }
0x2b: {  	s6 =	sld [smem:$0x3FB0]  }
0x2c: {  	s7 =	sld [smem:$0x3FB1]  }
0x2d: {  	s3 =	simm.s32 $0x108;
	s8 =	sld [smem:$0x3FB2]  }
0x2e: {  	s3 =	simm.s32 @!p0 $0x1082;
	s9 =	sld [smem:$0x3FB3]  }
0x2f: {  	lr =	sadd.s32 s0, s3;
	s0 =	sld [smem:$0x3FAA]  }
0x30: {  	s3 =	sld [smem:$0x3FAD]  }
0x31: {  	[smem:$0x3FB6] =	sst s10  }
0x32: {  	s10 =	sld [smem:$0x3FB4];
	_ =	sdelay $0x3  }
0x33: {  	p0 =	seq.s32 s10, $0x1;
	s10 =	sld [smem:$0x3FB6];
	_ =	sdelay $0x3  }
0x34: {  	[smem:$0x3FB6] =	sst s10  }
0x35: {  	s10 =	sld [smem:$0x3FB5];
	_ =	sdelay $0x3  }
0x36: {  	p1 =	seq.s32 s10, $0x1;
	s10 =	sld [smem:$0x3FB6];
	_ =	sdelay $0x3  }
0x37: {  	[smem:$0x3FB6] =	sst s10  }
0x38: {  	s10 =	sld [smem:$0x3FB7]  }
0x39: {  	_ = 	snop;
	(pc) =	sbr.ind lr, $3  }
0x3a: {  	_ = 	snop  }
0x3b: {  	_ = 	snop  }
0x3c: {  	p2 =	seq.s32 s10, $0x1;
	s10 =	sld [smem:$0x3FB6]  }
0x3d: {  	_ =	shalt  }
0x3e: {  	_ =	shalt  }
0x3f: {  	_ =	shalt  }
0x40: {  	_ =	shalt  }
0x41: {  	_ =	shalt  }
0x42: {  	_ =	shalt  }
0x43: {  	_ =	shalt  }
0x44: {  	_ =	shalt  }
0x45: {  	_ =	shalt  }
0x46: {  	_ =	shalt  }
0x47: {  	_ =	shalt  }
0x48: {  	_ =	shalt  }
0x49: {  	_ =	shalt  }
0x4a: {  	_ =	shalt  }
0x4b: {  	_ =	shalt  }
0x4c: {  	_ =	shalt  }
0x4d: {  	_ =	shalt  }
0x4e: {  	_ =	shalt  }
0x4f: {  	_ =	shalt  }
0x50: {  	_ =	shalt  }
0x51: {  	_ =	shalt  }
0x52: {  	_ =	shalt  }
0x53: {  	_ =	shalt  }
0x54: {  	_ =	shalt  }
0x55: {  	_ =	shalt  }
0x56: {  	_ =	shalt  }
0x57: {  	_ =	shalt  }
0x58: {  	_ =	shalt  }
0x59: {  	_ =	shalt  }
0x5a: {  	_ =	shalt  }
0x5b: {  	_ =	shalt  }
0x5c: {  	_ =	shalt  }
0x5d: {  	_ =	shalt  }
0x5e: {  	_ =	shalt  }
0x5f: {  	_ =	shalt  }
0x60: {  	_ =	shalt  }
0x61: {  	_ =	shalt  }
0x62: {  	_ =	shalt  }
0x63: {  	_ =	shalt  }
0x64: {  	_ =	shalt  }
0x65: {  	_ =	shalt  }
0x66: {  	_ =	shalt  }
0x67: {  	_ =	shalt  }
0x68: {  	_ =	shalt  }
0x69: {  	_ =	shalt  }
0x6a: {  	_ =	shalt  }
0x6b: {  	_ =	shalt  }
0x6c: {  	_ =	shalt  }
0x6d: {  	_ =	shalt  }
0x6e: {  	_ =	shalt  }
0x6f: {  	_ =	shalt  }
0x70: {  	_ =	shalt  }
0x71: {  	_ =	shalt  }
0x72: {  	_ =	shalt  }
0x73: {  	_ =	shalt  }
0x74: {  	_ =	shalt  }
0x75: {  	_ =	shalt  }
0x76: {  	_ =	shalt  }
0x77: {  	_ =	shalt  }
0x78: {  	_ =	shalt  }
0x79: {  	_ =	shalt  }
0x7a: {  	_ =	shalt  }
0x7b: {  	_ =	shalt  }
0x7c: {  	_ =	shalt  }
0x7d: {  	_ =	shalt  }
0x7e: {  	_ =	shalt  }
0x7f: {  	_ =	shalt  }
0x80: {  	_ =	shalt  }
0x81: {  	_ =	shalt  }
0x82: {  	_ =	shalt  }
0x83: {  	_ =	shalt  }
0x84: {  	_ =	shalt  }
0x85: {  	_ =	shalt  }
0x86: {  	_ =	shalt  }
0x87: {  	_ =	shalt  }
.Lfunc_end0:
.L_simem_size_0:
called_computation_lowered:
.L_overlay_start_0:
0x88: {  	s2 =	sld [smem:$0x3FD9]  }
0x89: {  	s3 =	sld [smem:$0x3FFE];
	_ =	sdelay $0x1  }
0x8a: {  	s1 =	srdreg.scid  }
0x8b: {  	s0 =	sand.u32 $0x1, s1  }
0x8c: {  	s17 =	sshll.u32 s0, $0xA;
	s2 =	sadd.s32 s3, s2  }
0x8d: {  	s2 =	sadd.s32 s2, s17  }
0x8e: {  	[smem:$0x3FC2] =	sst s2  }
0x8f: {  	_ = 	snop  }
0x90: {  	s2 =	sld [smem:$0x3FD0];
	(tm) =	ssettm $0x1  }
0x91: {  	s18 =	sld [smem:$0x3FFB];
	_ =	sdelay $0x3  }
0x92: {  	_ =	strace s18  }
0x93: {  	s3 =	sld [smem:$0x3FFC];
	_ =	sdelay $0x3  }
0x94: {  	_ =	strace s3  }
0x95: {  	s3 =	sld [smem:$0x3FFD];
	_ =	sdelay $0x3  }
0x96: {  	_ =	strace s3  }
0x97: {  	_ =	strace $0x8FFFFFFF  }
0x98: {  	s19 =	sld [smem:$0x3FDB];
	_ =	sdelay $0x1  }
0x99: {  	s4 =	simm.s32 $_scs_section_size  }
0x9a: {  	s5 =	simm.s32 $_size__tile_overlayer_lowered;
	s6 =	simm.s32 $_tile_overlayer_lowered  }
0x9b: {  	s22 =	simm.s32 $0x1BFF;
	s21 =	sshll.u32 s6, $0x1;
	s3 =	sadd.s32 s4, s19  }
0x9c: {  	s7 =	simm.s32 $0x0;
	s20 =	sshll.u32 s5, $0x1;
	s5 =	sadd.s32 s21, s3  }
0x9d: {  	[timem:s7], [sflag:s22] =	dma.local [hbm:s5], s20  }
0x9e: {  	_ =	swait.ge [sflag:s22], s20  }
0x9f: {  	s4 =	ssub.s32 $0x0, s20;
	[sflag:s22] =	ssyncset.done $0x0  }
0xa0: {  	[sflag:s22] =	ssyncadd.s32 s4;
	_ =	sdelay $0x1  }
0xa1: {  	s23 =	simm.s32 $0x1B8B  }
0xa2: {  	_ =	swait.ge [sflag:s23], $0x1  }
0xa3: {  	[sflag:s23] =	ssyncset.done $0x0  }
0xa4: {  	s25 =	simm.s32 $0x1B8E;
	s24 =	sld [smem:$0x3FFE];
	[sflag:s23] =	ssyncadd.s32 $0xFFFFFFFF  }
0xa5: {  	s26 =	simm.s32 $execute0_lowered;
	[smem:$0x3FD2] =	sst s25  }
0xa6: {  	s5 =	sshll.u32 s26, $0x1;
	_ =	strace $0x80000046;
	[dreg:$0x1] =	wrdreg $0xFFFFFFFF  }
0xa7: {  	s28 =	simm.s32 $_size_execute0_lowered;
	s3 =	sadd.s32 s3, s5;
	[dreg:$0x0] =	wrdreg $0x0  }
0xa8: {  	s5 =	sshll.u32 s28, $0x1;
	[dreg:$0x2] =	wrdreg s3  }
0xa9: {  	[dreg:$0x3] =	wrdreg s5  }
0xaa: {  	[dreg:$0x4] =	wrdreg $0xC0  }
0xab: {  	_ =	task [dreg:s7], $0x5FFFF  }
0xac: {  	[dreg:$0x1] =	wrdreg $0xFFFFFFFF  }
0xad: {  	[dreg:$0x0] =	wrdreg $0x60  }
0xae: {  	[dreg:$0x2] =	wrdreg s24  }
0xaf: {  	[dreg:$0x3] =	wrdreg s2  }
0xb0: {  	[dreg:$0x4] =	wrdreg $0x9  }
0xb1: {  	_ =	task.clear_ibuf [dreg:s7], $0x5FFFF;
	_ =	strace $0x90000046  }
0xb2: {  	s29 =	simm.s32 $0x9;
	_ =	strace $0x80000048  }
0xb3: {  	_ =	swait.ge [sflag:s29], $0x1  }
0xb4: {  	[sflag:s29] =	ssyncadd.s32 $0xFFFFFFFF  }
0xb5: {  	_ =	strace $0x90000048  }
0xb6: {  	_ =	sfence  }
0xb7: {  	s30 =	sld [smem:$0x0];
	_ =	sdelay $0x2  }
0xb8: {  	s31 =	sshll.u32 s1, $0xD;
	s1 =	sshrl.u32 s1, $0x2  }
0xb9: {  	s3 =	sand.u32 $0x4000, s31;
	s1 =	sadd.s32 s1, s30  }
0xba: {  	s0 =	sor.u32 s3, s0;
	s1 =	sshll.u32 s1, $0x11  }
0xbb: {  	s0 =	sor.u32 s1, s0  }
0xbc: {  	s0 =	sadd.s32 $0x8F2B, s0  }
0xbd: {  	[sflag:s0] =	ssyncadd.remote.s32 $0x1  }
0xbe: {  	_ =	sfence.sel $0xFFFF  }
0xbf: {  	[dreg:$0x0] =	wrdreg $0xFFFFFFFF;
	(pc) =	sbr.abs _section_cstart, $3  }
0xc0: {  	[dreg:$0x1] =	wrdreg $0xFFFFFFFF  }
0xc1: {  	_ =	task.clear_ibuf [dreg:s7], $0x2FFFF;
	_ =	strace $0x9FFFFFFF  }
0xc2: {  	(tm) =	ssettm $0x7FFFFFFF  }
0xc3: {  	_ =	shalt  }
tec
execute0_lowered:
.L_overlay_start_1:
0x0: {  	(tag) =	ssettag $0x1  }
0x1: {  	s0 =	srdreg.scid  }
0x2: {  	s3 =	rddreg [dreg:$0x0];
	s4 =	sand.u32 $0x1, s0  }
0x3: {  	s5 =	rddreg [dreg:$0x1];
	s1 =	stileid.u32;
	s2 =	sshll.u32 s4, $0x4  }
0x4: {  	s0 =	rddreg [dreg:$0x2];
	s6 =	sor.u32 s1, s2  }
0x5: {  	s4 =	ssub.s32 $0x2, s4;
	s2 =	simm.s32 $0x0;
	s7 =	smul.u32 $0x4E2, s6  }
0x6: {  	s8 =	sshrl.u32 s4, $0x1;
	[smem:$0x7FF] =	sst s2;
	s6 =	smul.u32 $0x500, s6  }
0x7: {  	s31 =	ssub.s32 s4, s8;
	s8 =	simm.s32 $0x0;
	_ =	strace $0x80000047  }
0x8: {  	s3 =	sadd.s32 s7, s3;
	s4 =	sadd.s32 s5, s6;
	s5 =	smax.u32 s31, $0x1  }
0x9: {  	v0 =	vimm.f32 $0.0e+00;
	v1 =	vimm.f32 $1.000000000e+00;
	s6 =	simm.s32 $0x2800;
	s7 =	simm.s32 $0x1;
	s3 =	sadd.s32 $0x2200, s3  }
.LBB2_1:
0xa: {  	s9 =	simm.s32 $0x40;
	s10 =	simm.s32 $0x0  }
.LBB2_2:
0xb: {  	p0 =	sne.s32 s9, $0x9FC0;
	[tilespmem:s10+$0x0] =	vst v0;
	s10 =	smov.u32 s9;
	s9 =	sadd.s32 $0x40, s9  }
.Ltmp0:
0xc: {  	(pc) =	sbr.rel @p0 .LBB2_2-.Ltmp0, $2  }
0xd: {  	_ =	sdelay $0x2  }
0xe: {  	s10 =	sshra.s32 s10, $0x2  }
0xf: {  	[tilespmem:s10+$0x0] =	vst v0;
	s9 =	simm.s32 $0x0  }
0x10: {  	[tilespmem:s6], [sflag:$0x1] =	stream.linear.gather [hbm4b:s3+s9], $0x2710, $0x38;
	[tilespmem:$0x4F80] =	vst v63  }
0x11: {  	_ =	swait.ge [sflag:s7], $0x2710  }
0x12: {  	[sflag:s7] =	ssyncset.done $0x0  }
0x13: {  	s10 =	simm.s32 $0x0;
	s9 =	simm.s32 $0x40;
	[sflag:s7] =	ssyncadd.s32 $0xFFFFD8F0  }
.LBB2_4:
0x14: {  	p0 =	sne.s32 s9, $0x9C00;
	v2 =	vld [tilespmem:s10+$0x2800];
	_ =	sdelay $0x3  }
.Ltmp1:
0x15: {  	(pc) =	sbr.rel @p0 .LBB2_4-.Ltmp1, $2  }
0x16: {  	_ =	sdelay $0x2  }
0x17: {  	s10 =	sshra.s32 s9, $0x2;
	s9 =	sadd.s32 $0x40, s9;
	[tilespmem:v2+s2+$0x0] =	vst.idx.add.f32.msk $0xffff, v1  }
0x18: {  	v2 =	vld [tilespmem:s10+$0x2800];
	_ =	sdelay $0x5  }
0x19: {  	s8 =	sadd.s32 $0x1, s8  }
0x1a: {  	p0 =	sne.s32 s8, s5  }
.Ltmp2:
0x1b: {  	[tilespmem:v2+s2+$0x0] =	vst.idx.add.f32.msk $0xffff, v1;
	(pc) =	sbr.rel @p0 .LBB2_1-.Ltmp2, $4  }
0x1c: {  	[hbm4b:s4+s2] =	stream.linear.scatter [tilespmem:s2], [sflag:$0x1], $0x2800, $0x38;
	[tilespmem:$0x4F80] =	vst v63  }
0x1d: {  	_ =	swait.ge [sflag:s7], $0x2800  }
0x1e: {  	[sflag:s7] =	ssyncset.done $0x0  }
0x1f: {  	[sflag:s7] =	ssyncadd.s32 $0xFFFFD800  }
0x20: {  	_ =	sfence.sel $0x180000  }
0x21: {  	[bflag:$0x0] =	sbarrier.arrive $0xFFFF  }
0x22: {  	p0 =	sne.s32 s1, $0x0;
	_ =	strace $0x90000047  }
0x23: {  	s0 =	sadd.s32 @!p0 $0x100000, s0;
	[bflag:$0x2] =	sbarrier.arrive $0xFFFF  }
0x24: {  	[sflag:s0] =	ssyncadd.tile.s32 @!p0 $0x1;
	_ =	shalt  }
.Lfunc_end2:
_tile_overlayer_lowered:
.L_overlay_start_2:
0x25: {  	(tag) =	ssettag $0x2  }
0x26: {  	s0 =	rddreg [dreg:$0x0];
	s2 =	stileid.u32  }
0x27: {  	s1 =	rddreg [dreg:$0x1];
	p0 =	sne.s32 s2, $0x0  }
0x28: {  	s3 =	rddreg [dreg:$0x2];
	[bflag:$0x3] =	sbarrier.arrive $0xFFFF;
	s2 =	simm.s32 @!p0 $0x1C01  }
0x29: {  	[timem:s3], [sflag:s2] =	dma.local @!p0 [hbm:s0], s1  }
0x2a: {  	s0 =	simm.s32 @!p0 $0x1  }
0x2b: {  	_ =	swait.ge @!p0 [sflag:s0], s1  }
0x2c: {  	s1 =	ssub.s32 @!p0 $0x0, s1;
	[sflag:s0] =	ssyncset.done @!p0 $0x0  }
0x2d: {  	[sflag:s0] =	ssyncadd.s32 @!p0 s1  }
0x2e: {  	[bflag:$0x3] =	sbarrier.arrive $0xFFFF  }
0x2f: {  	_ =	shalt  }

</sc_bundles>
